<compile_context>
chip_gen: v7x
topology: tpu7x:2x2x1
jax: 0.10.2.dev20260603
libtpu: 0.0.44.dev20260713+nightly
codegen_flags: <defaults>
</compile_context>

<pallas_src>
import jax
import jax.numpy as jnp
from jax import lax
from jax.experimental import pallas as pl
from jax.experimental.pallas import tpu as pltpu
from jax.experimental.pallas import tpu_sc as plsc

N = 10000
F = 128
E = 320000
CH = 128
NCHUNKS = E // CH
NC, NS, L = 2, 16, 16
NW = NC * NS
RPT = 624
TAIL = N - RPT * NS
MAIN = NCHUNKS // NW
XTRA = NCHUNKS - MAIN * NW


def _sc_aggregate(with_cnt: bool):
    mesh = plsc.VectorSubcoreMesh(
        core_axis_name="c", subcore_axis_name="s", num_cores=NC, num_subcores=NS
    )
    out_type = [jax.ShapeDtypeStruct((NC * N, F), jnp.float32)]
    scratch = [
        pltpu.VMEM((4, CH), jnp.int32),
        pltpu.VMEM((4, CH), jnp.int32),
        pltpu.VMEM((CH, F), jnp.float32),
        pltpu.VMEM((CH, F), jnp.float32),
        pltpu.VMEM_SHARED((N, F), jnp.float32),
        pltpu.SemaphoreType.DMA,
        pltpu.SemaphoreType.DMA,
        pltpu.SemaphoreType.DMA,
        pltpu.SemaphoreType.DMA,
        pltpu.SemaphoreType.DMA,
        pltpu.SemaphoreType.DMA,
        pltpu.SemaphoreType.DMA,
        pltpu.SemaphoreType.DMA,
    ]
    if with_cnt:
        out_type.append(jax.ShapeDtypeStruct((NW * N,), jnp.float32))
        scratch.append(pltpu.VMEM((N,), jnp.float32))

    def body(x_hbm, es_hbm, ed_hbm, sums_out, *rest):
        if with_cnt:
            (cnt_out, es_r, ed_r, r0, r1, shared,
             i0, i1, i2, i3, g0, g1, s0, s1, cnt_v) = rest
        else:
            (es_r, ed_r, r0, r1, shared, i0, i1, i2, i3, g0, g1, s0, s1) = rest
            cnt_out = cnt_v = None
        rows = (r0, r1)
        isem = (i0, i1, i2, i3)
        gsem = (g0, g1)
        ssem = (s0, s1)

        cid = lax.axis_index("c")
        sid = lax.axis_index("s")
        wid = sid * NC + cid

        def chunk_id(i):
            return wid + i * NW

        def fire_idx(i, q):
            c = chunk_id(i)
            pltpu.async_copy(es_hbm.at[c], es_r.at[q], isem[q])
            pltpu.async_copy(ed_hbm.at[c], ed_r.at[q], isem[q])

        fire_idx(0, 0)
        fire_idx(1, 1)

        zeros16 = jnp.zeros((L,), jnp.float32)

        def zrow(r, _):
            for j in range(F // L):
                r0[r, pl.ds(j * L, L)] = zeros16
            return 0
        lax.fori_loop(0, CH, zrow, 0)

        def zero_span(lo, ln):
            off = 0
            while ln > 0:
                step = min(ln, CH)
                pltpu.sync_copy(r0.at[pl.ds(0, step)],
                                shared.at[pl.ds(lo + off, step)])
                off += step
                ln -= step

        zero_span(sid * RPT, RPT)

        @pl.when(sid == NS - 1)
        def _():
            zero_span(NS * RPT, TAIL)

        if with_cnt:
            def zcnt(k, _):
                cnt_v[pl.ds(k * L, L)] = zeros16
                return 0
            lax.fori_loop(0, N // L, zcnt, 0)

        ones16 = jnp.ones((L,), jnp.float32)

        def wait_idx(i, q):
            c = chunk_id(i)
            pltpu.make_async_copy(es_hbm.at[c], es_r.at[q], isem[q]).wait()
            pltpu.make_async_copy(ed_hbm.at[c], ed_r.at[q], isem[q]).wait()

        def fire_gather(q, b):
            pltpu.async_copy(x_hbm.at[es_r.at[q]], rows[b], gsem[b])

        def wait_gather(q, b):
            pltpu.make_async_copy(x_hbm.at[es_r.at[q]], rows[b],
                                  gsem[b]).wait()

        def fire_scatter(q, b):
            pltpu.async_copy(rows[b], shared.at[ed_r.at[q]], ssem[b],
                             add=True)

        def wait_scatter(q, b):
            pltpu.make_async_copy(rows[b], shared.at[ed_r.at[q]],
                                  ssem[b]).wait()

        def count_chunk(q):
            if with_cnt:
                for j in range(CH // L):
                    idx16 = ed_r[q, pl.ds(j * L, L)]
                    plsc.addupdate_scatter(cnt_v, [idx16], ones16)

        def step(i, k, ws, g1, i2):
            b, bn, q = k % 2, (k + 1) % 2, k % 4
            if ws:
                wait_scatter((k - 1) % 4, bn)
            if g1:
                wait_idx(i + 1, (k + 1) % 4)
                fire_gather((k + 1) % 4, bn)
            if i2:
                fire_idx(i + 2, (k + 2) % 4)
            wait_gather(q, b)
            fire_scatter(q, b)
            count_chunk(q)

        wait_idx(0, 0)
        fire_gather(0, 0)
        plsc.subcore_barrier()

        step(0, 0, ws=False, g1=True, i2=True)
        step(1, 1, ws=True, g1=True, i2=True)
        step(2, 2, ws=True, g1=True, i2=True)
        step(3, 3, ws=True, g1=True, i2=True)

        def group(j, _):
            for k in range(4):
                step(4 + 4 * j + k, k, ws=True, g1=True, i2=True)
            return 0
        lax.fori_loop(0, (MAIN - 6) // 4, group, 0)

        step(MAIN - 2, (MAIN - 2) % 4, ws=True, g1=True, i2=False)
        step(MAIN - 1, (MAIN - 1) % 4, ws=True, g1=False, i2=False)
        wait_scatter((MAIN - 1) % 4, (MAIN - 1) % 2)

        @pl.when(wid < XTRA)
        def _():
            c = MAIN * NW + wid
            pltpu.sync_copy(es_hbm.at[c], es_r.at[0])
            pltpu.sync_copy(ed_hbm.at[c], ed_r.at[0])
            pltpu.async_copy(x_hbm.at[es_r.at[0]], rows[0], gsem[0]).wait()
            pltpu.sync_copy(rows[0], shared.at[ed_r.at[0]], add=True)
            count_chunk(0)

        plsc.subcore_barrier()

        base = sid * RPT
        if with_cnt:
            pltpu.async_copy(cnt_v, cnt_out.at[pl.ds(wid * N, N)], isem[0])
        pltpu.async_copy(
            shared.at[pl.ds(base, RPT)],
            sums_out.at[pl.ds(cid * N + base, RPT)],
            isem[1],
        )

        @pl.when(sid == NS - 1)
        def _():
            pltpu.sync_copy(
                shared.at[pl.ds(NS * RPT, TAIL)],
                sums_out.at[pl.ds(cid * N + NS * RPT, TAIL)],
            )

        if with_cnt:
            pltpu.make_async_copy(
                cnt_v, cnt_out.at[pl.ds(wid * N, N)], isem[0]).wait()
        pltpu.make_async_copy(
            shared.at[pl.ds(base, RPT)],
            sums_out.at[pl.ds(cid * N + base, RPT)],
            isem[1],
        ).wait()

    return pl.kernel(
        body, out_type=out_type, mesh=mesh, scratch_types=scratch,
        compiler_params=pltpu.CompilerParams(needs_layout_passes=False),
    )


def _dot(a, b):
    return lax.dot_general(
        a, b, (((1,), (0,)), ((), ())),
        precision=lax.Precision.HIGHEST,
        preferred_element_type=jnp.float32,
    )


def _mean(s0_ref, s1_ref, cnt_ref):
    s = s0_ref[...] + s1_ref[...]
    deg = jnp.sum(cnt_ref[...], axis=1)
    recip = 1.0 / jnp.maximum(deg, 1.0)
    return s * recip[:, None]


def _tc_lin(x_ref, w_ref, b_ref, o_ref):
    o_ref[...] = _dot(x_ref[...], w_ref[...]) + b_ref[...]


def _tc_layer1(s0_ref, s1_ref, cnt_ref, xr_ref, wl_ref, o_ref):
    mean = _mean(s0_ref, s1_ref, cnt_ref)
    o_ref[...] = jnp.maximum(_dot(mean, wl_ref[...]) + xr_ref[...], 0.0)


def _tc_layer2(s0_ref, s1_ref, cnt_ref, hr_ref, wl_ref,
               wo_ref, bo_ref, o_ref):
    mean = _mean(s0_ref, s1_ref, cnt_ref)
    h2 = jnp.maximum(_dot(mean, wl_ref[...]) + hr_ref[...], 0.0)
    o_ref[...] = _dot(h2, wo_ref[...]) + bo_ref[...]


BN = 2000


def _row_block(i):
    return (i, 0)


def _full(shape):
    return pl.BlockSpec(shape, lambda i: (0, 0))


def _tc_specs(extra_w):
    specs = [
        pl.BlockSpec((BN, F), _row_block),
        pl.BlockSpec((BN, F), lambda i: (i + N // BN, 0)),
        pl.BlockSpec((BN, NW), _row_block),
        pl.BlockSpec((BN, F), _row_block),
        _full((F, F)),
    ]
    specs += extra_w
    return specs


_lin_call = pl.pallas_call(
    _tc_lin,
    grid=(N // BN,),
    in_specs=[pl.BlockSpec((BN, F), _row_block), _full((F, F)), _full((1, F))],
    out_specs=pl.BlockSpec((BN, F), _row_block),
    out_shape=jax.ShapeDtypeStruct((N, F), jnp.float32),
)

_layer1_call = pl.pallas_call(
    _tc_layer1,
    grid=(N // BN,),
    in_specs=_tc_specs([]),
    out_specs=pl.BlockSpec((BN, F), _row_block),
    out_shape=jax.ShapeDtypeStruct((N, F), jnp.float32),
)

_layer2_call = pl.pallas_call(
    _tc_layer2,
    grid=(N // BN,),
    in_specs=_tc_specs([_full((F, 64)), _full((1, 64))]),
    out_specs=pl.BlockSpec((BN, 64), _row_block),
    out_shape=jax.ShapeDtypeStruct((N, 64), jnp.float32),
)

_sc_agg_cnt = _sc_aggregate(with_cnt=True)
_sc_agg = _sc_aggregate(with_cnt=False)


def kernel(x, edge_index, W1l, W1r, b1, W2l, W2r, b2, Wo, bo):
    es = edge_index[0].reshape(NCHUNKS, CH)
    ed = edge_index[1].reshape(NCHUNKS, CH)
    xr = _lin_call(x, W1r, b1.reshape(1, F))
    sums1, cnt = _sc_agg_cnt(x, es, ed)
    cnt = cnt.reshape(NW, N).T
    h1 = _layer1_call(sums1, sums1, cnt, xr, W1l)
    hr = _lin_call(h1, W2r, b2.reshape(1, F))
    (sums2,) = _sc_agg(h1, es, ed)
    out = _layer2_call(sums2, sums2, cnt, hr, W2l, Wo, bo.reshape(1, 64))
    return out

# --- scband reference (transcript-rebuilt; emitter-appended) ---
"""Pipeline reference for scband-graph-sage-37443524886927 (READ-ONLY COPY).

The authoritative reference and input builder live on the scoring server;
editing this copy changes nothing except your own understanding.
"""

import jax, jax.numpy as jnp
import numpy as np

N, E, F, H, C = 10000, 320000, 128, 128, 64

def setup_inputs(seed: int = 0) -> dict:
    key = jax.random.key(seed)
    ks = jax.random.split(key, 10)
    x = jax.random.normal(ks[0], (N, F), dtype=jnp.float32)
    edge_index = jax.random.randint(ks[1], (2, E), 0, N, dtype=jnp.int32)
    def glorot(k, shape):
        fan_in = shape[0]
        return jax.random.normal(k, shape, dtype=jnp.float32) * (1.0 / np.sqrt(fan_in))
    W1l = glorot(ks[2], (F, H))
    W1r = glorot(ks[3], (F, H))
    b1 = jnp.zeros((H,), dtype=jnp.float32)
    W2l = glorot(ks[4], (H, H))
    W2r = glorot(ks[5], (H, H))
    b2 = jnp.zeros((H,), dtype=jnp.float32)
    Wo = glorot(ks[6], (H, C))
    bo = jnp.zeros((C,), dtype=jnp.float32)
    return {"x": x, "edge_index": edge_index, "W1l": W1l, "W1r": W1r, "b1": b1,
            "W2l": W2l, "W2r": W2r, "b2": b2, "Wo": Wo, "bo": bo}

def _sage_conv(x, edge_index, Wl, Wr, b):
    # PyG SAGEConv with mean aggregation:
    # out = lin_l(mean_{j in N(i)} x_j) + lin_r(x_i) + bias
    src = edge_index[0]
    dst = edge_index[1]
    msgs = jnp.take(x, src, axis=0)                      # gather (SparseCore)
    sums = jax.ops.segment_sum(msgs, dst, num_segments=x.shape[0])  # scatter-add
    cnt = jax.ops.segment_sum(jnp.ones((src.shape[0], 1), dtype=x.dtype), dst,
                              num_segments=x.shape[0])
    mean = sums / jnp.clip(cnt, 1.0)
    return mean @ Wl + x @ Wr + b

def reference(x, edge_index, W1l, W1r, b1, W2l, W2r, b2, Wo, bo):
    h = _sage_conv(x, edge_index, W1l, W1r, b1)
    h = jax.nn.relu(h)
    # dropout is identity in eval mode
    h = _sage_conv(h, edge_index, W2l, W2r, b2)
    h = jax.nn.relu(h)
    out = h @ Wo + bo
    return out

if __name__ == "__main__":
    import jax
    _d = setup_inputs()
    print(jax.jit(kernel)(*tuple(_d.values())))

</pallas_src>

<mosaic_0001>
#map = affine_map<(d0, d1) -> (0, 0)>
#map1 = affine_map<(d0, d1) -> (0)>
module attributes {stable_mosaic.version = 14 : i64} {
  func.func @body(%arg0: i32, %arg1: i32, %arg2: memref<10000x128xf32, #tpu.memory_space<hbm>>, %arg3: memref<2500x128xi32, #tpu.memory_space<hbm>>, %arg4: memref<2500x128xi32, #tpu.memory_space<hbm>>, %arg5: memref<20000x128xf32, #tpu.memory_space<hbm>>, %arg6: memref<320000xf32, #tpu.memory_space<hbm>>, %arg7: memref<4x128xi32, #tpu.memory_space<vmem>>, %arg8: memref<4x128xi32, #tpu.memory_space<vmem>>, %arg9: memref<128x128xf32, #tpu.memory_space<vmem>>, %arg10: memref<128x128xf32, #tpu.memory_space<vmem>>, %arg11: memref<10000x128xf32, #tpu.memory_space<vmem_shared>>, %arg12: memref<!tpu.dma_semaphore, #tpu.memory_space<semaphore_mem>>, %arg13: memref<!tpu.dma_semaphore, #tpu.memory_space<semaphore_mem>>, %arg14: memref<!tpu.dma_semaphore, #tpu.memory_space<semaphore_mem>>, %arg15: memref<!tpu.dma_semaphore, #tpu.memory_space<semaphore_mem>>, %arg16: memref<!tpu.dma_semaphore, #tpu.memory_space<semaphore_mem>>, %arg17: memref<!tpu.dma_semaphore, #tpu.memory_space<semaphore_mem>>, %arg18: memref<!tpu.dma_semaphore, #tpu.memory_space<semaphore_mem>>, %arg19: memref<!tpu.dma_semaphore, #tpu.memory_space<semaphore_mem>>, %arg20: memref<10000xf32, #tpu.memory_space<vmem>>) attributes {dimension_semantics = [#tpu.dimension_semantics<core_parallel>, #tpu.dimension_semantics<subcore_parallel>], iteration_bounds = array<i64: 2, 16>, scalar_prefetch = 0 : i64, scratch_operands = 14 : i64, tpu.core_type = #tpu.core_type<sc_vector_subcore>, window_params = [{transform_indices = #map}, {transform_indices = #map}, {transform_indices = #map}, {transform_indices = #map}, {transform_indices = #map1}]} {
    %mul3A = arith.constant 2 : i32
    %mul3A_0 = arith.muli %arg1, %mul3A : i32
    %add3A = arith.addi %mul3A_0, %arg0 : i32
    %add3A_1 = arith.constant 0 : i32
    %add3A_2 = arith.addi %add3A, %add3A_1 : i32
    %dma_start3A = arith.constant 0 : i32
    %dma_start3A_3 = arith.constant 0 : i32
    %dma_start3A_4 = tpu.memref_slice %arg7[%dma_start3A, %dma_start3A_3] : memref<4x128xi32, #tpu.memory_space<vmem>> -> memref<1x128xi32, #tpu.memory_space<vmem>>
    %dma_start3A_5 = tpu.memref_squeeze %dma_start3A_4 : memref<1x128xi32, #tpu.memory_space<vmem>> -> memref<128xi32, #tpu.memory_space<vmem>>
    %dma_start3A_6 = arith.constant 0 : i32
    %dma_start3A_7 = tpu.memref_slice %arg3[%add3A_2, %dma_start3A_6] : memref<2500x128xi32, #tpu.memory_space<hbm>> -> memref<1x128xi32, #tpu.memory_space<hbm>>
    %dma_start3A_8 = tpu.memref_squeeze %dma_start3A_7 : memref<1x128xi32, #tpu.memory_space<hbm>> -> memref<128xi32, #tpu.memory_space<hbm>>
    %dma_start3A_9 = arith.constant 0 : i32
    %dma_start3A_10 = tpu.memref_slice %arg7[%dma_start3A, %dma_start3A_9] : memref<4x128xi32, #tpu.memory_space<vmem>> -> memref<1x128xi32, #tpu.memory_space<vmem>>
    %dma_start3A_11 = tpu.memref_squeeze %dma_start3A_10 : memref<1x128xi32, #tpu.memory_space<vmem>> -> memref<128xi32, #tpu.memory_space<vmem>>
    %dma_start3A_12 = arith.constant 0 : i32
    %dma_start3A_13 = tpu.memref_slice %arg3[%add3A_2, %dma_start3A_12] : memref<2500x128xi32, #tpu.memory_space<hbm>> -> memref<1x128xi32, #tpu.memory_space<hbm>>
    %dma_start3A_14 = tpu.memref_squeeze %dma_start3A_13 : memref<1x128xi32, #tpu.memory_space<hbm>> -> memref<128xi32, #tpu.memory_space<hbm>>
    tpu.enqueue_dma source(%dma_start3A_14 : memref<128xi32, #tpu.memory_space<hbm>>) target(%dma_start3A_11 : memref<128xi32, #tpu.memory_space<vmem>>) target_semaphore(%arg12 : memref<!tpu.dma_semaphore, #tpu.memory_space<semaphore_mem>>)
    %dma_start3A_15 = arith.constant 0 : i32
    %dma_start3A_16 = arith.constant 0 : i32
    %dma_start3A_17 = tpu.memref_slice %arg8[%dma_start3A_15, %dma_start3A_16] : memref<4x128xi32, #tpu.memory_space<vmem>> -> memref<1x128xi32, #tpu.memory_space<vmem>>
    %dma_start3A_18 = tpu.memref_squeeze %dma_start3A_17 : memref<1x128xi32, #tpu.memory_space<vmem>> -> memref<128xi32, #tpu.memory_space<vmem>>
    %dma_start3A_19 = arith.constant 0 : i32
    %dma_start3A_20 = tpu.memref_slice %arg4[%add3A_2, %dma_start3A_19] : memref<2500x128xi32, #tpu.memory_space<hbm>> -> memref<1x128xi32, #tpu.memory_space<hbm>>
    %dma_start3A_21 = tpu.memref_squeeze %dma_start3A_20 : memref<1x128xi32, #tpu.memory_space<hbm>> -> memref<128xi32, #tpu.memory_space<hbm>>
    %dma_start3A_22 = arith.constant 0 : i32
    %dma_start3A_23 = tpu.memref_slice %arg8[%dma_start3A_15, %dma_start3A_22] : memref<4x128xi32, #tpu.memory_space<vmem>> -> memref<1x128xi32, #tpu.memory_space<vmem>>
    %dma_start3A_24 = tpu.memref_squeeze %dma_start3A_23 : memref<1x128xi32, #tpu.memory_space<vmem>> -> memref<128xi32, #tpu.memory_space<vmem>>
    %dma_start3A_25 = arith.constant 0 : i32
    %dma_start3A_26 = tpu.memref_slice %arg4[%add3A_2, %dma_start3A_25] : memref<2500x128xi32, #tpu.memory_space<hbm>> -> memref<1x128xi32, #tpu.memory_space<hbm>>
    %dma_start3A_27 = tpu.memref_squeeze %dma_start3A_26 : memref<1x128xi32, #tpu.memory_space<hbm>> -> memref<128xi32, #tpu.memory_space<hbm>>
    tpu.enqueue_dma source(%dma_start3A_27 : memref<128xi32, #tpu.memory_space<hbm>>) target(%dma_start3A_24 : memref<128xi32, #tpu.memory_space<vmem>>) target_semaphore(%arg12 : memref<!tpu.dma_semaphore, #tpu.memory_space<semaphore_mem>>)
    %add3A_28 = arith.constant 32 : i32
    %add3A_29 = arith.addi %add3A, %add3A_28 : i32
    %dma_start3A_30 = arith.constant 1 : i32
    %dma_start3A_31 = arith.constant 0 : i32
    %dma_start3A_32 = tpu.memref_slice %arg7[%dma_start3A_30, %dma_start3A_31] : memref<4x128xi32, #tpu.memory_space<vmem>> -> memref<1x128xi32, #tpu.memory_space<vmem>>
    %dma_start3A_33 = tpu.memref_squeeze %dma_start3A_32 : memref<1x128xi32, #tpu.memory_space<vmem>> -> memref<128xi32, #tpu.memory_space<vmem>>
    %dma_start3A_34 = arith.constant 0 : i32
    %dma_start3A_35 = tpu.memref_slice %arg3[%add3A_29, %dma_start3A_34] : memref<2500x128xi32, #tpu.memory_space<hbm>> -> memref<1x128xi32, #tpu.memory_space<hbm>>
    %dma_start3A_36 = tpu.memref_squeeze %dma_start3A_35 : memref<1x128xi32, #tpu.memory_space<hbm>> -> memref<128xi32, #tpu.memory_space<hbm>>
    %dma_start3A_37 = arith.constant 0 : i32
    %dma_start3A_38 = tpu.memref_slice %arg7[%dma_start3A_30, %dma_start3A_37] : memref<4x128xi32, #tpu.memory_space<vmem>> -> memref<1x128xi32, #tpu.memory_space<vmem>>
    %dma_start3A_39 = tpu.memref_squeeze %dma_start3A_38 : memref<1x128xi32, #tpu.memory_space<vmem>> -> memref<128xi32, #tpu.memory_space<vmem>>
    %dma_start3A_40 = arith.constant 0 : i32
    %dma_start3A_41 = tpu.memref_slice %arg3[%add3A_29, %dma_start3A_40] : memref<2500x128xi32, #tpu.memory_space<hbm>> -> memref<1x128xi32, #tpu.memory_space<hbm>>
    %dma_start3A_42 = tpu.memref_squeeze %dma_start3A_41 : memref<1x128xi32, #tpu.memory_space<hbm>> -> memref<128xi32, #tpu.memory_space<hbm>>
    tpu.enqueue_dma source(%dma_start3A_42 : memref<128xi32, #tpu.memory_space<hbm>>) target(%dma_start3A_39 : memref<128xi32, #tpu.memory_space<vmem>>) target_semaphore(%arg13 : memref<!tpu.dma_semaphore, #tpu.memory_space<semaphore_mem>>)
    %dma_start3A_43 = arith.constant 1 : i32
    %dma_start3A_44 = arith.constant 0 : i32
    %dma_start3A_45 = tpu.memref_slice %arg8[%dma_start3A_43, %dma_start3A_44] : memref<4x128xi32, #tpu.memory_space<vmem>> -> memref<1x128xi32, #tpu.memory_space<vmem>>
    %dma_start3A_46 = tpu.memref_squeeze %dma_start3A_45 : memref<1x128xi32, #tpu.memory_space<vmem>> -> memref<128xi32, #tpu.memory_space<vmem>>
    %dma_start3A_47 = arith.constant 0 : i32
    %dma_start3A_48 = tpu.memref_slice %arg4[%add3A_29, %dma_start3A_47] : memref<2500x128xi32, #tpu.memory_space<hbm>> -> memref<1x128xi32, #tpu.memory_space<hbm>>
    %dma_start3A_49 = tpu.memref_squeeze %dma_start3A_48 : memref<1x128xi32, #tpu.memory_space<hbm>> -> memref<128xi32, #tpu.memory_space<hbm>>
    %dma_start3A_50 = arith.constant 0 : i32
    %dma_start3A_51 = tpu.memref_slice %arg8[%dma_start3A_43, %dma_start3A_50] : memref<4x128xi32, #tpu.memory_space<vmem>> -> memref<1x128xi32, #tpu.memory_space<vmem>>
    %dma_start3A_52 = tpu.memref_squeeze %dma_start3A_51 : memref<1x128xi32, #tpu.memory_space<vmem>> -> memref<128xi32, #tpu.memory_space<vmem>>
    %dma_start3A_53 = arith.constant 0 : i32
    %dma_start3A_54 = tpu.memref_slice %arg4[%add3A_29, %dma_start3A_53] : memref<2500x128xi32, #tpu.memory_space<hbm>> -> memref<1x128xi32, #tpu.memory_space<hbm>>
    %dma_start3A_55 = tpu.memref_squeeze %dma_start3A_54 : memref<1x128xi32, #tpu.memory_space<hbm>> -> memref<128xi32, #tpu.memory_space<hbm>>
    tpu.enqueue_dma source(%dma_start3A_55 : memref<128xi32, #tpu.memory_space<hbm>>) target(%dma_start3A_52 : memref<128xi32, #tpu.memory_space<vmem>>) target_semaphore(%arg13 : memref<!tpu.dma_semaphore, #tpu.memory_space<semaphore_mem>>)
    %broadcast_in_dim3A = arith.constant 0.000000e+00 : f32
    %broadcast_in_dim3A_56 = vector.broadcast %broadcast_in_dim3A : f32 to vector<16xf32>
    %scan3A = arith.constant 0 : i32
    %scan3A_57 = arith.constant 0 : i32
    %scan3A_58 = arith.constant 128 : i32
    %scan3A_59 = arith.addi %scan3A_57, %scan3A_58 : i32
    %scan3A_60 = arith.constant 1 : i32
    %scan3A_61 = scf.for %scan3A_765 = %scan3A_57 to %scan3A_59 step %scan3A_60 iter_args(%scan3A_766 = %scan3A) -> (i32)  : i32 {
      %swap3A = arith.index_cast %scan3A_765 : i32 to index
      %swap3A_767 = arith.constant 0 : index
      %swap3A_768 = tpu.vector_load %arg9[%swap3A, %swap3A_767] {strides = array<i32>} : memref<128x128xf32, #tpu.memory_space<vmem>>, vector<16xf32>,
      tpu.vector_store %arg9[%swap3A, %swap3A_767], %broadcast_in_dim3A_56 {strides = array<i32>} : memref<128x128xf32, #tpu.memory_space<vmem>>, vector<16xf32>,
      %swap3A_769 = arith.index_cast %scan3A_765 : i32 to index
      %swap3A_770 = arith.constant 16 : index
      %swap3A_771 = tpu.vector_load %arg9[%swap3A_769, %swap3A_770] {strides = array<i32>} : memref<128x128xf32, #tpu.memory_space<vmem>>, vector<16xf32>,
      tpu.vector_store %arg9[%swap3A_769, %swap3A_770], %broadcast_in_dim3A_56 {strides = array<i32>} : memref<128x128xf32, #tpu.memory_space<vmem>>, vector<16xf32>,
      %swap3A_772 = arith.index_cast %scan3A_765 : i32 to index
      %swap3A_773 = arith.constant 32 : index
      %swap3A_774 = tpu.vector_load %arg9[%swap3A_772, %swap3A_773] {strides = array<i32>} : memref<128x128xf32, #tpu.memory_space<vmem>>, vector<16xf32>,
      tpu.vector_store %arg9[%swap3A_772, %swap3A_773], %broadcast_in_dim3A_56 {strides = array<i32>} : memref<128x128xf32, #tpu.memory_space<vmem>>, vector<16xf32>,
      %swap3A_775 = arith.index_cast %scan3A_765 : i32 to index
      %swap3A_776 = arith.constant 48 : index
      %swap3A_777 = tpu.vector_load %arg9[%swap3A_775, %swap3A_776] {strides = array<i32>} : memref<128x128xf32, #tpu.memory_space<vmem>>, vector<16xf32>,
      tpu.vector_store %arg9[%swap3A_775, %swap3A_776], %broadcast_in_dim3A_56 {strides = array<i32>} : memref<128x128xf32, #tpu.memory_space<vmem>>, vector<16xf32>,
      %swap3A_778 = arith.index_cast %scan3A_765 : i32 to index
      %swap3A_779 = arith.constant 64 : index
      %swap3A_780 = tpu.vector_load %arg9[%swap3A_778, %swap3A_779] {strides = array<i32>} : memref<128x128xf32, #tpu.memory_space<vmem>>, vector<16xf32>,
      tpu.vector_store %arg9[%swap3A_778, %swap3A_779], %broadcast_in_dim3A_56 {strides = array<i32>} : memref<128x128xf32, #tpu.memory_space<vmem>>, vector<16xf32>,
      %swap3A_781 = arith.index_cast %scan3A_765 : i32 to index
      %swap3A_782 = arith.constant 80 : index
      %swap3A_783 = tpu.vector_load %arg9[%swap3A_781, %swap3A_782] {strides = array<i32>} : memref<128x128xf32, #tpu.memory_space<vmem>>, vector<16xf32>,
      tpu.vector_store %arg9[%swap3A_781, %swap3A_782], %broadcast_in_dim3A_56 {strides = array<i32>} : memref<128x128xf32, #tpu.memory_space<vmem>>, vector<16xf32>,
      %swap3A_784 = arith.index_cast %scan3A_765 : i32 to index
      %swap3A_785 = arith.constant 96 : index
      %swap3A_786 = tpu.vector_load %arg9[%swap3A_784, %swap3A_785] {strides = array<i32>} : memref<128x128xf32, #tpu.memory_space<vmem>>, vector<16xf32>,
      tpu.vector_store %arg9[%swap3A_784, %swap3A_785], %broadcast_in_dim3A_56 {strides = array<i32>} : memref<128x128xf32, #tpu.memory_space<vmem>>, vector<16xf32>,
      %swap3A_787 = arith.index_cast %scan3A_765 : i32 to index
      %swap3A_788 = arith.constant 112 : index
      %swap3A_789 = tpu.vector_load %arg9[%swap3A_787, %swap3A_788] {strides = array<i32>} : memref<128x128xf32, #tpu.memory_space<vmem>>, vector<16xf32>,
      tpu.vector_store %arg9[%swap3A_787, %swap3A_788], %broadcast_in_dim3A_56 {strides = array<i32>} : memref<128x128xf32, #tpu.memory_space<vmem>>, vector<16xf32>,
      %scan3A_790 = arith.constant 0 : i32
      scf.yield %scan3A_790 : i32
    }
    %scan3A_62 = arith.constant 128 : i32
    %mul3A_63 = arith.constant 624 : i32
    %mul3A_64 = arith.muli %arg1, %mul3A_63 : i32
    %add3A_65 = arith.constant 0 : i32
    %add3A_66 = arith.addi %mul3A_64, %add3A_65 : i32
    "tpu.region"() ({
      %run_scoped3A = tpu.sem_alloc : memref<!tpu.dma_semaphore, #tpu.memory_space<semaphore_mem>>
      %dma_start3A_765 = arith.constant 0 : i32
      %dma_start3A_766 = arith.constant 0 : i32
      %dma_start3A_767 = tpu.memref_slice %arg9[%dma_start3A_765, %dma_start3A_766] : memref<128x128xf32, #tpu.memory_space<vmem>> -> memref<128x128xf32, #tpu.memory_space<vmem>>
      %dma_start3A_768 = arith.constant 0 : i32
      %dma_start3A_769 = tpu.memref_slice %arg11[%add3A_66, %dma_start3A_768] : memref<10000x128xf32, #tpu.memory_space<vmem_shared>> -> memref<128x128xf32, #tpu.memory_space<vmem_shared>>
      %dma_start3A_770 = arith.constant 0 : i32
      %dma_start3A_771 = tpu.memref_slice %arg11[%add3A_66, %dma_start3A_770] : memref<10000x128xf32, #tpu.memory_space<vmem_shared>> -> memref<128x128xf32, #tpu.memory_space<vmem_shared>>
      %dma_start3A_772 = arith.constant 0 : i32
      %dma_start3A_773 = arith.constant 0 : i32
      %dma_start3A_774 = tpu.memref_slice %arg9[%dma_start3A_772, %dma_start3A_773] : memref<128x128xf32, #tpu.memory_space<vmem>> -> memref<128x128xf32, #tpu.memory_space<vmem>>
      tpu.enqueue_dma source(%dma_start3A_774 : memref<128x128xf32, #tpu.memory_space<vmem>>) target(%dma_start3A_771 : memref<128x128xf32, #tpu.memory_space<vmem_shared>>) target_semaphore(%run_scoped3A : memref<!tpu.dma_semaphore, #tpu.memory_space<semaphore_mem>>)
      %dma_wait3A_775 = arith.constant 0 : i32
      %dma_wait3A_776 = arith.constant 0 : i32
      %dma_wait3A_777 = tpu.memref_slice %arg9[%dma_wait3A_775, %dma_wait3A_776] : memref<128x128xf32, #tpu.memory_space<vmem>> -> memref<128x128xf32, #tpu.memory_space<vmem>>
      %dma_wait3A_778 = arith.constant 0 : i32
      %dma_wait3A_779 = tpu.memref_slice %arg11[%add3A_66, %dma_wait3A_778] : memref<10000x128xf32, #tpu.memory_space<vmem_shared>> -> memref<128x128xf32, #tpu.memory_space<vmem_shared>>
      %dma_wait3A_780 = arith.constant 0 : i32
      %dma_wait3A_781 = tpu.memref_slice %arg11[%add3A_66, %dma_wait3A_780] : memref<10000x128xf32, #tpu.memory_space<vmem_shared>> -> memref<128x128xf32, #tpu.memory_space<vmem_shared>>
      %dma_wait3A_782 = arith.constant 0 : i32
      %dma_wait3A_783 = arith.constant 0 : i32
      %dma_wait3A_784 = tpu.memref_slice %arg9[%dma_wait3A_782, %dma_wait3A_783] : memref<128x128xf32, #tpu.memory_space<vmem>> -> memref<128x128xf32, #tpu.memory_space<vmem>>
      tpu.wait_dma2 semaphore(%run_scoped3A : memref<!tpu.dma_semaphore, #tpu.memory_space<semaphore_mem>>) src(%dma_wait3A_784 : memref<128x128xf32, #tpu.memory_space<vmem>>) dst(%dma_wait3A_781 : memref<128x128xf32, #tpu.memory_space<vmem_shared>>)
      tpu.yield
    }) : () -> ()
    %add3A_67 = arith.constant 128 : i32
    %add3A_68 = arith.addi %mul3A_64, %add3A_67 : i32
    "tpu.region"() ({
      %run_scoped3A = tpu.sem_alloc : memref<!tpu.dma_semaphore, #tpu.memory_space<semaphore_mem>>
      %dma_start3A_765 = arith.constant 0 : i32
      %dma_start3A_766 = arith.constant 0 : i32
      %dma_start3A_767 = tpu.memref_slice %arg9[%dma_start3A_765, %dma_start3A_766] : memref<128x128xf32, #tpu.memory_space<vmem>> -> memref<128x128xf32, #tpu.memory_space<vmem>>
      %dma_start3A_768 = arith.constant 0 : i32
      %dma_start3A_769 = tpu.memref_slice %arg11[%add3A_68, %dma_start3A_768] : memref<10000x128xf32, #tpu.memory_space<vmem_shared>> -> memref<128x128xf32, #tpu.memory_space<vmem_shared>>
      %dma_start3A_770 = arith.constant 0 : i32
      %dma_start3A_771 = tpu.memref_slice %arg11[%add3A_68, %dma_start3A_770] : memref<10000x128xf32, #tpu.memory_space<vmem_shared>> -> memref<128x128xf32, #tpu.memory_space<vmem_shared>>
      %dma_start3A_772 = arith.constant 0 : i32
      %dma_start3A_773 = arith.constant 0 : i32
      %dma_start3A_774 = tpu.memref_slice %arg9[%dma_start3A_772, %dma_start3A_773] : memref<128x128xf32, #tpu.memory_space<vmem>> -> memref<128x128xf32, #tpu.memory_space<vmem>>
      tpu.enqueue_dma source(%dma_start3A_774 : memref<128x128xf32, #tpu.memory_space<vmem>>) target(%dma_start3A_771 : memref<128x128xf32, #tpu.memory_space<vmem_shared>>) target_semaphore(%run_scoped3A : memref<!tpu.dma_semaphore, #tpu.memory_space<semaphore_mem>>)
      %dma_wait3A_775 = arith.constant 0 : i32
      %dma_wait3A_776 = arith.constant 0 : i32
      %dma_wait3A_777 = tpu.memref_slice %arg9[%dma_wait3A_775, %dma_wait3A_776] : memref<128x128xf32, #tpu.memory_space<vmem>> -> memref<128x128xf32, #tpu.memory_space<vmem>>
      %dma_wait3A_778 = arith.constant 0 : i32
      %dma_wait3A_779 = tpu.memref_slice %arg11[%add3A_68, %dma_wait3A_778] : memref<10000x128xf32, #tpu.memory_space<vmem_shared>> -> memref<128x128xf32, #tpu.memory_space<vmem_shared>>
      %dma_wait3A_780 = arith.constant 0 : i32
      %dma_wait3A_781 = tpu.memref_slice %arg11[%add3A_68, %dma_wait3A_780] : memref<10000x128xf32, #tpu.memory_space<vmem_shared>> -> memref<128x128xf32, #tpu.memory_space<vmem_shared>>
      %dma_wait3A_782 = arith.constant 0 : i32
      %dma_wait3A_783 = arith.constant 0 : i32
      %dma_wait3A_784 = tpu.memref_slice %arg9[%dma_wait3A_782, %dma_wait3A_783] : memref<128x128xf32, #tpu.memory_space<vmem>> -> memref<128x128xf32, #tpu.memory_space<vmem>>
      tpu.wait_dma2 semaphore(%run_scoped3A : memref<!tpu.dma_semaphore, #tpu.memory_space<semaphore_mem>>) src(%dma_wait3A_784 : memref<128x128xf32, #tpu.memory_space<vmem>>) dst(%dma_wait3A_781 : memref<128x128xf32, #tpu.memory_space<vmem_shared>>)
      tpu.yield
    }) : () -> ()
    %add3A_69 = arith.constant 256 : i32
    %add3A_70 = arith.addi %mul3A_64, %add3A_69 : i32
    "tpu.region"() ({
      %run_scoped3A = tpu.sem_alloc : memref<!tpu.dma_semaphore, #tpu.memory_space<semaphore_mem>>
      %dma_start3A_765 = arith.constant 0 : i32
      %dma_start3A_766 = arith.constant 0 : i32
      %dma_start3A_767 = tpu.memref_slice %arg9[%dma_start3A_765, %dma_start3A_766] : memref<128x128xf32, #tpu.memory_space<vmem>> -> memref<128x128xf32, #tpu.memory_space<vmem>>
      %dma_start3A_768 = arith.constant 0 : i32
      %dma_start3A_769 = tpu.memref_slice %arg11[%add3A_70, %dma_start3A_768] : memref<10000x128xf32, #tpu.memory_space<vmem_shared>> -> memref<128x128xf32, #tpu.memory_space<vmem_shared>>
      %dma_start3A_770 = arith.constant 0 : i32
      %dma_start3A_771 = tpu.memref_slice %arg11[%add3A_70, %dma_start3A_770] : memref<10000x128xf32, #tpu.memory_space<vmem_shared>> -> memref<128x128xf32, #tpu.memory_space<vmem_shared>>
      %dma_start3A_772 = arith.constant 0 : i32
      %dma_start3A_773 = arith.constant 0 : i32
      %dma_start3A_774 = tpu.memref_slice %arg9[%dma_start3A_772, %dma_start3A_773] : memref<128x128xf32, #tpu.memory_space<vmem>> -> memref<128x128xf32, #tpu.memory_space<vmem>>
      tpu.enqueue_dma source(%dma_start3A_774 : memref<128x128xf32, #tpu.memory_space<vmem>>) target(%dma_start3A_771 : memref<128x128xf32, #tpu.memory_space<vmem_shared>>) target_semaphore(%run_scoped3A : memref<!tpu.dma_semaphore, #tpu.memory_space<semaphore_mem>>)
      %dma_wait3A_775 = arith.constant 0 : i32
      %dma_wait3A_776 = arith.constant 0 : i32
      %dma_wait3A_777 = tpu.memref_slice %arg9[%dma_wait3A_775, %dma_wait3A_776] : memref<128x128xf32, #tpu.memory_space<vmem>> -> memref<128x128xf32, #tpu.memory_space<vmem>>
      %dma_wait3A_778 = arith.constant 0 : i32
      %dma_wait3A_779 = tpu.memref_slice %arg11[%add3A_70, %dma_wait3A_778] : memref<10000x128xf32, #tpu.memory_space<vmem_shared>> -> memref<128x128xf32, #tpu.memory_space<vmem_shared>>
      %dma_wait3A_780 = arith.constant 0 : i32
      %dma_wait3A_781 = tpu.memref_slice %arg11[%add3A_70, %dma_wait3A_780] : memref<10000x128xf32, #tpu.memory_space<vmem_shared>> -> memref<128x128xf32, #tpu.memory_space<vmem_shared>>
      %dma_wait3A_782 = arith.constant 0 : i32
      %dma_wait3A_783 = arith.constant 0 : i32
      %dma_wait3A_784 = tpu.memref_slice %arg9[%dma_wait3A_782, %dma_wait3A_783] : memref<128x128xf32, #tpu.memory_space<vmem>> -> memref<128x128xf32, #tpu.memory_space<vmem>>
      tpu.wait_dma2 semaphore(%run_scoped3A : memref<!tpu.dma_semaphore, #tpu.memory_space<semaphore_mem>>) src(%dma_wait3A_784 : memref<128x128xf32, #tpu.memory_space<vmem>>) dst(%dma_wait3A_781 : memref<128x128xf32, #tpu.memory_space<vmem_shared>>)
      tpu.yield
    }) : () -> ()
    %add3A_71 = arith.constant 384 : i32
    %add3A_72 = arith.addi %mul3A_64, %add3A_71 : i32
    "tpu.region"() ({
      %run_scoped3A = tpu.sem_alloc : memref<!tpu.dma_semaphore, #tpu.memory_space<semaphore_mem>>
      %dma_start3A_765 = arith.constant 0 : i32
      %dma_start3A_766 = arith.constant 0 : i32
      %dma_start3A_767 = tpu.memref_slice %arg9[%dma_start3A_765, %dma_start3A_766] : memref<128x128xf32, #tpu.memory_space<vmem>> -> memref<128x128xf32, #tpu.memory_space<vmem>>
      %dma_start3A_768 = arith.constant 0 : i32
      %dma_start3A_769 = tpu.memref_slice %arg11[%add3A_72, %dma_start3A_768] : memref<10000x128xf32, #tpu.memory_space<vmem_shared>> -> memref<128x128xf32, #tpu.memory_space<vmem_shared>>
      %dma_start3A_770 = arith.constant 0 : i32
      %dma_start3A_771 = tpu.memref_slice %arg11[%add3A_72, %dma_start3A_770] : memref<10000x128xf32, #tpu.memory_space<vmem_shared>> -> memref<128x128xf32, #tpu.memory_space<vmem_shared>>
      %dma_start3A_772 = arith.constant 0 : i32
      %dma_start3A_773 = arith.constant 0 : i32
      %dma_start3A_774 = tpu.memref_slice %arg9[%dma_start3A_772, %dma_start3A_773] : memref<128x128xf32, #tpu.memory_space<vmem>> -> memref<128x128xf32, #tpu.memory_space<vmem>>
      tpu.enqueue_dma source(%dma_start3A_774 : memref<128x128xf32, #tpu.memory_space<vmem>>) target(%dma_start3A_771 : memref<128x128xf32, #tpu.memory_space<vmem_shared>>) target_semaphore(%run_scoped3A : memref<!tpu.dma_semaphore, #tpu.memory_space<semaphore_mem>>)
      %dma_wait3A_775 = arith.constant 0 : i32
      %dma_wait3A_776 = arith.constant 0 : i32
      %dma_wait3A_777 = tpu.memref_slice %arg9[%dma_wait3A_775, %dma_wait3A_776] : memref<128x128xf32, #tpu.memory_space<vmem>> -> memref<128x128xf32, #tpu.memory_space<vmem>>
      %dma_wait3A_778 = arith.constant 0 : i32
      %dma_wait3A_779 = tpu.memref_slice %arg11[%add3A_72, %dma_wait3A_778] : memref<10000x128xf32, #tpu.memory_space<vmem_shared>> -> memref<128x128xf32, #tpu.memory_space<vmem_shared>>
      %dma_wait3A_780 = arith.constant 0 : i32
      %dma_wait3A_781 = tpu.memref_slice %arg11[%add3A_72, %dma_wait3A_780] : memref<10000x128xf32, #tpu.memory_space<vmem_shared>> -> memref<128x128xf32, #tpu.memory_space<vmem_shared>>
      %dma_wait3A_782 = arith.constant 0 : i32
      %dma_wait3A_783 = arith.constant 0 : i32
      %dma_wait3A_784 = tpu.memref_slice %arg9[%dma_wait3A_782, %dma_wait3A_783] : memref<128x128xf32, #tpu.memory_space<vmem>> -> memref<128x128xf32, #tpu.memory_space<vmem>>
      tpu.wait_dma2 semaphore(%run_scoped3A : memref<!tpu.dma_semaphore, #tpu.memory_space<semaphore_mem>>) src(%dma_wait3A_784 : memref<128x128xf32, #tpu.memory_space<vmem>>) dst(%dma_wait3A_781 : memref<128x128xf32, #tpu.memory_space<vmem_shared>>)
      tpu.yield
    }) : () -> ()
    %add3A_73 = arith.constant 512 : i32
    %add3A_74 = arith.addi %mul3A_64, %add3A_73 : i32
    "tpu.region"() ({
      %run_scoped3A = tpu.sem_alloc : memref<!tpu.dma_semaphore, #tpu.memory_space<semaphore_mem>>
      %dma_start3A_765 = arith.constant 0 : i32
      %dma_start3A_766 = arith.constant 0 : i32
      %dma_start3A_767 = tpu.memref_slice %arg9[%dma_start3A_765, %dma_start3A_766] : memref<128x128xf32, #tpu.memory_space<vmem>> -> memref<112x128xf32, #tpu.memory_space<vmem>>
      %dma_start3A_768 = arith.constant 0 : i32
      %dma_start3A_769 = tpu.memref_slice %arg11[%add3A_74, %dma_start3A_768] : memref<10000x128xf32, #tpu.memory_space<vmem_shared>> -> memref<112x128xf32, #tpu.memory_space<vmem_shared>>
      %dma_start3A_770 = arith.constant 0 : i32
      %dma_start3A_771 = tpu.memref_slice %arg11[%add3A_74, %dma_start3A_770] : memref<10000x128xf32, #tpu.memory_space<vmem_shared>> -> memref<112x128xf32, #tpu.memory_space<vmem_shared>>
      %dma_start3A_772 = arith.constant 0 : i32
      %dma_start3A_773 = arith.constant 0 : i32
      %dma_start3A_774 = tpu.memref_slice %arg9[%dma_start3A_772, %dma_start3A_773] : memref<128x128xf32, #tpu.memory_space<vmem>> -> memref<112x128xf32, #tpu.memory_space<vmem>>
      tpu.enqueue_dma source(%dma_start3A_774 : memref<112x128xf32, #tpu.memory_space<vmem>>) target(%dma_start3A_771 : memref<112x128xf32, #tpu.memory_space<vmem_shared>>) target_semaphore(%run_scoped3A : memref<!tpu.dma_semaphore, #tpu.memory_space<semaphore_mem>>)
      %dma_wait3A_775 = arith.constant 0 : i32
      %dma_wait3A_776 = arith.constant 0 : i32
      %dma_wait3A_777 = tpu.memref_slice %arg9[%dma_wait3A_775, %dma_wait3A_776] : memref<128x128xf32, #tpu.memory_space<vmem>> -> memref<112x128xf32, #tpu.memory_space<vmem>>
      %dma_wait3A_778 = arith.constant 0 : i32
      %dma_wait3A_779 = tpu.memref_slice %arg11[%add3A_74, %dma_wait3A_778] : memref<10000x128xf32, #tpu.memory_space<vmem_shared>> -> memref<112x128xf32, #tpu.memory_space<vmem_shared>>
      %dma_wait3A_780 = arith.constant 0 : i32
      %dma_wait3A_781 = tpu.memref_slice %arg11[%add3A_74, %dma_wait3A_780] : memref<10000x128xf32, #tpu.memory_space<vmem_shared>> -> memref<112x128xf32, #tpu.memory_space<vmem_shared>>
      %dma_wait3A_782 = arith.constant 0 : i32
      %dma_wait3A_783 = arith.constant 0 : i32
      %dma_wait3A_784 = tpu.memref_slice %arg9[%dma_wait3A_782, %dma_wait3A_783] : memref<128x128xf32, #tpu.memory_space<vmem>> -> memref<112x128xf32, #tpu.memory_space<vmem>>
      tpu.wait_dma2 semaphore(%run_scoped3A : memref<!tpu.dma_semaphore, #tpu.memory_space<semaphore_mem>>) src(%dma_wait3A_784 : memref<112x128xf32, #tpu.memory_space<vmem>>) dst(%dma_wait3A_781 : memref<112x128xf32, #tpu.memory_space<vmem_shared>>)
      tpu.yield
    }) : () -> ()
    %eq3A = arith.constant 15 : i32
    %eq3A_75 = arith.cmpi eq, %arg1, %eq3A : i32
    %convert_element_type3A = arith.extui %eq3A_75 : i1 to i32
    %cond3A = arith.constant 0 : i32
    %cond3A_76 = arith.cmpi ne, %convert_element_type3A, %cond3A : i32
    scf.if %cond3A_76 {
      "tpu.region"() ({
        %run_scoped3A = tpu.sem_alloc : memref<!tpu.dma_semaphore, #tpu.memory_space<semaphore_mem>>
        %dma_start3A_765 = arith.constant 0 : i32
        %dma_start3A_766 = arith.constant 0 : i32
        %dma_start3A_767 = tpu.memref_slice %arg9[%dma_start3A_765, %dma_start3A_766] : memref<128x128xf32, #tpu.memory_space<vmem>> -> memref<16x128xf32, #tpu.memory_space<vmem>>
        %dma_start3A_768 = arith.constant 9984 : i32
        %dma_start3A_769 = arith.constant 0 : i32
        %dma_start3A_770 = tpu.memref_slice %arg11[%dma_start3A_768, %dma_start3A_769] : memref<10000x128xf32, #tpu.memory_space<vmem_shared>> -> memref<16x128xf32, #tpu.memory_space<vmem_shared>>
        %dma_start3A_771 = arith.constant 9984 : i32
        %dma_start3A_772 = arith.constant 0 : i32
        %dma_start3A_773 = tpu.memref_slice %arg11[%dma_start3A_771, %dma_start3A_772] : memref<10000x128xf32, #tpu.memory_space<vmem_shared>> -> memref<16x128xf32, #tpu.memory_space<vmem_shared>>
        %dma_start3A_774 = arith.constant 0 : i32
        %dma_start3A_775 = arith.constant 0 : i32
        %dma_start3A_776 = tpu.memref_slice %arg9[%dma_start3A_774, %dma_start3A_775] : memref<128x128xf32, #tpu.memory_space<vmem>> -> memref<16x128xf32, #tpu.memory_space<vmem>>
        tpu.enqueue_dma source(%dma_start3A_776 : memref<16x128xf32, #tpu.memory_space<vmem>>) target(%dma_start3A_773 : memref<16x128xf32, #tpu.memory_space<vmem_shared>>) target_semaphore(%run_scoped3A : memref<!tpu.dma_semaphore, #tpu.memory_space<semaphore_mem>>)
        %dma_wait3A_777 = arith.constant 0 : i32
        %dma_wait3A_778 = arith.constant 0 : i32
        %dma_wait3A_779 = tpu.memref_slice %arg9[%dma_wait3A_777, %dma_wait3A_778] : memref<128x128xf32, #tpu.memory_space<vmem>> -> memref<16x128xf32, #tpu.memory_space<vmem>>
        %dma_wait3A_780 = arith.constant 9984 : i32
        %dma_wait3A_781 = arith.constant 0 : i32
        %dma_wait3A_782 = tpu.memref_slice %arg11[%dma_wait3A_780, %dma_wait3A_781] : memref<10000x128xf32, #tpu.memory_space<vmem_shared>> -> memref<16x128xf32, #tpu.memory_space<vmem_shared>>
        %dma_wait3A_783 = arith.constant 9984 : i32
        %dma_wait3A_784 = arith.constant 0 : i32
        %dma_wait3A_785 = tpu.memref_slice %arg11[%dma_wait3A_783, %dma_wait3A_784] : memref<10000x128xf32, #tpu.memory_space<vmem_shared>> -> memref<16x128xf32, #tpu.memory_space<vmem_shared>>
        %dma_wait3A_786 = arith.constant 0 : i32
        %dma_wait3A_787 = arith.constant 0 : i32
        %dma_wait3A_788 = tpu.memref_slice %arg9[%dma_wait3A_786, %dma_wait3A_787] : memref<128x128xf32, #tpu.memory_space<vmem>> -> memref<16x128xf32, #tpu.memory_space<vmem>>
        tpu.wait_dma2 semaphore(%run_scoped3A : memref<!tpu.dma_semaphore, #tpu.memory_space<semaphore_mem>>) src(%dma_wait3A_788 : memref<16x128xf32, #tpu.memory_space<vmem>>) dst(%dma_wait3A_785 : memref<16x128xf32, #tpu.memory_space<vmem_shared>>)
        tpu.yield
      }) : () -> ()
    } else {
    }
    %scan3A_77 = arith.constant 0 : i32
    %scan3A_78 = arith.constant 0 : i32
    %scan3A_79 = arith.constant 625 : i32
    %scan3A_80 = arith.addi %scan3A_78, %scan3A_79 : i32
    %scan3A_81 = arith.constant 1 : i32
    %scan3A_82 = scf.for %scan3A_765 = %scan3A_78 to %scan3A_80 step %scan3A_81 iter_args(%scan3A_766 = %scan3A_77) -> (i32)  : i32 {
      %mul3A_767 = arith.constant 16 : i32
      %mul3A_768 = arith.muli %scan3A_765, %mul3A_767 : i32
      %swap3A = arith.index_cast %mul3A_768 : i32 to index
      %swap3A_769 = tpu.vector_load %arg20[%swap3A] {strides = array<i32>} : memref<10000xf32, #tpu.memory_space<vmem>>, vector<16xf32>,
      tpu.vector_store %arg20[%swap3A], %broadcast_in_dim3A_56 {strides = array<i32>} : memref<10000xf32, #tpu.memory_space<vmem>>, vector<16xf32>,
      %scan3A_770 = arith.constant 0 : i32
      scf.yield %scan3A_770 : i32
    }
    %scan3A_83 = arith.constant 625 : i32
    %broadcast_in_dim3A_84 = arith.constant 1.000000e+00 : f32
    %broadcast_in_dim3A_85 = vector.broadcast %broadcast_in_dim3A_84 : f32 to vector<16xf32>
    %add3A_86 = arith.constant 0 : i32
    %add3A_87 = arith.addi %add3A, %add3A_86 : i32
    %dma_wait3A = arith.constant 0 : i32
    %dma_wait3A_88 = arith.constant 0 : i32
    %dma_wait3A_89 = tpu.memref_slice %arg7[%dma_wait3A, %dma_wait3A_88] : memref<4x128xi32, #tpu.memory_space<vmem>> -> memref<1x128xi32, #tpu.memory_space<vmem>>
    %dma_wait3A_90 = tpu.memref_squeeze %dma_wait3A_89 : memref<1x128xi32, #tpu.memory_space<vmem>> -> memref<128xi32, #tpu.memory_space<vmem>>
    %dma_wait3A_91 = arith.constant 0 : i32
    %dma_wait3A_92 = tpu.memref_slice %arg3[%add3A_87, %dma_wait3A_91] : memref<2500x128xi32, #tpu.memory_space<hbm>> -> memref<1x128xi32, #tpu.memory_space<hbm>>
    %dma_wait3A_93 = tpu.memref_squeeze %dma_wait3A_92 : memref<1x128xi32, #tpu.memory_space<hbm>> -> memref<128xi32, #tpu.memory_space<hbm>>
    %dma_wait3A_94 = arith.constant 0 : i32
    %dma_wait3A_95 = tpu.memref_slice %arg7[%dma_wait3A, %dma_wait3A_94] : memref<4x128xi32, #tpu.memory_space<vmem>> -> memref<1x128xi32, #tpu.memory_space<vmem>>
    %dma_wait3A_96 = tpu.memref_squeeze %dma_wait3A_95 : memref<1x128xi32, #tpu.memory_space<vmem>> -> memref<128xi32, #tpu.memory_space<vmem>>
    %dma_wait3A_97 = arith.constant 0 : i32
    %dma_wait3A_98 = tpu.memref_slice %arg3[%add3A_87, %dma_wait3A_97] : memref<2500x128xi32, #tpu.memory_space<hbm>> -> memref<1x128xi32, #tpu.memory_space<hbm>>
    %dma_wait3A_99 = tpu.memref_squeeze %dma_wait3A_98 : memref<1x128xi32, #tpu.memory_space<hbm>> -> memref<128xi32, #tpu.memory_space<hbm>>
    tpu.wait_dma2 semaphore(%arg12 : memref<!tpu.dma_semaphore, #tpu.memory_space<semaphore_mem>>) src(%dma_wait3A_99 : memref<128xi32, #tpu.memory_space<hbm>>) dst(%dma_wait3A_96 : memref<128xi32, #tpu.memory_space<vmem>>)
    %dma_wait3A_100 = arith.constant 0 : i32
    %dma_wait3A_101 = arith.constant 0 : i32
    %dma_wait3A_102 = tpu.memref_slice %arg8[%dma_wait3A_100, %dma_wait3A_101] : memref<4x128xi32, #tpu.memory_space<vmem>> -> memref<1x128xi32, #tpu.memory_space<vmem>>
    %dma_wait3A_103 = tpu.memref_squeeze %dma_wait3A_102 : memref<1x128xi32, #tpu.memory_space<vmem>> -> memref<128xi32, #tpu.memory_space<vmem>>
    %dma_wait3A_104 = arith.constant 0 : i32
    %dma_wait3A_105 = tpu.memref_slice %arg4[%add3A_87, %dma_wait3A_104] : memref<2500x128xi32, #tpu.memory_space<hbm>> -> memref<1x128xi32, #tpu.memory_space<hbm>>
    %dma_wait3A_106 = tpu.memref_squeeze %dma_wait3A_105 : memref<1x128xi32, #tpu.memory_space<hbm>> -> memref<128xi32, #tpu.memory_space<hbm>>
    %dma_wait3A_107 = arith.constant 0 : i32
    %dma_wait3A_108 = tpu.memref_slice %arg8[%dma_wait3A_100, %dma_wait3A_107] : memref<4x128xi32, #tpu.memory_space<vmem>> -> memref<1x128xi32, #tpu.memory_space<vmem>>
    %dma_wait3A_109 = tpu.memref_squeeze %dma_wait3A_108 : memref<1x128xi32, #tpu.memory_space<vmem>> -> memref<128xi32, #tpu.memory_space<vmem>>
    %dma_wait3A_110 = arith.constant 0 : i32
    %dma_wait3A_111 = tpu.memref_slice %arg4[%add3A_87, %dma_wait3A_110] : memref<2500x128xi32, #tpu.memory_space<hbm>> -> memref<1x128xi32, #tpu.memory_space<hbm>>
    %dma_wait3A_112 = tpu.memref_squeeze %dma_wait3A_111 : memref<1x128xi32, #tpu.memory_space<hbm>> -> memref<128xi32, #tpu.memory_space<hbm>>
    tpu.wait_dma2 semaphore(%arg12 : memref<!tpu.dma_semaphore, #tpu.memory_space<semaphore_mem>>) src(%dma_wait3A_112 : memref<128xi32, #tpu.memory_space<hbm>>) dst(%dma_wait3A_109 : memref<128xi32, #tpu.memory_space<vmem>>)
    %dma_start3A_113 = arith.constant 0 : i32
    %dma_start3A_114 = arith.constant 0 : i32
    %dma_start3A_115 = tpu.memref_slice %arg7[%dma_start3A_113, %dma_start3A_114] : memref<4x128xi32, #tpu.memory_space<vmem>> -> memref<1x128xi32, #tpu.memory_space<vmem>>
    %dma_start3A_116 = tpu.memref_squeeze %dma_start3A_115 : memref<1x128xi32, #tpu.memory_space<vmem>> -> memref<128xi32, #tpu.memory_space<vmem>>
    %dma_start3A_117 = arith.constant 0 : i32
    %dma_start3A_118 = arith.constant 0 : i32
    %dma_start3A_119 = tpu.memref_slice %arg2[%dma_start3A_117, %dma_start3A_118] : memref<10000x128xf32, #tpu.memory_space<hbm>> -> memref<10000x128xf32, #tpu.memory_space<hbm>>
    tpu.enqueue_indirect_dma source(%dma_start3A_119 : memref<10000x128xf32, #tpu.memory_space<hbm>>) target(%arg9 : memref<128x128xf32, #tpu.memory_space<vmem>>) offsets(%dma_start3A_116 : memref<128xi32, #tpu.memory_space<vmem>>) semaphore(%arg16 : memref<!tpu.dma_semaphore, #tpu.memory_space<semaphore_mem>>)
    %barrier3A = arith.constant 0 : index
    tpu.barrier barrier_id(%barrier3A)
    %add3A_120 = arith.constant 32 : i32
    %add3A_121 = arith.addi %add3A, %add3A_120 : i32
    %dma_wait3A_122 = arith.constant 1 : i32
    %dma_wait3A_123 = arith.constant 0 : i32
    %dma_wait3A_124 = tpu.memref_slice %arg7[%dma_wait3A_122, %dma_wait3A_123] : memref<4x128xi32, #tpu.memory_space<vmem>> -> memref<1x128xi32, #tpu.memory_space<vmem>>
    %dma_wait3A_125 = tpu.memref_squeeze %dma_wait3A_124 : memref<1x128xi32, #tpu.memory_space<vmem>> -> memref<128xi32, #tpu.memory_space<vmem>>
    %dma_wait3A_126 = arith.constant 0 : i32
    %dma_wait3A_127 = tpu.memref_slice %arg3[%add3A_121, %dma_wait3A_126] : memref<2500x128xi32, #tpu.memory_space<hbm>> -> memref<1x128xi32, #tpu.memory_space<hbm>>
    %dma_wait3A_128 = tpu.memref_squeeze %dma_wait3A_127 : memref<1x128xi32, #tpu.memory_space<hbm>> -> memref<128xi32, #tpu.memory_space<hbm>>
    %dma_wait3A_129 = arith.constant 0 : i32
    %dma_wait3A_130 = tpu.memref_slice %arg7[%dma_wait3A_122, %dma_wait3A_129] : memref<4x128xi32, #tpu.memory_space<vmem>> -> memref<1x128xi32, #tpu.memory_space<vmem>>
    %dma_wait3A_131 = tpu.memref_squeeze %dma_wait3A_130 : memref<1x128xi32, #tpu.memory_space<vmem>> -> memref<128xi32, #tpu.memory_space<vmem>>
    %dma_wait3A_132 = arith.constant 0 : i32
    %dma_wait3A_133 = tpu.memref_slice %arg3[%add3A_121, %dma_wait3A_132] : memref<2500x128xi32, #tpu.memory_space<hbm>> -> memref<1x128xi32, #tpu.memory_space<hbm>>
    %dma_wait3A_134 = tpu.memref_squeeze %dma_wait3A_133 : memref<1x128xi32, #tpu.memory_space<hbm>> -> memref<128xi32, #tpu.memory_space<hbm>>
    tpu.wait_dma2 semaphore(%arg13 : memref<!tpu.dma_semaphore, #tpu.memory_space<semaphore_mem>>) src(%dma_wait3A_134 : memref<128xi32, #tpu.memory_space<hbm>>) dst(%dma_wait3A_131 : memref<128xi32, #tpu.memory_space<vmem>>)
    %dma_wait3A_135 = arith.constant 1 : i32
    %dma_wait3A_136 = arith.constant 0 : i32
    %dma_wait3A_137 = tpu.memref_slice %arg8[%dma_wait3A_135, %dma_wait3A_136] : memref<4x128xi32, #tpu.memory_space<vmem>> -> memref<1x128xi32, #tpu.memory_space<vmem>>
    %dma_wait3A_138 = tpu.memref_squeeze %dma_wait3A_137 : memref<1x128xi32, #tpu.memory_space<vmem>> -> memref<128xi32, #tpu.memory_space<vmem>>
    %dma_wait3A_139 = arith.constant 0 : i32
    %dma_wait3A_140 = tpu.memref_slice %arg4[%add3A_121, %dma_wait3A_139] : memref<2500x128xi32, #tpu.memory_space<hbm>> -> memref<1x128xi32, #tpu.memory_space<hbm>>
    %dma_wait3A_141 = tpu.memref_squeeze %dma_wait3A_140 : memref<1x128xi32, #tpu.memory_space<hbm>> -> memref<128xi32, #tpu.memory_space<hbm>>
    %dma_wait3A_142 = arith.constant 0 : i32
    %dma_wait3A_143 = tpu.memref_slice %arg8[%dma_wait3A_135, %dma_wait3A_142] : memref<4x128xi32, #tpu.memory_space<vmem>> -> memref<1x128xi32, #tpu.memory_space<vmem>>
    %dma_wait3A_144 = tpu.memref_squeeze %dma_wait3A_143 : memref<1x128xi32, #tpu.memory_space<vmem>> -> memref<128xi32, #tpu.memory_space<vmem>>
    %dma_wait3A_145 = arith.constant 0 : i32
    %dma_wait3A_146 = tpu.memref_slice %arg4[%add3A_121, %dma_wait3A_145] : memref<2500x128xi32, #tpu.memory_space<hbm>> -> memref<1x128xi32, #tpu.memory_space<hbm>>
    %dma_wait3A_147 = tpu.memref_squeeze %dma_wait3A_146 : memref<1x128xi32, #tpu.memory_space<hbm>> -> memref<128xi32, #tpu.memory_space<hbm>>
    tpu.wait_dma2 semaphore(%arg13 : memref<!tpu.dma_semaphore, #tpu.memory_space<semaphore_mem>>) src(%dma_wait3A_147 : memref<128xi32, #tpu.memory_space<hbm>>) dst(%dma_wait3A_144 : memref<128xi32, #tpu.memory_space<vmem>>)
    %dma_start3A_148 = arith.constant 1 : i32
    %dma_start3A_149 = arith.constant 0 : i32
    %dma_start3A_150 = tpu.memref_slice %arg7[%dma_start3A_148, %dma_start3A_149] : memref<4x128xi32, #tpu.memory_space<vmem>> -> memref<1x128xi32, #tpu.memory_space<vmem>>
    %dma_start3A_151 = tpu.memref_squeeze %dma_start3A_150 : memref<1x128xi32, #tpu.memory_space<vmem>> -> memref<128xi32, #tpu.memory_space<vmem>>
    %dma_start3A_152 = arith.constant 0 : i32
    %dma_start3A_153 = arith.constant 0 : i32
    %dma_start3A_154 = tpu.memref_slice %arg2[%dma_start3A_152, %dma_start3A_153] : memref<10000x128xf32, #tpu.memory_space<hbm>> -> memref<10000x128xf32, #tpu.memory_space<hbm>>
    tpu.enqueue_indirect_dma source(%dma_start3A_154 : memref<10000x128xf32, #tpu.memory_space<hbm>>) target(%arg10 : memref<128x128xf32, #tpu.memory_space<vmem>>) offsets(%dma_start3A_151 : memref<128xi32, #tpu.memory_space<vmem>>) semaphore(%arg17 : memref<!tpu.dma_semaphore, #tpu.memory_space<semaphore_mem>>)
    %add3A_155 = arith.constant 64 : i32
    %add3A_156 = arith.addi %add3A, %add3A_155 : i32
    %dma_start3A_157 = arith.constant 2 : i32
    %dma_start3A_158 = arith.constant 0 : i32
    %dma_start3A_159 = tpu.memref_slice %arg7[%dma_start3A_157, %dma_start3A_158] : memref<4x128xi32, #tpu.memory_space<vmem>> -> memref<1x128xi32, #tpu.memory_space<vmem>>
    %dma_start3A_160 = tpu.memref_squeeze %dma_start3A_159 : memref<1x128xi32, #tpu.memory_space<vmem>> -> memref<128xi32, #tpu.memory_space<vmem>>
    %dma_start3A_161 = arith.constant 0 : i32
    %dma_start3A_162 = tpu.memref_slice %arg3[%add3A_156, %dma_start3A_161] : memref<2500x128xi32, #tpu.memory_space<hbm>> -> memref<1x128xi32, #tpu.memory_space<hbm>>
    %dma_start3A_163 = tpu.memref_squeeze %dma_start3A_162 : memref<1x128xi32, #tpu.memory_space<hbm>> -> memref<128xi32, #tpu.memory_space<hbm>>
    %dma_start3A_164 = arith.constant 0 : i32
    %dma_start3A_165 = tpu.memref_slice %arg7[%dma_start3A_157, %dma_start3A_164] : memref<4x128xi32, #tpu.memory_space<vmem>> -> memref<1x128xi32, #tpu.memory_space<vmem>>
    %dma_start3A_166 = tpu.memref_squeeze %dma_start3A_165 : memref<1x128xi32, #tpu.memory_space<vmem>> -> memref<128xi32, #tpu.memory_space<vmem>>
    %dma_start3A_167 = arith.constant 0 : i32
    %dma_start3A_168 = tpu.memref_slice %arg3[%add3A_156, %dma_start3A_167] : memref<2500x128xi32, #tpu.memory_space<hbm>> -> memref<1x128xi32, #tpu.memory_space<hbm>>
    %dma_start3A_169 = tpu.memref_squeeze %dma_start3A_168 : memref<1x128xi32, #tpu.memory_space<hbm>> -> memref<128xi32, #tpu.memory_space<hbm>>
    tpu.enqueue_dma source(%dma_start3A_169 : memref<128xi32, #tpu.memory_space<hbm>>) target(%dma_start3A_166 : memref<128xi32, #tpu.memory_space<vmem>>) target_semaphore(%arg14 : memref<!tpu.dma_semaphore, #tpu.memory_space<semaphore_mem>>)
    %dma_start3A_170 = arith.constant 2 : i32
    %dma_start3A_171 = arith.constant 0 : i32
    %dma_start3A_172 = tpu.memref_slice %arg8[%dma_start3A_170, %dma_start3A_171] : memref<4x128xi32, #tpu.memory_space<vmem>> -> memref<1x128xi32, #tpu.memory_space<vmem>>
    %dma_start3A_173 = tpu.memref_squeeze %dma_start3A_172 : memref<1x128xi32, #tpu.memory_space<vmem>> -> memref<128xi32, #tpu.memory_space<vmem>>
    %dma_start3A_174 = arith.constant 0 : i32
    %dma_start3A_175 = tpu.memref_slice %arg4[%add3A_156, %dma_start3A_174] : memref<2500x128xi32, #tpu.memory_space<hbm>> -> memref<1x128xi32, #tpu.memory_space<hbm>>
    %dma_start3A_176 = tpu.memref_squeeze %dma_start3A_175 : memref<1x128xi32, #tpu.memory_space<hbm>> -> memref<128xi32, #tpu.memory_space<hbm>>
    %dma_start3A_177 = arith.constant 0 : i32
    %dma_start3A_178 = tpu.memref_slice %arg8[%dma_start3A_170, %dma_start3A_177] : memref<4x128xi32, #tpu.memory_space<vmem>> -> memref<1x128xi32, #tpu.memory_space<vmem>>
    %dma_start3A_179 = tpu.memref_squeeze %dma_start3A_178 : memref<1x128xi32, #tpu.memory_space<vmem>> -> memref<128xi32, #tpu.memory_space<vmem>>
    %dma_start3A_180 = arith.constant 0 : i32
    %dma_start3A_181 = tpu.memref_slice %arg4[%add3A_156, %dma_start3A_180] : memref<2500x128xi32, #tpu.memory_space<hbm>> -> memref<1x128xi32, #tpu.memory_space<hbm>>
    %dma_start3A_182 = tpu.memref_squeeze %dma_start3A_181 : memref<1x128xi32, #tpu.memory_space<hbm>> -> memref<128xi32, #tpu.memory_space<hbm>>
    tpu.enqueue_dma source(%dma_start3A_182 : memref<128xi32, #tpu.memory_space<hbm>>) target(%dma_start3A_179 : memref<128xi32, #tpu.memory_space<vmem>>) target_semaphore(%arg14 : memref<!tpu.dma_semaphore, #tpu.memory_space<semaphore_mem>>)
    %dma_wait3A_183 = arith.constant 0 : i32
    %dma_wait3A_184 = arith.constant 0 : i32
    %dma_wait3A_185 = tpu.memref_slice %arg7[%dma_wait3A_183, %dma_wait3A_184] : memref<4x128xi32, #tpu.memory_space<vmem>> -> memref<1x128xi32, #tpu.memory_space<vmem>>
    %dma_wait3A_186 = tpu.memref_squeeze %dma_wait3A_185 : memref<1x128xi32, #tpu.memory_space<vmem>> -> memref<128xi32, #tpu.memory_space<vmem>>
    %dma_wait3A_187 = arith.constant 0 : i32
    %dma_wait3A_188 = arith.constant 0 : i32
    %dma_wait3A_189 = tpu.memref_slice %arg2[%dma_wait3A_187, %dma_wait3A_188] : memref<10000x128xf32, #tpu.memory_space<hbm>> -> memref<10000x128xf32, #tpu.memory_space<hbm>>
    tpu.wait_indirect_dma semaphore(%arg16 : memref<!tpu.dma_semaphore, #tpu.memory_space<semaphore_mem>>) src(%dma_wait3A_189 : memref<10000x128xf32, #tpu.memory_space<hbm>>) dst(%arg9 : memref<128x128xf32, #tpu.memory_space<vmem>>)
    %dma_start3A_190 = arith.constant 0 : i32
    %dma_start3A_191 = arith.constant 0 : i32
    %dma_start3A_192 = tpu.memref_slice %arg8[%dma_start3A_190, %dma_start3A_191] : memref<4x128xi32, #tpu.memory_space<vmem>> -> memref<1x128xi32, #tpu.memory_space<vmem>>
    %dma_start3A_193 = tpu.memref_squeeze %dma_start3A_192 : memref<1x128xi32, #tpu.memory_space<vmem>> -> memref<128xi32, #tpu.memory_space<vmem>>
    %dma_start3A_194 = arith.constant 0 : i32
    %dma_start3A_195 = arith.constant 0 : i32
    %dma_start3A_196 = tpu.memref_slice %arg11[%dma_start3A_194, %dma_start3A_195] : memref<10000x128xf32, #tpu.memory_space<vmem_shared>> -> memref<10000x128xf32, #tpu.memory_space<vmem_shared>>
    tpu.enqueue_indirect_dma source(%arg9 : memref<128x128xf32, #tpu.memory_space<vmem>>) target(%dma_start3A_196 : memref<10000x128xf32, #tpu.memory_space<vmem_shared>>) offsets(%dma_start3A_193 : memref<128xi32, #tpu.memory_space<vmem>>) semaphore(%arg18 : memref<!tpu.dma_semaphore, #tpu.memory_space<semaphore_mem>>) {add = true}
    %get3A = arith.constant 0 : i32
    %get3A_197 = arith.index_cast %get3A : i32 to index
    %get3A_198 = arith.constant 0 : index
    %get3A_199 = tpu.vector_load %arg8[%get3A_197, %get3A_198] {strides = array<i32>} : memref<4x128xi32, #tpu.memory_space<vmem>>, vector<16xi32>,
    tpu.vector_store_idx %arg20[%get3A_199], %broadcast_in_dim3A_85 {add = true} : memref<10000xf32, #tpu.memory_space<vmem>>[vector<16xi32>], vector<16xf32>,
    %get3A_200 = arith.constant 0 : i32
    %get3A_201 = arith.index_cast %get3A_200 : i32 to index
    %get3A_202 = arith.constant 16 : index
    %get3A_203 = tpu.vector_load %arg8[%get3A_201, %get3A_202] {strides = array<i32>} : memref<4x128xi32, #tpu.memory_space<vmem>>, vector<16xi32>,
    tpu.vector_store_idx %arg20[%get3A_203], %broadcast_in_dim3A_85 {add = true} : memref<10000xf32, #tpu.memory_space<vmem>>[vector<16xi32>], vector<16xf32>,
    %get3A_204 = arith.constant 0 : i32
    %get3A_205 = arith.index_cast %get3A_204 : i32 to index
    %get3A_206 = arith.constant 32 : index
    %get3A_207 = tpu.vector_load %arg8[%get3A_205, %get3A_206] {strides = array<i32>} : memref<4x128xi32, #tpu.memory_space<vmem>>, vector<16xi32>,
    tpu.vector_store_idx %arg20[%get3A_207], %broadcast_in_dim3A_85 {add = true} : memref<10000xf32, #tpu.memory_space<vmem>>[vector<16xi32>], vector<16xf32>,
    %get3A_208 = arith.constant 0 : i32
    %get3A_209 = arith.index_cast %get3A_208 : i32 to index
    %get3A_210 = arith.constant 48 : index
    %get3A_211 = tpu.vector_load %arg8[%get3A_209, %get3A_210] {strides = array<i32>} : memref<4x128xi32, #tpu.memory_space<vmem>>, vector<16xi32>,
    tpu.vector_store_idx %arg20[%get3A_211], %broadcast_in_dim3A_85 {add = true} : memref<10000xf32, #tpu.memory_space<vmem>>[vector<16xi32>], vector<16xf32>,
    %get3A_212 = arith.constant 0 : i32
    %get3A_213 = arith.index_cast %get3A_212 : i32 to index
    %get3A_214 = arith.constant 64 : index
    %get3A_215 = tpu.vector_load %arg8[%get3A_213, %get3A_214] {strides = array<i32>} : memref<4x128xi32, #tpu.memory_space<vmem>>, vector<16xi32>,
    tpu.vector_store_idx %arg20[%get3A_215], %broadcast_in_dim3A_85 {add = true} : memref<10000xf32, #tpu.memory_space<vmem>>[vector<16xi32>], vector<16xf32>,
    %get3A_216 = arith.constant 0 : i32
    %get3A_217 = arith.index_cast %get3A_216 : i32 to index
    %get3A_218 = arith.constant 80 : index
    %get3A_219 = tpu.vector_load %arg8[%get3A_217, %get3A_218] {strides = array<i32>} : memref<4x128xi32, #tpu.memory_space<vmem>>, vector<16xi32>,
    tpu.vector_store_idx %arg20[%get3A_219], %broadcast_in_dim3A_85 {add = true} : memref<10000xf32, #tpu.memory_space<vmem>>[vector<16xi32>], vector<16xf32>,
    %get3A_220 = arith.constant 0 : i32
    %get3A_221 = arith.index_cast %get3A_220 : i32 to index
    %get3A_222 = arith.constant 96 : index
    %get3A_223 = tpu.vector_load %arg8[%get3A_221, %get3A_222] {strides = array<i32>} : memref<4x128xi32, #tpu.memory_space<vmem>>, vector<16xi32>,
    tpu.vector_store_idx %arg20[%get3A_223], %broadcast_in_dim3A_85 {add = true} : memref<10000xf32, #tpu.memory_space<vmem>>[vector<16xi32>], vector<16xf32>,
    %get3A_224 = arith.constant 0 : i32
    %get3A_225 = arith.index_cast %get3A_224 : i32 to index
    %get3A_226 = arith.constant 112 : index
    %get3A_227 = tpu.vector_load %arg8[%get3A_225, %get3A_226] {strides = array<i32>} : memref<4x128xi32, #tpu.memory_space<vmem>>, vector<16xi32>,
    tpu.vector_store_idx %arg20[%get3A_227], %broadcast_in_dim3A_85 {add = true} : memref<10000xf32, #tpu.memory_space<vmem>>[vector<16xi32>], vector<16xf32>,
    %dma_wait3A_228 = arith.constant 0 : i32
    %dma_wait3A_229 = arith.constant 0 : i32
    %dma_wait3A_230 = tpu.memref_slice %arg8[%dma_wait3A_228, %dma_wait3A_229] : memref<4x128xi32, #tpu.memory_space<vmem>> -> memref<1x128xi32, #tpu.memory_space<vmem>>
    %dma_wait3A_231 = tpu.memref_squeeze %dma_wait3A_230 : memref<1x128xi32, #tpu.memory_space<vmem>> -> memref<128xi32, #tpu.memory_space<vmem>>
    %dma_wait3A_232 = arith.constant 0 : i32
    %dma_wait3A_233 = arith.constant 0 : i32
    %dma_wait3A_234 = tpu.memref_slice %arg11[%dma_wait3A_232, %dma_wait3A_233] : memref<10000x128xf32, #tpu.memory_space<vmem_shared>> -> memref<10000x128xf32, #tpu.memory_space<vmem_shared>>
    tpu.wait_indirect_dma semaphore(%arg18 : memref<!tpu.dma_semaphore, #tpu.memory_space<semaphore_mem>>) src(%arg9 : memref<128x128xf32, #tpu.memory_space<vmem>>) dst(%dma_wait3A_234 : memref<10000x128xf32, #tpu.memory_space<vmem_shared>>)
    %add3A_235 = arith.constant 64 : i32
    %add3A_236 = arith.addi %add3A, %add3A_235 : i32
    %dma_wait3A_237 = arith.constant 2 : i32
    %dma_wait3A_238 = arith.constant 0 : i32
    %dma_wait3A_239 = tpu.memref_slice %arg7[%dma_wait3A_237, %dma_wait3A_238] : memref<4x128xi32, #tpu.memory_space<vmem>> -> memref<1x128xi32, #tpu.memory_space<vmem>>
    %dma_wait3A_240 = tpu.memref_squeeze %dma_wait3A_239 : memref<1x128xi32, #tpu.memory_space<vmem>> -> memref<128xi32, #tpu.memory_space<vmem>>
    %dma_wait3A_241 = arith.constant 0 : i32
    %dma_wait3A_242 = tpu.memref_slice %arg3[%add3A_236, %dma_wait3A_241] : memref<2500x128xi32, #tpu.memory_space<hbm>> -> memref<1x128xi32, #tpu.memory_space<hbm>>
    %dma_wait3A_243 = tpu.memref_squeeze %dma_wait3A_242 : memref<1x128xi32, #tpu.memory_space<hbm>> -> memref<128xi32, #tpu.memory_space<hbm>>
    %dma_wait3A_244 = arith.constant 0 : i32
    %dma_wait3A_245 = tpu.memref_slice %arg7[%dma_wait3A_237, %dma_wait3A_244] : memref<4x128xi32, #tpu.memory_space<vmem>> -> memref<1x128xi32, #tpu.memory_space<vmem>>
    %dma_wait3A_246 = tpu.memref_squeeze %dma_wait3A_245 : memref<1x128xi32, #tpu.memory_space<vmem>> -> memref<128xi32, #tpu.memory_space<vmem>>
    %dma_wait3A_247 = arith.constant 0 : i32
    %dma_wait3A_248 = tpu.memref_slice %arg3[%add3A_236, %dma_wait3A_247] : memref<2500x128xi32, #tpu.memory_space<hbm>> -> memref<1x128xi32, #tpu.memory_space<hbm>>
    %dma_wait3A_249 = tpu.memref_squeeze %dma_wait3A_248 : memref<1x128xi32, #tpu.memory_space<hbm>> -> memref<128xi32, #tpu.memory_space<hbm>>
    tpu.wait_dma2 semaphore(%arg14 : memref<!tpu.dma_semaphore, #tpu.memory_space<semaphore_mem>>) src(%dma_wait3A_249 : memref<128xi32, #tpu.memory_space<hbm>>) dst(%dma_wait3A_246 : memref<128xi32, #tpu.memory_space<vmem>>)
    %dma_wait3A_250 = arith.constant 2 : i32
    %dma_wait3A_251 = arith.constant 0 : i32
    %dma_wait3A_252 = tpu.memref_slice %arg8[%dma_wait3A_250, %dma_wait3A_251] : memref<4x128xi32, #tpu.memory_space<vmem>> -> memref<1x128xi32, #tpu.memory_space<vmem>>
    %dma_wait3A_253 = tpu.memref_squeeze %dma_wait3A_252 : memref<1x128xi32, #tpu.memory_space<vmem>> -> memref<128xi32, #tpu.memory_space<vmem>>
    %dma_wait3A_254 = arith.constant 0 : i32
    %dma_wait3A_255 = tpu.memref_slice %arg4[%add3A_236, %dma_wait3A_254] : memref<2500x128xi32, #tpu.memory_space<hbm>> -> memref<1x128xi32, #tpu.memory_space<hbm>>
    %dma_wait3A_256 = tpu.memref_squeeze %dma_wait3A_255 : memref<1x128xi32, #tpu.memory_space<hbm>> -> memref<128xi32, #tpu.memory_space<hbm>>
    %dma_wait3A_257 = arith.constant 0 : i32
    %dma_wait3A_258 = tpu.memref_slice %arg8[%dma_wait3A_250, %dma_wait3A_257] : memref<4x128xi32, #tpu.memory_space<vmem>> -> memref<1x128xi32, #tpu.memory_space<vmem>>
    %dma_wait3A_259 = tpu.memref_squeeze %dma_wait3A_258 : memref<1x128xi32, #tpu.memory_space<vmem>> -> memref<128xi32, #tpu.memory_space<vmem>>
    %dma_wait3A_260 = arith.constant 0 : i32
    %dma_wait3A_261 = tpu.memref_slice %arg4[%add3A_236, %dma_wait3A_260] : memref<2500x128xi32, #tpu.memory_space<hbm>> -> memref<1x128xi32, #tpu.memory_space<hbm>>
    %dma_wait3A_262 = tpu.memref_squeeze %dma_wait3A_261 : memref<1x128xi32, #tpu.memory_space<hbm>> -> memref<128xi32, #tpu.memory_space<hbm>>
    tpu.wait_dma2 semaphore(%arg14 : memref<!tpu.dma_semaphore, #tpu.memory_space<semaphore_mem>>) src(%dma_wait3A_262 : memref<128xi32, #tpu.memory_space<hbm>>) dst(%dma_wait3A_259 : memref<128xi32, #tpu.memory_space<vmem>>)
    %dma_start3A_263 = arith.constant 2 : i32
    %dma_start3A_264 = arith.constant 0 : i32
    %dma_start3A_265 = tpu.memref_slice %arg7[%dma_start3A_263, %dma_start3A_264] : memref<4x128xi32, #tpu.memory_space<vmem>> -> memref<1x128xi32, #tpu.memory_space<vmem>>
    %dma_start3A_266 = tpu.memref_squeeze %dma_start3A_265 : memref<1x128xi32, #tpu.memory_space<vmem>> -> memref<128xi32, #tpu.memory_space<vmem>>
    %dma_start3A_267 = arith.constant 0 : i32
    %dma_start3A_268 = arith.constant 0 : i32
    %dma_start3A_269 = tpu.memref_slice %arg2[%dma_start3A_267, %dma_start3A_268] : memref<10000x128xf32, #tpu.memory_space<hbm>> -> memref<10000x128xf32, #tpu.memory_space<hbm>>
    tpu.enqueue_indirect_dma source(%dma_start3A_269 : memref<10000x128xf32, #tpu.memory_space<hbm>>) target(%arg9 : memref<128x128xf32, #tpu.memory_space<vmem>>) offsets(%dma_start3A_266 : memref<128xi32, #tpu.memory_space<vmem>>) semaphore(%arg16 : memref<!tpu.dma_semaphore, #tpu.memory_space<semaphore_mem>>)
    %add3A_270 = arith.constant 96 : i32
    %add3A_271 = arith.addi %add3A, %add3A_270 : i32
    %dma_start3A_272 = arith.constant 3 : i32
    %dma_start3A_273 = arith.constant 0 : i32
    %dma_start3A_274 = tpu.memref_slice %arg7[%dma_start3A_272, %dma_start3A_273] : memref<4x128xi32, #tpu.memory_space<vmem>> -> memref<1x128xi32, #tpu.memory_space<vmem>>
    %dma_start3A_275 = tpu.memref_squeeze %dma_start3A_274 : memref<1x128xi32, #tpu.memory_space<vmem>> -> memref<128xi32, #tpu.memory_space<vmem>>
    %dma_start3A_276 = arith.constant 0 : i32
    %dma_start3A_277 = tpu.memref_slice %arg3[%add3A_271, %dma_start3A_276] : memref<2500x128xi32, #tpu.memory_space<hbm>> -> memref<1x128xi32, #tpu.memory_space<hbm>>
    %dma_start3A_278 = tpu.memref_squeeze %dma_start3A_277 : memref<1x128xi32, #tpu.memory_space<hbm>> -> memref<128xi32, #tpu.memory_space<hbm>>
    %dma_start3A_279 = arith.constant 0 : i32
    %dma_start3A_280 = tpu.memref_slice %arg7[%dma_start3A_272, %dma_start3A_279] : memref<4x128xi32, #tpu.memory_space<vmem>> -> memref<1x128xi32, #tpu.memory_space<vmem>>
    %dma_start3A_281 = tpu.memref_squeeze %dma_start3A_280 : memref<1x128xi32, #tpu.memory_space<vmem>> -> memref<128xi32, #tpu.memory_space<vmem>>
    %dma_start3A_282 = arith.constant 0 : i32
    %dma_start3A_283 = tpu.memref_slice %arg3[%add3A_271, %dma_start3A_282] : memref<2500x128xi32, #tpu.memory_space<hbm>> -> memref<1x128xi32, #tpu.memory_space<hbm>>
    %dma_start3A_284 = tpu.memref_squeeze %dma_start3A_283 : memref<1x128xi32, #tpu.memory_space<hbm>> -> memref<128xi32, #tpu.memory_space<hbm>>
    tpu.enqueue_dma source(%dma_start3A_284 : memref<128xi32, #tpu.memory_space<hbm>>) target(%dma_start3A_281 : memref<128xi32, #tpu.memory_space<vmem>>) target_semaphore(%arg15 : memref<!tpu.dma_semaphore, #tpu.memory_space<semaphore_mem>>)
    %dma_start3A_285 = arith.constant 3 : i32
    %dma_start3A_286 = arith.constant 0 : i32
    %dma_start3A_287 = tpu.memref_slice %arg8[%dma_start3A_285, %dma_start3A_286] : memref<4x128xi32, #tpu.memory_space<vmem>> -> memref<1x128xi32, #tpu.memory_space<vmem>>
    %dma_start3A_288 = tpu.memref_squeeze %dma_start3A_287 : memref<1x128xi32, #tpu.memory_space<vmem>> -> memref<128xi32, #tpu.memory_space<vmem>>
    %dma_start3A_289 = arith.constant 0 : i32
    %dma_start3A_290 = tpu.memref_slice %arg4[%add3A_271, %dma_start3A_289] : memref<2500x128xi32, #tpu.memory_space<hbm>> -> memref<1x128xi32, #tpu.memory_space<hbm>>
    %dma_start3A_291 = tpu.memref_squeeze %dma_start3A_290 : memref<1x128xi32, #tpu.memory_space<hbm>> -> memref<128xi32, #tpu.memory_space<hbm>>
    %dma_start3A_292 = arith.constant 0 : i32
    %dma_start3A_293 = tpu.memref_slice %arg8[%dma_start3A_285, %dma_start3A_292] : memref<4x128xi32, #tpu.memory_space<vmem>> -> memref<1x128xi32, #tpu.memory_space<vmem>>
    %dma_start3A_294 = tpu.memref_squeeze %dma_start3A_293 : memref<1x128xi32, #tpu.memory_space<vmem>> -> memref<128xi32, #tpu.memory_space<vmem>>
    %dma_start3A_295 = arith.constant 0 : i32
    %dma_start3A_296 = tpu.memref_slice %arg4[%add3A_271, %dma_start3A_295] : memref<2500x128xi32, #tpu.memory_space<hbm>> -> memref<1x128xi32, #tpu.memory_space<hbm>>
    %dma_start3A_297 = tpu.memref_squeeze %dma_start3A_296 : memref<1x128xi32, #tpu.memory_space<hbm>> -> memref<128xi32, #tpu.memory_space<hbm>>
    tpu.enqueue_dma source(%dma_start3A_297 : memref<128xi32, #tpu.memory_space<hbm>>) target(%dma_start3A_294 : memref<128xi32, #tpu.memory_space<vmem>>) target_semaphore(%arg15 : memref<!tpu.dma_semaphore, #tpu.memory_space<semaphore_mem>>)
    %dma_wait3A_298 = arith.constant 1 : i32
    %dma_wait3A_299 = arith.constant 0 : i32
    %dma_wait3A_300 = tpu.memref_slice %arg7[%dma_wait3A_298, %dma_wait3A_299] : memref<4x128xi32, #tpu.memory_space<vmem>> -> memref<1x128xi32, #tpu.memory_space<vmem>>
    %dma_wait3A_301 = tpu.memref_squeeze %dma_wait3A_300 : memref<1x128xi32, #tpu.memory_space<vmem>> -> memref<128xi32, #tpu.memory_space<vmem>>
    %dma_wait3A_302 = arith.constant 0 : i32
    %dma_wait3A_303 = arith.constant 0 : i32
    %dma_wait3A_304 = tpu.memref_slice %arg2[%dma_wait3A_302, %dma_wait3A_303] : memref<10000x128xf32, #tpu.memory_space<hbm>> -> memref<10000x128xf32, #tpu.memory_space<hbm>>
    tpu.wait_indirect_dma semaphore(%arg17 : memref<!tpu.dma_semaphore, #tpu.memory_space<semaphore_mem>>) src(%dma_wait3A_304 : memref<10000x128xf32, #tpu.memory_space<hbm>>) dst(%arg10 : memref<128x128xf32, #tpu.memory_space<vmem>>)
    %dma_start3A_305 = arith.constant 1 : i32
    %dma_start3A_306 = arith.constant 0 : i32
    %dma_start3A_307 = tpu.memref_slice %arg8[%dma_start3A_305, %dma_start3A_306] : memref<4x128xi32, #tpu.memory_space<vmem>> -> memref<1x128xi32, #tpu.memory_space<vmem>>
    %dma_start3A_308 = tpu.memref_squeeze %dma_start3A_307 : memref<1x128xi32, #tpu.memory_space<vmem>> -> memref<128xi32, #tpu.memory_space<vmem>>
    %dma_start3A_309 = arith.constant 0 : i32
    %dma_start3A_310 = arith.constant 0 : i32
    %dma_start3A_311 = tpu.memref_slice %arg11[%dma_start3A_309, %dma_start3A_310] : memref<10000x128xf32, #tpu.memory_space<vmem_shared>> -> memref<10000x128xf32, #tpu.memory_space<vmem_shared>>
    tpu.enqueue_indirect_dma source(%arg10 : memref<128x128xf32, #tpu.memory_space<vmem>>) target(%dma_start3A_311 : memref<10000x128xf32, #tpu.memory_space<vmem_shared>>) offsets(%dma_start3A_308 : memref<128xi32, #tpu.memory_space<vmem>>) semaphore(%arg19 : memref<!tpu.dma_semaphore, #tpu.memory_space<semaphore_mem>>) {add = true}
    %get3A_312 = arith.constant 1 : i32
    %get3A_313 = arith.index_cast %get3A_312 : i32 to index
    %get3A_314 = arith.constant 0 : index
    %get3A_315 = tpu.vector_load %arg8[%get3A_313, %get3A_314] {strides = array<i32>} : memref<4x128xi32, #tpu.memory_space<vmem>>, vector<16xi32>,
    tpu.vector_store_idx %arg20[%get3A_315], %broadcast_in_dim3A_85 {add = true} : memref<10000xf32, #tpu.memory_space<vmem>>[vector<16xi32>], vector<16xf32>,
    %get3A_316 = arith.constant 1 : i32
    %get3A_317 = arith.index_cast %get3A_316 : i32 to index
    %get3A_318 = arith.constant 16 : index
    %get3A_319 = tpu.vector_load %arg8[%get3A_317, %get3A_318] {strides = array<i32>} : memref<4x128xi32, #tpu.memory_space<vmem>>, vector<16xi32>,
    tpu.vector_store_idx %arg20[%get3A_319], %broadcast_in_dim3A_85 {add = true} : memref<10000xf32, #tpu.memory_space<vmem>>[vector<16xi32>], vector<16xf32>,
    %get3A_320 = arith.constant 1 : i32
    %get3A_321 = arith.index_cast %get3A_320 : i32 to index
    %get3A_322 = arith.constant 32 : index
    %get3A_323 = tpu.vector_load %arg8[%get3A_321, %get3A_322] {strides = array<i32>} : memref<4x128xi32, #tpu.memory_space<vmem>>, vector<16xi32>,
    tpu.vector_store_idx %arg20[%get3A_323], %broadcast_in_dim3A_85 {add = true} : memref<10000xf32, #tpu.memory_space<vmem>>[vector<16xi32>], vector<16xf32>,
    %get3A_324 = arith.constant 1 : i32
    %get3A_325 = arith.index_cast %get3A_324 : i32 to index
    %get3A_326 = arith.constant 48 : index
    %get3A_327 = tpu.vector_load %arg8[%get3A_325, %get3A_326] {strides = array<i32>} : memref<4x128xi32, #tpu.memory_space<vmem>>, vector<16xi32>,
    tpu.vector_store_idx %arg20[%get3A_327], %broadcast_in_dim3A_85 {add = true} : memref<10000xf32, #tpu.memory_space<vmem>>[vector<16xi32>], vector<16xf32>,
    %get3A_328 = arith.constant 1 : i32
    %get3A_329 = arith.index_cast %get3A_328 : i32 to index
    %get3A_330 = arith.constant 64 : index
    %get3A_331 = tpu.vector_load %arg8[%get3A_329, %get3A_330] {strides = array<i32>} : memref<4x128xi32, #tpu.memory_space<vmem>>, vector<16xi32>,
    tpu.vector_store_idx %arg20[%get3A_331], %broadcast_in_dim3A_85 {add = true} : memref<10000xf32, #tpu.memory_space<vmem>>[vector<16xi32>], vector<16xf32>,
    %get3A_332 = arith.constant 1 : i32
    %get3A_333 = arith.index_cast %get3A_332 : i32 to index
    %get3A_334 = arith.constant 80 : index
    %get3A_335 = tpu.vector_load %arg8[%get3A_333, %get3A_334] {strides = array<i32>} : memref<4x128xi32, #tpu.memory_space<vmem>>, vector<16xi32>,
    tpu.vector_store_idx %arg20[%get3A_335], %broadcast_in_dim3A_85 {add = true} : memref<10000xf32, #tpu.memory_space<vmem>>[vector<16xi32>], vector<16xf32>,
    %get3A_336 = arith.constant 1 : i32
    %get3A_337 = arith.index_cast %get3A_336 : i32 to index
    %get3A_338 = arith.constant 96 : index
    %get3A_339 = tpu.vector_load %arg8[%get3A_337, %get3A_338] {strides = array<i32>} : memref<4x128xi32, #tpu.memory_space<vmem>>, vector<16xi32>,
    tpu.vector_store_idx %arg20[%get3A_339], %broadcast_in_dim3A_85 {add = true} : memref<10000xf32, #tpu.memory_space<vmem>>[vector<16xi32>], vector<16xf32>,
    %get3A_340 = arith.constant 1 : i32
    %get3A_341 = arith.index_cast %get3A_340 : i32 to index
    %get3A_342 = arith.constant 112 : index
    %get3A_343 = tpu.vector_load %arg8[%get3A_341, %get3A_342] {strides = array<i32>} : memref<4x128xi32, #tpu.memory_space<vmem>>, vector<16xi32>,
    tpu.vector_store_idx %arg20[%get3A_343], %broadcast_in_dim3A_85 {add = true} : memref<10000xf32, #tpu.memory_space<vmem>>[vector<16xi32>], vector<16xf32>,
    %dma_wait3A_344 = arith.constant 1 : i32
    %dma_wait3A_345 = arith.constant 0 : i32
    %dma_wait3A_346 = tpu.memref_slice %arg8[%dma_wait3A_344, %dma_wait3A_345] : memref<4x128xi32, #tpu.memory_space<vmem>> -> memref<1x128xi32, #tpu.memory_space<vmem>>
    %dma_wait3A_347 = tpu.memref_squeeze %dma_wait3A_346 : memref<1x128xi32, #tpu.memory_space<vmem>> -> memref<128xi32, #tpu.memory_space<vmem>>
    %dma_wait3A_348 = arith.constant 0 : i32
    %dma_wait3A_349 = arith.constant 0 : i32
    %dma_wait3A_350 = tpu.memref_slice %arg11[%dma_wait3A_348, %dma_wait3A_349] : memref<10000x128xf32, #tpu.memory_space<vmem_shared>> -> memref<10000x128xf32, #tpu.memory_space<vmem_shared>>
    tpu.wait_indirect_dma semaphore(%arg19 : memref<!tpu.dma_semaphore, #tpu.memory_space<semaphore_mem>>) src(%arg10 : memref<128x128xf32, #tpu.memory_space<vmem>>) dst(%dma_wait3A_350 : memref<10000x128xf32, #tpu.memory_space<vmem_shared>>)
    %add3A_351 = arith.constant 96 : i32
    %add3A_352 = arith.addi %add3A, %add3A_351 : i32
    %dma_wait3A_353 = arith.constant 3 : i32
    %dma_wait3A_354 = arith.constant 0 : i32
    %dma_wait3A_355 = tpu.memref_slice %arg7[%dma_wait3A_353, %dma_wait3A_354] : memref<4x128xi32, #tpu.memory_space<vmem>> -> memref<1x128xi32, #tpu.memory_space<vmem>>
    %dma_wait3A_356 = tpu.memref_squeeze %dma_wait3A_355 : memref<1x128xi32, #tpu.memory_space<vmem>> -> memref<128xi32, #tpu.memory_space<vmem>>
    %dma_wait3A_357 = arith.constant 0 : i32
    %dma_wait3A_358 = tpu.memref_slice %arg3[%add3A_352, %dma_wait3A_357] : memref<2500x128xi32, #tpu.memory_space<hbm>> -> memref<1x128xi32, #tpu.memory_space<hbm>>
    %dma_wait3A_359 = tpu.memref_squeeze %dma_wait3A_358 : memref<1x128xi32, #tpu.memory_space<hbm>> -> memref<128xi32, #tpu.memory_space<hbm>>
    %dma_wait3A_360 = arith.constant 0 : i32
    %dma_wait3A_361 = tpu.memref_slice %arg7[%dma_wait3A_353, %dma_wait3A_360] : memref<4x128xi32, #tpu.memory_space<vmem>> -> memref<1x128xi32, #tpu.memory_space<vmem>>
    %dma_wait3A_362 = tpu.memref_squeeze %dma_wait3A_361 : memref<1x128xi32, #tpu.memory_space<vmem>> -> memref<128xi32, #tpu.memory_space<vmem>>
    %dma_wait3A_363 = arith.constant 0 : i32
    %dma_wait3A_364 = tpu.memref_slice %arg3[%add3A_352, %dma_wait3A_363] : memref<2500x128xi32, #tpu.memory_space<hbm>> -> memref<1x128xi32, #tpu.memory_space<hbm>>
    %dma_wait3A_365 = tpu.memref_squeeze %dma_wait3A_364 : memref<1x128xi32, #tpu.memory_space<hbm>> -> memref<128xi32, #tpu.memory_space<hbm>>
    tpu.wait_dma2 semaphore(%arg15 : memref<!tpu.dma_semaphore, #tpu.memory_space<semaphore_mem>>) src(%dma_wait3A_365 : memref<128xi32, #tpu.memory_space<hbm>>) dst(%dma_wait3A_362 : memref<128xi32, #tpu.memory_space<vmem>>)
    %dma_wait3A_366 = arith.constant 3 : i32
    %dma_wait3A_367 = arith.constant 0 : i32
    %dma_wait3A_368 = tpu.memref_slice %arg8[%dma_wait3A_366, %dma_wait3A_367] : memref<4x128xi32, #tpu.memory_space<vmem>> -> memref<1x128xi32, #tpu.memory_space<vmem>>
    %dma_wait3A_369 = tpu.memref_squeeze %dma_wait3A_368 : memref<1x128xi32, #tpu.memory_space<vmem>> -> memref<128xi32, #tpu.memory_space<vmem>>
    %dma_wait3A_370 = arith.constant 0 : i32
    %dma_wait3A_371 = tpu.memref_slice %arg4[%add3A_352, %dma_wait3A_370] : memref<2500x128xi32, #tpu.memory_space<hbm>> -> memref<1x128xi32, #tpu.memory_space<hbm>>
    %dma_wait3A_372 = tpu.memref_squeeze %dma_wait3A_371 : memref<1x128xi32, #tpu.memory_space<hbm>> -> memref<128xi32, #tpu.memory_space<hbm>>
    %dma_wait3A_373 = arith.constant 0 : i32
    %dma_wait3A_374 = tpu.memref_slice %arg8[%dma_wait3A_366, %dma_wait3A_373] : memref<4x128xi32, #tpu.memory_space<vmem>> -> memref<1x128xi32, #tpu.memory_space<vmem>>
    %dma_wait3A_375 = tpu.memref_squeeze %dma_wait3A_374 : memref<1x128xi32, #tpu.memory_space<vmem>> -> memref<128xi32, #tpu.memory_space<vmem>>
    %dma_wait3A_376 = arith.constant 0 : i32
    %dma_wait3A_377 = tpu.memref_slice %arg4[%add3A_352, %dma_wait3A_376] : memref<2500x128xi32, #tpu.memory_space<hbm>> -> memref<1x128xi32, #tpu.memory_space<hbm>>
    %dma_wait3A_378 = tpu.memref_squeeze %dma_wait3A_377 : memref<1x128xi32, #tpu.memory_space<hbm>> -> memref<128xi32, #tpu.memory_space<hbm>>
    tpu.wait_dma2 semaphore(%arg15 : memref<!tpu.dma_semaphore, #tpu.memory_space<semaphore_mem>>) src(%dma_wait3A_378 : memref<128xi32, #tpu.memory_space<hbm>>) dst(%dma_wait3A_375 : memref<128xi32, #tpu.memory_space<vmem>>)
    %dma_start3A_379 = arith.constant 3 : i32
    %dma_start3A_380 = arith.constant 0 : i32
    %dma_start3A_381 = tpu.memref_slice %arg7[%dma_start3A_379, %dma_start3A_380] : memref<4x128xi32, #tpu.memory_space<vmem>> -> memref<1x128xi32, #tpu.memory_space<vmem>>
    %dma_start3A_382 = tpu.memref_squeeze %dma_start3A_381 : memref<1x128xi32, #tpu.memory_space<vmem>> -> memref<128xi32, #tpu.memory_space<vmem>>
    %dma_start3A_383 = arith.constant 0 : i32
    %dma_start3A_384 = arith.constant 0 : i32
    %dma_start3A_385 = tpu.memref_slice %arg2[%dma_start3A_383, %dma_start3A_384] : memref<10000x128xf32, #tpu.memory_space<hbm>> -> memref<10000x128xf32, #tpu.memory_space<hbm>>
    tpu.enqueue_indirect_dma source(%dma_start3A_385 : memref<10000x128xf32, #tpu.memory_space<hbm>>) target(%arg10 : memref<128x128xf32, #tpu.memory_space<vmem>>) offsets(%dma_start3A_382 : memref<128xi32, #tpu.memory_space<vmem>>) semaphore(%arg17 : memref<!tpu.dma_semaphore, #tpu.memory_space<semaphore_mem>>)
    %add3A_386 = arith.constant 128 : i32
    %add3A_387 = arith.addi %add3A, %add3A_386 : i32
    %dma_start3A_388 = arith.constant 0 : i32
    %dma_start3A_389 = arith.constant 0 : i32
    %dma_start3A_390 = tpu.memref_slice %arg7[%dma_start3A_388, %dma_start3A_389] : memref<4x128xi32, #tpu.memory_space<vmem>> -> memref<1x128xi32, #tpu.memory_space<vmem>>
    %dma_start3A_391 = tpu.memref_squeeze %dma_start3A_390 : memref<1x128xi32, #tpu.memory_space<vmem>> -> memref<128xi32, #tpu.memory_space<vmem>>
    %dma_start3A_392 = arith.constant 0 : i32
    %dma_start3A_393 = tpu.memref_slice %arg3[%add3A_387, %dma_start3A_392] : memref<2500x128xi32, #tpu.memory_space<hbm>> -> memref<1x128xi32, #tpu.memory_space<hbm>>
    %dma_start3A_394 = tpu.memref_squeeze %dma_start3A_393 : memref<1x128xi32, #tpu.memory_space<hbm>> -> memref<128xi32, #tpu.memory_space<hbm>>
    %dma_start3A_395 = arith.constant 0 : i32
    %dma_start3A_396 = tpu.memref_slice %arg7[%dma_start3A_388, %dma_start3A_395] : memref<4x128xi32, #tpu.memory_space<vmem>> -> memref<1x128xi32, #tpu.memory_space<vmem>>
    %dma_start3A_397 = tpu.memref_squeeze %dma_start3A_396 : memref<1x128xi32, #tpu.memory_space<vmem>> -> memref<128xi32, #tpu.memory_space<vmem>>
    %dma_start3A_398 = arith.constant 0 : i32
    %dma_start3A_399 = tpu.memref_slice %arg3[%add3A_387, %dma_start3A_398] : memref<2500x128xi32, #tpu.memory_space<hbm>> -> memref<1x128xi32, #tpu.memory_space<hbm>>
    %dma_start3A_400 = tpu.memref_squeeze %dma_start3A_399 : memref<1x128xi32, #tpu.memory_space<hbm>> -> memref<128xi32, #tpu.memory_space<hbm>>
    tpu.enqueue_dma source(%dma_start3A_400 : memref<128xi32, #tpu.memory_space<hbm>>) target(%dma_start3A_397 : memref<128xi32, #tpu.memory_space<vmem>>) target_semaphore(%arg12 : memref<!tpu.dma_semaphore, #tpu.memory_space<semaphore_mem>>)
    %dma_start3A_401 = arith.constant 0 : i32
    %dma_start3A_402 = arith.constant 0 : i32
    %dma_start3A_403 = tpu.memref_slice %arg8[%dma_start3A_401, %dma_start3A_402] : memref<4x128xi32, #tpu.memory_space<vmem>> -> memref<1x128xi32, #tpu.memory_space<vmem>>
    %dma_start3A_404 = tpu.memref_squeeze %dma_start3A_403 : memref<1x128xi32, #tpu.memory_space<vmem>> -> memref<128xi32, #tpu.memory_space<vmem>>
    %dma_start3A_405 = arith.constant 0 : i32
    %dma_start3A_406 = tpu.memref_slice %arg4[%add3A_387, %dma_start3A_405] : memref<2500x128xi32, #tpu.memory_space<hbm>> -> memref<1x128xi32, #tpu.memory_space<hbm>>
    %dma_start3A_407 = tpu.memref_squeeze %dma_start3A_406 : memref<1x128xi32, #tpu.memory_space<hbm>> -> memref<128xi32, #tpu.memory_space<hbm>>
    %dma_start3A_408 = arith.constant 0 : i32
    %dma_start3A_409 = tpu.memref_slice %arg8[%dma_start3A_401, %dma_start3A_408] : memref<4x128xi32, #tpu.memory_space<vmem>> -> memref<1x128xi32, #tpu.memory_space<vmem>>
    %dma_start3A_410 = tpu.memref_squeeze %dma_start3A_409 : memref<1x128xi32, #tpu.memory_space<vmem>> -> memref<128xi32, #tpu.memory_space<vmem>>
    %dma_start3A_411 = arith.constant 0 : i32
    %dma_start3A_412 = tpu.memref_slice %arg4[%add3A_387, %dma_start3A_411] : memref<2500x128xi32, #tpu.memory_space<hbm>> -> memref<1x128xi32, #tpu.memory_space<hbm>>
    %dma_start3A_413 = tpu.memref_squeeze %dma_start3A_412 : memref<1x128xi32, #tpu.memory_space<hbm>> -> memref<128xi32, #tpu.memory_space<hbm>>
    tpu.enqueue_dma source(%dma_start3A_413 : memref<128xi32, #tpu.memory_space<hbm>>) target(%dma_start3A_410 : memref<128xi32, #tpu.memory_space<vmem>>) target_semaphore(%arg12 : memref<!tpu.dma_semaphore, #tpu.memory_space<semaphore_mem>>)
    %dma_wait3A_414 = arith.constant 2 : i32
    %dma_wait3A_415 = arith.constant 0 : i32
    %dma_wait3A_416 = tpu.memref_slice %arg7[%dma_wait3A_414, %dma_wait3A_415] : memref<4x128xi32, #tpu.memory_space<vmem>> -> memref<1x128xi32, #tpu.memory_space<vmem>>
    %dma_wait3A_417 = tpu.memref_squeeze %dma_wait3A_416 : memref<1x128xi32, #tpu.memory_space<vmem>> -> memref<128xi32, #tpu.memory_space<vmem>>
    %dma_wait3A_418 = arith.constant 0 : i32
    %dma_wait3A_419 = arith.constant 0 : i32
    %dma_wait3A_420 = tpu.memref_slice %arg2[%dma_wait3A_418, %dma_wait3A_419] : memref<10000x128xf32, #tpu.memory_space<hbm>> -> memref<10000x128xf32, #tpu.memory_space<hbm>>
    tpu.wait_indirect_dma semaphore(%arg16 : memref<!tpu.dma_semaphore, #tpu.memory_space<semaphore_mem>>) src(%dma_wait3A_420 : memref<10000x128xf32, #tpu.memory_space<hbm>>) dst(%arg9 : memref<128x128xf32, #tpu.memory_space<vmem>>)
    %dma_start3A_421 = arith.constant 2 : i32
    %dma_start3A_422 = arith.constant 0 : i32
    %dma_start3A_423 = tpu.memref_slice %arg8[%dma_start3A_421, %dma_start3A_422] : memref<4x128xi32, #tpu.memory_space<vmem>> -> memref<1x128xi32, #tpu.memory_space<vmem>>
    %dma_start3A_424 = tpu.memref_squeeze %dma_start3A_423 : memref<1x128xi32, #tpu.memory_space<vmem>> -> memref<128xi32, #tpu.memory_space<vmem>>
    %dma_start3A_425 = arith.constant 0 : i32
    %dma_start3A_426 = arith.constant 0 : i32
    %dma_start3A_427 = tpu.memref_slice %arg11[%dma_start3A_425, %dma_start3A_426] : memref<10000x128xf32, #tpu.memory_space<vmem_shared>> -> memref<10000x128xf32, #tpu.memory_space<vmem_shared>>
    tpu.enqueue_indirect_dma source(%arg9 : memref<128x128xf32, #tpu.memory_space<vmem>>) target(%dma_start3A_427 : memref<10000x128xf32, #tpu.memory_space<vmem_shared>>) offsets(%dma_start3A_424 : memref<128xi32, #tpu.memory_space<vmem>>) semaphore(%arg18 : memref<!tpu.dma_semaphore, #tpu.memory_space<semaphore_mem>>) {add = true}
    %get3A_428 = arith.constant 2 : i32
    %get3A_429 = arith.index_cast %get3A_428 : i32 to index
    %get3A_430 = arith.constant 0 : index
    %get3A_431 = tpu.vector_load %arg8[%get3A_429, %get3A_430] {strides = array<i32>} : memref<4x128xi32, #tpu.memory_space<vmem>>, vector<16xi32>,
    tpu.vector_store_idx %arg20[%get3A_431], %broadcast_in_dim3A_85 {add = true} : memref<10000xf32, #tpu.memory_space<vmem>>[vector<16xi32>], vector<16xf32>,
    %get3A_432 = arith.constant 2 : i32
    %get3A_433 = arith.index_cast %get3A_432 : i32 to index
    %get3A_434 = arith.constant 16 : index
    %get3A_435 = tpu.vector_load %arg8[%get3A_433, %get3A_434] {strides = array<i32>} : memref<4x128xi32, #tpu.memory_space<vmem>>, vector<16xi32>,
    tpu.vector_store_idx %arg20[%get3A_435], %broadcast_in_dim3A_85 {add = true} : memref<10000xf32, #tpu.memory_space<vmem>>[vector<16xi32>], vector<16xf32>,
    %get3A_436 = arith.constant 2 : i32
    %get3A_437 = arith.index_cast %get3A_436 : i32 to index
    %get3A_438 = arith.constant 32 : index
    %get3A_439 = tpu.vector_load %arg8[%get3A_437, %get3A_438] {strides = array<i32>} : memref<4x128xi32, #tpu.memory_space<vmem>>, vector<16xi32>,
    tpu.vector_store_idx %arg20[%get3A_439], %broadcast_in_dim3A_85 {add = true} : memref<10000xf32, #tpu.memory_space<vmem>>[vector<16xi32>], vector<16xf32>,
    %get3A_440 = arith.constant 2 : i32
    %get3A_441 = arith.index_cast %get3A_440 : i32 to index
    %get3A_442 = arith.constant 48 : index
    %get3A_443 = tpu.vector_load %arg8[%get3A_441, %get3A_442] {strides = array<i32>} : memref<4x128xi32, #tpu.memory_space<vmem>>, vector<16xi32>,
    tpu.vector_store_idx %arg20[%get3A_443], %broadcast_in_dim3A_85 {add = true} : memref<10000xf32, #tpu.memory_space<vmem>>[vector<16xi32>], vector<16xf32>,
    %get3A_444 = arith.constant 2 : i32
    %get3A_445 = arith.index_cast %get3A_444 : i32 to index
    %get3A_446 = arith.constant 64 : index
    %get3A_447 = tpu.vector_load %arg8[%get3A_445, %get3A_446] {strides = array<i32>} : memref<4x128xi32, #tpu.memory_space<vmem>>, vector<16xi32>,
    tpu.vector_store_idx %arg20[%get3A_447], %broadcast_in_dim3A_85 {add = true} : memref<10000xf32, #tpu.memory_space<vmem>>[vector<16xi32>], vector<16xf32>,
    %get3A_448 = arith.constant 2 : i32
    %get3A_449 = arith.index_cast %get3A_448 : i32 to index
    %get3A_450 = arith.constant 80 : index
    %get3A_451 = tpu.vector_load %arg8[%get3A_449, %get3A_450] {strides = array<i32>} : memref<4x128xi32, #tpu.memory_space<vmem>>, vector<16xi32>,
    tpu.vector_store_idx %arg20[%get3A_451], %broadcast_in_dim3A_85 {add = true} : memref<10000xf32, #tpu.memory_space<vmem>>[vector<16xi32>], vector<16xf32>,
    %get3A_452 = arith.constant 2 : i32
    %get3A_453 = arith.index_cast %get3A_452 : i32 to index
    %get3A_454 = arith.constant 96 : index
    %get3A_455 = tpu.vector_load %arg8[%get3A_453, %get3A_454] {strides = array<i32>} : memref<4x128xi32, #tpu.memory_space<vmem>>, vector<16xi32>,
    tpu.vector_store_idx %arg20[%get3A_455], %broadcast_in_dim3A_85 {add = true} : memref<10000xf32, #tpu.memory_space<vmem>>[vector<16xi32>], vector<16xf32>,
    %get3A_456 = arith.constant 2 : i32
    %get3A_457 = arith.index_cast %get3A_456 : i32 to index
    %get3A_458 = arith.constant 112 : index
    %get3A_459 = tpu.vector_load %arg8[%get3A_457, %get3A_458] {strides = array<i32>} : memref<4x128xi32, #tpu.memory_space<vmem>>, vector<16xi32>,
    tpu.vector_store_idx %arg20[%get3A_459], %broadcast_in_dim3A_85 {add = true} : memref<10000xf32, #tpu.memory_space<vmem>>[vector<16xi32>], vector<16xf32>,
    %dma_wait3A_460 = arith.constant 2 : i32
    %dma_wait3A_461 = arith.constant 0 : i32
    %dma_wait3A_462 = tpu.memref_slice %arg8[%dma_wait3A_460, %dma_wait3A_461] : memref<4x128xi32, #tpu.memory_space<vmem>> -> memref<1x128xi32, #tpu.memory_space<vmem>>
    %dma_wait3A_463 = tpu.memref_squeeze %dma_wait3A_462 : memref<1x128xi32, #tpu.memory_space<vmem>> -> memref<128xi32, #tpu.memory_space<vmem>>
    %dma_wait3A_464 = arith.constant 0 : i32
    %dma_wait3A_465 = arith.constant 0 : i32
    %dma_wait3A_466 = tpu.memref_slice %arg11[%dma_wait3A_464, %dma_wait3A_465] : memref<10000x128xf32, #tpu.memory_space<vmem_shared>> -> memref<10000x128xf32, #tpu.memory_space<vmem_shared>>
    tpu.wait_indirect_dma semaphore(%arg18 : memref<!tpu.dma_semaphore, #tpu.memory_space<semaphore_mem>>) src(%arg9 : memref<128x128xf32, #tpu.memory_space<vmem>>) dst(%dma_wait3A_466 : memref<10000x128xf32, #tpu.memory_space<vmem_shared>>)
    %add3A_467 = arith.constant 128 : i32
    %add3A_468 = arith.addi %add3A, %add3A_467 : i32
    %dma_wait3A_469 = arith.constant 0 : i32
    %dma_wait3A_470 = arith.constant 0 : i32
    %dma_wait3A_471 = tpu.memref_slice %arg7[%dma_wait3A_469, %dma_wait3A_470] : memref<4x128xi32, #tpu.memory_space<vmem>> -> memref<1x128xi32, #tpu.memory_space<vmem>>
    %dma_wait3A_472 = tpu.memref_squeeze %dma_wait3A_471 : memref<1x128xi32, #tpu.memory_space<vmem>> -> memref<128xi32, #tpu.memory_space<vmem>>
    %dma_wait3A_473 = arith.constant 0 : i32
    %dma_wait3A_474 = tpu.memref_slice %arg3[%add3A_468, %dma_wait3A_473] : memref<2500x128xi32, #tpu.memory_space<hbm>> -> memref<1x128xi32, #tpu.memory_space<hbm>>
    %dma_wait3A_475 = tpu.memref_squeeze %dma_wait3A_474 : memref<1x128xi32, #tpu.memory_space<hbm>> -> memref<128xi32, #tpu.memory_space<hbm>>
    %dma_wait3A_476 = arith.constant 0 : i32
    %dma_wait3A_477 = tpu.memref_slice %arg7[%dma_wait3A_469, %dma_wait3A_476] : memref<4x128xi32, #tpu.memory_space<vmem>> -> memref<1x128xi32, #tpu.memory_space<vmem>>
    %dma_wait3A_478 = tpu.memref_squeeze %dma_wait3A_477 : memref<1x128xi32, #tpu.memory_space<vmem>> -> memref<128xi32, #tpu.memory_space<vmem>>
    %dma_wait3A_479 = arith.constant 0 : i32
    %dma_wait3A_480 = tpu.memref_slice %arg3[%add3A_468, %dma_wait3A_479] : memref<2500x128xi32, #tpu.memory_space<hbm>> -> memref<1x128xi32, #tpu.memory_space<hbm>>
    %dma_wait3A_481 = tpu.memref_squeeze %dma_wait3A_480 : memref<1x128xi32, #tpu.memory_space<hbm>> -> memref<128xi32, #tpu.memory_space<hbm>>
    tpu.wait_dma2 semaphore(%arg12 : memref<!tpu.dma_semaphore, #tpu.memory_space<semaphore_mem>>) src(%dma_wait3A_481 : memref<128xi32, #tpu.memory_space<hbm>>) dst(%dma_wait3A_478 : memref<128xi32, #tpu.memory_space<vmem>>)
    %dma_wait3A_482 = arith.constant 0 : i32
    %dma_wait3A_483 = arith.constant 0 : i32
    %dma_wait3A_484 = tpu.memref_slice %arg8[%dma_wait3A_482, %dma_wait3A_483] : memref<4x128xi32, #tpu.memory_space<vmem>> -> memref<1x128xi32, #tpu.memory_space<vmem>>
    %dma_wait3A_485 = tpu.memref_squeeze %dma_wait3A_484 : memref<1x128xi32, #tpu.memory_space<vmem>> -> memref<128xi32, #tpu.memory_space<vmem>>
    %dma_wait3A_486 = arith.constant 0 : i32
    %dma_wait3A_487 = tpu.memref_slice %arg4[%add3A_468, %dma_wait3A_486] : memref<2500x128xi32, #tpu.memory_space<hbm>> -> memref<1x128xi32, #tpu.memory_space<hbm>>
    %dma_wait3A_488 = tpu.memref_squeeze %dma_wait3A_487 : memref<1x128xi32, #tpu.memory_space<hbm>> -> memref<128xi32, #tpu.memory_space<hbm>>
    %dma_wait3A_489 = arith.constant 0 : i32
    %dma_wait3A_490 = tpu.memref_slice %arg8[%dma_wait3A_482, %dma_wait3A_489] : memref<4x128xi32, #tpu.memory_space<vmem>> -> memref<1x128xi32, #tpu.memory_space<vmem>>
    %dma_wait3A_491 = tpu.memref_squeeze %dma_wait3A_490 : memref<1x128xi32, #tpu.memory_space<vmem>> -> memref<128xi32, #tpu.memory_space<vmem>>
    %dma_wait3A_492 = arith.constant 0 : i32
    %dma_wait3A_493 = tpu.memref_slice %arg4[%add3A_468, %dma_wait3A_492] : memref<2500x128xi32, #tpu.memory_space<hbm>> -> memref<1x128xi32, #tpu.memory_space<hbm>>
    %dma_wait3A_494 = tpu.memref_squeeze %dma_wait3A_493 : memref<1x128xi32, #tpu.memory_space<hbm>> -> memref<128xi32, #tpu.memory_space<hbm>>
    tpu.wait_dma2 semaphore(%arg12 : memref<!tpu.dma_semaphore, #tpu.memory_space<semaphore_mem>>) src(%dma_wait3A_494 : memref<128xi32, #tpu.memory_space<hbm>>) dst(%dma_wait3A_491 : memref<128xi32, #tpu.memory_space<vmem>>)
    %dma_start3A_495 = arith.constant 0 : i32
    %dma_start3A_496 = arith.constant 0 : i32
    %dma_start3A_497 = tpu.memref_slice %arg7[%dma_start3A_495, %dma_start3A_496] : memref<4x128xi32, #tpu.memory_space<vmem>> -> memref<1x128xi32, #tpu.memory_space<vmem>>
    %dma_start3A_498 = tpu.memref_squeeze %dma_start3A_497 : memref<1x128xi32, #tpu.memory_space<vmem>> -> memref<128xi32, #tpu.memory_space<vmem>>
    %dma_start3A_499 = arith.constant 0 : i32
    %dma_start3A_500 = arith.constant 0 : i32
    %dma_start3A_501 = tpu.memref_slice %arg2[%dma_start3A_499, %dma_start3A_500] : memref<10000x128xf32, #tpu.memory_space<hbm>> -> memref<10000x128xf32, #tpu.memory_space<hbm>>
    tpu.enqueue_indirect_dma source(%dma_start3A_501 : memref<10000x128xf32, #tpu.memory_space<hbm>>) target(%arg9 : memref<128x128xf32, #tpu.memory_space<vmem>>) offsets(%dma_start3A_498 : memref<128xi32, #tpu.memory_space<vmem>>) semaphore(%arg16 : memref<!tpu.dma_semaphore, #tpu.memory_space<semaphore_mem>>)
    %add3A_502 = arith.constant 160 : i32
    %add3A_503 = arith.addi %add3A, %add3A_502 : i32
    %dma_start3A_504 = arith.constant 1 : i32
    %dma_start3A_505 = arith.constant 0 : i32
    %dma_start3A_506 = tpu.memref_slice %arg7[%dma_start3A_504, %dma_start3A_505] : memref<4x128xi32, #tpu.memory_space<vmem>> -> memref<1x128xi32, #tpu.memory_space<vmem>>
    %dma_start3A_507 = tpu.memref_squeeze %dma_start3A_506 : memref<1x128xi32, #tpu.memory_space<vmem>> -> memref<128xi32, #tpu.memory_space<vmem>>
    %dma_start3A_508 = arith.constant 0 : i32
    %dma_start3A_509 = tpu.memref_slice %arg3[%add3A_503, %dma_start3A_508] : memref<2500x128xi32, #tpu.memory_space<hbm>> -> memref<1x128xi32, #tpu.memory_space<hbm>>
    %dma_start3A_510 = tpu.memref_squeeze %dma_start3A_509 : memref<1x128xi32, #tpu.memory_space<hbm>> -> memref<128xi32, #tpu.memory_space<hbm>>
    %dma_start3A_511 = arith.constant 0 : i32
    %dma_start3A_512 = tpu.memref_slice %arg7[%dma_start3A_504, %dma_start3A_511] : memref<4x128xi32, #tpu.memory_space<vmem>> -> memref<1x128xi32, #tpu.memory_space<vmem>>
    %dma_start3A_513 = tpu.memref_squeeze %dma_start3A_512 : memref<1x128xi32, #tpu.memory_space<vmem>> -> memref<128xi32, #tpu.memory_space<vmem>>
    %dma_start3A_514 = arith.constant 0 : i32
    %dma_start3A_515 = tpu.memref_slice %arg3[%add3A_503, %dma_start3A_514] : memref<2500x128xi32, #tpu.memory_space<hbm>> -> memref<1x128xi32, #tpu.memory_space<hbm>>
    %dma_start3A_516 = tpu.memref_squeeze %dma_start3A_515 : memref<1x128xi32, #tpu.memory_space<hbm>> -> memref<128xi32, #tpu.memory_space<hbm>>
    tpu.enqueue_dma source(%dma_start3A_516 : memref<128xi32, #tpu.memory_space<hbm>>) target(%dma_start3A_513 : memref<128xi32, #tpu.memory_space<vmem>>) target_semaphore(%arg13 : memref<!tpu.dma_semaphore, #tpu.memory_space<semaphore_mem>>)
    %dma_start3A_517 = arith.constant 1 : i32
    %dma_start3A_518 = arith.constant 0 : i32
    %dma_start3A_519 = tpu.memref_slice %arg8[%dma_start3A_517, %dma_start3A_518] : memref<4x128xi32, #tpu.memory_space<vmem>> -> memref<1x128xi32, #tpu.memory_space<vmem>>
    %dma_start3A_520 = tpu.memref_squeeze %dma_start3A_519 : memref<1x128xi32, #tpu.memory_space<vmem>> -> memref<128xi32, #tpu.memory_space<vmem>>
    %dma_start3A_521 = arith.constant 0 : i32
    %dma_start3A_522 = tpu.memref_slice %arg4[%add3A_503, %dma_start3A_521] : memref<2500x128xi32, #tpu.memory_space<hbm>> -> memref<1x128xi32, #tpu.memory_space<hbm>>
    %dma_start3A_523 = tpu.memref_squeeze %dma_start3A_522 : memref<1x128xi32, #tpu.memory_space<hbm>> -> memref<128xi32, #tpu.memory_space<hbm>>
    %dma_start3A_524 = arith.constant 0 : i32
    %dma_start3A_525 = tpu.memref_slice %arg8[%dma_start3A_517, %dma_start3A_524] : memref<4x128xi32, #tpu.memory_space<vmem>> -> memref<1x128xi32, #tpu.memory_space<vmem>>
    %dma_start3A_526 = tpu.memref_squeeze %dma_start3A_525 : memref<1x128xi32, #tpu.memory_space<vmem>> -> memref<128xi32, #tpu.memory_space<vmem>>
    %dma_start3A_527 = arith.constant 0 : i32
    %dma_start3A_528 = tpu.memref_slice %arg4[%add3A_503, %dma_start3A_527] : memref<2500x128xi32, #tpu.memory_space<hbm>> -> memref<1x128xi32, #tpu.memory_space<hbm>>
    %dma_start3A_529 = tpu.memref_squeeze %dma_start3A_528 : memref<1x128xi32, #tpu.memory_space<hbm>> -> memref<128xi32, #tpu.memory_space<hbm>>
    tpu.enqueue_dma source(%dma_start3A_529 : memref<128xi32, #tpu.memory_space<hbm>>) target(%dma_start3A_526 : memref<128xi32, #tpu.memory_space<vmem>>) target_semaphore(%arg13 : memref<!tpu.dma_semaphore, #tpu.memory_space<semaphore_mem>>)
    %dma_wait3A_530 = arith.constant 3 : i32
    %dma_wait3A_531 = arith.constant 0 : i32
    %dma_wait3A_532 = tpu.memref_slice %arg7[%dma_wait3A_530, %dma_wait3A_531] : memref<4x128xi32, #tpu.memory_space<vmem>> -> memref<1x128xi32, #tpu.memory_space<vmem>>
    %dma_wait3A_533 = tpu.memref_squeeze %dma_wait3A_532 : memref<1x128xi32, #tpu.memory_space<vmem>> -> memref<128xi32, #tpu.memory_space<vmem>>
    %dma_wait3A_534 = arith.constant 0 : i32
    %dma_wait3A_535 = arith.constant 0 : i32
    %dma_wait3A_536 = tpu.memref_slice %arg2[%dma_wait3A_534, %dma_wait3A_535] : memref<10000x128xf32, #tpu.memory_space<hbm>> -> memref<10000x128xf32, #tpu.memory_space<hbm>>
    tpu.wait_indirect_dma semaphore(%arg17 : memref<!tpu.dma_semaphore, #tpu.memory_space<semaphore_mem>>) src(%dma_wait3A_536 : memref<10000x128xf32, #tpu.memory_space<hbm>>) dst(%arg10 : memref<128x128xf32, #tpu.memory_space<vmem>>)
    %dma_start3A_537 = arith.constant 3 : i32
    %dma_start3A_538 = arith.constant 0 : i32
    %dma_start3A_539 = tpu.memref_slice %arg8[%dma_start3A_537, %dma_start3A_538] : memref<4x128xi32, #tpu.memory_space<vmem>> -> memref<1x128xi32, #tpu.memory_space<vmem>>
    %dma_start3A_540 = tpu.memref_squeeze %dma_start3A_539 : memref<1x128xi32, #tpu.memory_space<vmem>> -> memref<128xi32, #tpu.memory_space<vmem>>
    %dma_start3A_541 = arith.constant 0 : i32
    %dma_start3A_542 = arith.constant 0 : i32
    %dma_start3A_543 = tpu.memref_slice %arg11[%dma_start3A_541, %dma_start3A_542] : memref<10000x128xf32, #tpu.memory_space<vmem_shared>> -> memref<10000x128xf32, #tpu.memory_space<vmem_shared>>
    tpu.enqueue_indirect_dma source(%arg10 : memref<128x128xf32, #tpu.memory_space<vmem>>) target(%dma_start3A_543 : memref<10000x128xf32, #tpu.memory_space<vmem_shared>>) offsets(%dma_start3A_540 : memref<128xi32, #tpu.memory_space<vmem>>) semaphore(%arg19 : memref<!tpu.dma_semaphore, #tpu.memory_space<semaphore_mem>>) {add = true}
    %get3A_544 = arith.constant 3 : i32
    %get3A_545 = arith.index_cast %get3A_544 : i32 to index
    %get3A_546 = arith.constant 0 : index
    %get3A_547 = tpu.vector_load %arg8[%get3A_545, %get3A_546] {strides = array<i32>} : memref<4x128xi32, #tpu.memory_space<vmem>>, vector<16xi32>,
    tpu.vector_store_idx %arg20[%get3A_547], %broadcast_in_dim3A_85 {add = true} : memref<10000xf32, #tpu.memory_space<vmem>>[vector<16xi32>], vector<16xf32>,
    %get3A_548 = arith.constant 3 : i32
    %get3A_549 = arith.index_cast %get3A_548 : i32 to index
    %get3A_550 = arith.constant 16 : index
    %get3A_551 = tpu.vector_load %arg8[%get3A_549, %get3A_550] {strides = array<i32>} : memref<4x128xi32, #tpu.memory_space<vmem>>, vector<16xi32>,
    tpu.vector_store_idx %arg20[%get3A_551], %broadcast_in_dim3A_85 {add = true} : memref<10000xf32, #tpu.memory_space<vmem>>[vector<16xi32>], vector<16xf32>,
    %get3A_552 = arith.constant 3 : i32
    %get3A_553 = arith.index_cast %get3A_552 : i32 to index
    %get3A_554 = arith.constant 32 : index
    %get3A_555 = tpu.vector_load %arg8[%get3A_553, %get3A_554] {strides = array<i32>} : memref<4x128xi32, #tpu.memory_space<vmem>>, vector<16xi32>,
    tpu.vector_store_idx %arg20[%get3A_555], %broadcast_in_dim3A_85 {add = true} : memref<10000xf32, #tpu.memory_space<vmem>>[vector<16xi32>], vector<16xf32>,
    %get3A_556 = arith.constant 3 : i32
    %get3A_557 = arith.index_cast %get3A_556 : i32 to index
    %get3A_558 = arith.constant 48 : index
    %get3A_559 = tpu.vector_load %arg8[%get3A_557, %get3A_558] {strides = array<i32>} : memref<4x128xi32, #tpu.memory_space<vmem>>, vector<16xi32>,
    tpu.vector_store_idx %arg20[%get3A_559], %broadcast_in_dim3A_85 {add = true} : memref<10000xf32, #tpu.memory_space<vmem>>[vector<16xi32>], vector<16xf32>,
    %get3A_560 = arith.constant 3 : i32
    %get3A_561 = arith.index_cast %get3A_560 : i32 to index
    %get3A_562 = arith.constant 64 : index
    %get3A_563 = tpu.vector_load %arg8[%get3A_561, %get3A_562] {strides = array<i32>} : memref<4x128xi32, #tpu.memory_space<vmem>>, vector<16xi32>,
    tpu.vector_store_idx %arg20[%get3A_563], %broadcast_in_dim3A_85 {add = true} : memref<10000xf32, #tpu.memory_space<vmem>>[vector<16xi32>], vector<16xf32>,
    %get3A_564 = arith.constant 3 : i32
    %get3A_565 = arith.index_cast %get3A_564 : i32 to index
    %get3A_566 = arith.constant 80 : index
    %get3A_567 = tpu.vector_load %arg8[%get3A_565, %get3A_566] {strides = array<i32>} : memref<4x128xi32, #tpu.memory_space<vmem>>, vector<16xi32>,
    tpu.vector_store_idx %arg20[%get3A_567], %broadcast_in_dim3A_85 {add = true} : memref<10000xf32, #tpu.memory_space<vmem>>[vector<16xi32>], vector<16xf32>,
    %get3A_568 = arith.constant 3 : i32
    %get3A_569 = arith.index_cast %get3A_568 : i32 to index
    %get3A_570 = arith.constant 96 : index
    %get3A_571 = tpu.vector_load %arg8[%get3A_569, %get3A_570] {strides = array<i32>} : memref<4x128xi32, #tpu.memory_space<vmem>>, vector<16xi32>,
    tpu.vector_store_idx %arg20[%get3A_571], %broadcast_in_dim3A_85 {add = true} : memref<10000xf32, #tpu.memory_space<vmem>>[vector<16xi32>], vector<16xf32>,
    %get3A_572 = arith.constant 3 : i32
    %get3A_573 = arith.index_cast %get3A_572 : i32 to index
    %get3A_574 = arith.constant 112 : index
    %get3A_575 = tpu.vector_load %arg8[%get3A_573, %get3A_574] {strides = array<i32>} : memref<4x128xi32, #tpu.memory_space<vmem>>, vector<16xi32>,
    tpu.vector_store_idx %arg20[%get3A_575], %broadcast_in_dim3A_85 {add = true} : memref<10000xf32, #tpu.memory_space<vmem>>[vector<16xi32>], vector<16xf32>,
    %scan3A_576 = arith.constant 0 : i32
    %scan3A_577 = arith.constant 0 : i32
    %scan3A_578 = arith.constant 18 : i32
    %scan3A_579 = arith.addi %scan3A_577, %scan3A_578 : i32
    %scan3A_580 = arith.constant 1 : i32
    %scan3A_581 = scf.for %scan3A_765 = %scan3A_577 to %scan3A_579 step %scan3A_580 iter_args(%scan3A_766 = %scan3A_576) -> (i32)  : i32 {
      %mul3A_767 = arith.constant 4 : i32
      %mul3A_768 = arith.muli %mul3A_767, %scan3A_765 : i32
      %add3A_769 = arith.constant 4 : i32
      %add3A_770 = arith.addi %add3A_769, %mul3A_768 : i32
      %add3A_771 = arith.constant 0 : i32
      %add3A_772 = arith.addi %add3A_770, %add3A_771 : i32
      %dma_wait3A_773 = arith.constant 3 : i32
      %dma_wait3A_774 = arith.constant 0 : i32
      %dma_wait3A_775 = tpu.memref_slice %arg8[%dma_wait3A_773, %dma_wait3A_774] : memref<4x128xi32, #tpu.memory_space<vmem>> -> memref<1x128xi32, #tpu.memory_space<vmem>>
      %dma_wait3A_776 = tpu.memref_squeeze %dma_wait3A_775 : memref<1x128xi32, #tpu.memory_space<vmem>> -> memref<128xi32, #tpu.memory_space<vmem>>
      %dma_wait3A_777 = arith.constant 0 : i32
      %dma_wait3A_778 = arith.constant 0 : i32
      %dma_wait3A_779 = tpu.memref_slice %arg11[%dma_wait3A_777, %dma_wait3A_778] : memref<10000x128xf32, #tpu.memory_space<vmem_shared>> -> memref<10000x128xf32, #tpu.memory_space<vmem_shared>>
      tpu.wait_indirect_dma semaphore(%arg19 : memref<!tpu.dma_semaphore, #tpu.memory_space<semaphore_mem>>) src(%arg10 : memref<128x128xf32, #tpu.memory_space<vmem>>) dst(%dma_wait3A_779 : memref<10000x128xf32, #tpu.memory_space<vmem_shared>>)
      %add3A_780 = arith.constant 1 : i32
      %add3A_781 = arith.addi %add3A_772, %add3A_780 : i32
      %mul3A_782 = arith.constant 32 : i32
      %mul3A_783 = arith.muli %add3A_781, %mul3A_782 : i32
      %add3A_784 = arith.addi %add3A, %mul3A_783 : i32
      %dma_wait3A_785 = arith.constant 1 : i32
      %dma_wait3A_786 = arith.constant 0 : i32
      %dma_wait3A_787 = tpu.memref_slice %arg7[%dma_wait3A_785, %dma_wait3A_786] : memref<4x128xi32, #tpu.memory_space<vmem>> -> memref<1x128xi32, #tpu.memory_space<vmem>>
      %dma_wait3A_788 = tpu.memref_squeeze %dma_wait3A_787 : memref<1x128xi32, #tpu.memory_space<vmem>> -> memref<128xi32, #tpu.memory_space<vmem>>
      %dma_wait3A_789 = arith.constant 0 : i32
      %dma_wait3A_790 = tpu.memref_slice %arg3[%add3A_784, %dma_wait3A_789] : memref<2500x128xi32, #tpu.memory_space<hbm>> -> memref<1x128xi32, #tpu.memory_space<hbm>>
      %dma_wait3A_791 = tpu.memref_squeeze %dma_wait3A_790 : memref<1x128xi32, #tpu.memory_space<hbm>> -> memref<128xi32, #tpu.memory_space<hbm>>
      %dma_wait3A_792 = arith.constant 0 : i32
      %dma_wait3A_793 = tpu.memref_slice %arg7[%dma_wait3A_785, %dma_wait3A_792] : memref<4x128xi32, #tpu.memory_space<vmem>> -> memref<1x128xi32, #tpu.memory_space<vmem>>
      %dma_wait3A_794 = tpu.memref_squeeze %dma_wait3A_793 : memref<1x128xi32, #tpu.memory_space<vmem>> -> memref<128xi32, #tpu.memory_space<vmem>>
      %dma_wait3A_795 = arith.constant 0 : i32
      %dma_wait3A_796 = tpu.memref_slice %arg3[%add3A_784, %dma_wait3A_795] : memref<2500x128xi32, #tpu.memory_space<hbm>> -> memref<1x128xi32, #tpu.memory_space<hbm>>
      %dma_wait3A_797 = tpu.memref_squeeze %dma_wait3A_796 : memref<1x128xi32, #tpu.memory_space<hbm>> -> memref<128xi32, #tpu.memory_space<hbm>>
      tpu.wait_dma2 semaphore(%arg13 : memref<!tpu.dma_semaphore, #tpu.memory_space<semaphore_mem>>) src(%dma_wait3A_797 : memref<128xi32, #tpu.memory_space<hbm>>) dst(%dma_wait3A_794 : memref<128xi32, #tpu.memory_space<vmem>>)
      %dma_wait3A_798 = arith.constant 1 : i32
      %dma_wait3A_799 = arith.constant 0 : i32
      %dma_wait3A_800 = tpu.memref_slice %arg8[%dma_wait3A_798, %dma_wait3A_799] : memref<4x128xi32, #tpu.memory_space<vmem>> -> memref<1x128xi32, #tpu.memory_space<vmem>>
      %dma_wait3A_801 = tpu.memref_squeeze %dma_wait3A_800 : memref<1x128xi32, #tpu.memory_space<vmem>> -> memref<128xi32, #tpu.memory_space<vmem>>
      %dma_wait3A_802 = arith.constant 0 : i32
      %dma_wait3A_803 = tpu.memref_slice %arg4[%add3A_784, %dma_wait3A_802] : memref<2500x128xi32, #tpu.memory_space<hbm>> -> memref<1x128xi32, #tpu.memory_space<hbm>>
      %dma_wait3A_804 = tpu.memref_squeeze %dma_wait3A_803 : memref<1x128xi32, #tpu.memory_space<hbm>> -> memref<128xi32, #tpu.memory_space<hbm>>
      %dma_wait3A_805 = arith.constant 0 : i32
      %dma_wait3A_806 = tpu.memref_slice %arg8[%dma_wait3A_798, %dma_wait3A_805] : memref<4x128xi32, #tpu.memory_space<vmem>> -> memref<1x128xi32, #tpu.memory_space<vmem>>
      %dma_wait3A_807 = tpu.memref_squeeze %dma_wait3A_806 : memref<1x128xi32, #tpu.memory_space<vmem>> -> memref<128xi32, #tpu.memory_space<vmem>>
      %dma_wait3A_808 = arith.constant 0 : i32
      %dma_wait3A_809 = tpu.memref_slice %arg4[%add3A_784, %dma_wait3A_808] : memref<2500x128xi32, #tpu.memory_space<hbm>> -> memref<1x128xi32, #tpu.memory_space<hbm>>
      %dma_wait3A_810 = tpu.memref_squeeze %dma_wait3A_809 : memref<1x128xi32, #tpu.memory_space<hbm>> -> memref<128xi32, #tpu.memory_space<hbm>>
      tpu.wait_dma2 semaphore(%arg13 : memref<!tpu.dma_semaphore, #tpu.memory_space<semaphore_mem>>) src(%dma_wait3A_810 : memref<128xi32, #tpu.memory_space<hbm>>) dst(%dma_wait3A_807 : memref<128xi32, #tpu.memory_space<vmem>>)
      %dma_start3A_811 = arith.constant 1 : i32
      %dma_start3A_812 = arith.constant 0 : i32
      %dma_start3A_813 = tpu.memref_slice %arg7[%dma_start3A_811, %dma_start3A_812] : memref<4x128xi32, #tpu.memory_space<vmem>> -> memref<1x128xi32, #tpu.memory_space<vmem>>
      %dma_start3A_814 = tpu.memref_squeeze %dma_start3A_813 : memref<1x128xi32, #tpu.memory_space<vmem>> -> memref<128xi32, #tpu.memory_space<vmem>>
      %dma_start3A_815 = arith.constant 0 : i32
      %dma_start3A_816 = arith.constant 0 : i32
      %dma_start3A_817 = tpu.memref_slice %arg2[%dma_start3A_815, %dma_start3A_816] : memref<10000x128xf32, #tpu.memory_space<hbm>> -> memref<10000x128xf32, #tpu.memory_space<hbm>>
      tpu.enqueue_indirect_dma source(%dma_start3A_817 : memref<10000x128xf32, #tpu.memory_space<hbm>>) target(%arg10 : memref<128x128xf32, #tpu.memory_space<vmem>>) offsets(%dma_start3A_814 : memref<128xi32, #tpu.memory_space<vmem>>) semaphore(%arg17 : memref<!tpu.dma_semaphore, #tpu.memory_space<semaphore_mem>>)
      %add3A_818 = arith.constant 2 : i32
      %add3A_819 = arith.addi %add3A_772, %add3A_818 : i32
      %mul3A_820 = arith.constant 32 : i32
      %mul3A_821 = arith.muli %add3A_819, %mul3A_820 : i32
      %add3A_822 = arith.addi %add3A, %mul3A_821 : i32
      %dma_start3A_823 = arith.constant 2 : i32
      %dma_start3A_824 = arith.constant 0 : i32
      %dma_start3A_825 = tpu.memref_slice %arg7[%dma_start3A_823, %dma_start3A_824] : memref<4x128xi32, #tpu.memory_space<vmem>> -> memref<1x128xi32, #tpu.memory_space<vmem>>
      %dma_start3A_826 = tpu.memref_squeeze %dma_start3A_825 : memref<1x128xi32, #tpu.memory_space<vmem>> -> memref<128xi32, #tpu.memory_space<vmem>>
      %dma_start3A_827 = arith.constant 0 : i32
      %dma_start3A_828 = tpu.memref_slice %arg3[%add3A_822, %dma_start3A_827] : memref<2500x128xi32, #tpu.memory_space<hbm>> -> memref<1x128xi32, #tpu.memory_space<hbm>>
      %dma_start3A_829 = tpu.memref_squeeze %dma_start3A_828 : memref<1x128xi32, #tpu.memory_space<hbm>> -> memref<128xi32, #tpu.memory_space<hbm>>
      %dma_start3A_830 = arith.constant 0 : i32
      %dma_start3A_831 = tpu.memref_slice %arg7[%dma_start3A_823, %dma_start3A_830] : memref<4x128xi32, #tpu.memory_space<vmem>> -> memref<1x128xi32, #tpu.memory_space<vmem>>
      %dma_start3A_832 = tpu.memref_squeeze %dma_start3A_831 : memref<1x128xi32, #tpu.memory_space<vmem>> -> memref<128xi32, #tpu.memory_space<vmem>>
      %dma_start3A_833 = arith.constant 0 : i32
      %dma_start3A_834 = tpu.memref_slice %arg3[%add3A_822, %dma_start3A_833] : memref<2500x128xi32, #tpu.memory_space<hbm>> -> memref<1x128xi32, #tpu.memory_space<hbm>>
      %dma_start3A_835 = tpu.memref_squeeze %dma_start3A_834 : memref<1x128xi32, #tpu.memory_space<hbm>> -> memref<128xi32, #tpu.memory_space<hbm>>
      tpu.enqueue_dma source(%dma_start3A_835 : memref<128xi32, #tpu.memory_space<hbm>>) target(%dma_start3A_832 : memref<128xi32, #tpu.memory_space<vmem>>) target_semaphore(%arg14 : memref<!tpu.dma_semaphore, #tpu.memory_space<semaphore_mem>>)
      %dma_start3A_836 = arith.constant 2 : i32
      %dma_start3A_837 = arith.constant 0 : i32
      %dma_start3A_838 = tpu.memref_slice %arg8[%dma_start3A_836, %dma_start3A_837] : memref<4x128xi32, #tpu.memory_space<vmem>> -> memref<1x128xi32, #tpu.memory_space<vmem>>
      %dma_start3A_839 = tpu.memref_squeeze %dma_start3A_838 : memref<1x128xi32, #tpu.memory_space<vmem>> -> memref<128xi32, #tpu.memory_space<vmem>>
      %dma_start3A_840 = arith.constant 0 : i32
      %dma_start3A_841 = tpu.memref_slice %arg4[%add3A_822, %dma_start3A_840] : memref<2500x128xi32, #tpu.memory_space<hbm>> -> memref<1x128xi32, #tpu.memory_space<hbm>>
      %dma_start3A_842 = tpu.memref_squeeze %dma_start3A_841 : memref<1x128xi32, #tpu.memory_space<hbm>> -> memref<128xi32, #tpu.memory_space<hbm>>
      %dma_start3A_843 = arith.constant 0 : i32
      %dma_start3A_844 = tpu.memref_slice %arg8[%dma_start3A_836, %dma_start3A_843] : memref<4x128xi32, #tpu.memory_space<vmem>> -> memref<1x128xi32, #tpu.memory_space<vmem>>
      %dma_start3A_845 = tpu.memref_squeeze %dma_start3A_844 : memref<1x128xi32, #tpu.memory_space<vmem>> -> memref<128xi32, #tpu.memory_space<vmem>>
      %dma_start3A_846 = arith.constant 0 : i32
      %dma_start3A_847 = tpu.memref_slice %arg4[%add3A_822, %dma_start3A_846] : memref<2500x128xi32, #tpu.memory_space<hbm>> -> memref<1x128xi32, #tpu.memory_space<hbm>>
      %dma_start3A_848 = tpu.memref_squeeze %dma_start3A_847 : memref<1x128xi32, #tpu.memory_space<hbm>> -> memref<128xi32, #tpu.memory_space<hbm>>
      tpu.enqueue_dma source(%dma_start3A_848 : memref<128xi32, #tpu.memory_space<hbm>>) target(%dma_start3A_845 : memref<128xi32, #tpu.memory_space<vmem>>) target_semaphore(%arg14 : memref<!tpu.dma_semaphore, #tpu.memory_space<semaphore_mem>>)
      %dma_wait3A_849 = arith.constant 0 : i32
      %dma_wait3A_850 = arith.constant 0 : i32
      %dma_wait3A_851 = tpu.memref_slice %arg7[%dma_wait3A_849, %dma_wait3A_850] : memref<4x128xi32, #tpu.memory_space<vmem>> -> memref<1x128xi32, #tpu.memory_space<vmem>>
      %dma_wait3A_852 = tpu.memref_squeeze %dma_wait3A_851 : memref<1x128xi32, #tpu.memory_space<vmem>> -> memref<128xi32, #tpu.memory_space<vmem>>
      %dma_wait3A_853 = arith.constant 0 : i32
      %dma_wait3A_854 = arith.constant 0 : i32
      %dma_wait3A_855 = tpu.memref_slice %arg2[%dma_wait3A_853, %dma_wait3A_854] : memref<10000x128xf32, #tpu.memory_space<hbm>> -> memref<10000x128xf32, #tpu.memory_space<hbm>>
      tpu.wait_indirect_dma semaphore(%arg16 : memref<!tpu.dma_semaphore, #tpu.memory_space<semaphore_mem>>) src(%dma_wait3A_855 : memref<10000x128xf32, #tpu.memory_space<hbm>>) dst(%arg9 : memref<128x128xf32, #tpu.memory_space<vmem>>)
      %dma_start3A_856 = arith.constant 0 : i32
      %dma_start3A_857 = arith.constant 0 : i32
      %dma_start3A_858 = tpu.memref_slice %arg8[%dma_start3A_856, %dma_start3A_857] : memref<4x128xi32, #tpu.memory_space<vmem>> -> memref<1x128xi32, #tpu.memory_space<vmem>>
      %dma_start3A_859 = tpu.memref_squeeze %dma_start3A_858 : memref<1x128xi32, #tpu.memory_space<vmem>> -> memref<128xi32, #tpu.memory_space<vmem>>
      %dma_start3A_860 = arith.constant 0 : i32
      %dma_start3A_861 = arith.constant 0 : i32
      %dma_start3A_862 = tpu.memref_slice %arg11[%dma_start3A_860, %dma_start3A_861] : memref<10000x128xf32, #tpu.memory_space<vmem_shared>> -> memref<10000x128xf32, #tpu.memory_space<vmem_shared>>
      tpu.enqueue_indirect_dma source(%arg9 : memref<128x128xf32, #tpu.memory_space<vmem>>) target(%dma_start3A_862 : memref<10000x128xf32, #tpu.memory_space<vmem_shared>>) offsets(%dma_start3A_859 : memref<128xi32, #tpu.memory_space<vmem>>) semaphore(%arg18 : memref<!tpu.dma_semaphore, #tpu.memory_space<semaphore_mem>>) {add = true}
      %get3A_863 = arith.constant 0 : i32
      %get3A_864 = arith.index_cast %get3A_863 : i32 to index
      %get3A_865 = arith.constant 0 : index
      %get3A_866 = tpu.vector_load %arg8[%get3A_864, %get3A_865] {strides = array<i32>} : memref<4x128xi32, #tpu.memory_space<vmem>>, vector<16xi32>,
      tpu.vector_store_idx %arg20[%get3A_866], %broadcast_in_dim3A_85 {add = true} : memref<10000xf32, #tpu.memory_space<vmem>>[vector<16xi32>], vector<16xf32>,
      %get3A_867 = arith.constant 0 : i32
      %get3A_868 = arith.index_cast %get3A_867 : i32 to index
      %get3A_869 = arith.constant 16 : index
      %get3A_870 = tpu.vector_load %arg8[%get3A_868, %get3A_869] {strides = array<i32>} : memref<4x128xi32, #tpu.memory_space<vmem>>, vector<16xi32>,
      tpu.vector_store_idx %arg20[%get3A_870], %broadcast_in_dim3A_85 {add = true} : memref<10000xf32, #tpu.memory_space<vmem>>[vector<16xi32>], vector<16xf32>,
      %get3A_871 = arith.constant 0 : i32
      %get3A_872 = arith.index_cast %get3A_871 : i32 to index
      %get3A_873 = arith.constant 32 : index
      %get3A_874 = tpu.vector_load %arg8[%get3A_872, %get3A_873] {strides = array<i32>} : memref<4x128xi32, #tpu.memory_space<vmem>>, vector<16xi32>,
      tpu.vector_store_idx %arg20[%get3A_874], %broadcast_in_dim3A_85 {add = true} : memref<10000xf32, #tpu.memory_space<vmem>>[vector<16xi32>], vector<16xf32>,
      %get3A_875 = arith.constant 0 : i32
      %get3A_876 = arith.index_cast %get3A_875 : i32 to index
      %get3A_877 = arith.constant 48 : index
      %get3A_878 = tpu.vector_load %arg8[%get3A_876, %get3A_877] {strides = array<i32>} : memref<4x128xi32, #tpu.memory_space<vmem>>, vector<16xi32>,
      tpu.vector_store_idx %arg20[%get3A_878], %broadcast_in_dim3A_85 {add = true} : memref<10000xf32, #tpu.memory_space<vmem>>[vector<16xi32>], vector<16xf32>,
      %get3A_879 = arith.constant 0 : i32
      %get3A_880 = arith.index_cast %get3A_879 : i32 to index
      %get3A_881 = arith.constant 64 : index
      %get3A_882 = tpu.vector_load %arg8[%get3A_880, %get3A_881] {strides = array<i32>} : memref<4x128xi32, #tpu.memory_space<vmem>>, vector<16xi32>,
      tpu.vector_store_idx %arg20[%get3A_882], %broadcast_in_dim3A_85 {add = true} : memref<10000xf32, #tpu.memory_space<vmem>>[vector<16xi32>], vector<16xf32>,
      %get3A_883 = arith.constant 0 : i32
      %get3A_884 = arith.index_cast %get3A_883 : i32 to index
      %get3A_885 = arith.constant 80 : index
      %get3A_886 = tpu.vector_load %arg8[%get3A_884, %get3A_885] {strides = array<i32>} : memref<4x128xi32, #tpu.memory_space<vmem>>, vector<16xi32>,
      tpu.vector_store_idx %arg20[%get3A_886], %broadcast_in_dim3A_85 {add = true} : memref<10000xf32, #tpu.memory_space<vmem>>[vector<16xi32>], vector<16xf32>,
      %get3A_887 = arith.constant 0 : i32
      %get3A_888 = arith.index_cast %get3A_887 : i32 to index
      %get3A_889 = arith.constant 96 : index
      %get3A_890 = tpu.vector_load %arg8[%get3A_888, %get3A_889] {strides = array<i32>} : memref<4x128xi32, #tpu.memory_space<vmem>>, vector<16xi32>,
      tpu.vector_store_idx %arg20[%get3A_890], %broadcast_in_dim3A_85 {add = true} : memref<10000xf32, #tpu.memory_space<vmem>>[vector<16xi32>], vector<16xf32>,
      %get3A_891 = arith.constant 0 : i32
      %get3A_892 = arith.index_cast %get3A_891 : i32 to index
      %get3A_893 = arith.constant 112 : index
      %get3A_894 = tpu.vector_load %arg8[%get3A_892, %get3A_893] {strides = array<i32>} : memref<4x128xi32, #tpu.memory_space<vmem>>, vector<16xi32>,
      tpu.vector_store_idx %arg20[%get3A_894], %broadcast_in_dim3A_85 {add = true} : memref<10000xf32, #tpu.memory_space<vmem>>[vector<16xi32>], vector<16xf32>,
      %mul3A_895 = arith.constant 4 : i32
      %mul3A_896 = arith.muli %mul3A_895, %scan3A_765 : i32
      %add3A_897 = arith.constant 4 : i32
      %add3A_898 = arith.addi %add3A_897, %mul3A_896 : i32
      %add3A_899 = arith.constant 1 : i32
      %add3A_900 = arith.addi %add3A_898, %add3A_899 : i32
      %dma_wait3A_901 = arith.constant 0 : i32
      %dma_wait3A_902 = arith.constant 0 : i32
      %dma_wait3A_903 = tpu.memref_slice %arg8[%dma_wait3A_901, %dma_wait3A_902] : memref<4x128xi32, #tpu.memory_space<vmem>> -> memref<1x128xi32, #tpu.memory_space<vmem>>
      %dma_wait3A_904 = tpu.memref_squeeze %dma_wait3A_903 : memref<1x128xi32, #tpu.memory_space<vmem>> -> memref<128xi32, #tpu.memory_space<vmem>>
      %dma_wait3A_905 = arith.constant 0 : i32
      %dma_wait3A_906 = arith.constant 0 : i32
      %dma_wait3A_907 = tpu.memref_slice %arg11[%dma_wait3A_905, %dma_wait3A_906] : memref<10000x128xf32, #tpu.memory_space<vmem_shared>> -> memref<10000x128xf32, #tpu.memory_space<vmem_shared>>
      tpu.wait_indirect_dma semaphore(%arg18 : memref<!tpu.dma_semaphore, #tpu.memory_space<semaphore_mem>>) src(%arg9 : memref<128x128xf32, #tpu.memory_space<vmem>>) dst(%dma_wait3A_907 : memref<10000x128xf32, #tpu.memory_space<vmem_shared>>)
      %add3A_908 = arith.constant 1 : i32
      %add3A_909 = arith.addi %add3A_900, %add3A_908 : i32
      %mul3A_910 = arith.constant 32 : i32
      %mul3A_911 = arith.muli %add3A_909, %mul3A_910 : i32
      %add3A_912 = arith.addi %add3A, %mul3A_911 : i32
      %dma_wait3A_913 = arith.constant 2 : i32
      %dma_wait3A_914 = arith.constant 0 : i32
      %dma_wait3A_915 = tpu.memref_slice %arg7[%dma_wait3A_913, %dma_wait3A_914] : memref<4x128xi32, #tpu.memory_space<vmem>> -> memref<1x128xi32, #tpu.memory_space<vmem>>
      %dma_wait3A_916 = tpu.memref_squeeze %dma_wait3A_915 : memref<1x128xi32, #tpu.memory_space<vmem>> -> memref<128xi32, #tpu.memory_space<vmem>>
      %dma_wait3A_917 = arith.constant 0 : i32
      %dma_wait3A_918 = tpu.memref_slice %arg3[%add3A_912, %dma_wait3A_917] : memref<2500x128xi32, #tpu.memory_space<hbm>> -> memref<1x128xi32, #tpu.memory_space<hbm>>
      %dma_wait3A_919 = tpu.memref_squeeze %dma_wait3A_918 : memref<1x128xi32, #tpu.memory_space<hbm>> -> memref<128xi32, #tpu.memory_space<hbm>>
      %dma_wait3A_920 = arith.constant 0 : i32
      %dma_wait3A_921 = tpu.memref_slice %arg7[%dma_wait3A_913, %dma_wait3A_920] : memref<4x128xi32, #tpu.memory_space<vmem>> -> memref<1x128xi32, #tpu.memory_space<vmem>>
      %dma_wait3A_922 = tpu.memref_squeeze %dma_wait3A_921 : memref<1x128xi32, #tpu.memory_space<vmem>> -> memref<128xi32, #tpu.memory_space<vmem>>
      %dma_wait3A_923 = arith.constant 0 : i32
      %dma_wait3A_924 = tpu.memref_slice %arg3[%add3A_912, %dma_wait3A_923] : memref<2500x128xi32, #tpu.memory_space<hbm>> -> memref<1x128xi32, #tpu.memory_space<hbm>>
      %dma_wait3A_925 = tpu.memref_squeeze %dma_wait3A_924 : memref<1x128xi32, #tpu.memory_space<hbm>> -> memref<128xi32, #tpu.memory_space<hbm>>
      tpu.wait_dma2 semaphore(%arg14 : memref<!tpu.dma_semaphore, #tpu.memory_space<semaphore_mem>>) src(%dma_wait3A_925 : memref<128xi32, #tpu.memory_space<hbm>>) dst(%dma_wait3A_922 : memref<128xi32, #tpu.memory_space<vmem>>)
      %dma_wait3A_926 = arith.constant 2 : i32
      %dma_wait3A_927 = arith.constant 0 : i32
      %dma_wait3A_928 = tpu.memref_slice %arg8[%dma_wait3A_926, %dma_wait3A_927] : memref<4x128xi32, #tpu.memory_space<vmem>> -> memref<1x128xi32, #tpu.memory_space<vmem>>
      %dma_wait3A_929 = tpu.memref_squeeze %dma_wait3A_928 : memref<1x128xi32, #tpu.memory_space<vmem>> -> memref<128xi32, #tpu.memory_space<vmem>>
      %dma_wait3A_930 = arith.constant 0 : i32
      %dma_wait3A_931 = tpu.memref_slice %arg4[%add3A_912, %dma_wait3A_930] : memref<2500x128xi32, #tpu.memory_space<hbm>> -> memref<1x128xi32, #tpu.memory_space<hbm>>
      %dma_wait3A_932 = tpu.memref_squeeze %dma_wait3A_931 : memref<1x128xi32, #tpu.memory_space<hbm>> -> memref<128xi32, #tpu.memory_space<hbm>>
      %dma_wait3A_933 = arith.constant 0 : i32
      %dma_wait3A_934 = tpu.memref_slice %arg8[%dma_wait3A_926, %dma_wait3A_933] : memref<4x128xi32, #tpu.memory_space<vmem>> -> memref<1x128xi32, #tpu.memory_space<vmem>>
      %dma_wait3A_935 = tpu.memref_squeeze %dma_wait3A_934 : memref<1x128xi32, #tpu.memory_space<vmem>> -> memref<128xi32, #tpu.memory_space<vmem>>
      %dma_wait3A_936 = arith.constant 0 : i32
      %dma_wait3A_937 = tpu.memref_slice %arg4[%add3A_912, %dma_wait3A_936] : memref<2500x128xi32, #tpu.memory_space<hbm>> -> memref<1x128xi32, #tpu.memory_space<hbm>>
      %dma_wait3A_938 = tpu.memref_squeeze %dma_wait3A_937 : memref<1x128xi32, #tpu.memory_space<hbm>> -> memref<128xi32, #tpu.memory_space<hbm>>
      tpu.wait_dma2 semaphore(%arg14 : memref<!tpu.dma_semaphore, #tpu.memory_space<semaphore_mem>>) src(%dma_wait3A_938 : memref<128xi32, #tpu.memory_space<hbm>>) dst(%dma_wait3A_935 : memref<128xi32, #tpu.memory_space<vmem>>)
      %dma_start3A_939 = arith.constant 2 : i32
      %dma_start3A_940 = arith.constant 0 : i32
      %dma_start3A_941 = tpu.memref_slice %arg7[%dma_start3A_939, %dma_start3A_940] : memref<4x128xi32, #tpu.memory_space<vmem>> -> memref<1x128xi32, #tpu.memory_space<vmem>>
      %dma_start3A_942 = tpu.memref_squeeze %dma_start3A_941 : memref<1x128xi32, #tpu.memory_space<vmem>> -> memref<128xi32, #tpu.memory_space<vmem>>
      %dma_start3A_943 = arith.constant 0 : i32
      %dma_start3A_944 = arith.constant 0 : i32
      %dma_start3A_945 = tpu.memref_slice %arg2[%dma_start3A_943, %dma_start3A_944] : memref<10000x128xf32, #tpu.memory_space<hbm>> -> memref<10000x128xf32, #tpu.memory_space<hbm>>
      tpu.enqueue_indirect_dma source(%dma_start3A_945 : memref<10000x128xf32, #tpu.memory_space<hbm>>) target(%arg9 : memref<128x128xf32, #tpu.memory_space<vmem>>) offsets(%dma_start3A_942 : memref<128xi32, #tpu.memory_space<vmem>>) semaphore(%arg16 : memref<!tpu.dma_semaphore, #tpu.memory_space<semaphore_mem>>)
      %add3A_946 = arith.constant 2 : i32
      %add3A_947 = arith.addi %add3A_900, %add3A_946 : i32
      %mul3A_948 = arith.constant 32 : i32
      %mul3A_949 = arith.muli %add3A_947, %mul3A_948 : i32
      %add3A_950 = arith.addi %add3A, %mul3A_949 : i32
      %dma_start3A_951 = arith.constant 3 : i32
      %dma_start3A_952 = arith.constant 0 : i32
      %dma_start3A_953 = tpu.memref_slice %arg7[%dma_start3A_951, %dma_start3A_952] : memref<4x128xi32, #tpu.memory_space<vmem>> -> memref<1x128xi32, #tpu.memory_space<vmem>>
      %dma_start3A_954 = tpu.memref_squeeze %dma_start3A_953 : memref<1x128xi32, #tpu.memory_space<vmem>> -> memref<128xi32, #tpu.memory_space<vmem>>
      %dma_start3A_955 = arith.constant 0 : i32
      %dma_start3A_956 = tpu.memref_slice %arg3[%add3A_950, %dma_start3A_955] : memref<2500x128xi32, #tpu.memory_space<hbm>> -> memref<1x128xi32, #tpu.memory_space<hbm>>
      %dma_start3A_957 = tpu.memref_squeeze %dma_start3A_956 : memref<1x128xi32, #tpu.memory_space<hbm>> -> memref<128xi32, #tpu.memory_space<hbm>>
      %dma_start3A_958 = arith.constant 0 : i32
      %dma_start3A_959 = tpu.memref_slice %arg7[%dma_start3A_951, %dma_start3A_958] : memref<4x128xi32, #tpu.memory_space<vmem>> -> memref<1x128xi32, #tpu.memory_space<vmem>>
      %dma_start3A_960 = tpu.memref_squeeze %dma_start3A_959 : memref<1x128xi32, #tpu.memory_space<vmem>> -> memref<128xi32, #tpu.memory_space<vmem>>
      %dma_start3A_961 = arith.constant 0 : i32
      %dma_start3A_962 = tpu.memref_slice %arg3[%add3A_950, %dma_start3A_961] : memref<2500x128xi32, #tpu.memory_space<hbm>> -> memref<1x128xi32, #tpu.memory_space<hbm>>
      %dma_start3A_963 = tpu.memref_squeeze %dma_start3A_962 : memref<1x128xi32, #tpu.memory_space<hbm>> -> memref<128xi32, #tpu.memory_space<hbm>>
      tpu.enqueue_dma source(%dma_start3A_963 : memref<128xi32, #tpu.memory_space<hbm>>) target(%dma_start3A_960 : memref<128xi32, #tpu.memory_space<vmem>>) target_semaphore(%arg15 : memref<!tpu.dma_semaphore, #tpu.memory_space<semaphore_mem>>)
      %dma_start3A_964 = arith.constant 3 : i32
      %dma_start3A_965 = arith.constant 0 : i32
      %dma_start3A_966 = tpu.memref_slice %arg8[%dma_start3A_964, %dma_start3A_965] : memref<4x128xi32, #tpu.memory_space<vmem>> -> memref<1x128xi32, #tpu.memory_space<vmem>>
      %dma_start3A_967 = tpu.memref_squeeze %dma_start3A_966 : memref<1x128xi32, #tpu.memory_space<vmem>> -> memref<128xi32, #tpu.memory_space<vmem>>
      %dma_start3A_968 = arith.constant 0 : i32
      %dma_start3A_969 = tpu.memref_slice %arg4[%add3A_950, %dma_start3A_968] : memref<2500x128xi32, #tpu.memory_space<hbm>> -> memref<1x128xi32, #tpu.memory_space<hbm>>
      %dma_start3A_970 = tpu.memref_squeeze %dma_start3A_969 : memref<1x128xi32, #tpu.memory_space<hbm>> -> memref<128xi32, #tpu.memory_space<hbm>>
      %dma_start3A_971 = arith.constant 0 : i32
      %dma_start3A_972 = tpu.memref_slice %arg8[%dma_start3A_964, %dma_start3A_971] : memref<4x128xi32, #tpu.memory_space<vmem>> -> memref<1x128xi32, #tpu.memory_space<vmem>>
      %dma_start3A_973 = tpu.memref_squeeze %dma_start3A_972 : memref<1x128xi32, #tpu.memory_space<vmem>> -> memref<128xi32, #tpu.memory_space<vmem>>
      %dma_start3A_974 = arith.constant 0 : i32
      %dma_start3A_975 = tpu.memref_slice %arg4[%add3A_950, %dma_start3A_974] : memref<2500x128xi32, #tpu.memory_space<hbm>> -> memref<1x128xi32, #tpu.memory_space<hbm>>
      %dma_start3A_976 = tpu.memref_squeeze %dma_start3A_975 : memref<1x128xi32, #tpu.memory_space<hbm>> -> memref<128xi32, #tpu.memory_space<hbm>>
      tpu.enqueue_dma source(%dma_start3A_976 : memref<128xi32, #tpu.memory_space<hbm>>) target(%dma_start3A_973 : memref<128xi32, #tpu.memory_space<vmem>>) target_semaphore(%arg15 : memref<!tpu.dma_semaphore, #tpu.memory_space<semaphore_mem>>)
      %dma_wait3A_977 = arith.constant 1 : i32
      %dma_wait3A_978 = arith.constant 0 : i32
      %dma_wait3A_979 = tpu.memref_slice %arg7[%dma_wait3A_977, %dma_wait3A_978] : memref<4x128xi32, #tpu.memory_space<vmem>> -> memref<1x128xi32, #tpu.memory_space<vmem>>
      %dma_wait3A_980 = tpu.memref_squeeze %dma_wait3A_979 : memref<1x128xi32, #tpu.memory_space<vmem>> -> memref<128xi32, #tpu.memory_space<vmem>>
      %dma_wait3A_981 = arith.constant 0 : i32
      %dma_wait3A_982 = arith.constant 0 : i32
      %dma_wait3A_983 = tpu.memref_slice %arg2[%dma_wait3A_981, %dma_wait3A_982] : memref<10000x128xf32, #tpu.memory_space<hbm>> -> memref<10000x128xf32, #tpu.memory_space<hbm>>
      tpu.wait_indirect_dma semaphore(%arg17 : memref<!tpu.dma_semaphore, #tpu.memory_space<semaphore_mem>>) src(%dma_wait3A_983 : memref<10000x128xf32, #tpu.memory_space<hbm>>) dst(%arg10 : memref<128x128xf32, #tpu.memory_space<vmem>>)
      %dma_start3A_984 = arith.constant 1 : i32
      %dma_start3A_985 = arith.constant 0 : i32
      %dma_start3A_986 = tpu.memref_slice %arg8[%dma_start3A_984, %dma_start3A_985] : memref<4x128xi32, #tpu.memory_space<vmem>> -> memref<1x128xi32, #tpu.memory_space<vmem>>
      %dma_start3A_987 = tpu.memref_squeeze %dma_start3A_986 : memref<1x128xi32, #tpu.memory_space<vmem>> -> memref<128xi32, #tpu.memory_space<vmem>>
      %dma_start3A_988 = arith.constant 0 : i32
      %dma_start3A_989 = arith.constant 0 : i32
      %dma_start3A_990 = tpu.memref_slice %arg11[%dma_start3A_988, %dma_start3A_989] : memref<10000x128xf32, #tpu.memory_space<vmem_shared>> -> memref<10000x128xf32, #tpu.memory_space<vmem_shared>>
      tpu.enqueue_indirect_dma source(%arg10 : memref<128x128xf32, #tpu.memory_space<vmem>>) target(%dma_start3A_990 : memref<10000x128xf32, #tpu.memory_space<vmem_shared>>) offsets(%dma_start3A_987 : memref<128xi32, #tpu.memory_space<vmem>>) semaphore(%arg19 : memref<!tpu.dma_semaphore, #tpu.memory_space<semaphore_mem>>) {add = true}
      %get3A_991 = arith.constant 1 : i32
      %get3A_992 = arith.index_cast %get3A_991 : i32 to index
      %get3A_993 = arith.constant 0 : index
      %get3A_994 = tpu.vector_load %arg8[%get3A_992, %get3A_993] {strides = array<i32>} : memref<4x128xi32, #tpu.memory_space<vmem>>, vector<16xi32>,
      tpu.vector_store_idx %arg20[%get3A_994], %broadcast_in_dim3A_85 {add = true} : memref<10000xf32, #tpu.memory_space<vmem>>[vector<16xi32>], vector<16xf32>,
      %get3A_995 = arith.constant 1 : i32
      %get3A_996 = arith.index_cast %get3A_995 : i32 to index
      %get3A_997 = arith.constant 16 : index
      %get3A_998 = tpu.vector_load %arg8[%get3A_996, %get3A_997] {strides = array<i32>} : memref<4x128xi32, #tpu.memory_space<vmem>>, vector<16xi32>,
      tpu.vector_store_idx %arg20[%get3A_998], %broadcast_in_dim3A_85 {add = true} : memref<10000xf32, #tpu.memory_space<vmem>>[vector<16xi32>], vector<16xf32>,
      %get3A_999 = arith.constant 1 : i32
      %get3A_1000 = arith.index_cast %get3A_999 : i32 to index
      %get3A_1001 = arith.constant 32 : index
      %get3A_1002 = tpu.vector_load %arg8[%get3A_1000, %get3A_1001] {strides = array<i32>} : memref<4x128xi32, #tpu.memory_space<vmem>>, vector<16xi32>,
      tpu.vector_store_idx %arg20[%get3A_1002], %broadcast_in_dim3A_85 {add = true} : memref<10000xf32, #tpu.memory_space<vmem>>[vector<16xi32>], vector<16xf32>,
      %get3A_1003 = arith.constant 1 : i32
      %get3A_1004 = arith.index_cast %get3A_1003 : i32 to index
      %get3A_1005 = arith.constant 48 : index
      %get3A_1006 = tpu.vector_load %arg8[%get3A_1004, %get3A_1005] {strides = array<i32>} : memref<4x128xi32, #tpu.memory_space<vmem>>, vector<16xi32>,
      tpu.vector_store_idx %arg20[%get3A_1006], %broadcast_in_dim3A_85 {add = true} : memref<10000xf32, #tpu.memory_space<vmem>>[vector<16xi32>], vector<16xf32>,
      %get3A_1007 = arith.constant 1 : i32
      %get3A_1008 = arith.index_cast %get3A_1007 : i32 to index
      %get3A_1009 = arith.constant 64 : index
      %get3A_1010 = tpu.vector_load %arg8[%get3A_1008, %get3A_1009] {strides = array<i32>} : memref<4x128xi32, #tpu.memory_space<vmem>>, vector<16xi32>,
      tpu.vector_store_idx %arg20[%get3A_1010], %broadcast_in_dim3A_85 {add = true} : memref<10000xf32, #tpu.memory_space<vmem>>[vector<16xi32>], vector<16xf32>,
      %get3A_1011 = arith.constant 1 : i32
      %get3A_1012 = arith.index_cast %get3A_1011 : i32 to index
      %get3A_1013 = arith.constant 80 : index
      %get3A_1014 = tpu.vector_load %arg8[%get3A_1012, %get3A_1013] {strides = array<i32>} : memref<4x128xi32, #tpu.memory_space<vmem>>, vector<16xi32>,
      tpu.vector_store_idx %arg20[%get3A_1014], %broadcast_in_dim3A_85 {add = true} : memref<10000xf32, #tpu.memory_space<vmem>>[vector<16xi32>], vector<16xf32>,
      %get3A_1015 = arith.constant 1 : i32
      %get3A_1016 = arith.index_cast %get3A_1015 : i32 to index
      %get3A_1017 = arith.constant 96 : index
      %get3A_1018 = tpu.vector_load %arg8[%get3A_1016, %get3A_1017] {strides = array<i32>} : memref<4x128xi32, #tpu.memory_space<vmem>>, vector<16xi32>,
      tpu.vector_store_idx %arg20[%get3A_1018], %broadcast_in_dim3A_85 {add = true} : memref<10000xf32, #tpu.memory_space<vmem>>[vector<16xi32>], vector<16xf32>,
      %get3A_1019 = arith.constant 1 : i32
      %get3A_1020 = arith.index_cast %get3A_1019 : i32 to index
      %get3A_1021 = arith.constant 112 : index
      %get3A_1022 = tpu.vector_load %arg8[%get3A_1020, %get3A_1021] {strides = array<i32>} : memref<4x128xi32, #tpu.memory_space<vmem>>, vector<16xi32>,
      tpu.vector_store_idx %arg20[%get3A_1022], %broadcast_in_dim3A_85 {add = true} : memref<10000xf32, #tpu.memory_space<vmem>>[vector<16xi32>], vector<16xf32>,
      %mul3A_1023 = arith.constant 4 : i32
      %mul3A_1024 = arith.muli %mul3A_1023, %scan3A_765 : i32
      %add3A_1025 = arith.constant 4 : i32
      %add3A_1026 = arith.addi %add3A_1025, %mul3A_1024 : i32
      %add3A_1027 = arith.constant 2 : i32
      %add3A_1028 = arith.addi %add3A_1026, %add3A_1027 : i32
      %dma_wait3A_1029 = arith.constant 1 : i32
      %dma_wait3A_1030 = arith.constant 0 : i32
      %dma_wait3A_1031 = tpu.memref_slice %arg8[%dma_wait3A_1029, %dma_wait3A_1030] : memref<4x128xi32, #tpu.memory_space<vmem>> -> memref<1x128xi32, #tpu.memory_space<vmem>>
      %dma_wait3A_1032 = tpu.memref_squeeze %dma_wait3A_1031 : memref<1x128xi32, #tpu.memory_space<vmem>> -> memref<128xi32, #tpu.memory_space<vmem>>
      %dma_wait3A_1033 = arith.constant 0 : i32
      %dma_wait3A_1034 = arith.constant 0 : i32
      %dma_wait3A_1035 = tpu.memref_slice %arg11[%dma_wait3A_1033, %dma_wait3A_1034] : memref<10000x128xf32, #tpu.memory_space<vmem_shared>> -> memref<10000x128xf32, #tpu.memory_space<vmem_shared>>
      tpu.wait_indirect_dma semaphore(%arg19 : memref<!tpu.dma_semaphore, #tpu.memory_space<semaphore_mem>>) src(%arg10 : memref<128x128xf32, #tpu.memory_space<vmem>>) dst(%dma_wait3A_1035 : memref<10000x128xf32, #tpu.memory_space<vmem_shared>>)
      %add3A_1036 = arith.constant 1 : i32
      %add3A_1037 = arith.addi %add3A_1028, %add3A_1036 : i32
      %mul3A_1038 = arith.constant 32 : i32
      %mul3A_1039 = arith.muli %add3A_1037, %mul3A_1038 : i32
      %add3A_1040 = arith.addi %add3A, %mul3A_1039 : i32
      %dma_wait3A_1041 = arith.constant 3 : i32
      %dma_wait3A_1042 = arith.constant 0 : i32
      %dma_wait3A_1043 = tpu.memref_slice %arg7[%dma_wait3A_1041, %dma_wait3A_1042] : memref<4x128xi32, #tpu.memory_space<vmem>> -> memref<1x128xi32, #tpu.memory_space<vmem>>
      %dma_wait3A_1044 = tpu.memref_squeeze %dma_wait3A_1043 : memref<1x128xi32, #tpu.memory_space<vmem>> -> memref<128xi32, #tpu.memory_space<vmem>>
      %dma_wait3A_1045 = arith.constant 0 : i32
      %dma_wait3A_1046 = tpu.memref_slice %arg3[%add3A_1040, %dma_wait3A_1045] : memref<2500x128xi32, #tpu.memory_space<hbm>> -> memref<1x128xi32, #tpu.memory_space<hbm>>
      %dma_wait3A_1047 = tpu.memref_squeeze %dma_wait3A_1046 : memref<1x128xi32, #tpu.memory_space<hbm>> -> memref<128xi32, #tpu.memory_space<hbm>>
      %dma_wait3A_1048 = arith.constant 0 : i32
      %dma_wait3A_1049 = tpu.memref_slice %arg7[%dma_wait3A_1041, %dma_wait3A_1048] : memref<4x128xi32, #tpu.memory_space<vmem>> -> memref<1x128xi32, #tpu.memory_space<vmem>>
      %dma_wait3A_1050 = tpu.memref_squeeze %dma_wait3A_1049 : memref<1x128xi32, #tpu.memory_space<vmem>> -> memref<128xi32, #tpu.memory_space<vmem>>
      %dma_wait3A_1051 = arith.constant 0 : i32
      %dma_wait3A_1052 = tpu.memref_slice %arg3[%add3A_1040, %dma_wait3A_1051] : memref<2500x128xi32, #tpu.memory_space<hbm>> -> memref<1x128xi32, #tpu.memory_space<hbm>>
      %dma_wait3A_1053 = tpu.memref_squeeze %dma_wait3A_1052 : memref<1x128xi32, #tpu.memory_space<hbm>> -> memref<128xi32, #tpu.memory_space<hbm>>
      tpu.wait_dma2 semaphore(%arg15 : memref<!tpu.dma_semaphore, #tpu.memory_space<semaphore_mem>>) src(%dma_wait3A_1053 : memref<128xi32, #tpu.memory_space<hbm>>) dst(%dma_wait3A_1050 : memref<128xi32, #tpu.memory_space<vmem>>)
      %dma_wait3A_1054 = arith.constant 3 : i32
      %dma_wait3A_1055 = arith.constant 0 : i32
      %dma_wait3A_1056 = tpu.memref_slice %arg8[%dma_wait3A_1054, %dma_wait3A_1055] : memref<4x128xi32, #tpu.memory_space<vmem>> -> memref<1x128xi32, #tpu.memory_space<vmem>>
      %dma_wait3A_1057 = tpu.memref_squeeze %dma_wait3A_1056 : memref<1x128xi32, #tpu.memory_space<vmem>> -> memref<128xi32, #tpu.memory_space<vmem>>
      %dma_wait3A_1058 = arith.constant 0 : i32
      %dma_wait3A_1059 = tpu.memref_slice %arg4[%add3A_1040, %dma_wait3A_1058] : memref<2500x128xi32, #tpu.memory_space<hbm>> -> memref<1x128xi32, #tpu.memory_space<hbm>>
      %dma_wait3A_1060 = tpu.memref_squeeze %dma_wait3A_1059 : memref<1x128xi32, #tpu.memory_space<hbm>> -> memref<128xi32, #tpu.memory_space<hbm>>
      %dma_wait3A_1061 = arith.constant 0 : i32
      %dma_wait3A_1062 = tpu.memref_slice %arg8[%dma_wait3A_1054, %dma_wait3A_1061] : memref<4x128xi32, #tpu.memory_space<vmem>> -> memref<1x128xi32, #tpu.memory_space<vmem>>
      %dma_wait3A_1063 = tpu.memref_squeeze %dma_wait3A_1062 : memref<1x128xi32, #tpu.memory_space<vmem>> -> memref<128xi32, #tpu.memory_space<vmem>>
      %dma_wait3A_1064 = arith.constant 0 : i32
      %dma_wait3A_1065 = tpu.memref_slice %arg4[%add3A_1040, %dma_wait3A_1064] : memref<2500x128xi32, #tpu.memory_space<hbm>> -> memref<1x128xi32, #tpu.memory_space<hbm>>
      %dma_wait3A_1066 = tpu.memref_squeeze %dma_wait3A_1065 : memref<1x128xi32, #tpu.memory_space<hbm>> -> memref<128xi32, #tpu.memory_space<hbm>>
      tpu.wait_dma2 semaphore(%arg15 : memref<!tpu.dma_semaphore, #tpu.memory_space<semaphore_mem>>) src(%dma_wait3A_1066 : memref<128xi32, #tpu.memory_space<hbm>>) dst(%dma_wait3A_1063 : memref<128xi32, #tpu.memory_space<vmem>>)
      %dma_start3A_1067 = arith.constant 3 : i32
      %dma_start3A_1068 = arith.constant 0 : i32
      %dma_start3A_1069 = tpu.memref_slice %arg7[%dma_start3A_1067, %dma_start3A_1068] : memref<4x128xi32, #tpu.memory_space<vmem>> -> memref<1x128xi32, #tpu.memory_space<vmem>>
      %dma_start3A_1070 = tpu.memref_squeeze %dma_start3A_1069 : memref<1x128xi32, #tpu.memory_space<vmem>> -> memref<128xi32, #tpu.memory_space<vmem>>
      %dma_start3A_1071 = arith.constant 0 : i32
      %dma_start3A_1072 = arith.constant 0 : i32
      %dma_start3A_1073 = tpu.memref_slice %arg2[%dma_start3A_1071, %dma_start3A_1072] : memref<10000x128xf32, #tpu.memory_space<hbm>> -> memref<10000x128xf32, #tpu.memory_space<hbm>>
      tpu.enqueue_indirect_dma source(%dma_start3A_1073 : memref<10000x128xf32, #tpu.memory_space<hbm>>) target(%arg10 : memref<128x128xf32, #tpu.memory_space<vmem>>) offsets(%dma_start3A_1070 : memref<128xi32, #tpu.memory_space<vmem>>) semaphore(%arg17 : memref<!tpu.dma_semaphore, #tpu.memory_space<semaphore_mem>>)
      %add3A_1074 = arith.constant 2 : i32
      %add3A_1075 = arith.addi %add3A_1028, %add3A_1074 : i32
      %mul3A_1076 = arith.constant 32 : i32
      %mul3A_1077 = arith.muli %add3A_1075, %mul3A_1076 : i32
      %add3A_1078 = arith.addi %add3A, %mul3A_1077 : i32
      %dma_start3A_1079 = arith.constant 0 : i32
      %dma_start3A_1080 = arith.constant 0 : i32
      %dma_start3A_1081 = tpu.memref_slice %arg7[%dma_start3A_1079, %dma_start3A_1080] : memref<4x128xi32, #tpu.memory_space<vmem>> -> memref<1x128xi32, #tpu.memory_space<vmem>>
      %dma_start3A_1082 = tpu.memref_squeeze %dma_start3A_1081 : memref<1x128xi32, #tpu.memory_space<vmem>> -> memref<128xi32, #tpu.memory_space<vmem>>
      %dma_start3A_1083 = arith.constant 0 : i32
      %dma_start3A_1084 = tpu.memref_slice %arg3[%add3A_1078, %dma_start3A_1083] : memref<2500x128xi32, #tpu.memory_space<hbm>> -> memref<1x128xi32, #tpu.memory_space<hbm>>
      %dma_start3A_1085 = tpu.memref_squeeze %dma_start3A_1084 : memref<1x128xi32, #tpu.memory_space<hbm>> -> memref<128xi32, #tpu.memory_space<hbm>>
      %dma_start3A_1086 = arith.constant 0 : i32
      %dma_start3A_1087 = tpu.memref_slice %arg7[%dma_start3A_1079, %dma_start3A_1086] : memref<4x128xi32, #tpu.memory_space<vmem>> -> memref<1x128xi32, #tpu.memory_space<vmem>>
      %dma_start3A_1088 = tpu.memref_squeeze %dma_start3A_1087 : memref<1x128xi32, #tpu.memory_space<vmem>> -> memref<128xi32, #tpu.memory_space<vmem>>
      %dma_start3A_1089 = arith.constant 0 : i32
      %dma_start3A_1090 = tpu.memref_slice %arg3[%add3A_1078, %dma_start3A_1089] : memref<2500x128xi32, #tpu.memory_space<hbm>> -> memref<1x128xi32, #tpu.memory_space<hbm>>
      %dma_start3A_1091 = tpu.memref_squeeze %dma_start3A_1090 : memref<1x128xi32, #tpu.memory_space<hbm>> -> memref<128xi32, #tpu.memory_space<hbm>>
      tpu.enqueue_dma source(%dma_start3A_1091 : memref<128xi32, #tpu.memory_space<hbm>>) target(%dma_start3A_1088 : memref<128xi32, #tpu.memory_space<vmem>>) target_semaphore(%arg12 : memref<!tpu.dma_semaphore, #tpu.memory_space<semaphore_mem>>)
      %dma_start3A_1092 = arith.constant 0 : i32
      %dma_start3A_1093 = arith.constant 0 : i32
      %dma_start3A_1094 = tpu.memref_slice %arg8[%dma_start3A_1092, %dma_start3A_1093] : memref<4x128xi32, #tpu.memory_space<vmem>> -> memref<1x128xi32, #tpu.memory_space<vmem>>
      %dma_start3A_1095 = tpu.memref_squeeze %dma_start3A_1094 : memref<1x128xi32, #tpu.memory_space<vmem>> -> memref<128xi32, #tpu.memory_space<vmem>>
      %dma_start3A_1096 = arith.constant 0 : i32
      %dma_start3A_1097 = tpu.memref_slice %arg4[%add3A_1078, %dma_start3A_1096] : memref<2500x128xi32, #tpu.memory_space<hbm>> -> memref<1x128xi32, #tpu.memory_space<hbm>>
      %dma_start3A_1098 = tpu.memref_squeeze %dma_start3A_1097 : memref<1x128xi32, #tpu.memory_space<hbm>> -> memref<128xi32, #tpu.memory_space<hbm>>
      %dma_start3A_1099 = arith.constant 0 : i32
      %dma_start3A_1100 = tpu.memref_slice %arg8[%dma_start3A_1092, %dma_start3A_1099] : memref<4x128xi32, #tpu.memory_space<vmem>> -> memref<1x128xi32, #tpu.memory_space<vmem>>
      %dma_start3A_1101 = tpu.memref_squeeze %dma_start3A_1100 : memref<1x128xi32, #tpu.memory_space<vmem>> -> memref<128xi32, #tpu.memory_space<vmem>>
      %dma_start3A_1102 = arith.constant 0 : i32
      %dma_start3A_1103 = tpu.memref_slice %arg4[%add3A_1078, %dma_start3A_1102] : memref<2500x128xi32, #tpu.memory_space<hbm>> -> memref<1x128xi32, #tpu.memory_space<hbm>>
      %dma_start3A_1104 = tpu.memref_squeeze %dma_start3A_1103 : memref<1x128xi32, #tpu.memory_space<hbm>> -> memref<128xi32, #tpu.memory_space<hbm>>
      tpu.enqueue_dma source(%dma_start3A_1104 : memref<128xi32, #tpu.memory_space<hbm>>) target(%dma_start3A_1101 : memref<128xi32, #tpu.memory_space<vmem>>) target_semaphore(%arg12 : memref<!tpu.dma_semaphore, #tpu.memory_space<semaphore_mem>>)
      %dma_wait3A_1105 = arith.constant 2 : i32
      %dma_wait3A_1106 = arith.constant 0 : i32
      %dma_wait3A_1107 = tpu.memref_slice %arg7[%dma_wait3A_1105, %dma_wait3A_1106] : memref<4x128xi32, #tpu.memory_space<vmem>> -> memref<1x128xi32, #tpu.memory_space<vmem>>
      %dma_wait3A_1108 = tpu.memref_squeeze %dma_wait3A_1107 : memref<1x128xi32, #tpu.memory_space<vmem>> -> memref<128xi32, #tpu.memory_space<vmem>>
      %dma_wait3A_1109 = arith.constant 0 : i32
      %dma_wait3A_1110 = arith.constant 0 : i32
      %dma_wait3A_1111 = tpu.memref_slice %arg2[%dma_wait3A_1109, %dma_wait3A_1110] : memref<10000x128xf32, #tpu.memory_space<hbm>> -> memref<10000x128xf32, #tpu.memory_space<hbm>>
      tpu.wait_indirect_dma semaphore(%arg16 : memref<!tpu.dma_semaphore, #tpu.memory_space<semaphore_mem>>) src(%dma_wait3A_1111 : memref<10000x128xf32, #tpu.memory_space<hbm>>) dst(%arg9 : memref<128x128xf32, #tpu.memory_space<vmem>>)
      %dma_start3A_1112 = arith.constant 2 : i32
      %dma_start3A_1113 = arith.constant 0 : i32
      %dma_start3A_1114 = tpu.memref_slice %arg8[%dma_start3A_1112, %dma_start3A_1113] : memref<4x128xi32, #tpu.memory_space<vmem>> -> memref<1x128xi32, #tpu.memory_space<vmem>>
      %dma_start3A_1115 = tpu.memref_squeeze %dma_start3A_1114 : memref<1x128xi32, #tpu.memory_space<vmem>> -> memref<128xi32, #tpu.memory_space<vmem>>
      %dma_start3A_1116 = arith.constant 0 : i32
      %dma_start3A_1117 = arith.constant 0 : i32
      %dma_start3A_1118 = tpu.memref_slice %arg11[%dma_start3A_1116, %dma_start3A_1117] : memref<10000x128xf32, #tpu.memory_space<vmem_shared>> -> memref<10000x128xf32, #tpu.memory_space<vmem_shared>>
      tpu.enqueue_indirect_dma source(%arg9 : memref<128x128xf32, #tpu.memory_space<vmem>>) target(%dma_start3A_1118 : memref<10000x128xf32, #tpu.memory_space<vmem_shared>>) offsets(%dma_start3A_1115 : memref<128xi32, #tpu.memory_space<vmem>>) semaphore(%arg18 : memref<!tpu.dma_semaphore, #tpu.memory_space<semaphore_mem>>) {add = true}
      %get3A_1119 = arith.constant 2 : i32
      %get3A_1120 = arith.index_cast %get3A_1119 : i32 to index
      %get3A_1121 = arith.constant 0 : index
      %get3A_1122 = tpu.vector_load %arg8[%get3A_1120, %get3A_1121] {strides = array<i32>} : memref<4x128xi32, #tpu.memory_space<vmem>>, vector<16xi32>,
      tpu.vector_store_idx %arg20[%get3A_1122], %broadcast_in_dim3A_85 {add = true} : memref<10000xf32, #tpu.memory_space<vmem>>[vector<16xi32>], vector<16xf32>,
      %get3A_1123 = arith.constant 2 : i32
      %get3A_1124 = arith.index_cast %get3A_1123 : i32 to index
      %get3A_1125 = arith.constant 16 : index
      %get3A_1126 = tpu.vector_load %arg8[%get3A_1124, %get3A_1125] {strides = array<i32>} : memref<4x128xi32, #tpu.memory_space<vmem>>, vector<16xi32>,
      tpu.vector_store_idx %arg20[%get3A_1126], %broadcast_in_dim3A_85 {add = true} : memref<10000xf32, #tpu.memory_space<vmem>>[vector<16xi32>], vector<16xf32>,
      %get3A_1127 = arith.constant 2 : i32
      %get3A_1128 = arith.index_cast %get3A_1127 : i32 to index
      %get3A_1129 = arith.constant 32 : index
      %get3A_1130 = tpu.vector_load %arg8[%get3A_1128, %get3A_1129] {strides = array<i32>} : memref<4x128xi32, #tpu.memory_space<vmem>>, vector<16xi32>,
      tpu.vector_store_idx %arg20[%get3A_1130], %broadcast_in_dim3A_85 {add = true} : memref<10000xf32, #tpu.memory_space<vmem>>[vector<16xi32>], vector<16xf32>,
      %get3A_1131 = arith.constant 2 : i32
      %get3A_1132 = arith.index_cast %get3A_1131 : i32 to index
      %get3A_1133 = arith.constant 48 : index
      %get3A_1134 = tpu.vector_load %arg8[%get3A_1132, %get3A_1133] {strides = array<i32>} : memref<4x128xi32, #tpu.memory_space<vmem>>, vector<16xi32>,
      tpu.vector_store_idx %arg20[%get3A_1134], %broadcast_in_dim3A_85 {add = true} : memref<10000xf32, #tpu.memory_space<vmem>>[vector<16xi32>], vector<16xf32>,
      %get3A_1135 = arith.constant 2 : i32
      %get3A_1136 = arith.index_cast %get3A_1135 : i32 to index
      %get3A_1137 = arith.constant 64 : index
      %get3A_1138 = tpu.vector_load %arg8[%get3A_1136, %get3A_1137] {strides = array<i32>} : memref<4x128xi32, #tpu.memory_space<vmem>>, vector<16xi32>,
      tpu.vector_store_idx %arg20[%get3A_1138], %broadcast_in_dim3A_85 {add = true} : memref<10000xf32, #tpu.memory_space<vmem>>[vector<16xi32>], vector<16xf32>,
      %get3A_1139 = arith.constant 2 : i32
      %get3A_1140 = arith.index_cast %get3A_1139 : i32 to index
      %get3A_1141 = arith.constant 80 : index
      %get3A_1142 = tpu.vector_load %arg8[%get3A_1140, %get3A_1141] {strides = array<i32>} : memref<4x128xi32, #tpu.memory_space<vmem>>, vector<16xi32>,
      tpu.vector_store_idx %arg20[%get3A_1142], %broadcast_in_dim3A_85 {add = true} : memref<10000xf32, #tpu.memory_space<vmem>>[vector<16xi32>], vector<16xf32>,
      %get3A_1143 = arith.constant 2 : i32
      %get3A_1144 = arith.index_cast %get3A_1143 : i32 to index
      %get3A_1145 = arith.constant 96 : index
      %get3A_1146 = tpu.vector_load %arg8[%get3A_1144, %get3A_1145] {strides = array<i32>} : memref<4x128xi32, #tpu.memory_space<vmem>>, vector<16xi32>,
      tpu.vector_store_idx %arg20[%get3A_1146], %broadcast_in_dim3A_85 {add = true} : memref<10000xf32, #tpu.memory_space<vmem>>[vector<16xi32>], vector<16xf32>,
      %get3A_1147 = arith.constant 2 : i32
      %get3A_1148 = arith.index_cast %get3A_1147 : i32 to index
      %get3A_1149 = arith.constant 112 : index
      %get3A_1150 = tpu.vector_load %arg8[%get3A_1148, %get3A_1149] {strides = array<i32>} : memref<4x128xi32, #tpu.memory_space<vmem>>, vector<16xi32>,
      tpu.vector_store_idx %arg20[%get3A_1150], %broadcast_in_dim3A_85 {add = true} : memref<10000xf32, #tpu.memory_space<vmem>>[vector<16xi32>], vector<16xf32>,
      %mul3A_1151 = arith.constant 4 : i32
      %mul3A_1152 = arith.muli %mul3A_1151, %scan3A_765 : i32
      %add3A_1153 = arith.constant 4 : i32
      %add3A_1154 = arith.addi %add3A_1153, %mul3A_1152 : i32
      %add3A_1155 = arith.constant 3 : i32
      %add3A_1156 = arith.addi %add3A_1154, %add3A_1155 : i32
      %dma_wait3A_1157 = arith.constant 2 : i32
      %dma_wait3A_1158 = arith.constant 0 : i32
      %dma_wait3A_1159 = tpu.memref_slice %arg8[%dma_wait3A_1157, %dma_wait3A_1158] : memref<4x128xi32, #tpu.memory_space<vmem>> -> memref<1x128xi32, #tpu.memory_space<vmem>>
      %dma_wait3A_1160 = tpu.memref_squeeze %dma_wait3A_1159 : memref<1x128xi32, #tpu.memory_space<vmem>> -> memref<128xi32, #tpu.memory_space<vmem>>
      %dma_wait3A_1161 = arith.constant 0 : i32
      %dma_wait3A_1162 = arith.constant 0 : i32
      %dma_wait3A_1163 = tpu.memref_slice %arg11[%dma_wait3A_1161, %dma_wait3A_1162] : memref<10000x128xf32, #tpu.memory_space<vmem_shared>> -> memref<10000x128xf32, #tpu.memory_space<vmem_shared>>
      tpu.wait_indirect_dma semaphore(%arg18 : memref<!tpu.dma_semaphore, #tpu.memory_space<semaphore_mem>>) src(%arg9 : memref<128x128xf32, #tpu.memory_space<vmem>>) dst(%dma_wait3A_1163 : memref<10000x128xf32, #tpu.memory_space<vmem_shared>>)
      %add3A_1164 = arith.constant 1 : i32
      %add3A_1165 = arith.addi %add3A_1156, %add3A_1164 : i32
      %mul3A_1166 = arith.constant 32 : i32
      %mul3A_1167 = arith.muli %add3A_1165, %mul3A_1166 : i32
      %add3A_1168 = arith.addi %add3A, %mul3A_1167 : i32
      %dma_wait3A_1169 = arith.constant 0 : i32
      %dma_wait3A_1170 = arith.constant 0 : i32
      %dma_wait3A_1171 = tpu.memref_slice %arg7[%dma_wait3A_1169, %dma_wait3A_1170] : memref<4x128xi32, #tpu.memory_space<vmem>> -> memref<1x128xi32, #tpu.memory_space<vmem>>
      %dma_wait3A_1172 = tpu.memref_squeeze %dma_wait3A_1171 : memref<1x128xi32, #tpu.memory_space<vmem>> -> memref<128xi32, #tpu.memory_space<vmem>>
      %dma_wait3A_1173 = arith.constant 0 : i32
      %dma_wait3A_1174 = tpu.memref_slice %arg3[%add3A_1168, %dma_wait3A_1173] : memref<2500x128xi32, #tpu.memory_space<hbm>> -> memref<1x128xi32, #tpu.memory_space<hbm>>
      %dma_wait3A_1175 = tpu.memref_squeeze %dma_wait3A_1174 : memref<1x128xi32, #tpu.memory_space<hbm>> -> memref<128xi32, #tpu.memory_space<hbm>>
      %dma_wait3A_1176 = arith.constant 0 : i32
      %dma_wait3A_1177 = tpu.memref_slice %arg7[%dma_wait3A_1169, %dma_wait3A_1176] : memref<4x128xi32, #tpu.memory_space<vmem>> -> memref<1x128xi32, #tpu.memory_space<vmem>>
      %dma_wait3A_1178 = tpu.memref_squeeze %dma_wait3A_1177 : memref<1x128xi32, #tpu.memory_space<vmem>> -> memref<128xi32, #tpu.memory_space<vmem>>
      %dma_wait3A_1179 = arith.constant 0 : i32
      %dma_wait3A_1180 = tpu.memref_slice %arg3[%add3A_1168, %dma_wait3A_1179] : memref<2500x128xi32, #tpu.memory_space<hbm>> -> memref<1x128xi32, #tpu.memory_space<hbm>>
      %dma_wait3A_1181 = tpu.memref_squeeze %dma_wait3A_1180 : memref<1x128xi32, #tpu.memory_space<hbm>> -> memref<128xi32, #tpu.memory_space<hbm>>
      tpu.wait_dma2 semaphore(%arg12 : memref<!tpu.dma_semaphore, #tpu.memory_space<semaphore_mem>>) src(%dma_wait3A_1181 : memref<128xi32, #tpu.memory_space<hbm>>) dst(%dma_wait3A_1178 : memref<128xi32, #tpu.memory_space<vmem>>)
      %dma_wait3A_1182 = arith.constant 0 : i32
      %dma_wait3A_1183 = arith.constant 0 : i32
      %dma_wait3A_1184 = tpu.memref_slice %arg8[%dma_wait3A_1182, %dma_wait3A_1183] : memref<4x128xi32, #tpu.memory_space<vmem>> -> memref<1x128xi32, #tpu.memory_space<vmem>>
      %dma_wait3A_1185 = tpu.memref_squeeze %dma_wait3A_1184 : memref<1x128xi32, #tpu.memory_space<vmem>> -> memref<128xi32, #tpu.memory_space<vmem>>
      %dma_wait3A_1186 = arith.constant 0 : i32
      %dma_wait3A_1187 = tpu.memref_slice %arg4[%add3A_1168, %dma_wait3A_1186] : memref<2500x128xi32, #tpu.memory_space<hbm>> -> memref<1x128xi32, #tpu.memory_space<hbm>>
      %dma_wait3A_1188 = tpu.memref_squeeze %dma_wait3A_1187 : memref<1x128xi32, #tpu.memory_space<hbm>> -> memref<128xi32, #tpu.memory_space<hbm>>
      %dma_wait3A_1189 = arith.constant 0 : i32
      %dma_wait3A_1190 = tpu.memref_slice %arg8[%dma_wait3A_1182, %dma_wait3A_1189] : memref<4x128xi32, #tpu.memory_space<vmem>> -> memref<1x128xi32, #tpu.memory_space<vmem>>
      %dma_wait3A_1191 = tpu.memref_squeeze %dma_wait3A_1190 : memref<1x128xi32, #tpu.memory_space<vmem>> -> memref<128xi32, #tpu.memory_space<vmem>>
      %dma_wait3A_1192 = arith.constant 0 : i32
      %dma_wait3A_1193 = tpu.memref_slice %arg4[%add3A_1168, %dma_wait3A_1192] : memref<2500x128xi32, #tpu.memory_space<hbm>> -> memref<1x128xi32, #tpu.memory_space<hbm>>
      %dma_wait3A_1194 = tpu.memref_squeeze %dma_wait3A_1193 : memref<1x128xi32, #tpu.memory_space<hbm>> -> memref<128xi32, #tpu.memory_space<hbm>>
      tpu.wait_dma2 semaphore(%arg12 : memref<!tpu.dma_semaphore, #tpu.memory_space<semaphore_mem>>) src(%dma_wait3A_1194 : memref<128xi32, #tpu.memory_space<hbm>>) dst(%dma_wait3A_1191 : memref<128xi32, #tpu.memory_space<vmem>>)
      %dma_start3A_1195 = arith.constant 0 : i32
      %dma_start3A_1196 = arith.constant 0 : i32
      %dma_start3A_1197 = tpu.memref_slice %arg7[%dma_start3A_1195, %dma_start3A_1196] : memref<4x128xi32, #tpu.memory_space<vmem>> -> memref<1x128xi32, #tpu.memory_space<vmem>>
      %dma_start3A_1198 = tpu.memref_squeeze %dma_start3A_1197 : memref<1x128xi32, #tpu.memory_space<vmem>> -> memref<128xi32, #tpu.memory_space<vmem>>
      %dma_start3A_1199 = arith.constant 0 : i32
      %dma_start3A_1200 = arith.constant 0 : i32
      %dma_start3A_1201 = tpu.memref_slice %arg2[%dma_start3A_1199, %dma_start3A_1200] : memref<10000x128xf32, #tpu.memory_space<hbm>> -> memref<10000x128xf32, #tpu.memory_space<hbm>>
      tpu.enqueue_indirect_dma source(%dma_start3A_1201 : memref<10000x128xf32, #tpu.memory_space<hbm>>) target(%arg9 : memref<128x128xf32, #tpu.memory_space<vmem>>) offsets(%dma_start3A_1198 : memref<128xi32, #tpu.memory_space<vmem>>) semaphore(%arg16 : memref<!tpu.dma_semaphore, #tpu.memory_space<semaphore_mem>>)
      %add3A_1202 = arith.constant 2 : i32
      %add3A_1203 = arith.addi %add3A_1156, %add3A_1202 : i32
      %mul3A_1204 = arith.constant 32 : i32
      %mul3A_1205 = arith.muli %add3A_1203, %mul3A_1204 : i32
      %add3A_1206 = arith.addi %add3A, %mul3A_1205 : i32
      %dma_start3A_1207 = arith.constant 1 : i32
      %dma_start3A_1208 = arith.constant 0 : i32
      %dma_start3A_1209 = tpu.memref_slice %arg7[%dma_start3A_1207, %dma_start3A_1208] : memref<4x128xi32, #tpu.memory_space<vmem>> -> memref<1x128xi32, #tpu.memory_space<vmem>>
      %dma_start3A_1210 = tpu.memref_squeeze %dma_start3A_1209 : memref<1x128xi32, #tpu.memory_space<vmem>> -> memref<128xi32, #tpu.memory_space<vmem>>
      %dma_start3A_1211 = arith.constant 0 : i32
      %dma_start3A_1212 = tpu.memref_slice %arg3[%add3A_1206, %dma_start3A_1211] : memref<2500x128xi32, #tpu.memory_space<hbm>> -> memref<1x128xi32, #tpu.memory_space<hbm>>
      %dma_start3A_1213 = tpu.memref_squeeze %dma_start3A_1212 : memref<1x128xi32, #tpu.memory_space<hbm>> -> memref<128xi32, #tpu.memory_space<hbm>>
      %dma_start3A_1214 = arith.constant 0 : i32
      %dma_start3A_1215 = tpu.memref_slice %arg7[%dma_start3A_1207, %dma_start3A_1214] : memref<4x128xi32, #tpu.memory_space<vmem>> -> memref<1x128xi32, #tpu.memory_space<vmem>>
      %dma_start3A_1216 = tpu.memref_squeeze %dma_start3A_1215 : memref<1x128xi32, #tpu.memory_space<vmem>> -> memref<128xi32, #tpu.memory_space<vmem>>
      %dma_start3A_1217 = arith.constant 0 : i32
      %dma_start3A_1218 = tpu.memref_slice %arg3[%add3A_1206, %dma_start3A_1217] : memref<2500x128xi32, #tpu.memory_space<hbm>> -> memref<1x128xi32, #tpu.memory_space<hbm>>
      %dma_start3A_1219 = tpu.memref_squeeze %dma_start3A_1218 : memref<1x128xi32, #tpu.memory_space<hbm>> -> memref<128xi32, #tpu.memory_space<hbm>>
      tpu.enqueue_dma source(%dma_start3A_1219 : memref<128xi32, #tpu.memory_space<hbm>>) target(%dma_start3A_1216 : memref<128xi32, #tpu.memory_space<vmem>>) target_semaphore(%arg13 : memref<!tpu.dma_semaphore, #tpu.memory_space<semaphore_mem>>)
      %dma_start3A_1220 = arith.constant 1 : i32
      %dma_start3A_1221 = arith.constant 0 : i32
      %dma_start3A_1222 = tpu.memref_slice %arg8[%dma_start3A_1220, %dma_start3A_1221] : memref<4x128xi32, #tpu.memory_space<vmem>> -> memref<1x128xi32, #tpu.memory_space<vmem>>
      %dma_start3A_1223 = tpu.memref_squeeze %dma_start3A_1222 : memref<1x128xi32, #tpu.memory_space<vmem>> -> memref<128xi32, #tpu.memory_space<vmem>>
      %dma_start3A_1224 = arith.constant 0 : i32
      %dma_start3A_1225 = tpu.memref_slice %arg4[%add3A_1206, %dma_start3A_1224] : memref<2500x128xi32, #tpu.memory_space<hbm>> -> memref<1x128xi32, #tpu.memory_space<hbm>>
      %dma_start3A_1226 = tpu.memref_squeeze %dma_start3A_1225 : memref<1x128xi32, #tpu.memory_space<hbm>> -> memref<128xi32, #tpu.memory_space<hbm>>
      %dma_start3A_1227 = arith.constant 0 : i32
      %dma_start3A_1228 = tpu.memref_slice %arg8[%dma_start3A_1220, %dma_start3A_1227] : memref<4x128xi32, #tpu.memory_space<vmem>> -> memref<1x128xi32, #tpu.memory_space<vmem>>
      %dma_start3A_1229 = tpu.memref_squeeze %dma_start3A_1228 : memref<1x128xi32, #tpu.memory_space<vmem>> -> memref<128xi32, #tpu.memory_space<vmem>>
      %dma_start3A_1230 = arith.constant 0 : i32
      %dma_start3A_1231 = tpu.memref_slice %arg4[%add3A_1206, %dma_start3A_1230] : memref<2500x128xi32, #tpu.memory_space<hbm>> -> memref<1x128xi32, #tpu.memory_space<hbm>>
      %dma_start3A_1232 = tpu.memref_squeeze %dma_start3A_1231 : memref<1x128xi32, #tpu.memory_space<hbm>> -> memref<128xi32, #tpu.memory_space<hbm>>
      tpu.enqueue_dma source(%dma_start3A_1232 : memref<128xi32, #tpu.memory_space<hbm>>) target(%dma_start3A_1229 : memref<128xi32, #tpu.memory_space<vmem>>) target_semaphore(%arg13 : memref<!tpu.dma_semaphore, #tpu.memory_space<semaphore_mem>>)
      %dma_wait3A_1233 = arith.constant 3 : i32
      %dma_wait3A_1234 = arith.constant 0 : i32
      %dma_wait3A_1235 = tpu.memref_slice %arg7[%dma_wait3A_1233, %dma_wait3A_1234] : memref<4x128xi32, #tpu.memory_space<vmem>> -> memref<1x128xi32, #tpu.memory_space<vmem>>
      %dma_wait3A_1236 = tpu.memref_squeeze %dma_wait3A_1235 : memref<1x128xi32, #tpu.memory_space<vmem>> -> memref<128xi32, #tpu.memory_space<vmem>>
      %dma_wait3A_1237 = arith.constant 0 : i32
      %dma_wait3A_1238 = arith.constant 0 : i32
      %dma_wait3A_1239 = tpu.memref_slice %arg2[%dma_wait3A_1237, %dma_wait3A_1238] : memref<10000x128xf32, #tpu.memory_space<hbm>> -> memref<10000x128xf32, #tpu.memory_space<hbm>>
      tpu.wait_indirect_dma semaphore(%arg17 : memref<!tpu.dma_semaphore, #tpu.memory_space<semaphore_mem>>) src(%dma_wait3A_1239 : memref<10000x128xf32, #tpu.memory_space<hbm>>) dst(%arg10 : memref<128x128xf32, #tpu.memory_space<vmem>>)
      %dma_start3A_1240 = arith.constant 3 : i32
      %dma_start3A_1241 = arith.constant 0 : i32
      %dma_start3A_1242 = tpu.memref_slice %arg8[%dma_start3A_1240, %dma_start3A_1241] : memref<4x128xi32, #tpu.memory_space<vmem>> -> memref<1x128xi32, #tpu.memory_space<vmem>>
      %dma_start3A_1243 = tpu.memref_squeeze %dma_start3A_1242 : memref<1x128xi32, #tpu.memory_space<vmem>> -> memref<128xi32, #tpu.memory_space<vmem>>
      %dma_start3A_1244 = arith.constant 0 : i32
      %dma_start3A_1245 = arith.constant 0 : i32
      %dma_start3A_1246 = tpu.memref_slice %arg11[%dma_start3A_1244, %dma_start3A_1245] : memref<10000x128xf32, #tpu.memory_space<vmem_shared>> -> memref<10000x128xf32, #tpu.memory_space<vmem_shared>>
      tpu.enqueue_indirect_dma source(%arg10 : memref<128x128xf32, #tpu.memory_space<vmem>>) target(%dma_start3A_1246 : memref<10000x128xf32, #tpu.memory_space<vmem_shared>>) offsets(%dma_start3A_1243 : memref<128xi32, #tpu.memory_space<vmem>>) semaphore(%arg19 : memref<!tpu.dma_semaphore, #tpu.memory_space<semaphore_mem>>) {add = true}
      %get3A_1247 = arith.constant 3 : i32
      %get3A_1248 = arith.index_cast %get3A_1247 : i32 to index
      %get3A_1249 = arith.constant 0 : index
      %get3A_1250 = tpu.vector_load %arg8[%get3A_1248, %get3A_1249] {strides = array<i32>} : memref<4x128xi32, #tpu.memory_space<vmem>>, vector<16xi32>,
      tpu.vector_store_idx %arg20[%get3A_1250], %broadcast_in_dim3A_85 {add = true} : memref<10000xf32, #tpu.memory_space<vmem>>[vector<16xi32>], vector<16xf32>,
      %get3A_1251 = arith.constant 3 : i32
      %get3A_1252 = arith.index_cast %get3A_1251 : i32 to index
      %get3A_1253 = arith.constant 16 : index
      %get3A_1254 = tpu.vector_load %arg8[%get3A_1252, %get3A_1253] {strides = array<i32>} : memref<4x128xi32, #tpu.memory_space<vmem>>, vector<16xi32>,
      tpu.vector_store_idx %arg20[%get3A_1254], %broadcast_in_dim3A_85 {add = true} : memref<10000xf32, #tpu.memory_space<vmem>>[vector<16xi32>], vector<16xf32>,
      %get3A_1255 = arith.constant 3 : i32
      %get3A_1256 = arith.index_cast %get3A_1255 : i32 to index
      %get3A_1257 = arith.constant 32 : index
      %get3A_1258 = tpu.vector_load %arg8[%get3A_1256, %get3A_1257] {strides = array<i32>} : memref<4x128xi32, #tpu.memory_space<vmem>>, vector<16xi32>,
      tpu.vector_store_idx %arg20[%get3A_1258], %broadcast_in_dim3A_85 {add = true} : memref<10000xf32, #tpu.memory_space<vmem>>[vector<16xi32>], vector<16xf32>,
      %get3A_1259 = arith.constant 3 : i32
      %get3A_1260 = arith.index_cast %get3A_1259 : i32 to index
      %get3A_1261 = arith.constant 48 : index
      %get3A_1262 = tpu.vector_load %arg8[%get3A_1260, %get3A_1261] {strides = array<i32>} : memref<4x128xi32, #tpu.memory_space<vmem>>, vector<16xi32>,
      tpu.vector_store_idx %arg20[%get3A_1262], %broadcast_in_dim3A_85 {add = true} : memref<10000xf32, #tpu.memory_space<vmem>>[vector<16xi32>], vector<16xf32>,
      %get3A_1263 = arith.constant 3 : i32
      %get3A_1264 = arith.index_cast %get3A_1263 : i32 to index
      %get3A_1265 = arith.constant 64 : index
      %get3A_1266 = tpu.vector_load %arg8[%get3A_1264, %get3A_1265] {strides = array<i32>} : memref<4x128xi32, #tpu.memory_space<vmem>>, vector<16xi32>,
      tpu.vector_store_idx %arg20[%get3A_1266], %broadcast_in_dim3A_85 {add = true} : memref<10000xf32, #tpu.memory_space<vmem>>[vector<16xi32>], vector<16xf32>,
      %get3A_1267 = arith.constant 3 : i32
      %get3A_1268 = arith.index_cast %get3A_1267 : i32 to index
      %get3A_1269 = arith.constant 80 : index
      %get3A_1270 = tpu.vector_load %arg8[%get3A_1268, %get3A_1269] {strides = array<i32>} : memref<4x128xi32, #tpu.memory_space<vmem>>, vector<16xi32>,
      tpu.vector_store_idx %arg20[%get3A_1270], %broadcast_in_dim3A_85 {add = true} : memref<10000xf32, #tpu.memory_space<vmem>>[vector<16xi32>], vector<16xf32>,
      %get3A_1271 = arith.constant 3 : i32
      %get3A_1272 = arith.index_cast %get3A_1271 : i32 to index
      %get3A_1273 = arith.constant 96 : index
      %get3A_1274 = tpu.vector_load %arg8[%get3A_1272, %get3A_1273] {strides = array<i32>} : memref<4x128xi32, #tpu.memory_space<vmem>>, vector<16xi32>,
      tpu.vector_store_idx %arg20[%get3A_1274], %broadcast_in_dim3A_85 {add = true} : memref<10000xf32, #tpu.memory_space<vmem>>[vector<16xi32>], vector<16xf32>,
      %get3A_1275 = arith.constant 3 : i32
      %get3A_1276 = arith.index_cast %get3A_1275 : i32 to index
      %get3A_1277 = arith.constant 112 : index
      %get3A_1278 = tpu.vector_load %arg8[%get3A_1276, %get3A_1277] {strides = array<i32>} : memref<4x128xi32, #tpu.memory_space<vmem>>, vector<16xi32>,
      tpu.vector_store_idx %arg20[%get3A_1278], %broadcast_in_dim3A_85 {add = true} : memref<10000xf32, #tpu.memory_space<vmem>>[vector<16xi32>], vector<16xf32>,
      %scan3A_1279 = arith.constant 0 : i32
      scf.yield %scan3A_1279 : i32
    }
    %scan3A_582 = arith.constant 18 : i32
    %dma_wait3A_583 = arith.constant 3 : i32
    %dma_wait3A_584 = arith.constant 0 : i32
    %dma_wait3A_585 = tpu.memref_slice %arg8[%dma_wait3A_583, %dma_wait3A_584] : memref<4x128xi32, #tpu.memory_space<vmem>> -> memref<1x128xi32, #tpu.memory_space<vmem>>
    %dma_wait3A_586 = tpu.memref_squeeze %dma_wait3A_585 : memref<1x128xi32, #tpu.memory_space<vmem>> -> memref<128xi32, #tpu.memory_space<vmem>>
    %dma_wait3A_587 = arith.constant 0 : i32
    %dma_wait3A_588 = arith.constant 0 : i32
    %dma_wait3A_589 = tpu.memref_slice %arg11[%dma_wait3A_587, %dma_wait3A_588] : memref<10000x128xf32, #tpu.memory_space<vmem_shared>> -> memref<10000x128xf32, #tpu.memory_space<vmem_shared>>
    tpu.wait_indirect_dma semaphore(%arg19 : memref<!tpu.dma_semaphore, #tpu.memory_space<semaphore_mem>>) src(%arg10 : memref<128x128xf32, #tpu.memory_space<vmem>>) dst(%dma_wait3A_589 : memref<10000x128xf32, #tpu.memory_space<vmem_shared>>)
    %add3A_590 = arith.constant 2464 : i32
    %add3A_591 = arith.addi %add3A, %add3A_590 : i32
    %dma_wait3A_592 = arith.constant 1 : i32
    %dma_wait3A_593 = arith.constant 0 : i32
    %dma_wait3A_594 = tpu.memref_slice %arg7[%dma_wait3A_592, %dma_wait3A_593] : memref<4x128xi32, #tpu.memory_space<vmem>> -> memref<1x128xi32, #tpu.memory_space<vmem>>
    %dma_wait3A_595 = tpu.memref_squeeze %dma_wait3A_594 : memref<1x128xi32, #tpu.memory_space<vmem>> -> memref<128xi32, #tpu.memory_space<vmem>>
    %dma_wait3A_596 = arith.constant 0 : i32
    %dma_wait3A_597 = tpu.memref_slice %arg3[%add3A_591, %dma_wait3A_596] : memref<2500x128xi32, #tpu.memory_space<hbm>> -> memref<1x128xi32, #tpu.memory_space<hbm>>
    %dma_wait3A_598 = tpu.memref_squeeze %dma_wait3A_597 : memref<1x128xi32, #tpu.memory_space<hbm>> -> memref<128xi32, #tpu.memory_space<hbm>>
    %dma_wait3A_599 = arith.constant 0 : i32
    %dma_wait3A_600 = tpu.memref_slice %arg7[%dma_wait3A_592, %dma_wait3A_599] : memref<4x128xi32, #tpu.memory_space<vmem>> -> memref<1x128xi32, #tpu.memory_space<vmem>>
    %dma_wait3A_601 = tpu.memref_squeeze %dma_wait3A_600 : memref<1x128xi32, #tpu.memory_space<vmem>> -> memref<128xi32, #tpu.memory_space<vmem>>
    %dma_wait3A_602 = arith.constant 0 : i32
    %dma_wait3A_603 = tpu.memref_slice %arg3[%add3A_591, %dma_wait3A_602] : memref<2500x128xi32, #tpu.memory_space<hbm>> -> memref<1x128xi32, #tpu.memory_space<hbm>>
    %dma_wait3A_604 = tpu.memref_squeeze %dma_wait3A_603 : memref<1x128xi32, #tpu.memory_space<hbm>> -> memref<128xi32, #tpu.memory_space<hbm>>
    tpu.wait_dma2 semaphore(%arg13 : memref<!tpu.dma_semaphore, #tpu.memory_space<semaphore_mem>>) src(%dma_wait3A_604 : memref<128xi32, #tpu.memory_space<hbm>>) dst(%dma_wait3A_601 : memref<128xi32, #tpu.memory_space<vmem>>)
    %dma_wait3A_605 = arith.constant 1 : i32
    %dma_wait3A_606 = arith.constant 0 : i32
    %dma_wait3A_607 = tpu.memref_slice %arg8[%dma_wait3A_605, %dma_wait3A_606] : memref<4x128xi32, #tpu.memory_space<vmem>> -> memref<1x128xi32, #tpu.memory_space<vmem>>
    %dma_wait3A_608 = tpu.memref_squeeze %dma_wait3A_607 : memref<1x128xi32, #tpu.memory_space<vmem>> -> memref<128xi32, #tpu.memory_space<vmem>>
    %dma_wait3A_609 = arith.constant 0 : i32
    %dma_wait3A_610 = tpu.memref_slice %arg4[%add3A_591, %dma_wait3A_609] : memref<2500x128xi32, #tpu.memory_space<hbm>> -> memref<1x128xi32, #tpu.memory_space<hbm>>
    %dma_wait3A_611 = tpu.memref_squeeze %dma_wait3A_610 : memref<1x128xi32, #tpu.memory_space<hbm>> -> memref<128xi32, #tpu.memory_space<hbm>>
    %dma_wait3A_612 = arith.constant 0 : i32
    %dma_wait3A_613 = tpu.memref_slice %arg8[%dma_wait3A_605, %dma_wait3A_612] : memref<4x128xi32, #tpu.memory_space<vmem>> -> memref<1x128xi32, #tpu.memory_space<vmem>>
    %dma_wait3A_614 = tpu.memref_squeeze %dma_wait3A_613 : memref<1x128xi32, #tpu.memory_space<vmem>> -> memref<128xi32, #tpu.memory_space<vmem>>
    %dma_wait3A_615 = arith.constant 0 : i32
    %dma_wait3A_616 = tpu.memref_slice %arg4[%add3A_591, %dma_wait3A_615] : memref<2500x128xi32, #tpu.memory_space<hbm>> -> memref<1x128xi32, #tpu.memory_space<hbm>>
    %dma_wait3A_617 = tpu.memref_squeeze %dma_wait3A_616 : memref<1x128xi32, #tpu.memory_space<hbm>> -> memref<128xi32, #tpu.memory_space<hbm>>
    tpu.wait_dma2 semaphore(%arg13 : memref<!tpu.dma_semaphore, #tpu.memory_space<semaphore_mem>>) src(%dma_wait3A_617 : memref<128xi32, #tpu.memory_space<hbm>>) dst(%dma_wait3A_614 : memref<128xi32, #tpu.memory_space<vmem>>)
    %dma_start3A_618 = arith.constant 1 : i32
    %dma_start3A_619 = arith.constant 0 : i32
    %dma_start3A_620 = tpu.memref_slice %arg7[%dma_start3A_618, %dma_start3A_619] : memref<4x128xi32, #tpu.memory_space<vmem>> -> memref<1x128xi32, #tpu.memory_space<vmem>>
    %dma_start3A_621 = tpu.memref_squeeze %dma_start3A_620 : memref<1x128xi32, #tpu.memory_space<vmem>> -> memref<128xi32, #tpu.memory_space<vmem>>
    %dma_start3A_622 = arith.constant 0 : i32
    %dma_start3A_623 = arith.constant 0 : i32
    %dma_start3A_624 = tpu.memref_slice %arg2[%dma_start3A_622, %dma_start3A_623] : memref<10000x128xf32, #tpu.memory_space<hbm>> -> memref<10000x128xf32, #tpu.memory_space<hbm>>
    tpu.enqueue_indirect_dma source(%dma_start3A_624 : memref<10000x128xf32, #tpu.memory_space<hbm>>) target(%arg10 : memref<128x128xf32, #tpu.memory_space<vmem>>) offsets(%dma_start3A_621 : memref<128xi32, #tpu.memory_space<vmem>>) semaphore(%arg17 : memref<!tpu.dma_semaphore, #tpu.memory_space<semaphore_mem>>)
    %dma_wait3A_625 = arith.constant 0 : i32
    %dma_wait3A_626 = arith.constant 0 : i32
    %dma_wait3A_627 = tpu.memref_slice %arg7[%dma_wait3A_625, %dma_wait3A_626] : memref<4x128xi32, #tpu.memory_space<vmem>> -> memref<1x128xi32, #tpu.memory_space<vmem>>
    %dma_wait3A_628 = tpu.memref_squeeze %dma_wait3A_627 : memref<1x128xi32, #tpu.memory_space<vmem>> -> memref<128xi32, #tpu.memory_space<vmem>>
    %dma_wait3A_629 = arith.constant 0 : i32
    %dma_wait3A_630 = arith.constant 0 : i32
    %dma_wait3A_631 = tpu.memref_slice %arg2[%dma_wait3A_629, %dma_wait3A_630] : memref<10000x128xf32, #tpu.memory_space<hbm>> -> memref<10000x128xf32, #tpu.memory_space<hbm>>
    tpu.wait_indirect_dma semaphore(%arg16 : memref<!tpu.dma_semaphore, #tpu.memory_space<semaphore_mem>>) src(%dma_wait3A_631 : memref<10000x128xf32, #tpu.memory_space<hbm>>) dst(%arg9 : memref<128x128xf32, #tpu.memory_space<vmem>>)
    %dma_start3A_632 = arith.constant 0 : i32
    %dma_start3A_633 = arith.constant 0 : i32
    %dma_start3A_634 = tpu.memref_slice %arg8[%dma_start3A_632, %dma_start3A_633] : memref<4x128xi32, #tpu.memory_space<vmem>> -> memref<1x128xi32, #tpu.memory_space<vmem>>
    %dma_start3A_635 = tpu.memref_squeeze %dma_start3A_634 : memref<1x128xi32, #tpu.memory_space<vmem>> -> memref<128xi32, #tpu.memory_space<vmem>>
    %dma_start3A_636 = arith.constant 0 : i32
    %dma_start3A_637 = arith.constant 0 : i32
    %dma_start3A_638 = tpu.memref_slice %arg11[%dma_start3A_636, %dma_start3A_637] : memref<10000x128xf32, #tpu.memory_space<vmem_shared>> -> memref<10000x128xf32, #tpu.memory_space<vmem_shared>>
    tpu.enqueue_indirect_dma source(%arg9 : memref<128x128xf32, #tpu.memory_space<vmem>>) target(%dma_start3A_638 : memref<10000x128xf32, #tpu.memory_space<vmem_shared>>) offsets(%dma_start3A_635 : memref<128xi32, #tpu.memory_space<vmem>>) semaphore(%arg18 : memref<!tpu.dma_semaphore, #tpu.memory_space<semaphore_mem>>) {add = true}
    %get3A_639 = arith.constant 0 : i32
    %get3A_640 = arith.index_cast %get3A_639 : i32 to index
    %get3A_641 = arith.constant 0 : index
    %get3A_642 = tpu.vector_load %arg8[%get3A_640, %get3A_641] {strides = array<i32>} : memref<4x128xi32, #tpu.memory_space<vmem>>, vector<16xi32>,
    tpu.vector_store_idx %arg20[%get3A_642], %broadcast_in_dim3A_85 {add = true} : memref<10000xf32, #tpu.memory_space<vmem>>[vector<16xi32>], vector<16xf32>,
    %get3A_643 = arith.constant 0 : i32
    %get3A_644 = arith.index_cast %get3A_643 : i32 to index
    %get3A_645 = arith.constant 16 : index
    %get3A_646 = tpu.vector_load %arg8[%get3A_644, %get3A_645] {strides = array<i32>} : memref<4x128xi32, #tpu.memory_space<vmem>>, vector<16xi32>,
    tpu.vector_store_idx %arg20[%get3A_646], %broadcast_in_dim3A_85 {add = true} : memref<10000xf32, #tpu.memory_space<vmem>>[vector<16xi32>], vector<16xf32>,
    %get3A_647 = arith.constant 0 : i32
    %get3A_648 = arith.index_cast %get3A_647 : i32 to index
    %get3A_649 = arith.constant 32 : index
    %get3A_650 = tpu.vector_load %arg8[%get3A_648, %get3A_649] {strides = array<i32>} : memref<4x128xi32, #tpu.memory_space<vmem>>, vector<16xi32>,
    tpu.vector_store_idx %arg20[%get3A_650], %broadcast_in_dim3A_85 {add = true} : memref<10000xf32, #tpu.memory_space<vmem>>[vector<16xi32>], vector<16xf32>,
    %get3A_651 = arith.constant 0 : i32
    %get3A_652 = arith.index_cast %get3A_651 : i32 to index
    %get3A_653 = arith.constant 48 : index
    %get3A_654 = tpu.vector_load %arg8[%get3A_652, %get3A_653] {strides = array<i32>} : memref<4x128xi32, #tpu.memory_space<vmem>>, vector<16xi32>,
    tpu.vector_store_idx %arg20[%get3A_654], %broadcast_in_dim3A_85 {add = true} : memref<10000xf32, #tpu.memory_space<vmem>>[vector<16xi32>], vector<16xf32>,
    %get3A_655 = arith.constant 0 : i32
    %get3A_656 = arith.index_cast %get3A_655 : i32 to index
    %get3A_657 = arith.constant 64 : index
    %get3A_658 = tpu.vector_load %arg8[%get3A_656, %get3A_657] {strides = array<i32>} : memref<4x128xi32, #tpu.memory_space<vmem>>, vector<16xi32>,
    tpu.vector_store_idx %arg20[%get3A_658], %broadcast_in_dim3A_85 {add = true} : memref<10000xf32, #tpu.memory_space<vmem>>[vector<16xi32>], vector<16xf32>,
    %get3A_659 = arith.constant 0 : i32
    %get3A_660 = arith.index_cast %get3A_659 : i32 to index
    %get3A_661 = arith.constant 80 : index
    %get3A_662 = tpu.vector_load %arg8[%get3A_660, %get3A_661] {strides = array<i32>} : memref<4x128xi32, #tpu.memory_space<vmem>>, vector<16xi32>,
    tpu.vector_store_idx %arg20[%get3A_662], %broadcast_in_dim3A_85 {add = true} : memref<10000xf32, #tpu.memory_space<vmem>>[vector<16xi32>], vector<16xf32>,
    %get3A_663 = arith.constant 0 : i32
    %get3A_664 = arith.index_cast %get3A_663 : i32 to index
    %get3A_665 = arith.constant 96 : index
    %get3A_666 = tpu.vector_load %arg8[%get3A_664, %get3A_665] {strides = array<i32>} : memref<4x128xi32, #tpu.memory_space<vmem>>, vector<16xi32>,
    tpu.vector_store_idx %arg20[%get3A_666], %broadcast_in_dim3A_85 {add = true} : memref<10000xf32, #tpu.memory_space<vmem>>[vector<16xi32>], vector<16xf32>,
    %get3A_667 = arith.constant 0 : i32
    %get3A_668 = arith.index_cast %get3A_667 : i32 to index
    %get3A_669 = arith.constant 112 : index
    %get3A_670 = tpu.vector_load %arg8[%get3A_668, %get3A_669] {strides = array<i32>} : memref<4x128xi32, #tpu.memory_space<vmem>>, vector<16xi32>,
    tpu.vector_store_idx %arg20[%get3A_670], %broadcast_in_dim3A_85 {add = true} : memref<10000xf32, #tpu.memory_space<vmem>>[vector<16xi32>], vector<16xf32>,
    %dma_wait3A_671 = arith.constant 0 : i32
    %dma_wait3A_672 = arith.constant 0 : i32
    %dma_wait3A_673 = tpu.memref_slice %arg8[%dma_wait3A_671, %dma_wait3A_672] : memref<4x128xi32, #tpu.memory_space<vmem>> -> memref<1x128xi32, #tpu.memory_space<vmem>>
    %dma_wait3A_674 = tpu.memref_squeeze %dma_wait3A_673 : memref<1x128xi32, #tpu.memory_space<vmem>> -> memref<128xi32, #tpu.memory_space<vmem>>
    %dma_wait3A_675 = arith.constant 0 : i32
    %dma_wait3A_676 = arith.constant 0 : i32
    %dma_wait3A_677 = tpu.memref_slice %arg11[%dma_wait3A_675, %dma_wait3A_676] : memref<10000x128xf32, #tpu.memory_space<vmem_shared>> -> memref<10000x128xf32, #tpu.memory_space<vmem_shared>>
    tpu.wait_indirect_dma semaphore(%arg18 : memref<!tpu.dma_semaphore, #tpu.memory_space<semaphore_mem>>) src(%arg9 : memref<128x128xf32, #tpu.memory_space<vmem>>) dst(%dma_wait3A_677 : memref<10000x128xf32, #tpu.memory_space<vmem_shared>>)
    %dma_wait3A_678 = arith.constant 1 : i32
    %dma_wait3A_679 = arith.constant 0 : i32
    %dma_wait3A_680 = tpu.memref_slice %arg7[%dma_wait3A_678, %dma_wait3A_679] : memref<4x128xi32, #tpu.memory_space<vmem>> -> memref<1x128xi32, #tpu.memory_space<vmem>>
    %dma_wait3A_681 = tpu.memref_squeeze %dma_wait3A_680 : memref<1x128xi32, #tpu.memory_space<vmem>> -> memref<128xi32, #tpu.memory_space<vmem>>
    %dma_wait3A_682 = arith.constant 0 : i32
    %dma_wait3A_683 = arith.constant 0 : i32
    %dma_wait3A_684 = tpu.memref_slice %arg2[%dma_wait3A_682, %dma_wait3A_683] : memref<10000x128xf32, #tpu.memory_space<hbm>> -> memref<10000x128xf32, #tpu.memory_space<hbm>>
    tpu.wait_indirect_dma semaphore(%arg17 : memref<!tpu.dma_semaphore, #tpu.memory_space<semaphore_mem>>) src(%dma_wait3A_684 : memref<10000x128xf32, #tpu.memory_space<hbm>>) dst(%arg10 : memref<128x128xf32, #tpu.memory_space<vmem>>)
    %dma_start3A_685 = arith.constant 1 : i32
    %dma_start3A_686 = arith.constant 0 : i32
    %dma_start3A_687 = tpu.memref_slice %arg8[%dma_start3A_685, %dma_start3A_686] : memref<4x128xi32, #tpu.memory_space<vmem>> -> memref<1x128xi32, #tpu.memory_space<vmem>>
    %dma_start3A_688 = tpu.memref_squeeze %dma_start3A_687 : memref<1x128xi32, #tpu.memory_space<vmem>> -> memref<128xi32, #tpu.memory_space<vmem>>
    %dma_start3A_689 = arith.constant 0 : i32
    %dma_start3A_690 = arith.constant 0 : i32
    %dma_start3A_691 = tpu.memref_slice %arg11[%dma_start3A_689, %dma_start3A_690] : memref<10000x128xf32, #tpu.memory_space<vmem_shared>> -> memref<10000x128xf32, #tpu.memory_space<vmem_shared>>
    tpu.enqueue_indirect_dma source(%arg10 : memref<128x128xf32, #tpu.memory_space<vmem>>) target(%dma_start3A_691 : memref<10000x128xf32, #tpu.memory_space<vmem_shared>>) offsets(%dma_start3A_688 : memref<128xi32, #tpu.memory_space<vmem>>) semaphore(%arg19 : memref<!tpu.dma_semaphore, #tpu.memory_space<semaphore_mem>>) {add = true}
    %get3A_692 = arith.constant 1 : i32
    %get3A_693 = arith.index_cast %get3A_692 : i32 to index
    %get3A_694 = arith.constant 0 : index
    %get3A_695 = tpu.vector_load %arg8[%get3A_693, %get3A_694] {strides = array<i32>} : memref<4x128xi32, #tpu.memory_space<vmem>>, vector<16xi32>,
    tpu.vector_store_idx %arg20[%get3A_695], %broadcast_in_dim3A_85 {add = true} : memref<10000xf32, #tpu.memory_space<vmem>>[vector<16xi32>], vector<16xf32>,
    %get3A_696 = arith.constant 1 : i32
    %get3A_697 = arith.index_cast %get3A_696 : i32 to index
    %get3A_698 = arith.constant 16 : index
    %get3A_699 = tpu.vector_load %arg8[%get3A_697, %get3A_698] {strides = array<i32>} : memref<4x128xi32, #tpu.memory_space<vmem>>, vector<16xi32>,
    tpu.vector_store_idx %arg20[%get3A_699], %broadcast_in_dim3A_85 {add = true} : memref<10000xf32, #tpu.memory_space<vmem>>[vector<16xi32>], vector<16xf32>,
    %get3A_700 = arith.constant 1 : i32
    %get3A_701 = arith.index_cast %get3A_700 : i32 to index
    %get3A_702 = arith.constant 32 : index
    %get3A_703 = tpu.vector_load %arg8[%get3A_701, %get3A_702] {strides = array<i32>} : memref<4x128xi32, #tpu.memory_space<vmem>>, vector<16xi32>,
    tpu.vector_store_idx %arg20[%get3A_703], %broadcast_in_dim3A_85 {add = true} : memref<10000xf32, #tpu.memory_space<vmem>>[vector<16xi32>], vector<16xf32>,
    %get3A_704 = arith.constant 1 : i32
    %get3A_705 = arith.index_cast %get3A_704 : i32 to index
    %get3A_706 = arith.constant 48 : index
    %get3A_707 = tpu.vector_load %arg8[%get3A_705, %get3A_706] {strides = array<i32>} : memref<4x128xi32, #tpu.memory_space<vmem>>, vector<16xi32>,
    tpu.vector_store_idx %arg20[%get3A_707], %broadcast_in_dim3A_85 {add = true} : memref<10000xf32, #tpu.memory_space<vmem>>[vector<16xi32>], vector<16xf32>,
    %get3A_708 = arith.constant 1 : i32
    %get3A_709 = arith.index_cast %get3A_708 : i32 to index
    %get3A_710 = arith.constant 64 : index
    %get3A_711 = tpu.vector_load %arg8[%get3A_709, %get3A_710] {strides = array<i32>} : memref<4x128xi32, #tpu.memory_space<vmem>>, vector<16xi32>,
    tpu.vector_store_idx %arg20[%get3A_711], %broadcast_in_dim3A_85 {add = true} : memref<10000xf32, #tpu.memory_space<vmem>>[vector<16xi32>], vector<16xf32>,
    %get3A_712 = arith.constant 1 : i32
    %get3A_713 = arith.index_cast %get3A_712 : i32 to index
    %get3A_714 = arith.constant 80 : index
    %get3A_715 = tpu.vector_load %arg8[%get3A_713, %get3A_714] {strides = array<i32>} : memref<4x128xi32, #tpu.memory_space<vmem>>, vector<16xi32>,
    tpu.vector_store_idx %arg20[%get3A_715], %broadcast_in_dim3A_85 {add = true} : memref<10000xf32, #tpu.memory_space<vmem>>[vector<16xi32>], vector<16xf32>,
    %get3A_716 = arith.constant 1 : i32
    %get3A_717 = arith.index_cast %get3A_716 : i32 to index
    %get3A_718 = arith.constant 96 : index
    %get3A_719 = tpu.vector_load %arg8[%get3A_717, %get3A_718] {strides = array<i32>} : memref<4x128xi32, #tpu.memory_space<vmem>>, vector<16xi32>,
    tpu.vector_store_idx %arg20[%get3A_719], %broadcast_in_dim3A_85 {add = true} : memref<10000xf32, #tpu.memory_space<vmem>>[vector<16xi32>], vector<16xf32>,
    %get3A_720 = arith.constant 1 : i32
    %get3A_721 = arith.index_cast %get3A_720 : i32 to index
    %get3A_722 = arith.constant 112 : index
    %get3A_723 = tpu.vector_load %arg8[%get3A_721, %get3A_722] {strides = array<i32>} : memref<4x128xi32, #tpu.memory_space<vmem>>, vector<16xi32>,
    tpu.vector_store_idx %arg20[%get3A_723], %broadcast_in_dim3A_85 {add = true} : memref<10000xf32, #tpu.memory_space<vmem>>[vector<16xi32>], vector<16xf32>,
    %dma_wait3A_724 = arith.constant 1 : i32
    %dma_wait3A_725 = arith.constant 0 : i32
    %dma_wait3A_726 = tpu.memref_slice %arg8[%dma_wait3A_724, %dma_wait3A_725] : memref<4x128xi32, #tpu.memory_space<vmem>> -> memref<1x128xi32, #tpu.memory_space<vmem>>
    %dma_wait3A_727 = tpu.memref_squeeze %dma_wait3A_726 : memref<1x128xi32, #tpu.memory_space<vmem>> -> memref<128xi32, #tpu.memory_space<vmem>>
    %dma_wait3A_728 = arith.constant 0 : i32
    %dma_wait3A_729 = arith.constant 0 : i32
    %dma_wait3A_730 = tpu.memref_slice %arg11[%dma_wait3A_728, %dma_wait3A_729] : memref<10000x128xf32, #tpu.memory_space<vmem_shared>> -> memref<10000x128xf32, #tpu.memory_space<vmem_shared>>
    tpu.wait_indirect_dma semaphore(%arg19 : memref<!tpu.dma_semaphore, #tpu.memory_space<semaphore_mem>>) src(%arg10 : memref<128x128xf32, #tpu.memory_space<vmem>>) dst(%dma_wait3A_730 : memref<10000x128xf32, #tpu.memory_space<vmem_shared>>)
    %lt3A = arith.constant 4 : i32
    %lt3A_731 = arith.cmpi slt, %add3A, %lt3A : i32
    %convert_element_type3A_732 = arith.extui %lt3A_731 : i1 to i32
    %cond3A_733 = arith.constant 0 : i32
    %cond3A_734 = arith.cmpi ne, %convert_element_type3A_732, %cond3A_733 : i32
    scf.if %cond3A_734 {
      %add3A_765 = arith.constant 2496 : i32
      %add3A_766 = arith.addi %add3A_765, %add3A : i32
      %run_scoped3A = arith.constant 0 : i32
      "tpu.region"() ({
        %run_scoped3A_815 = tpu.sem_alloc : memref<!tpu.dma_semaphore, #tpu.memory_space<semaphore_mem>>
        %dma_start3A_816 = arith.constant 0 : i32
        %dma_start3A_817 = tpu.memref_slice %arg7[%run_scoped3A, %dma_start3A_816] : memref<4x128xi32, #tpu.memory_space<vmem>> -> memref<1x128xi32, #tpu.memory_space<vmem>>
        %dma_start3A_818 = tpu.memref_squeeze %dma_start3A_817 : memref<1x128xi32, #tpu.memory_space<vmem>> -> memref<128xi32, #tpu.memory_space<vmem>>
        %dma_start3A_819 = arith.constant 0 : i32
        %dma_start3A_820 = tpu.memref_slice %arg3[%add3A_766, %dma_start3A_819] : memref<2500x128xi32, #tpu.memory_space<hbm>> -> memref<1x128xi32, #tpu.memory_space<hbm>>
        %dma_start3A_821 = tpu.memref_squeeze %dma_start3A_820 : memref<1x128xi32, #tpu.memory_space<hbm>> -> memref<128xi32, #tpu.memory_space<hbm>>
        %dma_start3A_822 = arith.constant 0 : i32
        %dma_start3A_823 = tpu.memref_slice %arg7[%run_scoped3A, %dma_start3A_822] : memref<4x128xi32, #tpu.memory_space<vmem>> -> memref<1x128xi32, #tpu.memory_space<vmem>>
        %dma_start3A_824 = tpu.memref_squeeze %dma_start3A_823 : memref<1x128xi32, #tpu.memory_space<vmem>> -> memref<128xi32, #tpu.memory_space<vmem>>
        %dma_start3A_825 = arith.constant 0 : i32
        %dma_start3A_826 = tpu.memref_slice %arg3[%add3A_766, %dma_start3A_825] : memref<2500x128xi32, #tpu.memory_space<hbm>> -> memref<1x128xi32, #tpu.memory_space<hbm>>
        %dma_start3A_827 = tpu.memref_squeeze %dma_start3A_826 : memref<1x128xi32, #tpu.memory_space<hbm>> -> memref<128xi32, #tpu.memory_space<hbm>>
        tpu.enqueue_dma source(%dma_start3A_827 : memref<128xi32, #tpu.memory_space<hbm>>) target(%dma_start3A_824 : memref<128xi32, #tpu.memory_space<vmem>>) target_semaphore(%run_scoped3A_815 : memref<!tpu.dma_semaphore, #tpu.memory_space<semaphore_mem>>)
        %dma_wait3A_828 = arith.constant 0 : i32
        %dma_wait3A_829 = tpu.memref_slice %arg7[%run_scoped3A, %dma_wait3A_828] : memref<4x128xi32, #tpu.memory_space<vmem>> -> memref<1x128xi32, #tpu.memory_space<vmem>>
        %dma_wait3A_830 = tpu.memref_squeeze %dma_wait3A_829 : memref<1x128xi32, #tpu.memory_space<vmem>> -> memref<128xi32, #tpu.memory_space<vmem>>
        %dma_wait3A_831 = arith.constant 0 : i32
        %dma_wait3A_832 = tpu.memref_slice %arg3[%add3A_766, %dma_wait3A_831] : memref<2500x128xi32, #tpu.memory_space<hbm>> -> memref<1x128xi32, #tpu.memory_space<hbm>>
        %dma_wait3A_833 = tpu.memref_squeeze %dma_wait3A_832 : memref<1x128xi32, #tpu.memory_space<hbm>> -> memref<128xi32, #tpu.memory_space<hbm>>
        %dma_wait3A_834 = arith.constant 0 : i32
        %dma_wait3A_835 = tpu.memref_slice %arg7[%run_scoped3A, %dma_wait3A_834] : memref<4x128xi32, #tpu.memory_space<vmem>> -> memref<1x128xi32, #tpu.memory_space<vmem>>
        %dma_wait3A_836 = tpu.memref_squeeze %dma_wait3A_835 : memref<1x128xi32, #tpu.memory_space<vmem>> -> memref<128xi32, #tpu.memory_space<vmem>>
        %dma_wait3A_837 = arith.constant 0 : i32
        %dma_wait3A_838 = tpu.memref_slice %arg3[%add3A_766, %dma_wait3A_837] : memref<2500x128xi32, #tpu.memory_space<hbm>> -> memref<1x128xi32, #tpu.memory_space<hbm>>
        %dma_wait3A_839 = tpu.memref_squeeze %dma_wait3A_838 : memref<1x128xi32, #tpu.memory_space<hbm>> -> memref<128xi32, #tpu.memory_space<hbm>>
        tpu.wait_dma2 semaphore(%run_scoped3A_815 : memref<!tpu.dma_semaphore, #tpu.memory_space<semaphore_mem>>) src(%dma_wait3A_839 : memref<128xi32, #tpu.memory_space<hbm>>) dst(%dma_wait3A_836 : memref<128xi32, #tpu.memory_space<vmem>>)
        tpu.yield
      }) : () -> ()
      %run_scoped3A_767 = arith.constant 0 : i32
      "tpu.region"() ({
        %run_scoped3A_815 = tpu.sem_alloc : memref<!tpu.dma_semaphore, #tpu.memory_space<semaphore_mem>>
        %dma_start3A_816 = arith.constant 0 : i32
        %dma_start3A_817 = tpu.memref_slice %arg8[%run_scoped3A_767, %dma_start3A_816] : memref<4x128xi32, #tpu.memory_space<vmem>> -> memref<1x128xi32, #tpu.memory_space<vmem>>
        %dma_start3A_818 = tpu.memref_squeeze %dma_start3A_817 : memref<1x128xi32, #tpu.memory_space<vmem>> -> memref<128xi32, #tpu.memory_space<vmem>>
        %dma_start3A_819 = arith.constant 0 : i32
        %dma_start3A_820 = tpu.memref_slice %arg4[%add3A_766, %dma_start3A_819] : memref<2500x128xi32, #tpu.memory_space<hbm>> -> memref<1x128xi32, #tpu.memory_space<hbm>>
        %dma_start3A_821 = tpu.memref_squeeze %dma_start3A_820 : memref<1x128xi32, #tpu.memory_space<hbm>> -> memref<128xi32, #tpu.memory_space<hbm>>
        %dma_start3A_822 = arith.constant 0 : i32
        %dma_start3A_823 = tpu.memref_slice %arg8[%run_scoped3A_767, %dma_start3A_822] : memref<4x128xi32, #tpu.memory_space<vmem>> -> memref<1x128xi32, #tpu.memory_space<vmem>>
        %dma_start3A_824 = tpu.memref_squeeze %dma_start3A_823 : memref<1x128xi32, #tpu.memory_space<vmem>> -> memref<128xi32, #tpu.memory_space<vmem>>
        %dma_start3A_825 = arith.constant 0 : i32
        %dma_start3A_826 = tpu.memref_slice %arg4[%add3A_766, %dma_start3A_825] : memref<2500x128xi32, #tpu.memory_space<hbm>> -> memref<1x128xi32, #tpu.memory_space<hbm>>
        %dma_start3A_827 = tpu.memref_squeeze %dma_start3A_826 : memref<1x128xi32, #tpu.memory_space<hbm>> -> memref<128xi32, #tpu.memory_space<hbm>>
        tpu.enqueue_dma source(%dma_start3A_827 : memref<128xi32, #tpu.memory_space<hbm>>) target(%dma_start3A_824 : memref<128xi32, #tpu.memory_space<vmem>>) target_semaphore(%run_scoped3A_815 : memref<!tpu.dma_semaphore, #tpu.memory_space<semaphore_mem>>)
        %dma_wait3A_828 = arith.constant 0 : i32
        %dma_wait3A_829 = tpu.memref_slice %arg8[%run_scoped3A_767, %dma_wait3A_828] : memref<4x128xi32, #tpu.memory_space<vmem>> -> memref<1x128xi32, #tpu.memory_space<vmem>>
        %dma_wait3A_830 = tpu.memref_squeeze %dma_wait3A_829 : memref<1x128xi32, #tpu.memory_space<vmem>> -> memref<128xi32, #tpu.memory_space<vmem>>
        %dma_wait3A_831 = arith.constant 0 : i32
        %dma_wait3A_832 = tpu.memref_slice %arg4[%add3A_766, %dma_wait3A_831] : memref<2500x128xi32, #tpu.memory_space<hbm>> -> memref<1x128xi32, #tpu.memory_space<hbm>>
        %dma_wait3A_833 = tpu.memref_squeeze %dma_wait3A_832 : memref<1x128xi32, #tpu.memory_space<hbm>> -> memref<128xi32, #tpu.memory_space<hbm>>
        %dma_wait3A_834 = arith.constant 0 : i32
        %dma_wait3A_835 = tpu.memref_slice %arg8[%run_scoped3A_767, %dma_wait3A_834] : memref<4x128xi32, #tpu.memory_space<vmem>> -> memref<1x128xi32, #tpu.memory_space<vmem>>
        %dma_wait3A_836 = tpu.memref_squeeze %dma_wait3A_835 : memref<1x128xi32, #tpu.memory_space<vmem>> -> memref<128xi32, #tpu.memory_space<vmem>>
        %dma_wait3A_837 = arith.constant 0 : i32
        %dma_wait3A_838 = tpu.memref_slice %arg4[%add3A_766, %dma_wait3A_837] : memref<2500x128xi32, #tpu.memory_space<hbm>> -> memref<1x128xi32, #tpu.memory_space<hbm>>
        %dma_wait3A_839 = tpu.memref_squeeze %dma_wait3A_838 : memref<1x128xi32, #tpu.memory_space<hbm>> -> memref<128xi32, #tpu.memory_space<hbm>>
        tpu.wait_dma2 semaphore(%run_scoped3A_815 : memref<!tpu.dma_semaphore, #tpu.memory_space<semaphore_mem>>) src(%dma_wait3A_839 : memref<128xi32, #tpu.memory_space<hbm>>) dst(%dma_wait3A_836 : memref<128xi32, #tpu.memory_space<vmem>>)
        tpu.yield
      }) : () -> ()
      %dma_start3A_768 = arith.constant 0 : i32
      %dma_start3A_769 = arith.constant 0 : i32
      %dma_start3A_770 = tpu.memref_slice %arg7[%dma_start3A_768, %dma_start3A_769] : memref<4x128xi32, #tpu.memory_space<vmem>> -> memref<1x128xi32, #tpu.memory_space<vmem>>
      %dma_start3A_771 = tpu.memref_squeeze %dma_start3A_770 : memref<1x128xi32, #tpu.memory_space<vmem>> -> memref<128xi32, #tpu.memory_space<vmem>>
      %dma_start3A_772 = arith.constant 0 : i32
      %dma_start3A_773 = arith.constant 0 : i32
      %dma_start3A_774 = tpu.memref_slice %arg2[%dma_start3A_772, %dma_start3A_773] : memref<10000x128xf32, #tpu.memory_space<hbm>> -> memref<10000x128xf32, #tpu.memory_space<hbm>>
      tpu.enqueue_indirect_dma source(%dma_start3A_774 : memref<10000x128xf32, #tpu.memory_space<hbm>>) target(%arg9 : memref<128x128xf32, #tpu.memory_space<vmem>>) offsets(%dma_start3A_771 : memref<128xi32, #tpu.memory_space<vmem>>) semaphore(%arg16 : memref<!tpu.dma_semaphore, #tpu.memory_space<semaphore_mem>>)
      %dma_wait3A_775 = arith.constant 0 : i32
      %dma_wait3A_776 = arith.constant 0 : i32
      %dma_wait3A_777 = tpu.memref_slice %arg7[%dma_wait3A_775, %dma_wait3A_776] : memref<4x128xi32, #tpu.memory_space<vmem>> -> memref<1x128xi32, #tpu.memory_space<vmem>>
      %dma_wait3A_778 = tpu.memref_squeeze %dma_wait3A_777 : memref<1x128xi32, #tpu.memory_space<vmem>> -> memref<128xi32, #tpu.memory_space<vmem>>
      %dma_wait3A_779 = arith.constant 0 : i32
      %dma_wait3A_780 = arith.constant 0 : i32
      %dma_wait3A_781 = tpu.memref_slice %arg2[%dma_wait3A_779, %dma_wait3A_780] : memref<10000x128xf32, #tpu.memory_space<hbm>> -> memref<10000x128xf32, #tpu.memory_space<hbm>>
      tpu.wait_indirect_dma semaphore(%arg16 : memref<!tpu.dma_semaphore, #tpu.memory_space<semaphore_mem>>) src(%dma_wait3A_781 : memref<10000x128xf32, #tpu.memory_space<hbm>>) dst(%arg9 : memref<128x128xf32, #tpu.memory_space<vmem>>)
      %run_scoped3A_782 = arith.constant 0 : i32
      "tpu.region"() ({
        %run_scoped3A_815 = tpu.sem_alloc : memref<!tpu.dma_semaphore, #tpu.memory_space<semaphore_mem>>
        %dma_start3A_816 = arith.constant 0 : i32
        %dma_start3A_817 = tpu.memref_slice %arg8[%run_scoped3A_782, %dma_start3A_816] : memref<4x128xi32, #tpu.memory_space<vmem>> -> memref<1x128xi32, #tpu.memory_space<vmem>>
        %dma_start3A_818 = tpu.memref_squeeze %dma_start3A_817 : memref<1x128xi32, #tpu.memory_space<vmem>> -> memref<128xi32, #tpu.memory_space<vmem>>
        %dma_start3A_819 = arith.constant 0 : i32
        %dma_start3A_820 = arith.constant 0 : i32
        %dma_start3A_821 = tpu.memref_slice %arg11[%dma_start3A_819, %dma_start3A_820] : memref<10000x128xf32, #tpu.memory_space<vmem_shared>> -> memref<10000x128xf32, #tpu.memory_space<vmem_shared>>
        tpu.enqueue_indirect_dma source(%arg9 : memref<128x128xf32, #tpu.memory_space<vmem>>) target(%dma_start3A_821 : memref<10000x128xf32, #tpu.memory_space<vmem_shared>>) offsets(%dma_start3A_818 : memref<128xi32, #tpu.memory_space<vmem>>) semaphore(%run_scoped3A_815 : memref<!tpu.dma_semaphore, #tpu.memory_space<semaphore_mem>>) {add = true}
        %dma_wait3A_822 = arith.constant 0 : i32
        %dma_wait3A_823 = tpu.memref_slice %arg8[%run_scoped3A_782, %dma_wait3A_822] : memref<4x128xi32, #tpu.memory_space<vmem>> -> memref<1x128xi32, #tpu.memory_space<vmem>>
        %dma_wait3A_824 = tpu.memref_squeeze %dma_wait3A_823 : memref<1x128xi32, #tpu.memory_space<vmem>> -> memref<128xi32, #tpu.memory_space<vmem>>
        %dma_wait3A_825 = arith.constant 0 : i32
        %dma_wait3A_826 = arith.constant 0 : i32
        %dma_wait3A_827 = tpu.memref_slice %arg11[%dma_wait3A_825, %dma_wait3A_826] : memref<10000x128xf32, #tpu.memory_space<vmem_shared>> -> memref<10000x128xf32, #tpu.memory_space<vmem_shared>>
        tpu.wait_indirect_dma semaphore(%run_scoped3A_815 : memref<!tpu.dma_semaphore, #tpu.memory_space<semaphore_mem>>) src(%arg9 : memref<128x128xf32, #tpu.memory_space<vmem>>) dst(%dma_wait3A_827 : memref<10000x128xf32, #tpu.memory_space<vmem_shared>>)
        tpu.yield
      }) : () -> ()
      %get3A_783 = arith.constant 0 : i32
      %get3A_784 = arith.index_cast %get3A_783 : i32 to index
      %get3A_785 = arith.constant 0 : index
      %get3A_786 = tpu.vector_load %arg8[%get3A_784, %get3A_785] {strides = array<i32>} : memref<4x128xi32, #tpu.memory_space<vmem>>, vector<16xi32>,
      tpu.vector_store_idx %arg20[%get3A_786], %broadcast_in_dim3A_85 {add = true} : memref<10000xf32, #tpu.memory_space<vmem>>[vector<16xi32>], vector<16xf32>,
      %get3A_787 = arith.constant 0 : i32
      %get3A_788 = arith.index_cast %get3A_787 : i32 to index
      %get3A_789 = arith.constant 16 : index
      %get3A_790 = tpu.vector_load %arg8[%get3A_788, %get3A_789] {strides = array<i32>} : memref<4x128xi32, #tpu.memory_space<vmem>>, vector<16xi32>,
      tpu.vector_store_idx %arg20[%get3A_790], %broadcast_in_dim3A_85 {add = true} : memref<10000xf32, #tpu.memory_space<vmem>>[vector<16xi32>], vector<16xf32>,
      %get3A_791 = arith.constant 0 : i32
      %get3A_792 = arith.index_cast %get3A_791 : i32 to index
      %get3A_793 = arith.constant 32 : index
      %get3A_794 = tpu.vector_load %arg8[%get3A_792, %get3A_793] {strides = array<i32>} : memref<4x128xi32, #tpu.memory_space<vmem>>, vector<16xi32>,
      tpu.vector_store_idx %arg20[%get3A_794], %broadcast_in_dim3A_85 {add = true} : memref<10000xf32, #tpu.memory_space<vmem>>[vector<16xi32>], vector<16xf32>,
      %get3A_795 = arith.constant 0 : i32
      %get3A_796 = arith.index_cast %get3A_795 : i32 to index
      %get3A_797 = arith.constant 48 : index
      %get3A_798 = tpu.vector_load %arg8[%get3A_796, %get3A_797] {strides = array<i32>} : memref<4x128xi32, #tpu.memory_space<vmem>>, vector<16xi32>,
      tpu.vector_store_idx %arg20[%get3A_798], %broadcast_in_dim3A_85 {add = true} : memref<10000xf32, #tpu.memory_space<vmem>>[vector<16xi32>], vector<16xf32>,
      %get3A_799 = arith.constant 0 : i32
      %get3A_800 = arith.index_cast %get3A_799 : i32 to index
      %get3A_801 = arith.constant 64 : index
      %get3A_802 = tpu.vector_load %arg8[%get3A_800, %get3A_801] {strides = array<i32>} : memref<4x128xi32, #tpu.memory_space<vmem>>, vector<16xi32>,
      tpu.vector_store_idx %arg20[%get3A_802], %broadcast_in_dim3A_85 {add = true} : memref<10000xf32, #tpu.memory_space<vmem>>[vector<16xi32>], vector<16xf32>,
      %get3A_803 = arith.constant 0 : i32
      %get3A_804 = arith.index_cast %get3A_803 : i32 to index
      %get3A_805 = arith.constant 80 : index
      %get3A_806 = tpu.vector_load %arg8[%get3A_804, %get3A_805] {strides = array<i32>} : memref<4x128xi32, #tpu.memory_space<vmem>>, vector<16xi32>,
      tpu.vector_store_idx %arg20[%get3A_806], %broadcast_in_dim3A_85 {add = true} : memref<10000xf32, #tpu.memory_space<vmem>>[vector<16xi32>], vector<16xf32>,
      %get3A_807 = arith.constant 0 : i32
      %get3A_808 = arith.index_cast %get3A_807 : i32 to index
      %get3A_809 = arith.constant 96 : index
      %get3A_810 = tpu.vector_load %arg8[%get3A_808, %get3A_809] {strides = array<i32>} : memref<4x128xi32, #tpu.memory_space<vmem>>, vector<16xi32>,
      tpu.vector_store_idx %arg20[%get3A_810], %broadcast_in_dim3A_85 {add = true} : memref<10000xf32, #tpu.memory_space<vmem>>[vector<16xi32>], vector<16xf32>,
      %get3A_811 = arith.constant 0 : i32
      %get3A_812 = arith.index_cast %get3A_811 : i32 to index
      %get3A_813 = arith.constant 112 : index
      %get3A_814 = tpu.vector_load %arg8[%get3A_812, %get3A_813] {strides = array<i32>} : memref<4x128xi32, #tpu.memory_space<vmem>>, vector<16xi32>,
      tpu.vector_store_idx %arg20[%get3A_814], %broadcast_in_dim3A_85 {add = true} : memref<10000xf32, #tpu.memory_space<vmem>>[vector<16xi32>], vector<16xf32>,
    } else {
    }
    %barrier3A_735 = arith.constant 0 : index
    tpu.barrier barrier_id(%barrier3A_735)
    %mul3A_736 = arith.constant 624 : i32
    %mul3A_737 = arith.muli %arg1, %mul3A_736 : i32
    %mul3A_738 = arith.constant 10000 : i32
    %mul3A_739 = arith.muli %add3A, %mul3A_738 : i32
    %dma_start3A_740 = tpu.memref_slice %arg6[%mul3A_739] : memref<320000xf32, #tpu.memory_space<hbm>> -> memref<10000xf32, #tpu.memory_space<hbm>>
    %dma_start3A_741 = tpu.memref_slice %arg6[%mul3A_739] : memref<320000xf32, #tpu.memory_space<hbm>> -> memref<10000xf32, #tpu.memory_space<hbm>>
    tpu.enqueue_dma source(%arg20 : memref<10000xf32, #tpu.memory_space<vmem>>) target(%dma_start3A_741 : memref<10000xf32, #tpu.memory_space<hbm>>) target_semaphore(%arg12 : memref<!tpu.dma_semaphore, #tpu.memory_space<semaphore_mem>>)
    %mul3A_742 = arith.constant 10000 : i32
    %mul3A_743 = arith.muli %arg0, %mul3A_742 : i32
    %add3A_744 = arith.addi %mul3A_743, %mul3A_737 : i32
    %dma_start3A_745 = arith.constant 0 : i32
    %dma_start3A_746 = tpu.memref_slice %arg5[%add3A_744, %dma_start3A_745] : memref<20000x128xf32, #tpu.memory_space<hbm>> -> memref<624x128xf32, #tpu.memory_space<hbm>>
    %dma_start3A_747 = arith.constant 0 : i32
    %dma_start3A_748 = tpu.memref_slice %arg11[%mul3A_737, %dma_start3A_747] : memref<10000x128xf32, #tpu.memory_space<vmem_shared>> -> memref<624x128xf32, #tpu.memory_space<vmem_shared>>
    tpu.enqueue_dma source(%dma_start3A_748 : memref<624x128xf32, #tpu.memory_space<vmem_shared>>) target(%dma_start3A_746 : memref<624x128xf32, #tpu.memory_space<hbm>>) target_semaphore(%arg13 : memref<!tpu.dma_semaphore, #tpu.memory_space<semaphore_mem>>)
    %eq3A_749 = arith.constant 15 : i32
    %eq3A_750 = arith.cmpi eq, %arg1, %eq3A_749 : i32
    %convert_element_type3A_751 = arith.extui %eq3A_750 : i1 to i32
    %cond3A_752 = arith.constant 0 : i32
    %cond3A_753 = arith.cmpi ne, %convert_element_type3A_751, %cond3A_752 : i32
    scf.if %cond3A_753 {
      %mul3A_765 = arith.constant 10000 : i32
      %mul3A_766 = arith.muli %arg0, %mul3A_765 : i32
      %add3A_767 = arith.constant 9984 : i32
      %add3A_768 = arith.addi %mul3A_766, %add3A_767 : i32
      "tpu.region"() ({
        %run_scoped3A = tpu.sem_alloc : memref<!tpu.dma_semaphore, #tpu.memory_space<semaphore_mem>>
        %dma_start3A_769 = arith.constant 0 : i32
        %dma_start3A_770 = tpu.memref_slice %arg5[%add3A_768, %dma_start3A_769] : memref<20000x128xf32, #tpu.memory_space<hbm>> -> memref<16x128xf32, #tpu.memory_space<hbm>>
        %dma_start3A_771 = arith.constant 9984 : i32
        %dma_start3A_772 = arith.constant 0 : i32
        %dma_start3A_773 = tpu.memref_slice %arg11[%dma_start3A_771, %dma_start3A_772] : memref<10000x128xf32, #tpu.memory_space<vmem_shared>> -> memref<16x128xf32, #tpu.memory_space<vmem_shared>>
        tpu.enqueue_dma source(%dma_start3A_773 : memref<16x128xf32, #tpu.memory_space<vmem_shared>>) target(%dma_start3A_770 : memref<16x128xf32, #tpu.memory_space<hbm>>) target_semaphore(%run_scoped3A : memref<!tpu.dma_semaphore, #tpu.memory_space<semaphore_mem>>)
        %dma_wait3A_774 = arith.constant 0 : i32
        %dma_wait3A_775 = tpu.memref_slice %arg5[%add3A_768, %dma_wait3A_774] : memref<20000x128xf32, #tpu.memory_space<hbm>> -> memref<16x128xf32, #tpu.memory_space<hbm>>
        %dma_wait3A_776 = arith.constant 9984 : i32
        %dma_wait3A_777 = arith.constant 0 : i32
        %dma_wait3A_778 = tpu.memref_slice %arg11[%dma_wait3A_776, %dma_wait3A_777] : memref<10000x128xf32, #tpu.memory_space<vmem_shared>> -> memref<16x128xf32, #tpu.memory_space<vmem_shared>>
        tpu.wait_dma2 semaphore(%run_scoped3A : memref<!tpu.dma_semaphore, #tpu.memory_space<semaphore_mem>>) src(%dma_wait3A_778 : memref<16x128xf32, #tpu.memory_space<vmem_shared>>) dst(%dma_wait3A_775 : memref<16x128xf32, #tpu.memory_space<hbm>>)
        tpu.yield
      }) : () -> ()
    } else {
    }
    %mul3A_754 = arith.constant 10000 : i32
    %mul3A_755 = arith.muli %add3A, %mul3A_754 : i32
    %dma_wait3A_756 = tpu.memref_slice %arg6[%mul3A_755] : memref<320000xf32, #tpu.memory_space<hbm>> -> memref<10000xf32, #tpu.memory_space<hbm>>
    %dma_wait3A_757 = tpu.memref_slice %arg6[%mul3A_755] : memref<320000xf32, #tpu.memory_space<hbm>> -> memref<10000xf32, #tpu.memory_space<hbm>>
    tpu.wait_dma2 semaphore(%arg12 : memref<!tpu.dma_semaphore, #tpu.memory_space<semaphore_mem>>) src(%arg20 : memref<10000xf32, #tpu.memory_space<vmem>>) dst(%dma_wait3A_757 : memref<10000xf32, #tpu.memory_space<hbm>>)
    %mul3A_758 = arith.constant 10000 : i32
    %mul3A_759 = arith.muli %arg0, %mul3A_758 : i32
    %add3A_760 = arith.addi %mul3A_759, %mul3A_737 : i32
    %dma_wait3A_761 = arith.constant 0 : i32
    %dma_wait3A_762 = tpu.memref_slice %arg5[%add3A_760, %dma_wait3A_761] : memref<20000x128xf32, #tpu.memory_space<hbm>> -> memref<624x128xf32, #tpu.memory_space<hbm>>
    %dma_wait3A_763 = arith.constant 0 : i32
    %dma_wait3A_764 = tpu.memref_slice %arg11[%mul3A_737, %dma_wait3A_763] : memref<10000x128xf32, #tpu.memory_space<vmem_shared>> -> memref<624x128xf32, #tpu.memory_space<vmem_shared>>
    tpu.wait_dma2 semaphore(%arg13 : memref<!tpu.dma_semaphore, #tpu.memory_space<semaphore_mem>>) src(%dma_wait3A_764 : memref<624x128xf32, #tpu.memory_space<vmem_shared>>) dst(%dma_wait3A_762 : memref<624x128xf32, #tpu.memory_space<hbm>>)
    return
  }
}

#map = affine_map<(d0, d1) -> (0, 0)>
module attributes {stable_mosaic.version = 14 : i64} {
  func.func @body(%arg0: i32, %arg1: i32, %arg2: memref<10000x128xf32, #tpu.memory_space<hbm>>, %arg3: memref<2500x128xi32, #tpu.memory_space<hbm>>, %arg4: memref<2500x128xi32, #tpu.memory_space<hbm>>, %arg5: memref<20000x128xf32, #tpu.memory_space<hbm>>, %arg6: memref<4x128xi32, #tpu.memory_space<vmem>>, %arg7: memref<4x128xi32, #tpu.memory_space<vmem>>, %arg8: memref<128x128xf32, #tpu.memory_space<vmem>>, %arg9: memref<128x128xf32, #tpu.memory_space<vmem>>, %arg10: memref<10000x128xf32, #tpu.memory_space<vmem_shared>>, %arg11: memref<!tpu.dma_semaphore, #tpu.memory_space<semaphore_mem>>, %arg12: memref<!tpu.dma_semaphore, #tpu.memory_space<semaphore_mem>>, %arg13: memref<!tpu.dma_semaphore, #tpu.memory_space<semaphore_mem>>, %arg14: memref<!tpu.dma_semaphore, #tpu.memory_space<semaphore_mem>>, %arg15: memref<!tpu.dma_semaphore, #tpu.memory_space<semaphore_mem>>, %arg16: memref<!tpu.dma_semaphore, #tpu.memory_space<semaphore_mem>>, %arg17: memref<!tpu.dma_semaphore, #tpu.memory_space<semaphore_mem>>, %arg18: memref<!tpu.dma_semaphore, #tpu.memory_space<semaphore_mem>>) attributes {dimension_semantics = [#tpu.dimension_semantics<core_parallel>, #tpu.dimension_semantics<subcore_parallel>], iteration_bounds = array<i64: 2, 16>, scalar_prefetch = 0 : i64, scratch_operands = 13 : i64, tpu.core_type = #tpu.core_type<sc_vector_subcore>, window_params = [{transform_indices = #map}, {transform_indices = #map}, {transform_indices = #map}, {transform_indices = #map}]} {
    %mul3A = arith.constant 2 : i32
    %mul3A_0 = arith.muli %arg1, %mul3A : i32
    %add3A = arith.addi %mul3A_0, %arg0 : i32
    %add3A_1 = arith.constant 0 : i32
    %add3A_2 = arith.addi %add3A, %add3A_1 : i32
    %dma_start3A = arith.constant 0 : i32
    %dma_start3A_3 = arith.constant 0 : i32
    %dma_start3A_4 = tpu.memref_slice %arg6[%dma_start3A, %dma_start3A_3] : memref<4x128xi32, #tpu.memory_space<vmem>> -> memref<1x128xi32, #tpu.memory_space<vmem>>
    %dma_start3A_5 = tpu.memref_squeeze %dma_start3A_4 : memref<1x128xi32, #tpu.memory_space<vmem>> -> memref<128xi32, #tpu.memory_space<vmem>>
    %dma_start3A_6 = arith.constant 0 : i32
    %dma_start3A_7 = tpu.memref_slice %arg3[%add3A_2, %dma_start3A_6] : memref<2500x128xi32, #tpu.memory_space<hbm>> -> memref<1x128xi32, #tpu.memory_space<hbm>>
    %dma_start3A_8 = tpu.memref_squeeze %dma_start3A_7 : memref<1x128xi32, #tpu.memory_space<hbm>> -> memref<128xi32, #tpu.memory_space<hbm>>
    %dma_start3A_9 = arith.constant 0 : i32
    %dma_start3A_10 = tpu.memref_slice %arg6[%dma_start3A, %dma_start3A_9] : memref<4x128xi32, #tpu.memory_space<vmem>> -> memref<1x128xi32, #tpu.memory_space<vmem>>
    %dma_start3A_11 = tpu.memref_squeeze %dma_start3A_10 : memref<1x128xi32, #tpu.memory_space<vmem>> -> memref<128xi32, #tpu.memory_space<vmem>>
    %dma_start3A_12 = arith.constant 0 : i32
    %dma_start3A_13 = tpu.memref_slice %arg3[%add3A_2, %dma_start3A_12] : memref<2500x128xi32, #tpu.memory_space<hbm>> -> memref<1x128xi32, #tpu.memory_space<hbm>>
    %dma_start3A_14 = tpu.memref_squeeze %dma_start3A_13 : memref<1x128xi32, #tpu.memory_space<hbm>> -> memref<128xi32, #tpu.memory_space<hbm>>
    tpu.enqueue_dma source(%dma_start3A_14 : memref<128xi32, #tpu.memory_space<hbm>>) target(%dma_start3A_11 : memref<128xi32, #tpu.memory_space<vmem>>) target_semaphore(%arg11 : memref<!tpu.dma_semaphore, #tpu.memory_space<semaphore_mem>>)
    %dma_start3A_15 = arith.constant 0 : i32
    %dma_start3A_16 = arith.constant 0 : i32
    %dma_start3A_17 = tpu.memref_slice %arg7[%dma_start3A_15, %dma_start3A_16] : memref<4x128xi32, #tpu.memory_space<vmem>> -> memref<1x128xi32, #tpu.memory_space<vmem>>
    %dma_start3A_18 = tpu.memref_squeeze %dma_start3A_17 : memref<1x128xi32, #tpu.memory_space<vmem>> -> memref<128xi32, #tpu.memory_space<vmem>>
    %dma_start3A_19 = arith.constant 0 : i32
    %dma_start3A_20 = tpu.memref_slice %arg4[%add3A_2, %dma_start3A_19] : memref<2500x128xi32, #tpu.memory_space<hbm>> -> memref<1x128xi32, #tpu.memory_space<hbm>>
    %dma_start3A_21 = tpu.memref_squeeze %dma_start3A_20 : memref<1x128xi32, #tpu.memory_space<hbm>> -> memref<128xi32, #tpu.memory_space<hbm>>
    %dma_start3A_22 = arith.constant 0 : i32
    %dma_start3A_23 = tpu.memref_slice %arg7[%dma_start3A_15, %dma_start3A_22] : memref<4x128xi32, #tpu.memory_space<vmem>> -> memref<1x128xi32, #tpu.memory_space<vmem>>
    %dma_start3A_24 = tpu.memref_squeeze %dma_start3A_23 : memref<1x128xi32, #tpu.memory_space<vmem>> -> memref<128xi32, #tpu.memory_space<vmem>>
    %dma_start3A_25 = arith.constant 0 : i32
    %dma_start3A_26 = tpu.memref_slice %arg4[%add3A_2, %dma_start3A_25] : memref<2500x128xi32, #tpu.memory_space<hbm>> -> memref<1x128xi32, #tpu.memory_space<hbm>>
    %dma_start3A_27 = tpu.memref_squeeze %dma_start3A_26 : memref<1x128xi32, #tpu.memory_space<hbm>> -> memref<128xi32, #tpu.memory_space<hbm>>
    tpu.enqueue_dma source(%dma_start3A_27 : memref<128xi32, #tpu.memory_space<hbm>>) target(%dma_start3A_24 : memref<128xi32, #tpu.memory_space<vmem>>) target_semaphore(%arg11 : memref<!tpu.dma_semaphore, #tpu.memory_space<semaphore_mem>>)
    %add3A_28 = arith.constant 32 : i32
    %add3A_29 = arith.addi %add3A, %add3A_28 : i32
    %dma_start3A_30 = arith.constant 1 : i32
    %dma_start3A_31 = arith.constant 0 : i32
    %dma_start3A_32 = tpu.memref_slice %arg6[%dma_start3A_30, %dma_start3A_31] : memref<4x128xi32, #tpu.memory_space<vmem>> -> memref<1x128xi32, #tpu.memory_space<vmem>>
    %dma_start3A_33 = tpu.memref_squeeze %dma_start3A_32 : memref<1x128xi32, #tpu.memory_space<vmem>> -> memref<128xi32, #tpu.memory_space<vmem>>
    %dma_start3A_34 = arith.constant 0 : i32
    %dma_start3A_35 = tpu.memref_slice %arg3[%add3A_29, %dma_start3A_34] : memref<2500x128xi32, #tpu.memory_space<hbm>> -> memref<1x128xi32, #tpu.memory_space<hbm>>
    %dma_start3A_36 = tpu.memref_squeeze %dma_start3A_35 : memref<1x128xi32, #tpu.memory_space<hbm>> -> memref<128xi32, #tpu.memory_space<hbm>>
    %dma_start3A_37 = arith.constant 0 : i32
    %dma_start3A_38 = tpu.memref_slice %arg6[%dma_start3A_30, %dma_start3A_37] : memref<4x128xi32, #tpu.memory_space<vmem>> -> memref<1x128xi32, #tpu.memory_space<vmem>>
    %dma_start3A_39 = tpu.memref_squeeze %dma_start3A_38 : memref<1x128xi32, #tpu.memory_space<vmem>> -> memref<128xi32, #tpu.memory_space<vmem>>
    %dma_start3A_40 = arith.constant 0 : i32
    %dma_start3A_41 = tpu.memref_slice %arg3[%add3A_29, %dma_start3A_40] : memref<2500x128xi32, #tpu.memory_space<hbm>> -> memref<1x128xi32, #tpu.memory_space<hbm>>
    %dma_start3A_42 = tpu.memref_squeeze %dma_start3A_41 : memref<1x128xi32, #tpu.memory_space<hbm>> -> memref<128xi32, #tpu.memory_space<hbm>>
    tpu.enqueue_dma source(%dma_start3A_42 : memref<128xi32, #tpu.memory_space<hbm>>) target(%dma_start3A_39 : memref<128xi32, #tpu.memory_space<vmem>>) target_semaphore(%arg12 : memref<!tpu.dma_semaphore, #tpu.memory_space<semaphore_mem>>)
    %dma_start3A_43 = arith.constant 1 : i32
    %dma_start3A_44 = arith.constant 0 : i32
    %dma_start3A_45 = tpu.memref_slice %arg7[%dma_start3A_43, %dma_start3A_44] : memref<4x128xi32, #tpu.memory_space<vmem>> -> memref<1x128xi32, #tpu.memory_space<vmem>>
    %dma_start3A_46 = tpu.memref_squeeze %dma_start3A_45 : memref<1x128xi32, #tpu.memory_space<vmem>> -> memref<128xi32, #tpu.memory_space<vmem>>
    %dma_start3A_47 = arith.constant 0 : i32
    %dma_start3A_48 = tpu.memref_slice %arg4[%add3A_29, %dma_start3A_47] : memref<2500x128xi32, #tpu.memory_space<hbm>> -> memref<1x128xi32, #tpu.memory_space<hbm>>
    %dma_start3A_49 = tpu.memref_squeeze %dma_start3A_48 : memref<1x128xi32, #tpu.memory_space<hbm>> -> memref<128xi32, #tpu.memory_space<hbm>>
    %dma_start3A_50 = arith.constant 0 : i32
    %dma_start3A_51 = tpu.memref_slice %arg7[%dma_start3A_43, %dma_start3A_50] : memref<4x128xi32, #tpu.memory_space<vmem>> -> memref<1x128xi32, #tpu.memory_space<vmem>>
    %dma_start3A_52 = tpu.memref_squeeze %dma_start3A_51 : memref<1x128xi32, #tpu.memory_space<vmem>> -> memref<128xi32, #tpu.memory_space<vmem>>
    %dma_start3A_53 = arith.constant 0 : i32
    %dma_start3A_54 = tpu.memref_slice %arg4[%add3A_29, %dma_start3A_53] : memref<2500x128xi32, #tpu.memory_space<hbm>> -> memref<1x128xi32, #tpu.memory_space<hbm>>
    %dma_start3A_55 = tpu.memref_squeeze %dma_start3A_54 : memref<1x128xi32, #tpu.memory_space<hbm>> -> memref<128xi32, #tpu.memory_space<hbm>>
    tpu.enqueue_dma source(%dma_start3A_55 : memref<128xi32, #tpu.memory_space<hbm>>) target(%dma_start3A_52 : memref<128xi32, #tpu.memory_space<vmem>>) target_semaphore(%arg12 : memref<!tpu.dma_semaphore, #tpu.memory_space<semaphore_mem>>)
    %broadcast_in_dim3A = arith.constant 0.000000e+00 : f32
    %broadcast_in_dim3A_56 = vector.broadcast %broadcast_in_dim3A : f32 to vector<16xf32>
    %scan3A = arith.constant 0 : i32
    %scan3A_57 = arith.constant 0 : i32
    %scan3A_58 = arith.constant 128 : i32
    %scan3A_59 = arith.addi %scan3A_57, %scan3A_58 : i32
    %scan3A_60 = arith.constant 1 : i32
    %scan3A_61 = scf.for %scan3A_559 = %scan3A_57 to %scan3A_59 step %scan3A_60 iter_args(%scan3A_560 = %scan3A) -> (i32)  : i32 {
      %swap3A = arith.index_cast %scan3A_559 : i32 to index
      %swap3A_561 = arith.constant 0 : index
      %swap3A_562 = tpu.vector_load %arg8[%swap3A, %swap3A_561] {strides = array<i32>} : memref<128x128xf32, #tpu.memory_space<vmem>>, vector<16xf32>,
      tpu.vector_store %arg8[%swap3A, %swap3A_561], %broadcast_in_dim3A_56 {strides = array<i32>} : memref<128x128xf32, #tpu.memory_space<vmem>>, vector<16xf32>,
      %swap3A_563 = arith.index_cast %scan3A_559 : i32 to index
      %swap3A_564 = arith.constant 16 : index
      %swap3A_565 = tpu.vector_load %arg8[%swap3A_563, %swap3A_564] {strides = array<i32>} : memref<128x128xf32, #tpu.memory_space<vmem>>, vector<16xf32>,
      tpu.vector_store %arg8[%swap3A_563, %swap3A_564], %broadcast_in_dim3A_56 {strides = array<i32>} : memref<128x128xf32, #tpu.memory_space<vmem>>, vector<16xf32>,
      %swap3A_566 = arith.index_cast %scan3A_559 : i32 to index
      %swap3A_567 = arith.constant 32 : index
      %swap3A_568 = tpu.vector_load %arg8[%swap3A_566, %swap3A_567] {strides = array<i32>} : memref<128x128xf32, #tpu.memory_space<vmem>>, vector<16xf32>,
      tpu.vector_store %arg8[%swap3A_566, %swap3A_567], %broadcast_in_dim3A_56 {strides = array<i32>} : memref<128x128xf32, #tpu.memory_space<vmem>>, vector<16xf32>,
      %swap3A_569 = arith.index_cast %scan3A_559 : i32 to index
      %swap3A_570 = arith.constant 48 : index
      %swap3A_571 = tpu.vector_load %arg8[%swap3A_569, %swap3A_570] {strides = array<i32>} : memref<128x128xf32, #tpu.memory_space<vmem>>, vector<16xf32>,
      tpu.vector_store %arg8[%swap3A_569, %swap3A_570], %broadcast_in_dim3A_56 {strides = array<i32>} : memref<128x128xf32, #tpu.memory_space<vmem>>, vector<16xf32>,
      %swap3A_572 = arith.index_cast %scan3A_559 : i32 to index
      %swap3A_573 = arith.constant 64 : index
      %swap3A_574 = tpu.vector_load %arg8[%swap3A_572, %swap3A_573] {strides = array<i32>} : memref<128x128xf32, #tpu.memory_space<vmem>>, vector<16xf32>,
      tpu.vector_store %arg8[%swap3A_572, %swap3A_573], %broadcast_in_dim3A_56 {strides = array<i32>} : memref<128x128xf32, #tpu.memory_space<vmem>>, vector<16xf32>,
      %swap3A_575 = arith.index_cast %scan3A_559 : i32 to index
      %swap3A_576 = arith.constant 80 : index
      %swap3A_577 = tpu.vector_load %arg8[%swap3A_575, %swap3A_576] {strides = array<i32>} : memref<128x128xf32, #tpu.memory_space<vmem>>, vector<16xf32>,
      tpu.vector_store %arg8[%swap3A_575, %swap3A_576], %broadcast_in_dim3A_56 {strides = array<i32>} : memref<128x128xf32, #tpu.memory_space<vmem>>, vector<16xf32>,
      %swap3A_578 = arith.index_cast %scan3A_559 : i32 to index
      %swap3A_579 = arith.constant 96 : index
      %swap3A_580 = tpu.vector_load %arg8[%swap3A_578, %swap3A_579] {strides = array<i32>} : memref<128x128xf32, #tpu.memory_space<vmem>>, vector<16xf32>,
      tpu.vector_store %arg8[%swap3A_578, %swap3A_579], %broadcast_in_dim3A_56 {strides = array<i32>} : memref<128x128xf32, #tpu.memory_space<vmem>>, vector<16xf32>,
      %swap3A_581 = arith.index_cast %scan3A_559 : i32 to index
      %swap3A_582 = arith.constant 112 : index
      %swap3A_583 = tpu.vector_load %arg8[%swap3A_581, %swap3A_582] {strides = array<i32>} : memref<128x128xf32, #tpu.memory_space<vmem>>, vector<16xf32>,
      tpu.vector_store %arg8[%swap3A_581, %swap3A_582], %broadcast_in_dim3A_56 {strides = array<i32>} : memref<128x128xf32, #tpu.memory_space<vmem>>, vector<16xf32>,
      %scan3A_584 = arith.constant 0 : i32
      scf.yield %scan3A_584 : i32
    }
    %scan3A_62 = arith.constant 128 : i32
    %mul3A_63 = arith.constant 624 : i32
    %mul3A_64 = arith.muli %arg1, %mul3A_63 : i32
    %add3A_65 = arith.constant 0 : i32
    %add3A_66 = arith.addi %mul3A_64, %add3A_65 : i32
    "tpu.region"() ({
      %run_scoped3A = tpu.sem_alloc : memref<!tpu.dma_semaphore, #tpu.memory_space<semaphore_mem>>
      %dma_start3A_559 = arith.constant 0 : i32
      %dma_start3A_560 = arith.constant 0 : i32
      %dma_start3A_561 = tpu.memref_slice %arg8[%dma_start3A_559, %dma_start3A_560] : memref<128x128xf32, #tpu.memory_space<vmem>> -> memref<128x128xf32, #tpu.memory_space<vmem>>
      %dma_start3A_562 = arith.constant 0 : i32
      %dma_start3A_563 = tpu.memref_slice %arg10[%add3A_66, %dma_start3A_562] : memref<10000x128xf32, #tpu.memory_space<vmem_shared>> -> memref<128x128xf32, #tpu.memory_space<vmem_shared>>
      %dma_start3A_564 = arith.constant 0 : i32
      %dma_start3A_565 = tpu.memref_slice %arg10[%add3A_66, %dma_start3A_564] : memref<10000x128xf32, #tpu.memory_space<vmem_shared>> -> memref<128x128xf32, #tpu.memory_space<vmem_shared>>
      %dma_start3A_566 = arith.constant 0 : i32
      %dma_start3A_567 = arith.constant 0 : i32
      %dma_start3A_568 = tpu.memref_slice %arg8[%dma_start3A_566, %dma_start3A_567] : memref<128x128xf32, #tpu.memory_space<vmem>> -> memref<128x128xf32, #tpu.memory_space<vmem>>
      tpu.enqueue_dma source(%dma_start3A_568 : memref<128x128xf32, #tpu.memory_space<vmem>>) target(%dma_start3A_565 : memref<128x128xf32, #tpu.memory_space<vmem_shared>>) target_semaphore(%run_scoped3A : memref<!tpu.dma_semaphore, #tpu.memory_space<semaphore_mem>>)
      %dma_wait3A_569 = arith.constant 0 : i32
      %dma_wait3A_570 = arith.constant 0 : i32
      %dma_wait3A_571 = tpu.memref_slice %arg8[%dma_wait3A_569, %dma_wait3A_570] : memref<128x128xf32, #tpu.memory_space<vmem>> -> memref<128x128xf32, #tpu.memory_space<vmem>>
      %dma_wait3A_572 = arith.constant 0 : i32
      %dma_wait3A_573 = tpu.memref_slice %arg10[%add3A_66, %dma_wait3A_572] : memref<10000x128xf32, #tpu.memory_space<vmem_shared>> -> memref<128x128xf32, #tpu.memory_space<vmem_shared>>
      %dma_wait3A_574 = arith.constant 0 : i32
      %dma_wait3A_575 = tpu.memref_slice %arg10[%add3A_66, %dma_wait3A_574] : memref<10000x128xf32, #tpu.memory_space<vmem_shared>> -> memref<128x128xf32, #tpu.memory_space<vmem_shared>>
      %dma_wait3A_576 = arith.constant 0 : i32
      %dma_wait3A_577 = arith.constant 0 : i32
      %dma_wait3A_578 = tpu.memref_slice %arg8[%dma_wait3A_576, %dma_wait3A_577] : memref<128x128xf32, #tpu.memory_space<vmem>> -> memref<128x128xf32, #tpu.memory_space<vmem>>
      tpu.wait_dma2 semaphore(%run_scoped3A : memref<!tpu.dma_semaphore, #tpu.memory_space<semaphore_mem>>) src(%dma_wait3A_578 : memref<128x128xf32, #tpu.memory_space<vmem>>) dst(%dma_wait3A_575 : memref<128x128xf32, #tpu.memory_space<vmem_shared>>)
      tpu.yield
    }) : () -> ()
    %add3A_67 = arith.constant 128 : i32
    %add3A_68 = arith.addi %mul3A_64, %add3A_67 : i32
    "tpu.region"() ({
      %run_scoped3A = tpu.sem_alloc : memref<!tpu.dma_semaphore, #tpu.memory_space<semaphore_mem>>
      %dma_start3A_559 = arith.constant 0 : i32
      %dma_start3A_560 = arith.constant 0 : i32
      %dma_start3A_561 = tpu.memref_slice %arg8[%dma_start3A_559, %dma_start3A_560] : memref<128x128xf32, #tpu.memory_space<vmem>> -> memref<128x128xf32, #tpu.memory_space<vmem>>
      %dma_start3A_562 = arith.constant 0 : i32
      %dma_start3A_563 = tpu.memref_slice %arg10[%add3A_68, %dma_start3A_562] : memref<10000x128xf32, #tpu.memory_space<vmem_shared>> -> memref<128x128xf32, #tpu.memory_space<vmem_shared>>
      %dma_start3A_564 = arith.constant 0 : i32
      %dma_start3A_565 = tpu.memref_slice %arg10[%add3A_68, %dma_start3A_564] : memref<10000x128xf32, #tpu.memory_space<vmem_shared>> -> memref<128x128xf32, #tpu.memory_space<vmem_shared>>
      %dma_start3A_566 = arith.constant 0 : i32
      %dma_start3A_567 = arith.constant 0 : i32
      %dma_start3A_568 = tpu.memref_slice %arg8[%dma_start3A_566, %dma_start3A_567] : memref<128x128xf32, #tpu.memory_space<vmem>> -> memref<128x128xf32, #tpu.memory_space<vmem>>
      tpu.enqueue_dma source(%dma_start3A_568 : memref<128x128xf32, #tpu.memory_space<vmem>>) target(%dma_start3A_565 : memref<128x128xf32, #tpu.memory_space<vmem_shared>>) target_semaphore(%run_scoped3A : memref<!tpu.dma_semaphore, #tpu.memory_space<semaphore_mem>>)
      %dma_wait3A_569 = arith.constant 0 : i32
      %dma_wait3A_570 = arith.constant 0 : i32
      %dma_wait3A_571 = tpu.memref_slice %arg8[%dma_wait3A_569, %dma_wait3A_570] : memref<128x128xf32, #tpu.memory_space<vmem>> -> memref<128x128xf32, #tpu.memory_space<vmem>>
      %dma_wait3A_572 = arith.constant 0 : i32
      %dma_wait3A_573 = tpu.memref_slice %arg10[%add3A_68, %dma_wait3A_572] : memref<10000x128xf32, #tpu.memory_space<vmem_shared>> -> memref<128x128xf32, #tpu.memory_space<vmem_shared>>
      %dma_wait3A_574 = arith.constant 0 : i32
      %dma_wait3A_575 = tpu.memref_slice %arg10[%add3A_68, %dma_wait3A_574] : memref<10000x128xf32, #tpu.memory_space<vmem_shared>> -> memref<128x128xf32, #tpu.memory_space<vmem_shared>>
      %dma_wait3A_576 = arith.constant 0 : i32
      %dma_wait3A_577 = arith.constant 0 : i32
      %dma_wait3A_578 = tpu.memref_slice %arg8[%dma_wait3A_576, %dma_wait3A_577] : memref<128x128xf32, #tpu.memory_space<vmem>> -> memref<128x128xf32, #tpu.memory_space<vmem>>
      tpu.wait_dma2 semaphore(%run_scoped3A : memref<!tpu.dma_semaphore, #tpu.memory_space<semaphore_mem>>) src(%dma_wait3A_578 : memref<128x128xf32, #tpu.memory_space<vmem>>) dst(%dma_wait3A_575 : memref<128x128xf32, #tpu.memory_space<vmem_shared>>)
      tpu.yield
    }) : () -> ()
    %add3A_69 = arith.constant 256 : i32
    %add3A_70 = arith.addi %mul3A_64, %add3A_69 : i32
    "tpu.region"() ({
      %run_scoped3A = tpu.sem_alloc : memref<!tpu.dma_semaphore, #tpu.memory_space<semaphore_mem>>
      %dma_start3A_559 = arith.constant 0 : i32
      %dma_start3A_560 = arith.constant 0 : i32
      %dma_start3A_561 = tpu.memref_slice %arg8[%dma_start3A_559, %dma_start3A_560] : memref<128x128xf32, #tpu.memory_space<vmem>> -> memref<128x128xf32, #tpu.memory_space<vmem>>
      %dma_start3A_562 = arith.constant 0 : i32
      %dma_start3A_563 = tpu.memref_slice %arg10[%add3A_70, %dma_start3A_562] : memref<10000x128xf32, #tpu.memory_space<vmem_shared>> -> memref<128x128xf32, #tpu.memory_space<vmem_shared>>
      %dma_start3A_564 = arith.constant 0 : i32
      %dma_start3A_565 = tpu.memref_slice %arg10[%add3A_70, %dma_start3A_564] : memref<10000x128xf32, #tpu.memory_space<vmem_shared>> -> memref<128x128xf32, #tpu.memory_space<vmem_shared>>
      %dma_start3A_566 = arith.constant 0 : i32
      %dma_start3A_567 = arith.constant 0 : i32
      %dma_start3A_568 = tpu.memref_slice %arg8[%dma_start3A_566, %dma_start3A_567] : memref<128x128xf32, #tpu.memory_space<vmem>> -> memref<128x128xf32, #tpu.memory_space<vmem>>
      tpu.enqueue_dma source(%dma_start3A_568 : memref<128x128xf32, #tpu.memory_space<vmem>>) target(%dma_start3A_565 : memref<128x128xf32, #tpu.memory_space<vmem_shared>>) target_semaphore(%run_scoped3A : memref<!tpu.dma_semaphore, #tpu.memory_space<semaphore_mem>>)
      %dma_wait3A_569 = arith.constant 0 : i32
      %dma_wait3A_570 = arith.constant 0 : i32
      %dma_wait3A_571 = tpu.memref_slice %arg8[%dma_wait3A_569, %dma_wait3A_570] : memref<128x128xf32, #tpu.memory_space<vmem>> -> memref<128x128xf32, #tpu.memory_space<vmem>>
      %dma_wait3A_572 = arith.constant 0 : i32
      %dma_wait3A_573 = tpu.memref_slice %arg10[%add3A_70, %dma_wait3A_572] : memref<10000x128xf32, #tpu.memory_space<vmem_shared>> -> memref<128x128xf32, #tpu.memory_space<vmem_shared>>
      %dma_wait3A_574 = arith.constant 0 : i32
      %dma_wait3A_575 = tpu.memref_slice %arg10[%add3A_70, %dma_wait3A_574] : memref<10000x128xf32, #tpu.memory_space<vmem_shared>> -> memref<128x128xf32, #tpu.memory_space<vmem_shared>>
      %dma_wait3A_576 = arith.constant 0 : i32
      %dma_wait3A_577 = arith.constant 0 : i32
      %dma_wait3A_578 = tpu.memref_slice %arg8[%dma_wait3A_576, %dma_wait3A_577] : memref<128x128xf32, #tpu.memory_space<vmem>> -> memref<128x128xf32, #tpu.memory_space<vmem>>
      tpu.wait_dma2 semaphore(%run_scoped3A : memref<!tpu.dma_semaphore, #tpu.memory_space<semaphore_mem>>) src(%dma_wait3A_578 : memref<128x128xf32, #tpu.memory_space<vmem>>) dst(%dma_wait3A_575 : memref<128x128xf32, #tpu.memory_space<vmem_shared>>)
      tpu.yield
    }) : () -> ()
    %add3A_71 = arith.constant 384 : i32
    %add3A_72 = arith.addi %mul3A_64, %add3A_71 : i32
    "tpu.region"() ({
      %run_scoped3A = tpu.sem_alloc : memref<!tpu.dma_semaphore, #tpu.memory_space<semaphore_mem>>
      %dma_start3A_559 = arith.constant 0 : i32
      %dma_start3A_560 = arith.constant 0 : i32
      %dma_start3A_561 = tpu.memref_slice %arg8[%dma_start3A_559, %dma_start3A_560] : memref<128x128xf32, #tpu.memory_space<vmem>> -> memref<128x128xf32, #tpu.memory_space<vmem>>
      %dma_start3A_562 = arith.constant 0 : i32
      %dma_start3A_563 = tpu.memref_slice %arg10[%add3A_72, %dma_start3A_562] : memref<10000x128xf32, #tpu.memory_space<vmem_shared>> -> memref<128x128xf32, #tpu.memory_space<vmem_shared>>
      %dma_start3A_564 = arith.constant 0 : i32
      %dma_start3A_565 = tpu.memref_slice %arg10[%add3A_72, %dma_start3A_564] : memref<10000x128xf32, #tpu.memory_space<vmem_shared>> -> memref<128x128xf32, #tpu.memory_space<vmem_shared>>
      %dma_start3A_566 = arith.constant 0 : i32
      %dma_start3A_567 = arith.constant 0 : i32
      %dma_start3A_568 = tpu.memref_slice %arg8[%dma_start3A_566, %dma_start3A_567] : memref<128x128xf32, #tpu.memory_space<vmem>> -> memref<128x128xf32, #tpu.memory_space<vmem>>
      tpu.enqueue_dma source(%dma_start3A_568 : memref<128x128xf32, #tpu.memory_space<vmem>>) target(%dma_start3A_565 : memref<128x128xf32, #tpu.memory_space<vmem_shared>>) target_semaphore(%run_scoped3A : memref<!tpu.dma_semaphore, #tpu.memory_space<semaphore_mem>>)
      %dma_wait3A_569 = arith.constant 0 : i32
      %dma_wait3A_570 = arith.constant 0 : i32
      %dma_wait3A_571 = tpu.memref_slice %arg8[%dma_wait3A_569, %dma_wait3A_570] : memref<128x128xf32, #tpu.memory_space<vmem>> -> memref<128x128xf32, #tpu.memory_space<vmem>>
      %dma_wait3A_572 = arith.constant 0 : i32
      %dma_wait3A_573 = tpu.memref_slice %arg10[%add3A_72, %dma_wait3A_572] : memref<10000x128xf32, #tpu.memory_space<vmem_shared>> -> memref<128x128xf32, #tpu.memory_space<vmem_shared>>
      %dma_wait3A_574 = arith.constant 0 : i32
      %dma_wait3A_575 = tpu.memref_slice %arg10[%add3A_72, %dma_wait3A_574] : memref<10000x128xf32, #tpu.memory_space<vmem_shared>> -> memref<128x128xf32, #tpu.memory_space<vmem_shared>>
      %dma_wait3A_576 = arith.constant 0 : i32
      %dma_wait3A_577 = arith.constant 0 : i32
      %dma_wait3A_578 = tpu.memref_slice %arg8[%dma_wait3A_576, %dma_wait3A_577] : memref<128x128xf32, #tpu.memory_space<vmem>> -> memref<128x128xf32, #tpu.memory_space<vmem>>
      tpu.wait_dma2 semaphore(%run_scoped3A : memref<!tpu.dma_semaphore, #tpu.memory_space<semaphore_mem>>) src(%dma_wait3A_578 : memref<128x128xf32, #tpu.memory_space<vmem>>) dst(%dma_wait3A_575 : memref<128x128xf32, #tpu.memory_space<vmem_shared>>)
      tpu.yield
    }) : () -> ()
    %add3A_73 = arith.constant 512 : i32
    %add3A_74 = arith.addi %mul3A_64, %add3A_73 : i32
    "tpu.region"() ({
      %run_scoped3A = tpu.sem_alloc : memref<!tpu.dma_semaphore, #tpu.memory_space<semaphore_mem>>
      %dma_start3A_559 = arith.constant 0 : i32
      %dma_start3A_560 = arith.constant 0 : i32
      %dma_start3A_561 = tpu.memref_slice %arg8[%dma_start3A_559, %dma_start3A_560] : memref<128x128xf32, #tpu.memory_space<vmem>> -> memref<112x128xf32, #tpu.memory_space<vmem>>
      %dma_start3A_562 = arith.constant 0 : i32
      %dma_start3A_563 = tpu.memref_slice %arg10[%add3A_74, %dma_start3A_562] : memref<10000x128xf32, #tpu.memory_space<vmem_shared>> -> memref<112x128xf32, #tpu.memory_space<vmem_shared>>
      %dma_start3A_564 = arith.constant 0 : i32
      %dma_start3A_565 = tpu.memref_slice %arg10[%add3A_74, %dma_start3A_564] : memref<10000x128xf32, #tpu.memory_space<vmem_shared>> -> memref<112x128xf32, #tpu.memory_space<vmem_shared>>
      %dma_start3A_566 = arith.constant 0 : i32
      %dma_start3A_567 = arith.constant 0 : i32
      %dma_start3A_568 = tpu.memref_slice %arg8[%dma_start3A_566, %dma_start3A_567] : memref<128x128xf32, #tpu.memory_space<vmem>> -> memref<112x128xf32, #tpu.memory_space<vmem>>
      tpu.enqueue_dma source(%dma_start3A_568 : memref<112x128xf32, #tpu.memory_space<vmem>>) target(%dma_start3A_565 : memref<112x128xf32, #tpu.memory_space<vmem_shared>>) target_semaphore(%run_scoped3A : memref<!tpu.dma_semaphore, #tpu.memory_space<semaphore_mem>>)
      %dma_wait3A_569 = arith.constant 0 : i32
      %dma_wait3A_570 = arith.constant 0 : i32
      %dma_wait3A_571 = tpu.memref_slice %arg8[%dma_wait3A_569, %dma_wait3A_570] : memref<128x128xf32, #tpu.memory_space<vmem>> -> memref<112x128xf32, #tpu.memory_space<vmem>>
      %dma_wait3A_572 = arith.constant 0 : i32
      %dma_wait3A_573 = tpu.memref_slice %arg10[%add3A_74, %dma_wait3A_572] : memref<10000x128xf32, #tpu.memory_space<vmem_shared>> -> memref<112x128xf32, #tpu.memory_space<vmem_shared>>
      %dma_wait3A_574 = arith.constant 0 : i32
      %dma_wait3A_575 = tpu.memref_slice %arg10[%add3A_74, %dma_wait3A_574] : memref<10000x128xf32, #tpu.memory_space<vmem_shared>> -> memref<112x128xf32, #tpu.memory_space<vmem_shared>>
      %dma_wait3A_576 = arith.constant 0 : i32
      %dma_wait3A_577 = arith.constant 0 : i32
      %dma_wait3A_578 = tpu.memref_slice %arg8[%dma_wait3A_576, %dma_wait3A_577] : memref<128x128xf32, #tpu.memory_space<vmem>> -> memref<112x128xf32, #tpu.memory_space<vmem>>
      tpu.wait_dma2 semaphore(%run_scoped3A : memref<!tpu.dma_semaphore, #tpu.memory_space<semaphore_mem>>) src(%dma_wait3A_578 : memref<112x128xf32, #tpu.memory_space<vmem>>) dst(%dma_wait3A_575 : memref<112x128xf32, #tpu.memory_space<vmem_shared>>)
      tpu.yield
    }) : () -> ()
    %eq3A = arith.constant 15 : i32
    %eq3A_75 = arith.cmpi eq, %arg1, %eq3A : i32
    %convert_element_type3A = arith.extui %eq3A_75 : i1 to i32
    %cond3A = arith.constant 0 : i32
    %cond3A_76 = arith.cmpi ne, %convert_element_type3A, %cond3A : i32
    scf.if %cond3A_76 {
      "tpu.region"() ({
        %run_scoped3A = tpu.sem_alloc : memref<!tpu.dma_semaphore, #tpu.memory_space<semaphore_mem>>
        %dma_start3A_559 = arith.constant 0 : i32
        %dma_start3A_560 = arith.constant 0 : i32
        %dma_start3A_561 = tpu.memref_slice %arg8[%dma_start3A_559, %dma_start3A_560] : memref<128x128xf32, #tpu.memory_space<vmem>> -> memref<16x128xf32, #tpu.memory_space<vmem>>
        %dma_start3A_562 = arith.constant 9984 : i32
        %dma_start3A_563 = arith.constant 0 : i32
        %dma_start3A_564 = tpu.memref_slice %arg10[%dma_start3A_562, %dma_start3A_563] : memref<10000x128xf32, #tpu.memory_space<vmem_shared>> -> memref<16x128xf32, #tpu.memory_space<vmem_shared>>
        %dma_start3A_565 = arith.constant 9984 : i32
        %dma_start3A_566 = arith.constant 0 : i32
        %dma_start3A_567 = tpu.memref_slice %arg10[%dma_start3A_565, %dma_start3A_566] : memref<10000x128xf32, #tpu.memory_space<vmem_shared>> -> memref<16x128xf32, #tpu.memory_space<vmem_shared>>
        %dma_start3A_568 = arith.constant 0 : i32
        %dma_start3A_569 = arith.constant 0 : i32
        %dma_start3A_570 = tpu.memref_slice %arg8[%dma_start3A_568, %dma_start3A_569] : memref<128x128xf32, #tpu.memory_space<vmem>> -> memref<16x128xf32, #tpu.memory_space<vmem>>
        tpu.enqueue_dma source(%dma_start3A_570 : memref<16x128xf32, #tpu.memory_space<vmem>>) target(%dma_start3A_567 : memref<16x128xf32, #tpu.memory_space<vmem_shared>>) target_semaphore(%run_scoped3A : memref<!tpu.dma_semaphore, #tpu.memory_space<semaphore_mem>>)
        %dma_wait3A_571 = arith.constant 0 : i32
        %dma_wait3A_572 = arith.constant 0 : i32
        %dma_wait3A_573 = tpu.memref_slice %arg8[%dma_wait3A_571, %dma_wait3A_572] : memref<128x128xf32, #tpu.memory_space<vmem>> -> memref<16x128xf32, #tpu.memory_space<vmem>>
        %dma_wait3A_574 = arith.constant 9984 : i32
        %dma_wait3A_575 = arith.constant 0 : i32
        %dma_wait3A_576 = tpu.memref_slice %arg10[%dma_wait3A_574, %dma_wait3A_575] : memref<10000x128xf32, #tpu.memory_space<vmem_shared>> -> memref<16x128xf32, #tpu.memory_space<vmem_shared>>
        %dma_wait3A_577 = arith.constant 9984 : i32
        %dma_wait3A_578 = arith.constant 0 : i32
        %dma_wait3A_579 = tpu.memref_slice %arg10[%dma_wait3A_577, %dma_wait3A_578] : memref<10000x128xf32, #tpu.memory_space<vmem_shared>> -> memref<16x128xf32, #tpu.memory_space<vmem_shared>>
        %dma_wait3A_580 = arith.constant 0 : i32
        %dma_wait3A_581 = arith.constant 0 : i32
        %dma_wait3A_582 = tpu.memref_slice %arg8[%dma_wait3A_580, %dma_wait3A_581] : memref<128x128xf32, #tpu.memory_space<vmem>> -> memref<16x128xf32, #tpu.memory_space<vmem>>
        tpu.wait_dma2 semaphore(%run_scoped3A : memref<!tpu.dma_semaphore, #tpu.memory_space<semaphore_mem>>) src(%dma_wait3A_582 : memref<16x128xf32, #tpu.memory_space<vmem>>) dst(%dma_wait3A_579 : memref<16x128xf32, #tpu.memory_space<vmem_shared>>)
        tpu.yield
      }) : () -> ()
    } else {
    }
    %broadcast_in_dim3A_77 = arith.constant 1.000000e+00 : f32
    %broadcast_in_dim3A_78 = vector.broadcast %broadcast_in_dim3A_77 : f32 to vector<16xf32>
    %add3A_79 = arith.constant 0 : i32
    %add3A_80 = arith.addi %add3A, %add3A_79 : i32
    %dma_wait3A = arith.constant 0 : i32
    %dma_wait3A_81 = arith.constant 0 : i32
    %dma_wait3A_82 = tpu.memref_slice %arg6[%dma_wait3A, %dma_wait3A_81] : memref<4x128xi32, #tpu.memory_space<vmem>> -> memref<1x128xi32, #tpu.memory_space<vmem>>
    %dma_wait3A_83 = tpu.memref_squeeze %dma_wait3A_82 : memref<1x128xi32, #tpu.memory_space<vmem>> -> memref<128xi32, #tpu.memory_space<vmem>>
    %dma_wait3A_84 = arith.constant 0 : i32
    %dma_wait3A_85 = tpu.memref_slice %arg3[%add3A_80, %dma_wait3A_84] : memref<2500x128xi32, #tpu.memory_space<hbm>> -> memref<1x128xi32, #tpu.memory_space<hbm>>
    %dma_wait3A_86 = tpu.memref_squeeze %dma_wait3A_85 : memref<1x128xi32, #tpu.memory_space<hbm>> -> memref<128xi32, #tpu.memory_space<hbm>>
    %dma_wait3A_87 = arith.constant 0 : i32
    %dma_wait3A_88 = tpu.memref_slice %arg6[%dma_wait3A, %dma_wait3A_87] : memref<4x128xi32, #tpu.memory_space<vmem>> -> memref<1x128xi32, #tpu.memory_space<vmem>>
    %dma_wait3A_89 = tpu.memref_squeeze %dma_wait3A_88 : memref<1x128xi32, #tpu.memory_space<vmem>> -> memref<128xi32, #tpu.memory_space<vmem>>
    %dma_wait3A_90 = arith.constant 0 : i32
    %dma_wait3A_91 = tpu.memref_slice %arg3[%add3A_80, %dma_wait3A_90] : memref<2500x128xi32, #tpu.memory_space<hbm>> -> memref<1x128xi32, #tpu.memory_space<hbm>>
    %dma_wait3A_92 = tpu.memref_squeeze %dma_wait3A_91 : memref<1x128xi32, #tpu.memory_space<hbm>> -> memref<128xi32, #tpu.memory_space<hbm>>
    tpu.wait_dma2 semaphore(%arg11 : memref<!tpu.dma_semaphore, #tpu.memory_space<semaphore_mem>>) src(%dma_wait3A_92 : memref<128xi32, #tpu.memory_space<hbm>>) dst(%dma_wait3A_89 : memref<128xi32, #tpu.memory_space<vmem>>)
    %dma_wait3A_93 = arith.constant 0 : i32
    %dma_wait3A_94 = arith.constant 0 : i32
    %dma_wait3A_95 = tpu.memref_slice %arg7[%dma_wait3A_93, %dma_wait3A_94] : memref<4x128xi32, #tpu.memory_space<vmem>> -> memref<1x128xi32, #tpu.memory_space<vmem>>
    %dma_wait3A_96 = tpu.memref_squeeze %dma_wait3A_95 : memref<1x128xi32, #tpu.memory_space<vmem>> -> memref<128xi32, #tpu.memory_space<vmem>>
    %dma_wait3A_97 = arith.constant 0 : i32
    %dma_wait3A_98 = tpu.memref_slice %arg4[%add3A_80, %dma_wait3A_97] : memref<2500x128xi32, #tpu.memory_space<hbm>> -> memref<1x128xi32, #tpu.memory_space<hbm>>
    %dma_wait3A_99 = tpu.memref_squeeze %dma_wait3A_98 : memref<1x128xi32, #tpu.memory_space<hbm>> -> memref<128xi32, #tpu.memory_space<hbm>>
    %dma_wait3A_100 = arith.constant 0 : i32
    %dma_wait3A_101 = tpu.memref_slice %arg7[%dma_wait3A_93, %dma_wait3A_100] : memref<4x128xi32, #tpu.memory_space<vmem>> -> memref<1x128xi32, #tpu.memory_space<vmem>>
    %dma_wait3A_102 = tpu.memref_squeeze %dma_wait3A_101 : memref<1x128xi32, #tpu.memory_space<vmem>> -> memref<128xi32, #tpu.memory_space<vmem>>
    %dma_wait3A_103 = arith.constant 0 : i32
    %dma_wait3A_104 = tpu.memref_slice %arg4[%add3A_80, %dma_wait3A_103] : memref<2500x128xi32, #tpu.memory_space<hbm>> -> memref<1x128xi32, #tpu.memory_space<hbm>>
    %dma_wait3A_105 = tpu.memref_squeeze %dma_wait3A_104 : memref<1x128xi32, #tpu.memory_space<hbm>> -> memref<128xi32, #tpu.memory_space<hbm>>
    tpu.wait_dma2 semaphore(%arg11 : memref<!tpu.dma_semaphore, #tpu.memory_space<semaphore_mem>>) src(%dma_wait3A_105 : memref<128xi32, #tpu.memory_space<hbm>>) dst(%dma_wait3A_102 : memref<128xi32, #tpu.memory_space<vmem>>)
    %dma_start3A_106 = arith.constant 0 : i32
    %dma_start3A_107 = arith.constant 0 : i32
    %dma_start3A_108 = tpu.memref_slice %arg6[%dma_start3A_106, %dma_start3A_107] : memref<4x128xi32, #tpu.memory_space<vmem>> -> memref<1x128xi32, #tpu.memory_space<vmem>>
    %dma_start3A_109 = tpu.memref_squeeze %dma_start3A_108 : memref<1x128xi32, #tpu.memory_space<vmem>> -> memref<128xi32, #tpu.memory_space<vmem>>
    %dma_start3A_110 = arith.constant 0 : i32
    %dma_start3A_111 = arith.constant 0 : i32
    %dma_start3A_112 = tpu.memref_slice %arg2[%dma_start3A_110, %dma_start3A_111] : memref<10000x128xf32, #tpu.memory_space<hbm>> -> memref<10000x128xf32, #tpu.memory_space<hbm>>
    tpu.enqueue_indirect_dma source(%dma_start3A_112 : memref<10000x128xf32, #tpu.memory_space<hbm>>) target(%arg8 : memref<128x128xf32, #tpu.memory_space<vmem>>) offsets(%dma_start3A_109 : memref<128xi32, #tpu.memory_space<vmem>>) semaphore(%arg15 : memref<!tpu.dma_semaphore, #tpu.memory_space<semaphore_mem>>)
    %barrier3A = arith.constant 0 : index
    tpu.barrier barrier_id(%barrier3A)
    %add3A_113 = arith.constant 32 : i32
    %add3A_114 = arith.addi %add3A, %add3A_113 : i32
    %dma_wait3A_115 = arith.constant 1 : i32
    %dma_wait3A_116 = arith.constant 0 : i32
    %dma_wait3A_117 = tpu.memref_slice %arg6[%dma_wait3A_115, %dma_wait3A_116] : memref<4x128xi32, #tpu.memory_space<vmem>> -> memref<1x128xi32, #tpu.memory_space<vmem>>
    %dma_wait3A_118 = tpu.memref_squeeze %dma_wait3A_117 : memref<1x128xi32, #tpu.memory_space<vmem>> -> memref<128xi32, #tpu.memory_space<vmem>>
    %dma_wait3A_119 = arith.constant 0 : i32
    %dma_wait3A_120 = tpu.memref_slice %arg3[%add3A_114, %dma_wait3A_119] : memref<2500x128xi32, #tpu.memory_space<hbm>> -> memref<1x128xi32, #tpu.memory_space<hbm>>
    %dma_wait3A_121 = tpu.memref_squeeze %dma_wait3A_120 : memref<1x128xi32, #tpu.memory_space<hbm>> -> memref<128xi32, #tpu.memory_space<hbm>>
    %dma_wait3A_122 = arith.constant 0 : i32
    %dma_wait3A_123 = tpu.memref_slice %arg6[%dma_wait3A_115, %dma_wait3A_122] : memref<4x128xi32, #tpu.memory_space<vmem>> -> memref<1x128xi32, #tpu.memory_space<vmem>>
    %dma_wait3A_124 = tpu.memref_squeeze %dma_wait3A_123 : memref<1x128xi32, #tpu.memory_space<vmem>> -> memref<128xi32, #tpu.memory_space<vmem>>
    %dma_wait3A_125 = arith.constant 0 : i32
    %dma_wait3A_126 = tpu.memref_slice %arg3[%add3A_114, %dma_wait3A_125] : memref<2500x128xi32, #tpu.memory_space<hbm>> -> memref<1x128xi32, #tpu.memory_space<hbm>>
    %dma_wait3A_127 = tpu.memref_squeeze %dma_wait3A_126 : memref<1x128xi32, #tpu.memory_space<hbm>> -> memref<128xi32, #tpu.memory_space<hbm>>
    tpu.wait_dma2 semaphore(%arg12 : memref<!tpu.dma_semaphore, #tpu.memory_space<semaphore_mem>>) src(%dma_wait3A_127 : memref<128xi32, #tpu.memory_space<hbm>>) dst(%dma_wait3A_124 : memref<128xi32, #tpu.memory_space<vmem>>)
    %dma_wait3A_128 = arith.constant 1 : i32
    %dma_wait3A_129 = arith.constant 0 : i32
    %dma_wait3A_130 = tpu.memref_slice %arg7[%dma_wait3A_128, %dma_wait3A_129] : memref<4x128xi32, #tpu.memory_space<vmem>> -> memref<1x128xi32, #tpu.memory_space<vmem>>
    %dma_wait3A_131 = tpu.memref_squeeze %dma_wait3A_130 : memref<1x128xi32, #tpu.memory_space<vmem>> -> memref<128xi32, #tpu.memory_space<vmem>>
    %dma_wait3A_132 = arith.constant 0 : i32
    %dma_wait3A_133 = tpu.memref_slice %arg4[%add3A_114, %dma_wait3A_132] : memref<2500x128xi32, #tpu.memory_space<hbm>> -> memref<1x128xi32, #tpu.memory_space<hbm>>
    %dma_wait3A_134 = tpu.memref_squeeze %dma_wait3A_133 : memref<1x128xi32, #tpu.memory_space<hbm>> -> memref<128xi32, #tpu.memory_space<hbm>>
    %dma_wait3A_135 = arith.constant 0 : i32
    %dma_wait3A_136 = tpu.memref_slice %arg7[%dma_wait3A_128, %dma_wait3A_135] : memref<4x128xi32, #tpu.memory_space<vmem>> -> memref<1x128xi32, #tpu.memory_space<vmem>>
    %dma_wait3A_137 = tpu.memref_squeeze %dma_wait3A_136 : memref<1x128xi32, #tpu.memory_space<vmem>> -> memref<128xi32, #tpu.memory_space<vmem>>
    %dma_wait3A_138 = arith.constant 0 : i32
    %dma_wait3A_139 = tpu.memref_slice %arg4[%add3A_114, %dma_wait3A_138] : memref<2500x128xi32, #tpu.memory_space<hbm>> -> memref<1x128xi32, #tpu.memory_space<hbm>>
    %dma_wait3A_140 = tpu.memref_squeeze %dma_wait3A_139 : memref<1x128xi32, #tpu.memory_space<hbm>> -> memref<128xi32, #tpu.memory_space<hbm>>
    tpu.wait_dma2 semaphore(%arg12 : memref<!tpu.dma_semaphore, #tpu.memory_space<semaphore_mem>>) src(%dma_wait3A_140 : memref<128xi32, #tpu.memory_space<hbm>>) dst(%dma_wait3A_137 : memref<128xi32, #tpu.memory_space<vmem>>)
    %dma_start3A_141 = arith.constant 1 : i32
    %dma_start3A_142 = arith.constant 0 : i32
    %dma_start3A_143 = tpu.memref_slice %arg6[%dma_start3A_141, %dma_start3A_142] : memref<4x128xi32, #tpu.memory_space<vmem>> -> memref<1x128xi32, #tpu.memory_space<vmem>>
    %dma_start3A_144 = tpu.memref_squeeze %dma_start3A_143 : memref<1x128xi32, #tpu.memory_space<vmem>> -> memref<128xi32, #tpu.memory_space<vmem>>
    %dma_start3A_145 = arith.constant 0 : i32
    %dma_start3A_146 = arith.constant 0 : i32
    %dma_start3A_147 = tpu.memref_slice %arg2[%dma_start3A_145, %dma_start3A_146] : memref<10000x128xf32, #tpu.memory_space<hbm>> -> memref<10000x128xf32, #tpu.memory_space<hbm>>
    tpu.enqueue_indirect_dma source(%dma_start3A_147 : memref<10000x128xf32, #tpu.memory_space<hbm>>) target(%arg9 : memref<128x128xf32, #tpu.memory_space<vmem>>) offsets(%dma_start3A_144 : memref<128xi32, #tpu.memory_space<vmem>>) semaphore(%arg16 : memref<!tpu.dma_semaphore, #tpu.memory_space<semaphore_mem>>)
    %add3A_148 = arith.constant 64 : i32
    %add3A_149 = arith.addi %add3A, %add3A_148 : i32
    %dma_start3A_150 = arith.constant 2 : i32
    %dma_start3A_151 = arith.constant 0 : i32
    %dma_start3A_152 = tpu.memref_slice %arg6[%dma_start3A_150, %dma_start3A_151] : memref<4x128xi32, #tpu.memory_space<vmem>> -> memref<1x128xi32, #tpu.memory_space<vmem>>
    %dma_start3A_153 = tpu.memref_squeeze %dma_start3A_152 : memref<1x128xi32, #tpu.memory_space<vmem>> -> memref<128xi32, #tpu.memory_space<vmem>>
    %dma_start3A_154 = arith.constant 0 : i32
    %dma_start3A_155 = tpu.memref_slice %arg3[%add3A_149, %dma_start3A_154] : memref<2500x128xi32, #tpu.memory_space<hbm>> -> memref<1x128xi32, #tpu.memory_space<hbm>>
    %dma_start3A_156 = tpu.memref_squeeze %dma_start3A_155 : memref<1x128xi32, #tpu.memory_space<hbm>> -> memref<128xi32, #tpu.memory_space<hbm>>
    %dma_start3A_157 = arith.constant 0 : i32
    %dma_start3A_158 = tpu.memref_slice %arg6[%dma_start3A_150, %dma_start3A_157] : memref<4x128xi32, #tpu.memory_space<vmem>> -> memref<1x128xi32, #tpu.memory_space<vmem>>
    %dma_start3A_159 = tpu.memref_squeeze %dma_start3A_158 : memref<1x128xi32, #tpu.memory_space<vmem>> -> memref<128xi32, #tpu.memory_space<vmem>>
    %dma_start3A_160 = arith.constant 0 : i32
    %dma_start3A_161 = tpu.memref_slice %arg3[%add3A_149, %dma_start3A_160] : memref<2500x128xi32, #tpu.memory_space<hbm>> -> memref<1x128xi32, #tpu.memory_space<hbm>>
    %dma_start3A_162 = tpu.memref_squeeze %dma_start3A_161 : memref<1x128xi32, #tpu.memory_space<hbm>> -> memref<128xi32, #tpu.memory_space<hbm>>
    tpu.enqueue_dma source(%dma_start3A_162 : memref<128xi32, #tpu.memory_space<hbm>>) target(%dma_start3A_159 : memref<128xi32, #tpu.memory_space<vmem>>) target_semaphore(%arg13 : memref<!tpu.dma_semaphore, #tpu.memory_space<semaphore_mem>>)
    %dma_start3A_163 = arith.constant 2 : i32
    %dma_start3A_164 = arith.constant 0 : i32
    %dma_start3A_165 = tpu.memref_slice %arg7[%dma_start3A_163, %dma_start3A_164] : memref<4x128xi32, #tpu.memory_space<vmem>> -> memref<1x128xi32, #tpu.memory_space<vmem>>
    %dma_start3A_166 = tpu.memref_squeeze %dma_start3A_165 : memref<1x128xi32, #tpu.memory_space<vmem>> -> memref<128xi32, #tpu.memory_space<vmem>>
    %dma_start3A_167 = arith.constant 0 : i32
    %dma_start3A_168 = tpu.memref_slice %arg4[%add3A_149, %dma_start3A_167] : memref<2500x128xi32, #tpu.memory_space<hbm>> -> memref<1x128xi32, #tpu.memory_space<hbm>>
    %dma_start3A_169 = tpu.memref_squeeze %dma_start3A_168 : memref<1x128xi32, #tpu.memory_space<hbm>> -> memref<128xi32, #tpu.memory_space<hbm>>
    %dma_start3A_170 = arith.constant 0 : i32
    %dma_start3A_171 = tpu.memref_slice %arg7[%dma_start3A_163, %dma_start3A_170] : memref<4x128xi32, #tpu.memory_space<vmem>> -> memref<1x128xi32, #tpu.memory_space<vmem>>
    %dma_start3A_172 = tpu.memref_squeeze %dma_start3A_171 : memref<1x128xi32, #tpu.memory_space<vmem>> -> memref<128xi32, #tpu.memory_space<vmem>>
    %dma_start3A_173 = arith.constant 0 : i32
    %dma_start3A_174 = tpu.memref_slice %arg4[%add3A_149, %dma_start3A_173] : memref<2500x128xi32, #tpu.memory_space<hbm>> -> memref<1x128xi32, #tpu.memory_space<hbm>>
    %dma_start3A_175 = tpu.memref_squeeze %dma_start3A_174 : memref<1x128xi32, #tpu.memory_space<hbm>> -> memref<128xi32, #tpu.memory_space<hbm>>
    tpu.enqueue_dma source(%dma_start3A_175 : memref<128xi32, #tpu.memory_space<hbm>>) target(%dma_start3A_172 : memref<128xi32, #tpu.memory_space<vmem>>) target_semaphore(%arg13 : memref<!tpu.dma_semaphore, #tpu.memory_space<semaphore_mem>>)
    %dma_wait3A_176 = arith.constant 0 : i32
    %dma_wait3A_177 = arith.constant 0 : i32
    %dma_wait3A_178 = tpu.memref_slice %arg6[%dma_wait3A_176, %dma_wait3A_177] : memref<4x128xi32, #tpu.memory_space<vmem>> -> memref<1x128xi32, #tpu.memory_space<vmem>>
    %dma_wait3A_179 = tpu.memref_squeeze %dma_wait3A_178 : memref<1x128xi32, #tpu.memory_space<vmem>> -> memref<128xi32, #tpu.memory_space<vmem>>
    %dma_wait3A_180 = arith.constant 0 : i32
    %dma_wait3A_181 = arith.constant 0 : i32
    %dma_wait3A_182 = tpu.memref_slice %arg2[%dma_wait3A_180, %dma_wait3A_181] : memref<10000x128xf32, #tpu.memory_space<hbm>> -> memref<10000x128xf32, #tpu.memory_space<hbm>>
    tpu.wait_indirect_dma semaphore(%arg15 : memref<!tpu.dma_semaphore, #tpu.memory_space<semaphore_mem>>) src(%dma_wait3A_182 : memref<10000x128xf32, #tpu.memory_space<hbm>>) dst(%arg8 : memref<128x128xf32, #tpu.memory_space<vmem>>)
    %dma_start3A_183 = arith.constant 0 : i32
    %dma_start3A_184 = arith.constant 0 : i32
    %dma_start3A_185 = tpu.memref_slice %arg7[%dma_start3A_183, %dma_start3A_184] : memref<4x128xi32, #tpu.memory_space<vmem>> -> memref<1x128xi32, #tpu.memory_space<vmem>>
    %dma_start3A_186 = tpu.memref_squeeze %dma_start3A_185 : memref<1x128xi32, #tpu.memory_space<vmem>> -> memref<128xi32, #tpu.memory_space<vmem>>
    %dma_start3A_187 = arith.constant 0 : i32
    %dma_start3A_188 = arith.constant 0 : i32
    %dma_start3A_189 = tpu.memref_slice %arg10[%dma_start3A_187, %dma_start3A_188] : memref<10000x128xf32, #tpu.memory_space<vmem_shared>> -> memref<10000x128xf32, #tpu.memory_space<vmem_shared>>
    tpu.enqueue_indirect_dma source(%arg8 : memref<128x128xf32, #tpu.memory_space<vmem>>) target(%dma_start3A_189 : memref<10000x128xf32, #tpu.memory_space<vmem_shared>>) offsets(%dma_start3A_186 : memref<128xi32, #tpu.memory_space<vmem>>) semaphore(%arg17 : memref<!tpu.dma_semaphore, #tpu.memory_space<semaphore_mem>>) {add = true}
    %dma_wait3A_190 = arith.constant 0 : i32
    %dma_wait3A_191 = arith.constant 0 : i32
    %dma_wait3A_192 = tpu.memref_slice %arg7[%dma_wait3A_190, %dma_wait3A_191] : memref<4x128xi32, #tpu.memory_space<vmem>> -> memref<1x128xi32, #tpu.memory_space<vmem>>
    %dma_wait3A_193 = tpu.memref_squeeze %dma_wait3A_192 : memref<1x128xi32, #tpu.memory_space<vmem>> -> memref<128xi32, #tpu.memory_space<vmem>>
    %dma_wait3A_194 = arith.constant 0 : i32
    %dma_wait3A_195 = arith.constant 0 : i32
    %dma_wait3A_196 = tpu.memref_slice %arg10[%dma_wait3A_194, %dma_wait3A_195] : memref<10000x128xf32, #tpu.memory_space<vmem_shared>> -> memref<10000x128xf32, #tpu.memory_space<vmem_shared>>
    tpu.wait_indirect_dma semaphore(%arg17 : memref<!tpu.dma_semaphore, #tpu.memory_space<semaphore_mem>>) src(%arg8 : memref<128x128xf32, #tpu.memory_space<vmem>>) dst(%dma_wait3A_196 : memref<10000x128xf32, #tpu.memory_space<vmem_shared>>)
    %add3A_197 = arith.constant 64 : i32
    %add3A_198 = arith.addi %add3A, %add3A_197 : i32
    %dma_wait3A_199 = arith.constant 2 : i32
    %dma_wait3A_200 = arith.constant 0 : i32
    %dma_wait3A_201 = tpu.memref_slice %arg6[%dma_wait3A_199, %dma_wait3A_200] : memref<4x128xi32, #tpu.memory_space<vmem>> -> memref<1x128xi32, #tpu.memory_space<vmem>>
    %dma_wait3A_202 = tpu.memref_squeeze %dma_wait3A_201 : memref<1x128xi32, #tpu.memory_space<vmem>> -> memref<128xi32, #tpu.memory_space<vmem>>
    %dma_wait3A_203 = arith.constant 0 : i32
    %dma_wait3A_204 = tpu.memref_slice %arg3[%add3A_198, %dma_wait3A_203] : memref<2500x128xi32, #tpu.memory_space<hbm>> -> memref<1x128xi32, #tpu.memory_space<hbm>>
    %dma_wait3A_205 = tpu.memref_squeeze %dma_wait3A_204 : memref<1x128xi32, #tpu.memory_space<hbm>> -> memref<128xi32, #tpu.memory_space<hbm>>
    %dma_wait3A_206 = arith.constant 0 : i32
    %dma_wait3A_207 = tpu.memref_slice %arg6[%dma_wait3A_199, %dma_wait3A_206] : memref<4x128xi32, #tpu.memory_space<vmem>> -> memref<1x128xi32, #tpu.memory_space<vmem>>
    %dma_wait3A_208 = tpu.memref_squeeze %dma_wait3A_207 : memref<1x128xi32, #tpu.memory_space<vmem>> -> memref<128xi32, #tpu.memory_space<vmem>>
    %dma_wait3A_209 = arith.constant 0 : i32
    %dma_wait3A_210 = tpu.memref_slice %arg3[%add3A_198, %dma_wait3A_209] : memref<2500x128xi32, #tpu.memory_space<hbm>> -> memref<1x128xi32, #tpu.memory_space<hbm>>
    %dma_wait3A_211 = tpu.memref_squeeze %dma_wait3A_210 : memref<1x128xi32, #tpu.memory_space<hbm>> -> memref<128xi32, #tpu.memory_space<hbm>>
    tpu.wait_dma2 semaphore(%arg13 : memref<!tpu.dma_semaphore, #tpu.memory_space<semaphore_mem>>) src(%dma_wait3A_211 : memref<128xi32, #tpu.memory_space<hbm>>) dst(%dma_wait3A_208 : memref<128xi32, #tpu.memory_space<vmem>>)
    %dma_wait3A_212 = arith.constant 2 : i32
    %dma_wait3A_213 = arith.constant 0 : i32
    %dma_wait3A_214 = tpu.memref_slice %arg7[%dma_wait3A_212, %dma_wait3A_213] : memref<4x128xi32, #tpu.memory_space<vmem>> -> memref<1x128xi32, #tpu.memory_space<vmem>>
    %dma_wait3A_215 = tpu.memref_squeeze %dma_wait3A_214 : memref<1x128xi32, #tpu.memory_space<vmem>> -> memref<128xi32, #tpu.memory_space<vmem>>
    %dma_wait3A_216 = arith.constant 0 : i32
    %dma_wait3A_217 = tpu.memref_slice %arg4[%add3A_198, %dma_wait3A_216] : memref<2500x128xi32, #tpu.memory_space<hbm>> -> memref<1x128xi32, #tpu.memory_space<hbm>>
    %dma_wait3A_218 = tpu.memref_squeeze %dma_wait3A_217 : memref<1x128xi32, #tpu.memory_space<hbm>> -> memref<128xi32, #tpu.memory_space<hbm>>
    %dma_wait3A_219 = arith.constant 0 : i32
    %dma_wait3A_220 = tpu.memref_slice %arg7[%dma_wait3A_212, %dma_wait3A_219] : memref<4x128xi32, #tpu.memory_space<vmem>> -> memref<1x128xi32, #tpu.memory_space<vmem>>
    %dma_wait3A_221 = tpu.memref_squeeze %dma_wait3A_220 : memref<1x128xi32, #tpu.memory_space<vmem>> -> memref<128xi32, #tpu.memory_space<vmem>>
    %dma_wait3A_222 = arith.constant 0 : i32
    %dma_wait3A_223 = tpu.memref_slice %arg4[%add3A_198, %dma_wait3A_222] : memref<2500x128xi32, #tpu.memory_space<hbm>> -> memref<1x128xi32, #tpu.memory_space<hbm>>
    %dma_wait3A_224 = tpu.memref_squeeze %dma_wait3A_223 : memref<1x128xi32, #tpu.memory_space<hbm>> -> memref<128xi32, #tpu.memory_space<hbm>>
    tpu.wait_dma2 semaphore(%arg13 : memref<!tpu.dma_semaphore, #tpu.memory_space<semaphore_mem>>) src(%dma_wait3A_224 : memref<128xi32, #tpu.memory_space<hbm>>) dst(%dma_wait3A_221 : memref<128xi32, #tpu.memory_space<vmem>>)
    %dma_start3A_225 = arith.constant 2 : i32
    %dma_start3A_226 = arith.constant 0 : i32
    %dma_start3A_227 = tpu.memref_slice %arg6[%dma_start3A_225, %dma_start3A_226] : memref<4x128xi32, #tpu.memory_space<vmem>> -> memref<1x128xi32, #tpu.memory_space<vmem>>
    %dma_start3A_228 = tpu.memref_squeeze %dma_start3A_227 : memref<1x128xi32, #tpu.memory_space<vmem>> -> memref<128xi32, #tpu.memory_space<vmem>>
    %dma_start3A_229 = arith.constant 0 : i32
    %dma_start3A_230 = arith.constant 0 : i32
    %dma_start3A_231 = tpu.memref_slice %arg2[%dma_start3A_229, %dma_start3A_230] : memref<10000x128xf32, #tpu.memory_space<hbm>> -> memref<10000x128xf32, #tpu.memory_space<hbm>>
    tpu.enqueue_indirect_dma source(%dma_start3A_231 : memref<10000x128xf32, #tpu.memory_space<hbm>>) target(%arg8 : memref<128x128xf32, #tpu.memory_space<vmem>>) offsets(%dma_start3A_228 : memref<128xi32, #tpu.memory_space<vmem>>) semaphore(%arg15 : memref<!tpu.dma_semaphore, #tpu.memory_space<semaphore_mem>>)
    %add3A_232 = arith.constant 96 : i32
    %add3A_233 = arith.addi %add3A, %add3A_232 : i32
    %dma_start3A_234 = arith.constant 3 : i32
    %dma_start3A_235 = arith.constant 0 : i32
    %dma_start3A_236 = tpu.memref_slice %arg6[%dma_start3A_234, %dma_start3A_235] : memref<4x128xi32, #tpu.memory_space<vmem>> -> memref<1x128xi32, #tpu.memory_space<vmem>>
    %dma_start3A_237 = tpu.memref_squeeze %dma_start3A_236 : memref<1x128xi32, #tpu.memory_space<vmem>> -> memref<128xi32, #tpu.memory_space<vmem>>
    %dma_start3A_238 = arith.constant 0 : i32
    %dma_start3A_239 = tpu.memref_slice %arg3[%add3A_233, %dma_start3A_238] : memref<2500x128xi32, #tpu.memory_space<hbm>> -> memref<1x128xi32, #tpu.memory_space<hbm>>
    %dma_start3A_240 = tpu.memref_squeeze %dma_start3A_239 : memref<1x128xi32, #tpu.memory_space<hbm>> -> memref<128xi32, #tpu.memory_space<hbm>>
    %dma_start3A_241 = arith.constant 0 : i32
    %dma_start3A_242 = tpu.memref_slice %arg6[%dma_start3A_234, %dma_start3A_241] : memref<4x128xi32, #tpu.memory_space<vmem>> -> memref<1x128xi32, #tpu.memory_space<vmem>>
    %dma_start3A_243 = tpu.memref_squeeze %dma_start3A_242 : memref<1x128xi32, #tpu.memory_space<vmem>> -> memref<128xi32, #tpu.memory_space<vmem>>
    %dma_start3A_244 = arith.constant 0 : i32
    %dma_start3A_245 = tpu.memref_slice %arg3[%add3A_233, %dma_start3A_244] : memref<2500x128xi32, #tpu.memory_space<hbm>> -> memref<1x128xi32, #tpu.memory_space<hbm>>
    %dma_start3A_246 = tpu.memref_squeeze %dma_start3A_245 : memref<1x128xi32, #tpu.memory_space<hbm>> -> memref<128xi32, #tpu.memory_space<hbm>>
    tpu.enqueue_dma source(%dma_start3A_246 : memref<128xi32, #tpu.memory_space<hbm>>) target(%dma_start3A_243 : memref<128xi32, #tpu.memory_space<vmem>>) target_semaphore(%arg14 : memref<!tpu.dma_semaphore, #tpu.memory_space<semaphore_mem>>)
    %dma_start3A_247 = arith.constant 3 : i32
    %dma_start3A_248 = arith.constant 0 : i32
    %dma_start3A_249 = tpu.memref_slice %arg7[%dma_start3A_247, %dma_start3A_248] : memref<4x128xi32, #tpu.memory_space<vmem>> -> memref<1x128xi32, #tpu.memory_space<vmem>>
    %dma_start3A_250 = tpu.memref_squeeze %dma_start3A_249 : memref<1x128xi32, #tpu.memory_space<vmem>> -> memref<128xi32, #tpu.memory_space<vmem>>
    %dma_start3A_251 = arith.constant 0 : i32
    %dma_start3A_252 = tpu.memref_slice %arg4[%add3A_233, %dma_start3A_251] : memref<2500x128xi32, #tpu.memory_space<hbm>> -> memref<1x128xi32, #tpu.memory_space<hbm>>
    %dma_start3A_253 = tpu.memref_squeeze %dma_start3A_252 : memref<1x128xi32, #tpu.memory_space<hbm>> -> memref<128xi32, #tpu.memory_space<hbm>>
    %dma_start3A_254 = arith.constant 0 : i32
    %dma_start3A_255 = tpu.memref_slice %arg7[%dma_start3A_247, %dma_start3A_254] : memref<4x128xi32, #tpu.memory_space<vmem>> -> memref<1x128xi32, #tpu.memory_space<vmem>>
    %dma_start3A_256 = tpu.memref_squeeze %dma_start3A_255 : memref<1x128xi32, #tpu.memory_space<vmem>> -> memref<128xi32, #tpu.memory_space<vmem>>
    %dma_start3A_257 = arith.constant 0 : i32
    %dma_start3A_258 = tpu.memref_slice %arg4[%add3A_233, %dma_start3A_257] : memref<2500x128xi32, #tpu.memory_space<hbm>> -> memref<1x128xi32, #tpu.memory_space<hbm>>
    %dma_start3A_259 = tpu.memref_squeeze %dma_start3A_258 : memref<1x128xi32, #tpu.memory_space<hbm>> -> memref<128xi32, #tpu.memory_space<hbm>>
    tpu.enqueue_dma source(%dma_start3A_259 : memref<128xi32, #tpu.memory_space<hbm>>) target(%dma_start3A_256 : memref<128xi32, #tpu.memory_space<vmem>>) target_semaphore(%arg14 : memref<!tpu.dma_semaphore, #tpu.memory_space<semaphore_mem>>)
    %dma_wait3A_260 = arith.constant 1 : i32
    %dma_wait3A_261 = arith.constant 0 : i32
    %dma_wait3A_262 = tpu.memref_slice %arg6[%dma_wait3A_260, %dma_wait3A_261] : memref<4x128xi32, #tpu.memory_space<vmem>> -> memref<1x128xi32, #tpu.memory_space<vmem>>
    %dma_wait3A_263 = tpu.memref_squeeze %dma_wait3A_262 : memref<1x128xi32, #tpu.memory_space<vmem>> -> memref<128xi32, #tpu.memory_space<vmem>>
    %dma_wait3A_264 = arith.constant 0 : i32
    %dma_wait3A_265 = arith.constant 0 : i32
    %dma_wait3A_266 = tpu.memref_slice %arg2[%dma_wait3A_264, %dma_wait3A_265] : memref<10000x128xf32, #tpu.memory_space<hbm>> -> memref<10000x128xf32, #tpu.memory_space<hbm>>
    tpu.wait_indirect_dma semaphore(%arg16 : memref<!tpu.dma_semaphore, #tpu.memory_space<semaphore_mem>>) src(%dma_wait3A_266 : memref<10000x128xf32, #tpu.memory_space<hbm>>) dst(%arg9 : memref<128x128xf32, #tpu.memory_space<vmem>>)
    %dma_start3A_267 = arith.constant 1 : i32
    %dma_start3A_268 = arith.constant 0 : i32
    %dma_start3A_269 = tpu.memref_slice %arg7[%dma_start3A_267, %dma_start3A_268] : memref<4x128xi32, #tpu.memory_space<vmem>> -> memref<1x128xi32, #tpu.memory_space<vmem>>
    %dma_start3A_270 = tpu.memref_squeeze %dma_start3A_269 : memref<1x128xi32, #tpu.memory_space<vmem>> -> memref<128xi32, #tpu.memory_space<vmem>>
    %dma_start3A_271 = arith.constant 0 : i32
    %dma_start3A_272 = arith.constant 0 : i32
    %dma_start3A_273 = tpu.memref_slice %arg10[%dma_start3A_271, %dma_start3A_272] : memref<10000x128xf32, #tpu.memory_space<vmem_shared>> -> memref<10000x128xf32, #tpu.memory_space<vmem_shared>>
    tpu.enqueue_indirect_dma source(%arg9 : memref<128x128xf32, #tpu.memory_space<vmem>>) target(%dma_start3A_273 : memref<10000x128xf32, #tpu.memory_space<vmem_shared>>) offsets(%dma_start3A_270 : memref<128xi32, #tpu.memory_space<vmem>>) semaphore(%arg18 : memref<!tpu.dma_semaphore, #tpu.memory_space<semaphore_mem>>) {add = true}
    %dma_wait3A_274 = arith.constant 1 : i32
    %dma_wait3A_275 = arith.constant 0 : i32
    %dma_wait3A_276 = tpu.memref_slice %arg7[%dma_wait3A_274, %dma_wait3A_275] : memref<4x128xi32, #tpu.memory_space<vmem>> -> memref<1x128xi32, #tpu.memory_space<vmem>>
    %dma_wait3A_277 = tpu.memref_squeeze %dma_wait3A_276 : memref<1x128xi32, #tpu.memory_space<vmem>> -> memref<128xi32, #tpu.memory_space<vmem>>
    %dma_wait3A_278 = arith.constant 0 : i32
    %dma_wait3A_279 = arith.constant 0 : i32
    %dma_wait3A_280 = tpu.memref_slice %arg10[%dma_wait3A_278, %dma_wait3A_279] : memref<10000x128xf32, #tpu.memory_space<vmem_shared>> -> memref<10000x128xf32, #tpu.memory_space<vmem_shared>>
    tpu.wait_indirect_dma semaphore(%arg18 : memref<!tpu.dma_semaphore, #tpu.memory_space<semaphore_mem>>) src(%arg9 : memref<128x128xf32, #tpu.memory_space<vmem>>) dst(%dma_wait3A_280 : memref<10000x128xf32, #tpu.memory_space<vmem_shared>>)
    %add3A_281 = arith.constant 96 : i32
    %add3A_282 = arith.addi %add3A, %add3A_281 : i32
    %dma_wait3A_283 = arith.constant 3 : i32
    %dma_wait3A_284 = arith.constant 0 : i32
    %dma_wait3A_285 = tpu.memref_slice %arg6[%dma_wait3A_283, %dma_wait3A_284] : memref<4x128xi32, #tpu.memory_space<vmem>> -> memref<1x128xi32, #tpu.memory_space<vmem>>
    %dma_wait3A_286 = tpu.memref_squeeze %dma_wait3A_285 : memref<1x128xi32, #tpu.memory_space<vmem>> -> memref<128xi32, #tpu.memory_space<vmem>>
    %dma_wait3A_287 = arith.constant 0 : i32
    %dma_wait3A_288 = tpu.memref_slice %arg3[%add3A_282, %dma_wait3A_287] : memref<2500x128xi32, #tpu.memory_space<hbm>> -> memref<1x128xi32, #tpu.memory_space<hbm>>
    %dma_wait3A_289 = tpu.memref_squeeze %dma_wait3A_288 : memref<1x128xi32, #tpu.memory_space<hbm>> -> memref<128xi32, #tpu.memory_space<hbm>>
    %dma_wait3A_290 = arith.constant 0 : i32
    %dma_wait3A_291 = tpu.memref_slice %arg6[%dma_wait3A_283, %dma_wait3A_290] : memref<4x128xi32, #tpu.memory_space<vmem>> -> memref<1x128xi32, #tpu.memory_space<vmem>>
    %dma_wait3A_292 = tpu.memref_squeeze %dma_wait3A_291 : memref<1x128xi32, #tpu.memory_space<vmem>> -> memref<128xi32, #tpu.memory_space<vmem>>
    %dma_wait3A_293 = arith.constant 0 : i32
    %dma_wait3A_294 = tpu.memref_slice %arg3[%add3A_282, %dma_wait3A_293] : memref<2500x128xi32, #tpu.memory_space<hbm>> -> memref<1x128xi32, #tpu.memory_space<hbm>>
    %dma_wait3A_295 = tpu.memref_squeeze %dma_wait3A_294 : memref<1x128xi32, #tpu.memory_space<hbm>> -> memref<128xi32, #tpu.memory_space<hbm>>
    tpu.wait_dma2 semaphore(%arg14 : memref<!tpu.dma_semaphore, #tpu.memory_space<semaphore_mem>>) src(%dma_wait3A_295 : memref<128xi32, #tpu.memory_space<hbm>>) dst(%dma_wait3A_292 : memref<128xi32, #tpu.memory_space<vmem>>)
    %dma_wait3A_296 = arith.constant 3 : i32
    %dma_wait3A_297 = arith.constant 0 : i32
    %dma_wait3A_298 = tpu.memref_slice %arg7[%dma_wait3A_296, %dma_wait3A_297] : memref<4x128xi32, #tpu.memory_space<vmem>> -> memref<1x128xi32, #tpu.memory_space<vmem>>
    %dma_wait3A_299 = tpu.memref_squeeze %dma_wait3A_298 : memref<1x128xi32, #tpu.memory_space<vmem>> -> memref<128xi32, #tpu.memory_space<vmem>>
    %dma_wait3A_300 = arith.constant 0 : i32
    %dma_wait3A_301 = tpu.memref_slice %arg4[%add3A_282, %dma_wait3A_300] : memref<2500x128xi32, #tpu.memory_space<hbm>> -> memref<1x128xi32, #tpu.memory_space<hbm>>
    %dma_wait3A_302 = tpu.memref_squeeze %dma_wait3A_301 : memref<1x128xi32, #tpu.memory_space<hbm>> -> memref<128xi32, #tpu.memory_space<hbm>>
    %dma_wait3A_303 = arith.constant 0 : i32
    %dma_wait3A_304 = tpu.memref_slice %arg7[%dma_wait3A_296, %dma_wait3A_303] : memref<4x128xi32, #tpu.memory_space<vmem>> -> memref<1x128xi32, #tpu.memory_space<vmem>>
    %dma_wait3A_305 = tpu.memref_squeeze %dma_wait3A_304 : memref<1x128xi32, #tpu.memory_space<vmem>> -> memref<128xi32, #tpu.memory_space<vmem>>
    %dma_wait3A_306 = arith.constant 0 : i32
    %dma_wait3A_307 = tpu.memref_slice %arg4[%add3A_282, %dma_wait3A_306] : memref<2500x128xi32, #tpu.memory_space<hbm>> -> memref<1x128xi32, #tpu.memory_space<hbm>>
    %dma_wait3A_308 = tpu.memref_squeeze %dma_wait3A_307 : memref<1x128xi32, #tpu.memory_space<hbm>> -> memref<128xi32, #tpu.memory_space<hbm>>
    tpu.wait_dma2 semaphore(%arg14 : memref<!tpu.dma_semaphore, #tpu.memory_space<semaphore_mem>>) src(%dma_wait3A_308 : memref<128xi32, #tpu.memory_space<hbm>>) dst(%dma_wait3A_305 : memref<128xi32, #tpu.memory_space<vmem>>)
    %dma_start3A_309 = arith.constant 3 : i32
    %dma_start3A_310 = arith.constant 0 : i32
    %dma_start3A_311 = tpu.memref_slice %arg6[%dma_start3A_309, %dma_start3A_310] : memref<4x128xi32, #tpu.memory_space<vmem>> -> memref<1x128xi32, #tpu.memory_space<vmem>>
    %dma_start3A_312 = tpu.memref_squeeze %dma_start3A_311 : memref<1x128xi32, #tpu.memory_space<vmem>> -> memref<128xi32, #tpu.memory_space<vmem>>
    %dma_start3A_313 = arith.constant 0 : i32
    %dma_start3A_314 = arith.constant 0 : i32
    %dma_start3A_315 = tpu.memref_slice %arg2[%dma_start3A_313, %dma_start3A_314] : memref<10000x128xf32, #tpu.memory_space<hbm>> -> memref<10000x128xf32, #tpu.memory_space<hbm>>
    tpu.enqueue_indirect_dma source(%dma_start3A_315 : memref<10000x128xf32, #tpu.memory_space<hbm>>) target(%arg9 : memref<128x128xf32, #tpu.memory_space<vmem>>) offsets(%dma_start3A_312 : memref<128xi32, #tpu.memory_space<vmem>>) semaphore(%arg16 : memref<!tpu.dma_semaphore, #tpu.memory_space<semaphore_mem>>)
    %add3A_316 = arith.constant 128 : i32
    %add3A_317 = arith.addi %add3A, %add3A_316 : i32
    %dma_start3A_318 = arith.constant 0 : i32
    %dma_start3A_319 = arith.constant 0 : i32
    %dma_start3A_320 = tpu.memref_slice %arg6[%dma_start3A_318, %dma_start3A_319] : memref<4x128xi32, #tpu.memory_space<vmem>> -> memref<1x128xi32, #tpu.memory_space<vmem>>
    %dma_start3A_321 = tpu.memref_squeeze %dma_start3A_320 : memref<1x128xi32, #tpu.memory_space<vmem>> -> memref<128xi32, #tpu.memory_space<vmem>>
    %dma_start3A_322 = arith.constant 0 : i32
    %dma_start3A_323 = tpu.memref_slice %arg3[%add3A_317, %dma_start3A_322] : memref<2500x128xi32, #tpu.memory_space<hbm>> -> memref<1x128xi32, #tpu.memory_space<hbm>>
    %dma_start3A_324 = tpu.memref_squeeze %dma_start3A_323 : memref<1x128xi32, #tpu.memory_space<hbm>> -> memref<128xi32, #tpu.memory_space<hbm>>
    %dma_start3A_325 = arith.constant 0 : i32
    %dma_start3A_326 = tpu.memref_slice %arg6[%dma_start3A_318, %dma_start3A_325] : memref<4x128xi32, #tpu.memory_space<vmem>> -> memref<1x128xi32, #tpu.memory_space<vmem>>
    %dma_start3A_327 = tpu.memref_squeeze %dma_start3A_326 : memref<1x128xi32, #tpu.memory_space<vmem>> -> memref<128xi32, #tpu.memory_space<vmem>>
    %dma_start3A_328 = arith.constant 0 : i32
    %dma_start3A_329 = tpu.memref_slice %arg3[%add3A_317, %dma_start3A_328] : memref<2500x128xi32, #tpu.memory_space<hbm>> -> memref<1x128xi32, #tpu.memory_space<hbm>>
    %dma_start3A_330 = tpu.memref_squeeze %dma_start3A_329 : memref<1x128xi32, #tpu.memory_space<hbm>> -> memref<128xi32, #tpu.memory_space<hbm>>
    tpu.enqueue_dma source(%dma_start3A_330 : memref<128xi32, #tpu.memory_space<hbm>>) target(%dma_start3A_327 : memref<128xi32, #tpu.memory_space<vmem>>) target_semaphore(%arg11 : memref<!tpu.dma_semaphore, #tpu.memory_space<semaphore_mem>>)
    %dma_start3A_331 = arith.constant 0 : i32
    %dma_start3A_332 = arith.constant 0 : i32
    %dma_start3A_333 = tpu.memref_slice %arg7[%dma_start3A_331, %dma_start3A_332] : memref<4x128xi32, #tpu.memory_space<vmem>> -> memref<1x128xi32, #tpu.memory_space<vmem>>
    %dma_start3A_334 = tpu.memref_squeeze %dma_start3A_333 : memref<1x128xi32, #tpu.memory_space<vmem>> -> memref<128xi32, #tpu.memory_space<vmem>>
    %dma_start3A_335 = arith.constant 0 : i32
    %dma_start3A_336 = tpu.memref_slice %arg4[%add3A_317, %dma_start3A_335] : memref<2500x128xi32, #tpu.memory_space<hbm>> -> memref<1x128xi32, #tpu.memory_space<hbm>>
    %dma_start3A_337 = tpu.memref_squeeze %dma_start3A_336 : memref<1x128xi32, #tpu.memory_space<hbm>> -> memref<128xi32, #tpu.memory_space<hbm>>
    %dma_start3A_338 = arith.constant 0 : i32
    %dma_start3A_339 = tpu.memref_slice %arg7[%dma_start3A_331, %dma_start3A_338] : memref<4x128xi32, #tpu.memory_space<vmem>> -> memref<1x128xi32, #tpu.memory_space<vmem>>
    %dma_start3A_340 = tpu.memref_squeeze %dma_start3A_339 : memref<1x128xi32, #tpu.memory_space<vmem>> -> memref<128xi32, #tpu.memory_space<vmem>>
    %dma_start3A_341 = arith.constant 0 : i32
    %dma_start3A_342 = tpu.memref_slice %arg4[%add3A_317, %dma_start3A_341] : memref<2500x128xi32, #tpu.memory_space<hbm>> -> memref<1x128xi32, #tpu.memory_space<hbm>>
    %dma_start3A_343 = tpu.memref_squeeze %dma_start3A_342 : memref<1x128xi32, #tpu.memory_space<hbm>> -> memref<128xi32, #tpu.memory_space<hbm>>
    tpu.enqueue_dma source(%dma_start3A_343 : memref<128xi32, #tpu.memory_space<hbm>>) target(%dma_start3A_340 : memref<128xi32, #tpu.memory_space<vmem>>) target_semaphore(%arg11 : memref<!tpu.dma_semaphore, #tpu.memory_space<semaphore_mem>>)
    %dma_wait3A_344 = arith.constant 2 : i32
    %dma_wait3A_345 = arith.constant 0 : i32
    %dma_wait3A_346 = tpu.memref_slice %arg6[%dma_wait3A_344, %dma_wait3A_345] : memref<4x128xi32, #tpu.memory_space<vmem>> -> memref<1x128xi32, #tpu.memory_space<vmem>>
    %dma_wait3A_347 = tpu.memref_squeeze %dma_wait3A_346 : memref<1x128xi32, #tpu.memory_space<vmem>> -> memref<128xi32, #tpu.memory_space<vmem>>
    %dma_wait3A_348 = arith.constant 0 : i32
    %dma_wait3A_349 = arith.constant 0 : i32
    %dma_wait3A_350 = tpu.memref_slice %arg2[%dma_wait3A_348, %dma_wait3A_349] : memref<10000x128xf32, #tpu.memory_space<hbm>> -> memref<10000x128xf32, #tpu.memory_space<hbm>>
    tpu.wait_indirect_dma semaphore(%arg15 : memref<!tpu.dma_semaphore, #tpu.memory_space<semaphore_mem>>) src(%dma_wait3A_350 : memref<10000x128xf32, #tpu.memory_space<hbm>>) dst(%arg8 : memref<128x128xf32, #tpu.memory_space<vmem>>)
    %dma_start3A_351 = arith.constant 2 : i32
    %dma_start3A_352 = arith.constant 0 : i32
    %dma_start3A_353 = tpu.memref_slice %arg7[%dma_start3A_351, %dma_start3A_352] : memref<4x128xi32, #tpu.memory_space<vmem>> -> memref<1x128xi32, #tpu.memory_space<vmem>>
    %dma_start3A_354 = tpu.memref_squeeze %dma_start3A_353 : memref<1x128xi32, #tpu.memory_space<vmem>> -> memref<128xi32, #tpu.memory_space<vmem>>
    %dma_start3A_355 = arith.constant 0 : i32
    %dma_start3A_356 = arith.constant 0 : i32
    %dma_start3A_357 = tpu.memref_slice %arg10[%dma_start3A_355, %dma_start3A_356] : memref<10000x128xf32, #tpu.memory_space<vmem_shared>> -> memref<10000x128xf32, #tpu.memory_space<vmem_shared>>
    tpu.enqueue_indirect_dma source(%arg8 : memref<128x128xf32, #tpu.memory_space<vmem>>) target(%dma_start3A_357 : memref<10000x128xf32, #tpu.memory_space<vmem_shared>>) offsets(%dma_start3A_354 : memref<128xi32, #tpu.memory_space<vmem>>) semaphore(%arg17 : memref<!tpu.dma_semaphore, #tpu.memory_space<semaphore_mem>>) {add = true}
    %dma_wait3A_358 = arith.constant 2 : i32
    %dma_wait3A_359 = arith.constant 0 : i32
    %dma_wait3A_360 = tpu.memref_slice %arg7[%dma_wait3A_358, %dma_wait3A_359] : memref<4x128xi32, #tpu.memory_space<vmem>> -> memref<1x128xi32, #tpu.memory_space<vmem>>
    %dma_wait3A_361 = tpu.memref_squeeze %dma_wait3A_360 : memref<1x128xi32, #tpu.memory_space<vmem>> -> memref<128xi32, #tpu.memory_space<vmem>>
    %dma_wait3A_362 = arith.constant 0 : i32
    %dma_wait3A_363 = arith.constant 0 : i32
    %dma_wait3A_364 = tpu.memref_slice %arg10[%dma_wait3A_362, %dma_wait3A_363] : memref<10000x128xf32, #tpu.memory_space<vmem_shared>> -> memref<10000x128xf32, #tpu.memory_space<vmem_shared>>
    tpu.wait_indirect_dma semaphore(%arg17 : memref<!tpu.dma_semaphore, #tpu.memory_space<semaphore_mem>>) src(%arg8 : memref<128x128xf32, #tpu.memory_space<vmem>>) dst(%dma_wait3A_364 : memref<10000x128xf32, #tpu.memory_space<vmem_shared>>)
    %add3A_365 = arith.constant 128 : i32
    %add3A_366 = arith.addi %add3A, %add3A_365 : i32
    %dma_wait3A_367 = arith.constant 0 : i32
    %dma_wait3A_368 = arith.constant 0 : i32
    %dma_wait3A_369 = tpu.memref_slice %arg6[%dma_wait3A_367, %dma_wait3A_368] : memref<4x128xi32, #tpu.memory_space<vmem>> -> memref<1x128xi32, #tpu.memory_space<vmem>>
    %dma_wait3A_370 = tpu.memref_squeeze %dma_wait3A_369 : memref<1x128xi32, #tpu.memory_space<vmem>> -> memref<128xi32, #tpu.memory_space<vmem>>
    %dma_wait3A_371 = arith.constant 0 : i32
    %dma_wait3A_372 = tpu.memref_slice %arg3[%add3A_366, %dma_wait3A_371] : memref<2500x128xi32, #tpu.memory_space<hbm>> -> memref<1x128xi32, #tpu.memory_space<hbm>>
    %dma_wait3A_373 = tpu.memref_squeeze %dma_wait3A_372 : memref<1x128xi32, #tpu.memory_space<hbm>> -> memref<128xi32, #tpu.memory_space<hbm>>
    %dma_wait3A_374 = arith.constant 0 : i32
    %dma_wait3A_375 = tpu.memref_slice %arg6[%dma_wait3A_367, %dma_wait3A_374] : memref<4x128xi32, #tpu.memory_space<vmem>> -> memref<1x128xi32, #tpu.memory_space<vmem>>
    %dma_wait3A_376 = tpu.memref_squeeze %dma_wait3A_375 : memref<1x128xi32, #tpu.memory_space<vmem>> -> memref<128xi32, #tpu.memory_space<vmem>>
    %dma_wait3A_377 = arith.constant 0 : i32
    %dma_wait3A_378 = tpu.memref_slice %arg3[%add3A_366, %dma_wait3A_377] : memref<2500x128xi32, #tpu.memory_space<hbm>> -> memref<1x128xi32, #tpu.memory_space<hbm>>
    %dma_wait3A_379 = tpu.memref_squeeze %dma_wait3A_378 : memref<1x128xi32, #tpu.memory_space<hbm>> -> memref<128xi32, #tpu.memory_space<hbm>>
    tpu.wait_dma2 semaphore(%arg11 : memref<!tpu.dma_semaphore, #tpu.memory_space<semaphore_mem>>) src(%dma_wait3A_379 : memref<128xi32, #tpu.memory_space<hbm>>) dst(%dma_wait3A_376 : memref<128xi32, #tpu.memory_space<vmem>>)
    %dma_wait3A_380 = arith.constant 0 : i32
    %dma_wait3A_381 = arith.constant 0 : i32
    %dma_wait3A_382 = tpu.memref_slice %arg7[%dma_wait3A_380, %dma_wait3A_381] : memref<4x128xi32, #tpu.memory_space<vmem>> -> memref<1x128xi32, #tpu.memory_space<vmem>>
    %dma_wait3A_383 = tpu.memref_squeeze %dma_wait3A_382 : memref<1x128xi32, #tpu.memory_space<vmem>> -> memref<128xi32, #tpu.memory_space<vmem>>
    %dma_wait3A_384 = arith.constant 0 : i32
    %dma_wait3A_385 = tpu.memref_slice %arg4[%add3A_366, %dma_wait3A_384] : memref<2500x128xi32, #tpu.memory_space<hbm>> -> memref<1x128xi32, #tpu.memory_space<hbm>>
    %dma_wait3A_386 = tpu.memref_squeeze %dma_wait3A_385 : memref<1x128xi32, #tpu.memory_space<hbm>> -> memref<128xi32, #tpu.memory_space<hbm>>
    %dma_wait3A_387 = arith.constant 0 : i32
    %dma_wait3A_388 = tpu.memref_slice %arg7[%dma_wait3A_380, %dma_wait3A_387] : memref<4x128xi32, #tpu.memory_space<vmem>> -> memref<1x128xi32, #tpu.memory_space<vmem>>
    %dma_wait3A_389 = tpu.memref_squeeze %dma_wait3A_388 : memref<1x128xi32, #tpu.memory_space<vmem>> -> memref<128xi32, #tpu.memory_space<vmem>>
    %dma_wait3A_390 = arith.constant 0 : i32
    %dma_wait3A_391 = tpu.memref_slice %arg4[%add3A_366, %dma_wait3A_390] : memref<2500x128xi32, #tpu.memory_space<hbm>> -> memref<1x128xi32, #tpu.memory_space<hbm>>
    %dma_wait3A_392 = tpu.memref_squeeze %dma_wait3A_391 : memref<1x128xi32, #tpu.memory_space<hbm>> -> memref<128xi32, #tpu.memory_space<hbm>>
    tpu.wait_dma2 semaphore(%arg11 : memref<!tpu.dma_semaphore, #tpu.memory_space<semaphore_mem>>) src(%dma_wait3A_392 : memref<128xi32, #tpu.memory_space<hbm>>) dst(%dma_wait3A_389 : memref<128xi32, #tpu.memory_space<vmem>>)
    %dma_start3A_393 = arith.constant 0 : i32
    %dma_start3A_394 = arith.constant 0 : i32
    %dma_start3A_395 = tpu.memref_slice %arg6[%dma_start3A_393, %dma_start3A_394] : memref<4x128xi32, #tpu.memory_space<vmem>> -> memref<1x128xi32, #tpu.memory_space<vmem>>
    %dma_start3A_396 = tpu.memref_squeeze %dma_start3A_395 : memref<1x128xi32, #tpu.memory_space<vmem>> -> memref<128xi32, #tpu.memory_space<vmem>>
    %dma_start3A_397 = arith.constant 0 : i32
    %dma_start3A_398 = arith.constant 0 : i32
    %dma_start3A_399 = tpu.memref_slice %arg2[%dma_start3A_397, %dma_start3A_398] : memref<10000x128xf32, #tpu.memory_space<hbm>> -> memref<10000x128xf32, #tpu.memory_space<hbm>>
    tpu.enqueue_indirect_dma source(%dma_start3A_399 : memref<10000x128xf32, #tpu.memory_space<hbm>>) target(%arg8 : memref<128x128xf32, #tpu.memory_space<vmem>>) offsets(%dma_start3A_396 : memref<128xi32, #tpu.memory_space<vmem>>) semaphore(%arg15 : memref<!tpu.dma_semaphore, #tpu.memory_space<semaphore_mem>>)
    %add3A_400 = arith.constant 160 : i32
    %add3A_401 = arith.addi %add3A, %add3A_400 : i32
    %dma_start3A_402 = arith.constant 1 : i32
    %dma_start3A_403 = arith.constant 0 : i32
    %dma_start3A_404 = tpu.memref_slice %arg6[%dma_start3A_402, %dma_start3A_403] : memref<4x128xi32, #tpu.memory_space<vmem>> -> memref<1x128xi32, #tpu.memory_space<vmem>>
    %dma_start3A_405 = tpu.memref_squeeze %dma_start3A_404 : memref<1x128xi32, #tpu.memory_space<vmem>> -> memref<128xi32, #tpu.memory_space<vmem>>
    %dma_start3A_406 = arith.constant 0 : i32
    %dma_start3A_407 = tpu.memref_slice %arg3[%add3A_401, %dma_start3A_406] : memref<2500x128xi32, #tpu.memory_space<hbm>> -> memref<1x128xi32, #tpu.memory_space<hbm>>
    %dma_start3A_408 = tpu.memref_squeeze %dma_start3A_407 : memref<1x128xi32, #tpu.memory_space<hbm>> -> memref<128xi32, #tpu.memory_space<hbm>>
    %dma_start3A_409 = arith.constant 0 : i32
    %dma_start3A_410 = tpu.memref_slice %arg6[%dma_start3A_402, %dma_start3A_409] : memref<4x128xi32, #tpu.memory_space<vmem>> -> memref<1x128xi32, #tpu.memory_space<vmem>>
    %dma_start3A_411 = tpu.memref_squeeze %dma_start3A_410 : memref<1x128xi32, #tpu.memory_space<vmem>> -> memref<128xi32, #tpu.memory_space<vmem>>
    %dma_start3A_412 = arith.constant 0 : i32
    %dma_start3A_413 = tpu.memref_slice %arg3[%add3A_401, %dma_start3A_412] : memref<2500x128xi32, #tpu.memory_space<hbm>> -> memref<1x128xi32, #tpu.memory_space<hbm>>
    %dma_start3A_414 = tpu.memref_squeeze %dma_start3A_413 : memref<1x128xi32, #tpu.memory_space<hbm>> -> memref<128xi32, #tpu.memory_space<hbm>>
    tpu.enqueue_dma source(%dma_start3A_414 : memref<128xi32, #tpu.memory_space<hbm>>) target(%dma_start3A_411 : memref<128xi32, #tpu.memory_space<vmem>>) target_semaphore(%arg12 : memref<!tpu.dma_semaphore, #tpu.memory_space<semaphore_mem>>)
    %dma_start3A_415 = arith.constant 1 : i32
    %dma_start3A_416 = arith.constant 0 : i32
    %dma_start3A_417 = tpu.memref_slice %arg7[%dma_start3A_415, %dma_start3A_416] : memref<4x128xi32, #tpu.memory_space<vmem>> -> memref<1x128xi32, #tpu.memory_space<vmem>>
    %dma_start3A_418 = tpu.memref_squeeze %dma_start3A_417 : memref<1x128xi32, #tpu.memory_space<vmem>> -> memref<128xi32, #tpu.memory_space<vmem>>
    %dma_start3A_419 = arith.constant 0 : i32
    %dma_start3A_420 = tpu.memref_slice %arg4[%add3A_401, %dma_start3A_419] : memref<2500x128xi32, #tpu.memory_space<hbm>> -> memref<1x128xi32, #tpu.memory_space<hbm>>
    %dma_start3A_421 = tpu.memref_squeeze %dma_start3A_420 : memref<1x128xi32, #tpu.memory_space<hbm>> -> memref<128xi32, #tpu.memory_space<hbm>>
    %dma_start3A_422 = arith.constant 0 : i32
    %dma_start3A_423 = tpu.memref_slice %arg7[%dma_start3A_415, %dma_start3A_422] : memref<4x128xi32, #tpu.memory_space<vmem>> -> memref<1x128xi32, #tpu.memory_space<vmem>>
    %dma_start3A_424 = tpu.memref_squeeze %dma_start3A_423 : memref<1x128xi32, #tpu.memory_space<vmem>> -> memref<128xi32, #tpu.memory_space<vmem>>
    %dma_start3A_425 = arith.constant 0 : i32
    %dma_start3A_426 = tpu.memref_slice %arg4[%add3A_401, %dma_start3A_425] : memref<2500x128xi32, #tpu.memory_space<hbm>> -> memref<1x128xi32, #tpu.memory_space<hbm>>
    %dma_start3A_427 = tpu.memref_squeeze %dma_start3A_426 : memref<1x128xi32, #tpu.memory_space<hbm>> -> memref<128xi32, #tpu.memory_space<hbm>>
    tpu.enqueue_dma source(%dma_start3A_427 : memref<128xi32, #tpu.memory_space<hbm>>) target(%dma_start3A_424 : memref<128xi32, #tpu.memory_space<vmem>>) target_semaphore(%arg12 : memref<!tpu.dma_semaphore, #tpu.memory_space<semaphore_mem>>)
    %dma_wait3A_428 = arith.constant 3 : i32
    %dma_wait3A_429 = arith.constant 0 : i32
    %dma_wait3A_430 = tpu.memref_slice %arg6[%dma_wait3A_428, %dma_wait3A_429] : memref<4x128xi32, #tpu.memory_space<vmem>> -> memref<1x128xi32, #tpu.memory_space<vmem>>
    %dma_wait3A_431 = tpu.memref_squeeze %dma_wait3A_430 : memref<1x128xi32, #tpu.memory_space<vmem>> -> memref<128xi32, #tpu.memory_space<vmem>>
    %dma_wait3A_432 = arith.constant 0 : i32
    %dma_wait3A_433 = arith.constant 0 : i32
    %dma_wait3A_434 = tpu.memref_slice %arg2[%dma_wait3A_432, %dma_wait3A_433] : memref<10000x128xf32, #tpu.memory_space<hbm>> -> memref<10000x128xf32, #tpu.memory_space<hbm>>
    tpu.wait_indirect_dma semaphore(%arg16 : memref<!tpu.dma_semaphore, #tpu.memory_space<semaphore_mem>>) src(%dma_wait3A_434 : memref<10000x128xf32, #tpu.memory_space<hbm>>) dst(%arg9 : memref<128x128xf32, #tpu.memory_space<vmem>>)
    %dma_start3A_435 = arith.constant 3 : i32
    %dma_start3A_436 = arith.constant 0 : i32
    %dma_start3A_437 = tpu.memref_slice %arg7[%dma_start3A_435, %dma_start3A_436] : memref<4x128xi32, #tpu.memory_space<vmem>> -> memref<1x128xi32, #tpu.memory_space<vmem>>
    %dma_start3A_438 = tpu.memref_squeeze %dma_start3A_437 : memref<1x128xi32, #tpu.memory_space<vmem>> -> memref<128xi32, #tpu.memory_space<vmem>>
    %dma_start3A_439 = arith.constant 0 : i32
    %dma_start3A_440 = arith.constant 0 : i32
    %dma_start3A_441 = tpu.memref_slice %arg10[%dma_start3A_439, %dma_start3A_440] : memref<10000x128xf32, #tpu.memory_space<vmem_shared>> -> memref<10000x128xf32, #tpu.memory_space<vmem_shared>>
    tpu.enqueue_indirect_dma source(%arg9 : memref<128x128xf32, #tpu.memory_space<vmem>>) target(%dma_start3A_441 : memref<10000x128xf32, #tpu.memory_space<vmem_shared>>) offsets(%dma_start3A_438 : memref<128xi32, #tpu.memory_space<vmem>>) semaphore(%arg18 : memref<!tpu.dma_semaphore, #tpu.memory_space<semaphore_mem>>) {add = true}
    %scan3A_442 = arith.constant 0 : i32
    %scan3A_443 = arith.constant 0 : i32
    %scan3A_444 = arith.constant 18 : i32
    %scan3A_445 = arith.addi %scan3A_443, %scan3A_444 : i32
    %scan3A_446 = arith.constant 1 : i32
    %scan3A_447 = scf.for %scan3A_559 = %scan3A_443 to %scan3A_445 step %scan3A_446 iter_args(%scan3A_560 = %scan3A_442) -> (i32)  : i32 {
      %mul3A_561 = arith.constant 4 : i32
      %mul3A_562 = arith.muli %mul3A_561, %scan3A_559 : i32
      %add3A_563 = arith.constant 4 : i32
      %add3A_564 = arith.addi %add3A_563, %mul3A_562 : i32
      %add3A_565 = arith.constant 0 : i32
      %add3A_566 = arith.addi %add3A_564, %add3A_565 : i32
      %dma_wait3A_567 = arith.constant 3 : i32
      %dma_wait3A_568 = arith.constant 0 : i32
      %dma_wait3A_569 = tpu.memref_slice %arg7[%dma_wait3A_567, %dma_wait3A_568] : memref<4x128xi32, #tpu.memory_space<vmem>> -> memref<1x128xi32, #tpu.memory_space<vmem>>
      %dma_wait3A_570 = tpu.memref_squeeze %dma_wait3A_569 : memref<1x128xi32, #tpu.memory_space<vmem>> -> memref<128xi32, #tpu.memory_space<vmem>>
      %dma_wait3A_571 = arith.constant 0 : i32
      %dma_wait3A_572 = arith.constant 0 : i32
      %dma_wait3A_573 = tpu.memref_slice %arg10[%dma_wait3A_571, %dma_wait3A_572] : memref<10000x128xf32, #tpu.memory_space<vmem_shared>> -> memref<10000x128xf32, #tpu.memory_space<vmem_shared>>
      tpu.wait_indirect_dma semaphore(%arg18 : memref<!tpu.dma_semaphore, #tpu.memory_space<semaphore_mem>>) src(%arg9 : memref<128x128xf32, #tpu.memory_space<vmem>>) dst(%dma_wait3A_573 : memref<10000x128xf32, #tpu.memory_space<vmem_shared>>)
      %add3A_574 = arith.constant 1 : i32
      %add3A_575 = arith.addi %add3A_566, %add3A_574 : i32
      %mul3A_576 = arith.constant 32 : i32
      %mul3A_577 = arith.muli %add3A_575, %mul3A_576 : i32
      %add3A_578 = arith.addi %add3A, %mul3A_577 : i32
      %dma_wait3A_579 = arith.constant 1 : i32
      %dma_wait3A_580 = arith.constant 0 : i32
      %dma_wait3A_581 = tpu.memref_slice %arg6[%dma_wait3A_579, %dma_wait3A_580] : memref<4x128xi32, #tpu.memory_space<vmem>> -> memref<1x128xi32, #tpu.memory_space<vmem>>
      %dma_wait3A_582 = tpu.memref_squeeze %dma_wait3A_581 : memref<1x128xi32, #tpu.memory_space<vmem>> -> memref<128xi32, #tpu.memory_space<vmem>>
      %dma_wait3A_583 = arith.constant 0 : i32
      %dma_wait3A_584 = tpu.memref_slice %arg3[%add3A_578, %dma_wait3A_583] : memref<2500x128xi32, #tpu.memory_space<hbm>> -> memref<1x128xi32, #tpu.memory_space<hbm>>
      %dma_wait3A_585 = tpu.memref_squeeze %dma_wait3A_584 : memref<1x128xi32, #tpu.memory_space<hbm>> -> memref<128xi32, #tpu.memory_space<hbm>>
      %dma_wait3A_586 = arith.constant 0 : i32
      %dma_wait3A_587 = tpu.memref_slice %arg6[%dma_wait3A_579, %dma_wait3A_586] : memref<4x128xi32, #tpu.memory_space<vmem>> -> memref<1x128xi32, #tpu.memory_space<vmem>>
      %dma_wait3A_588 = tpu.memref_squeeze %dma_wait3A_587 : memref<1x128xi32, #tpu.memory_space<vmem>> -> memref<128xi32, #tpu.memory_space<vmem>>
      %dma_wait3A_589 = arith.constant 0 : i32
      %dma_wait3A_590 = tpu.memref_slice %arg3[%add3A_578, %dma_wait3A_589] : memref<2500x128xi32, #tpu.memory_space<hbm>> -> memref<1x128xi32, #tpu.memory_space<hbm>>
      %dma_wait3A_591 = tpu.memref_squeeze %dma_wait3A_590 : memref<1x128xi32, #tpu.memory_space<hbm>> -> memref<128xi32, #tpu.memory_space<hbm>>
      tpu.wait_dma2 semaphore(%arg12 : memref<!tpu.dma_semaphore, #tpu.memory_space<semaphore_mem>>) src(%dma_wait3A_591 : memref<128xi32, #tpu.memory_space<hbm>>) dst(%dma_wait3A_588 : memref<128xi32, #tpu.memory_space<vmem>>)
      %dma_wait3A_592 = arith.constant 1 : i32
      %dma_wait3A_593 = arith.constant 0 : i32
      %dma_wait3A_594 = tpu.memref_slice %arg7[%dma_wait3A_592, %dma_wait3A_593] : memref<4x128xi32, #tpu.memory_space<vmem>> -> memref<1x128xi32, #tpu.memory_space<vmem>>
      %dma_wait3A_595 = tpu.memref_squeeze %dma_wait3A_594 : memref<1x128xi32, #tpu.memory_space<vmem>> -> memref<128xi32, #tpu.memory_space<vmem>>
      %dma_wait3A_596 = arith.constant 0 : i32
      %dma_wait3A_597 = tpu.memref_slice %arg4[%add3A_578, %dma_wait3A_596] : memref<2500x128xi32, #tpu.memory_space<hbm>> -> memref<1x128xi32, #tpu.memory_space<hbm>>
      %dma_wait3A_598 = tpu.memref_squeeze %dma_wait3A_597 : memref<1x128xi32, #tpu.memory_space<hbm>> -> memref<128xi32, #tpu.memory_space<hbm>>
      %dma_wait3A_599 = arith.constant 0 : i32
      %dma_wait3A_600 = tpu.memref_slice %arg7[%dma_wait3A_592, %dma_wait3A_599] : memref<4x128xi32, #tpu.memory_space<vmem>> -> memref<1x128xi32, #tpu.memory_space<vmem>>
      %dma_wait3A_601 = tpu.memref_squeeze %dma_wait3A_600 : memref<1x128xi32, #tpu.memory_space<vmem>> -> memref<128xi32, #tpu.memory_space<vmem>>
      %dma_wait3A_602 = arith.constant 0 : i32
      %dma_wait3A_603 = tpu.memref_slice %arg4[%add3A_578, %dma_wait3A_602] : memref<2500x128xi32, #tpu.memory_space<hbm>> -> memref<1x128xi32, #tpu.memory_space<hbm>>
      %dma_wait3A_604 = tpu.memref_squeeze %dma_wait3A_603 : memref<1x128xi32, #tpu.memory_space<hbm>> -> memref<128xi32, #tpu.memory_space<hbm>>
      tpu.wait_dma2 semaphore(%arg12 : memref<!tpu.dma_semaphore, #tpu.memory_space<semaphore_mem>>) src(%dma_wait3A_604 : memref<128xi32, #tpu.memory_space<hbm>>) dst(%dma_wait3A_601 : memref<128xi32, #tpu.memory_space<vmem>>)
      %dma_start3A_605 = arith.constant 1 : i32
      %dma_start3A_606 = arith.constant 0 : i32
      %dma_start3A_607 = tpu.memref_slice %arg6[%dma_start3A_605, %dma_start3A_606] : memref<4x128xi32, #tpu.memory_space<vmem>> -> memref<1x128xi32, #tpu.memory_space<vmem>>
      %dma_start3A_608 = tpu.memref_squeeze %dma_start3A_607 : memref<1x128xi32, #tpu.memory_space<vmem>> -> memref<128xi32, #tpu.memory_space<vmem>>
      %dma_start3A_609 = arith.constant 0 : i32
      %dma_start3A_610 = arith.constant 0 : i32
      %dma_start3A_611 = tpu.memref_slice %arg2[%dma_start3A_609, %dma_start3A_610] : memref<10000x128xf32, #tpu.memory_space<hbm>> -> memref<10000x128xf32, #tpu.memory_space<hbm>>
      tpu.enqueue_indirect_dma source(%dma_start3A_611 : memref<10000x128xf32, #tpu.memory_space<hbm>>) target(%arg9 : memref<128x128xf32, #tpu.memory_space<vmem>>) offsets(%dma_start3A_608 : memref<128xi32, #tpu.memory_space<vmem>>) semaphore(%arg16 : memref<!tpu.dma_semaphore, #tpu.memory_space<semaphore_mem>>)
      %add3A_612 = arith.constant 2 : i32
      %add3A_613 = arith.addi %add3A_566, %add3A_612 : i32
      %mul3A_614 = arith.constant 32 : i32
      %mul3A_615 = arith.muli %add3A_613, %mul3A_614 : i32
      %add3A_616 = arith.addi %add3A, %mul3A_615 : i32
      %dma_start3A_617 = arith.constant 2 : i32
      %dma_start3A_618 = arith.constant 0 : i32
      %dma_start3A_619 = tpu.memref_slice %arg6[%dma_start3A_617, %dma_start3A_618] : memref<4x128xi32, #tpu.memory_space<vmem>> -> memref<1x128xi32, #tpu.memory_space<vmem>>
      %dma_start3A_620 = tpu.memref_squeeze %dma_start3A_619 : memref<1x128xi32, #tpu.memory_space<vmem>> -> memref<128xi32, #tpu.memory_space<vmem>>
      %dma_start3A_621 = arith.constant 0 : i32
      %dma_start3A_622 = tpu.memref_slice %arg3[%add3A_616, %dma_start3A_621] : memref<2500x128xi32, #tpu.memory_space<hbm>> -> memref<1x128xi32, #tpu.memory_space<hbm>>
      %dma_start3A_623 = tpu.memref_squeeze %dma_start3A_622 : memref<1x128xi32, #tpu.memory_space<hbm>> -> memref<128xi32, #tpu.memory_space<hbm>>
      %dma_start3A_624 = arith.constant 0 : i32
      %dma_start3A_625 = tpu.memref_slice %arg6[%dma_start3A_617, %dma_start3A_624] : memref<4x128xi32, #tpu.memory_space<vmem>> -> memref<1x128xi32, #tpu.memory_space<vmem>>
      %dma_start3A_626 = tpu.memref_squeeze %dma_start3A_625 : memref<1x128xi32, #tpu.memory_space<vmem>> -> memref<128xi32, #tpu.memory_space<vmem>>
      %dma_start3A_627 = arith.constant 0 : i32
      %dma_start3A_628 = tpu.memref_slice %arg3[%add3A_616, %dma_start3A_627] : memref<2500x128xi32, #tpu.memory_space<hbm>> -> memref<1x128xi32, #tpu.memory_space<hbm>>
      %dma_start3A_629 = tpu.memref_squeeze %dma_start3A_628 : memref<1x128xi32, #tpu.memory_space<hbm>> -> memref<128xi32, #tpu.memory_space<hbm>>
      tpu.enqueue_dma source(%dma_start3A_629 : memref<128xi32, #tpu.memory_space<hbm>>) target(%dma_start3A_626 : memref<128xi32, #tpu.memory_space<vmem>>) target_semaphore(%arg13 : memref<!tpu.dma_semaphore, #tpu.memory_space<semaphore_mem>>)
      %dma_start3A_630 = arith.constant 2 : i32
      %dma_start3A_631 = arith.constant 0 : i32
      %dma_start3A_632 = tpu.memref_slice %arg7[%dma_start3A_630, %dma_start3A_631] : memref<4x128xi32, #tpu.memory_space<vmem>> -> memref<1x128xi32, #tpu.memory_space<vmem>>
      %dma_start3A_633 = tpu.memref_squeeze %dma_start3A_632 : memref<1x128xi32, #tpu.memory_space<vmem>> -> memref<128xi32, #tpu.memory_space<vmem>>
      %dma_start3A_634 = arith.constant 0 : i32
      %dma_start3A_635 = tpu.memref_slice %arg4[%add3A_616, %dma_start3A_634] : memref<2500x128xi32, #tpu.memory_space<hbm>> -> memref<1x128xi32, #tpu.memory_space<hbm>>
      %dma_start3A_636 = tpu.memref_squeeze %dma_start3A_635 : memref<1x128xi32, #tpu.memory_space<hbm>> -> memref<128xi32, #tpu.memory_space<hbm>>
      %dma_start3A_637 = arith.constant 0 : i32
      %dma_start3A_638 = tpu.memref_slice %arg7[%dma_start3A_630, %dma_start3A_637] : memref<4x128xi32, #tpu.memory_space<vmem>> -> memref<1x128xi32, #tpu.memory_space<vmem>>
      %dma_start3A_639 = tpu.memref_squeeze %dma_start3A_638 : memref<1x128xi32, #tpu.memory_space<vmem>> -> memref<128xi32, #tpu.memory_space<vmem>>
      %dma_start3A_640 = arith.constant 0 : i32
      %dma_start3A_641 = tpu.memref_slice %arg4[%add3A_616, %dma_start3A_640] : memref<2500x128xi32, #tpu.memory_space<hbm>> -> memref<1x128xi32, #tpu.memory_space<hbm>>
      %dma_start3A_642 = tpu.memref_squeeze %dma_start3A_641 : memref<1x128xi32, #tpu.memory_space<hbm>> -> memref<128xi32, #tpu.memory_space<hbm>>
      tpu.enqueue_dma source(%dma_start3A_642 : memref<128xi32, #tpu.memory_space<hbm>>) target(%dma_start3A_639 : memref<128xi32, #tpu.memory_space<vmem>>) target_semaphore(%arg13 : memref<!tpu.dma_semaphore, #tpu.memory_space<semaphore_mem>>)
      %dma_wait3A_643 = arith.constant 0 : i32
      %dma_wait3A_644 = arith.constant 0 : i32
      %dma_wait3A_645 = tpu.memref_slice %arg6[%dma_wait3A_643, %dma_wait3A_644] : memref<4x128xi32, #tpu.memory_space<vmem>> -> memref<1x128xi32, #tpu.memory_space<vmem>>
      %dma_wait3A_646 = tpu.memref_squeeze %dma_wait3A_645 : memref<1x128xi32, #tpu.memory_space<vmem>> -> memref<128xi32, #tpu.memory_space<vmem>>
      %dma_wait3A_647 = arith.constant 0 : i32
      %dma_wait3A_648 = arith.constant 0 : i32
      %dma_wait3A_649 = tpu.memref_slice %arg2[%dma_wait3A_647, %dma_wait3A_648] : memref<10000x128xf32, #tpu.memory_space<hbm>> -> memref<10000x128xf32, #tpu.memory_space<hbm>>
      tpu.wait_indirect_dma semaphore(%arg15 : memref<!tpu.dma_semaphore, #tpu.memory_space<semaphore_mem>>) src(%dma_wait3A_649 : memref<10000x128xf32, #tpu.memory_space<hbm>>) dst(%arg8 : memref<128x128xf32, #tpu.memory_space<vmem>>)
      %dma_start3A_650 = arith.constant 0 : i32
      %dma_start3A_651 = arith.constant 0 : i32
      %dma_start3A_652 = tpu.memref_slice %arg7[%dma_start3A_650, %dma_start3A_651] : memref<4x128xi32, #tpu.memory_space<vmem>> -> memref<1x128xi32, #tpu.memory_space<vmem>>
      %dma_start3A_653 = tpu.memref_squeeze %dma_start3A_652 : memref<1x128xi32, #tpu.memory_space<vmem>> -> memref<128xi32, #tpu.memory_space<vmem>>
      %dma_start3A_654 = arith.constant 0 : i32
      %dma_start3A_655 = arith.constant 0 : i32
      %dma_start3A_656 = tpu.memref_slice %arg10[%dma_start3A_654, %dma_start3A_655] : memref<10000x128xf32, #tpu.memory_space<vmem_shared>> -> memref<10000x128xf32, #tpu.memory_space<vmem_shared>>
      tpu.enqueue_indirect_dma source(%arg8 : memref<128x128xf32, #tpu.memory_space<vmem>>) target(%dma_start3A_656 : memref<10000x128xf32, #tpu.memory_space<vmem_shared>>) offsets(%dma_start3A_653 : memref<128xi32, #tpu.memory_space<vmem>>) semaphore(%arg17 : memref<!tpu.dma_semaphore, #tpu.memory_space<semaphore_mem>>) {add = true}
      %mul3A_657 = arith.constant 4 : i32
      %mul3A_658 = arith.muli %mul3A_657, %scan3A_559 : i32
      %add3A_659 = arith.constant 4 : i32
      %add3A_660 = arith.addi %add3A_659, %mul3A_658 : i32
      %add3A_661 = arith.constant 1 : i32
      %add3A_662 = arith.addi %add3A_660, %add3A_661 : i32
      %dma_wait3A_663 = arith.constant 0 : i32
      %dma_wait3A_664 = arith.constant 0 : i32
      %dma_wait3A_665 = tpu.memref_slice %arg7[%dma_wait3A_663, %dma_wait3A_664] : memref<4x128xi32, #tpu.memory_space<vmem>> -> memref<1x128xi32, #tpu.memory_space<vmem>>
      %dma_wait3A_666 = tpu.memref_squeeze %dma_wait3A_665 : memref<1x128xi32, #tpu.memory_space<vmem>> -> memref<128xi32, #tpu.memory_space<vmem>>
      %dma_wait3A_667 = arith.constant 0 : i32
      %dma_wait3A_668 = arith.constant 0 : i32
      %dma_wait3A_669 = tpu.memref_slice %arg10[%dma_wait3A_667, %dma_wait3A_668] : memref<10000x128xf32, #tpu.memory_space<vmem_shared>> -> memref<10000x128xf32, #tpu.memory_space<vmem_shared>>
      tpu.wait_indirect_dma semaphore(%arg17 : memref<!tpu.dma_semaphore, #tpu.memory_space<semaphore_mem>>) src(%arg8 : memref<128x128xf32, #tpu.memory_space<vmem>>) dst(%dma_wait3A_669 : memref<10000x128xf32, #tpu.memory_space<vmem_shared>>)
      %add3A_670 = arith.constant 1 : i32
      %add3A_671 = arith.addi %add3A_662, %add3A_670 : i32
      %mul3A_672 = arith.constant 32 : i32
      %mul3A_673 = arith.muli %add3A_671, %mul3A_672 : i32
      %add3A_674 = arith.addi %add3A, %mul3A_673 : i32
      %dma_wait3A_675 = arith.constant 2 : i32
      %dma_wait3A_676 = arith.constant 0 : i32
      %dma_wait3A_677 = tpu.memref_slice %arg6[%dma_wait3A_675, %dma_wait3A_676] : memref<4x128xi32, #tpu.memory_space<vmem>> -> memref<1x128xi32, #tpu.memory_space<vmem>>
      %dma_wait3A_678 = tpu.memref_squeeze %dma_wait3A_677 : memref<1x128xi32, #tpu.memory_space<vmem>> -> memref<128xi32, #tpu.memory_space<vmem>>
      %dma_wait3A_679 = arith.constant 0 : i32
      %dma_wait3A_680 = tpu.memref_slice %arg3[%add3A_674, %dma_wait3A_679] : memref<2500x128xi32, #tpu.memory_space<hbm>> -> memref<1x128xi32, #tpu.memory_space<hbm>>
      %dma_wait3A_681 = tpu.memref_squeeze %dma_wait3A_680 : memref<1x128xi32, #tpu.memory_space<hbm>> -> memref<128xi32, #tpu.memory_space<hbm>>
      %dma_wait3A_682 = arith.constant 0 : i32
      %dma_wait3A_683 = tpu.memref_slice %arg6[%dma_wait3A_675, %dma_wait3A_682] : memref<4x128xi32, #tpu.memory_space<vmem>> -> memref<1x128xi32, #tpu.memory_space<vmem>>
      %dma_wait3A_684 = tpu.memref_squeeze %dma_wait3A_683 : memref<1x128xi32, #tpu.memory_space<vmem>> -> memref<128xi32, #tpu.memory_space<vmem>>
      %dma_wait3A_685 = arith.constant 0 : i32
      %dma_wait3A_686 = tpu.memref_slice %arg3[%add3A_674, %dma_wait3A_685] : memref<2500x128xi32, #tpu.memory_space<hbm>> -> memref<1x128xi32, #tpu.memory_space<hbm>>
      %dma_wait3A_687 = tpu.memref_squeeze %dma_wait3A_686 : memref<1x128xi32, #tpu.memory_space<hbm>> -> memref<128xi32, #tpu.memory_space<hbm>>
      tpu.wait_dma2 semaphore(%arg13 : memref<!tpu.dma_semaphore, #tpu.memory_space<semaphore_mem>>) src(%dma_wait3A_687 : memref<128xi32, #tpu.memory_space<hbm>>) dst(%dma_wait3A_684 : memref<128xi32, #tpu.memory_space<vmem>>)
      %dma_wait3A_688 = arith.constant 2 : i32
      %dma_wait3A_689 = arith.constant 0 : i32
      %dma_wait3A_690 = tpu.memref_slice %arg7[%dma_wait3A_688, %dma_wait3A_689] : memref<4x128xi32, #tpu.memory_space<vmem>> -> memref<1x128xi32, #tpu.memory_space<vmem>>
      %dma_wait3A_691 = tpu.memref_squeeze %dma_wait3A_690 : memref<1x128xi32, #tpu.memory_space<vmem>> -> memref<128xi32, #tpu.memory_space<vmem>>
      %dma_wait3A_692 = arith.constant 0 : i32
      %dma_wait3A_693 = tpu.memref_slice %arg4[%add3A_674, %dma_wait3A_692] : memref<2500x128xi32, #tpu.memory_space<hbm>> -> memref<1x128xi32, #tpu.memory_space<hbm>>
      %dma_wait3A_694 = tpu.memref_squeeze %dma_wait3A_693 : memref<1x128xi32, #tpu.memory_space<hbm>> -> memref<128xi32, #tpu.memory_space<hbm>>
      %dma_wait3A_695 = arith.constant 0 : i32
      %dma_wait3A_696 = tpu.memref_slice %arg7[%dma_wait3A_688, %dma_wait3A_695] : memref<4x128xi32, #tpu.memory_space<vmem>> -> memref<1x128xi32, #tpu.memory_space<vmem>>
      %dma_wait3A_697 = tpu.memref_squeeze %dma_wait3A_696 : memref<1x128xi32, #tpu.memory_space<vmem>> -> memref<128xi32, #tpu.memory_space<vmem>>
      %dma_wait3A_698 = arith.constant 0 : i32
      %dma_wait3A_699 = tpu.memref_slice %arg4[%add3A_674, %dma_wait3A_698] : memref<2500x128xi32, #tpu.memory_space<hbm>> -> memref<1x128xi32, #tpu.memory_space<hbm>>
      %dma_wait3A_700 = tpu.memref_squeeze %dma_wait3A_699 : memref<1x128xi32, #tpu.memory_space<hbm>> -> memref<128xi32, #tpu.memory_space<hbm>>
      tpu.wait_dma2 semaphore(%arg13 : memref<!tpu.dma_semaphore, #tpu.memory_space<semaphore_mem>>) src(%dma_wait3A_700 : memref<128xi32, #tpu.memory_space<hbm>>) dst(%dma_wait3A_697 : memref<128xi32, #tpu.memory_space<vmem>>)
      %dma_start3A_701 = arith.constant 2 : i32
      %dma_start3A_702 = arith.constant 0 : i32
      %dma_start3A_703 = tpu.memref_slice %arg6[%dma_start3A_701, %dma_start3A_702] : memref<4x128xi32, #tpu.memory_space<vmem>> -> memref<1x128xi32, #tpu.memory_space<vmem>>
      %dma_start3A_704 = tpu.memref_squeeze %dma_start3A_703 : memref<1x128xi32, #tpu.memory_space<vmem>> -> memref<128xi32, #tpu.memory_space<vmem>>
      %dma_start3A_705 = arith.constant 0 : i32
      %dma_start3A_706 = arith.constant 0 : i32
      %dma_start3A_707 = tpu.memref_slice %arg2[%dma_start3A_705, %dma_start3A_706] : memref<10000x128xf32, #tpu.memory_space<hbm>> -> memref<10000x128xf32, #tpu.memory_space<hbm>>
      tpu.enqueue_indirect_dma source(%dma_start3A_707 : memref<10000x128xf32, #tpu.memory_space<hbm>>) target(%arg8 : memref<128x128xf32, #tpu.memory_space<vmem>>) offsets(%dma_start3A_704 : memref<128xi32, #tpu.memory_space<vmem>>) semaphore(%arg15 : memref<!tpu.dma_semaphore, #tpu.memory_space<semaphore_mem>>)
      %add3A_708 = arith.constant 2 : i32
      %add3A_709 = arith.addi %add3A_662, %add3A_708 : i32
      %mul3A_710 = arith.constant 32 : i32
      %mul3A_711 = arith.muli %add3A_709, %mul3A_710 : i32
      %add3A_712 = arith.addi %add3A, %mul3A_711 : i32
      %dma_start3A_713 = arith.constant 3 : i32
      %dma_start3A_714 = arith.constant 0 : i32
      %dma_start3A_715 = tpu.memref_slice %arg6[%dma_start3A_713, %dma_start3A_714] : memref<4x128xi32, #tpu.memory_space<vmem>> -> memref<1x128xi32, #tpu.memory_space<vmem>>
      %dma_start3A_716 = tpu.memref_squeeze %dma_start3A_715 : memref<1x128xi32, #tpu.memory_space<vmem>> -> memref<128xi32, #tpu.memory_space<vmem>>
      %dma_start3A_717 = arith.constant 0 : i32
      %dma_start3A_718 = tpu.memref_slice %arg3[%add3A_712, %dma_start3A_717] : memref<2500x128xi32, #tpu.memory_space<hbm>> -> memref<1x128xi32, #tpu.memory_space<hbm>>
      %dma_start3A_719 = tpu.memref_squeeze %dma_start3A_718 : memref<1x128xi32, #tpu.memory_space<hbm>> -> memref<128xi32, #tpu.memory_space<hbm>>
      %dma_start3A_720 = arith.constant 0 : i32
      %dma_start3A_721 = tpu.memref_slice %arg6[%dma_start3A_713, %dma_start3A_720] : memref<4x128xi32, #tpu.memory_space<vmem>> -> memref<1x128xi32, #tpu.memory_space<vmem>>
      %dma_start3A_722 = tpu.memref_squeeze %dma_start3A_721 : memref<1x128xi32, #tpu.memory_space<vmem>> -> memref<128xi32, #tpu.memory_space<vmem>>
      %dma_start3A_723 = arith.constant 0 : i32
      %dma_start3A_724 = tpu.memref_slice %arg3[%add3A_712, %dma_start3A_723] : memref<2500x128xi32, #tpu.memory_space<hbm>> -> memref<1x128xi32, #tpu.memory_space<hbm>>
      %dma_start3A_725 = tpu.memref_squeeze %dma_start3A_724 : memref<1x128xi32, #tpu.memory_space<hbm>> -> memref<128xi32, #tpu.memory_space<hbm>>
      tpu.enqueue_dma source(%dma_start3A_725 : memref<128xi32, #tpu.memory_space<hbm>>) target(%dma_start3A_722 : memref<128xi32, #tpu.memory_space<vmem>>) target_semaphore(%arg14 : memref<!tpu.dma_semaphore, #tpu.memory_space<semaphore_mem>>)
      %dma_start3A_726 = arith.constant 3 : i32
      %dma_start3A_727 = arith.constant 0 : i32
      %dma_start3A_728 = tpu.memref_slice %arg7[%dma_start3A_726, %dma_start3A_727] : memref<4x128xi32, #tpu.memory_space<vmem>> -> memref<1x128xi32, #tpu.memory_space<vmem>>
      %dma_start3A_729 = tpu.memref_squeeze %dma_start3A_728 : memref<1x128xi32, #tpu.memory_space<vmem>> -> memref<128xi32, #tpu.memory_space<vmem>>
      %dma_start3A_730 = arith.constant 0 : i32
      %dma_start3A_731 = tpu.memref_slice %arg4[%add3A_712, %dma_start3A_730] : memref<2500x128xi32, #tpu.memory_space<hbm>> -> memref<1x128xi32, #tpu.memory_space<hbm>>
      %dma_start3A_732 = tpu.memref_squeeze %dma_start3A_731 : memref<1x128xi32, #tpu.memory_space<hbm>> -> memref<128xi32, #tpu.memory_space<hbm>>
      %dma_start3A_733 = arith.constant 0 : i32
      %dma_start3A_734 = tpu.memref_slice %arg7[%dma_start3A_726, %dma_start3A_733] : memref<4x128xi32, #tpu.memory_space<vmem>> -> memref<1x128xi32, #tpu.memory_space<vmem>>
      %dma_start3A_735 = tpu.memref_squeeze %dma_start3A_734 : memref<1x128xi32, #tpu.memory_space<vmem>> -> memref<128xi32, #tpu.memory_space<vmem>>
      %dma_start3A_736 = arith.constant 0 : i32
      %dma_start3A_737 = tpu.memref_slice %arg4[%add3A_712, %dma_start3A_736] : memref<2500x128xi32, #tpu.memory_space<hbm>> -> memref<1x128xi32, #tpu.memory_space<hbm>>
      %dma_start3A_738 = tpu.memref_squeeze %dma_start3A_737 : memref<1x128xi32, #tpu.memory_space<hbm>> -> memref<128xi32, #tpu.memory_space<hbm>>
      tpu.enqueue_dma source(%dma_start3A_738 : memref<128xi32, #tpu.memory_space<hbm>>) target(%dma_start3A_735 : memref<128xi32, #tpu.memory_space<vmem>>) target_semaphore(%arg14 : memref<!tpu.dma_semaphore, #tpu.memory_space<semaphore_mem>>)
      %dma_wait3A_739 = arith.constant 1 : i32
      %dma_wait3A_740 = arith.constant 0 : i32
      %dma_wait3A_741 = tpu.memref_slice %arg6[%dma_wait3A_739, %dma_wait3A_740] : memref<4x128xi32, #tpu.memory_space<vmem>> -> memref<1x128xi32, #tpu.memory_space<vmem>>
      %dma_wait3A_742 = tpu.memref_squeeze %dma_wait3A_741 : memref<1x128xi32, #tpu.memory_space<vmem>> -> memref<128xi32, #tpu.memory_space<vmem>>
      %dma_wait3A_743 = arith.constant 0 : i32
      %dma_wait3A_744 = arith.constant 0 : i32
      %dma_wait3A_745 = tpu.memref_slice %arg2[%dma_wait3A_743, %dma_wait3A_744] : memref<10000x128xf32, #tpu.memory_space<hbm>> -> memref<10000x128xf32, #tpu.memory_space<hbm>>
      tpu.wait_indirect_dma semaphore(%arg16 : memref<!tpu.dma_semaphore, #tpu.memory_space<semaphore_mem>>) src(%dma_wait3A_745 : memref<10000x128xf32, #tpu.memory_space<hbm>>) dst(%arg9 : memref<128x128xf32, #tpu.memory_space<vmem>>)
      %dma_start3A_746 = arith.constant 1 : i32
      %dma_start3A_747 = arith.constant 0 : i32
      %dma_start3A_748 = tpu.memref_slice %arg7[%dma_start3A_746, %dma_start3A_747] : memref<4x128xi32, #tpu.memory_space<vmem>> -> memref<1x128xi32, #tpu.memory_space<vmem>>
      %dma_start3A_749 = tpu.memref_squeeze %dma_start3A_748 : memref<1x128xi32, #tpu.memory_space<vmem>> -> memref<128xi32, #tpu.memory_space<vmem>>
      %dma_start3A_750 = arith.constant 0 : i32
      %dma_start3A_751 = arith.constant 0 : i32
      %dma_start3A_752 = tpu.memref_slice %arg10[%dma_start3A_750, %dma_start3A_751] : memref<10000x128xf32, #tpu.memory_space<vmem_shared>> -> memref<10000x128xf32, #tpu.memory_space<vmem_shared>>
      tpu.enqueue_indirect_dma source(%arg9 : memref<128x128xf32, #tpu.memory_space<vmem>>) target(%dma_start3A_752 : memref<10000x128xf32, #tpu.memory_space<vmem_shared>>) offsets(%dma_start3A_749 : memref<128xi32, #tpu.memory_space<vmem>>) semaphore(%arg18 : memref<!tpu.dma_semaphore, #tpu.memory_space<semaphore_mem>>) {add = true}
      %mul3A_753 = arith.constant 4 : i32
      %mul3A_754 = arith.muli %mul3A_753, %scan3A_559 : i32
      %add3A_755 = arith.constant 4 : i32
      %add3A_756 = arith.addi %add3A_755, %mul3A_754 : i32
      %add3A_757 = arith.constant 2 : i32
      %add3A_758 = arith.addi %add3A_756, %add3A_757 : i32
      %dma_wait3A_759 = arith.constant 1 : i32
      %dma_wait3A_760 = arith.constant 0 : i32
      %dma_wait3A_761 = tpu.memref_slice %arg7[%dma_wait3A_759, %dma_wait3A_760] : memref<4x128xi32, #tpu.memory_space<vmem>> -> memref<1x128xi32, #tpu.memory_space<vmem>>
      %dma_wait3A_762 = tpu.memref_squeeze %dma_wait3A_761 : memref<1x128xi32, #tpu.memory_space<vmem>> -> memref<128xi32, #tpu.memory_space<vmem>>
      %dma_wait3A_763 = arith.constant 0 : i32
      %dma_wait3A_764 = arith.constant 0 : i32
      %dma_wait3A_765 = tpu.memref_slice %arg10[%dma_wait3A_763, %dma_wait3A_764] : memref<10000x128xf32, #tpu.memory_space<vmem_shared>> -> memref<10000x128xf32, #tpu.memory_space<vmem_shared>>
      tpu.wait_indirect_dma semaphore(%arg18 : memref<!tpu.dma_semaphore, #tpu.memory_space<semaphore_mem>>) src(%arg9 : memref<128x128xf32, #tpu.memory_space<vmem>>) dst(%dma_wait3A_765 : memref<10000x128xf32, #tpu.memory_space<vmem_shared>>)
      %add3A_766 = arith.constant 1 : i32
      %add3A_767 = arith.addi %add3A_758, %add3A_766 : i32
      %mul3A_768 = arith.constant 32 : i32
      %mul3A_769 = arith.muli %add3A_767, %mul3A_768 : i32
      %add3A_770 = arith.addi %add3A, %mul3A_769 : i32
      %dma_wait3A_771 = arith.constant 3 : i32
      %dma_wait3A_772 = arith.constant 0 : i32
      %dma_wait3A_773 = tpu.memref_slice %arg6[%dma_wait3A_771, %dma_wait3A_772] : memref<4x128xi32, #tpu.memory_space<vmem>> -> memref<1x128xi32, #tpu.memory_space<vmem>>
      %dma_wait3A_774 = tpu.memref_squeeze %dma_wait3A_773 : memref<1x128xi32, #tpu.memory_space<vmem>> -> memref<128xi32, #tpu.memory_space<vmem>>
      %dma_wait3A_775 = arith.constant 0 : i32
      %dma_wait3A_776 = tpu.memref_slice %arg3[%add3A_770, %dma_wait3A_775] : memref<2500x128xi32, #tpu.memory_space<hbm>> -> memref<1x128xi32, #tpu.memory_space<hbm>>
      %dma_wait3A_777 = tpu.memref_squeeze %dma_wait3A_776 : memref<1x128xi32, #tpu.memory_space<hbm>> -> memref<128xi32, #tpu.memory_space<hbm>>
      %dma_wait3A_778 = arith.constant 0 : i32
      %dma_wait3A_779 = tpu.memref_slice %arg6[%dma_wait3A_771, %dma_wait3A_778] : memref<4x128xi32, #tpu.memory_space<vmem>> -> memref<1x128xi32, #tpu.memory_space<vmem>>
      %dma_wait3A_780 = tpu.memref_squeeze %dma_wait3A_779 : memref<1x128xi32, #tpu.memory_space<vmem>> -> memref<128xi32, #tpu.memory_space<vmem>>
      %dma_wait3A_781 = arith.constant 0 : i32
      %dma_wait3A_782 = tpu.memref_slice %arg3[%add3A_770, %dma_wait3A_781] : memref<2500x128xi32, #tpu.memory_space<hbm>> -> memref<1x128xi32, #tpu.memory_space<hbm>>
      %dma_wait3A_783 = tpu.memref_squeeze %dma_wait3A_782 : memref<1x128xi32, #tpu.memory_space<hbm>> -> memref<128xi32, #tpu.memory_space<hbm>>
      tpu.wait_dma2 semaphore(%arg14 : memref<!tpu.dma_semaphore, #tpu.memory_space<semaphore_mem>>) src(%dma_wait3A_783 : memref<128xi32, #tpu.memory_space<hbm>>) dst(%dma_wait3A_780 : memref<128xi32, #tpu.memory_space<vmem>>)
      %dma_wait3A_784 = arith.constant 3 : i32
      %dma_wait3A_785 = arith.constant 0 : i32
      %dma_wait3A_786 = tpu.memref_slice %arg7[%dma_wait3A_784, %dma_wait3A_785] : memref<4x128xi32, #tpu.memory_space<vmem>> -> memref<1x128xi32, #tpu.memory_space<vmem>>
      %dma_wait3A_787 = tpu.memref_squeeze %dma_wait3A_786 : memref<1x128xi32, #tpu.memory_space<vmem>> -> memref<128xi32, #tpu.memory_space<vmem>>
      %dma_wait3A_788 = arith.constant 0 : i32
      %dma_wait3A_789 = tpu.memref_slice %arg4[%add3A_770, %dma_wait3A_788] : memref<2500x128xi32, #tpu.memory_space<hbm>> -> memref<1x128xi32, #tpu.memory_space<hbm>>
      %dma_wait3A_790 = tpu.memref_squeeze %dma_wait3A_789 : memref<1x128xi32, #tpu.memory_space<hbm>> -> memref<128xi32, #tpu.memory_space<hbm>>
      %dma_wait3A_791 = arith.constant 0 : i32
      %dma_wait3A_792 = tpu.memref_slice %arg7[%dma_wait3A_784, %dma_wait3A_791] : memref<4x128xi32, #tpu.memory_space<vmem>> -> memref<1x128xi32, #tpu.memory_space<vmem>>
      %dma_wait3A_793 = tpu.memref_squeeze %dma_wait3A_792 : memref<1x128xi32, #tpu.memory_space<vmem>> -> memref<128xi32, #tpu.memory_space<vmem>>
      %dma_wait3A_794 = arith.constant 0 : i32
      %dma_wait3A_795 = tpu.memref_slice %arg4[%add3A_770, %dma_wait3A_794] : memref<2500x128xi32, #tpu.memory_space<hbm>> -> memref<1x128xi32, #tpu.memory_space<hbm>>
      %dma_wait3A_796 = tpu.memref_squeeze %dma_wait3A_795 : memref<1x128xi32, #tpu.memory_space<hbm>> -> memref<128xi32, #tpu.memory_space<hbm>>
      tpu.wait_dma2 semaphore(%arg14 : memref<!tpu.dma_semaphore, #tpu.memory_space<semaphore_mem>>) src(%dma_wait3A_796 : memref<128xi32, #tpu.memory_space<hbm>>) dst(%dma_wait3A_793 : memref<128xi32, #tpu.memory_space<vmem>>)
      %dma_start3A_797 = arith.constant 3 : i32
      %dma_start3A_798 = arith.constant 0 : i32
      %dma_start3A_799 = tpu.memref_slice %arg6[%dma_start3A_797, %dma_start3A_798] : memref<4x128xi32, #tpu.memory_space<vmem>> -> memref<1x128xi32, #tpu.memory_space<vmem>>
      %dma_start3A_800 = tpu.memref_squeeze %dma_start3A_799 : memref<1x128xi32, #tpu.memory_space<vmem>> -> memref<128xi32, #tpu.memory_space<vmem>>
      %dma_start3A_801 = arith.constant 0 : i32
      %dma_start3A_802 = arith.constant 0 : i32
      %dma_start3A_803 = tpu.memref_slice %arg2[%dma_start3A_801, %dma_start3A_802] : memref<10000x128xf32, #tpu.memory_space<hbm>> -> memref<10000x128xf32, #tpu.memory_space<hbm>>
      tpu.enqueue_indirect_dma source(%dma_start3A_803 : memref<10000x128xf32, #tpu.memory_space<hbm>>) target(%arg9 : memref<128x128xf32, #tpu.memory_space<vmem>>) offsets(%dma_start3A_800 : memref<128xi32, #tpu.memory_space<vmem>>) semaphore(%arg16 : memref<!tpu.dma_semaphore, #tpu.memory_space<semaphore_mem>>)
      %add3A_804 = arith.constant 2 : i32
      %add3A_805 = arith.addi %add3A_758, %add3A_804 : i32
      %mul3A_806 = arith.constant 32 : i32
      %mul3A_807 = arith.muli %add3A_805, %mul3A_806 : i32
      %add3A_808 = arith.addi %add3A, %mul3A_807 : i32
      %dma_start3A_809 = arith.constant 0 : i32
      %dma_start3A_810 = arith.constant 0 : i32
      %dma_start3A_811 = tpu.memref_slice %arg6[%dma_start3A_809, %dma_start3A_810] : memref<4x128xi32, #tpu.memory_space<vmem>> -> memref<1x128xi32, #tpu.memory_space<vmem>>
      %dma_start3A_812 = tpu.memref_squeeze %dma_start3A_811 : memref<1x128xi32, #tpu.memory_space<vmem>> -> memref<128xi32, #tpu.memory_space<vmem>>
      %dma_start3A_813 = arith.constant 0 : i32
      %dma_start3A_814 = tpu.memref_slice %arg3[%add3A_808, %dma_start3A_813] : memref<2500x128xi32, #tpu.memory_space<hbm>> -> memref<1x128xi32, #tpu.memory_space<hbm>>
      %dma_start3A_815 = tpu.memref_squeeze %dma_start3A_814 : memref<1x128xi32, #tpu.memory_space<hbm>> -> memref<128xi32, #tpu.memory_space<hbm>>
      %dma_start3A_816 = arith.constant 0 : i32
      %dma_start3A_817 = tpu.memref_slice %arg6[%dma_start3A_809, %dma_start3A_816] : memref<4x128xi32, #tpu.memory_space<vmem>> -> memref<1x128xi32, #tpu.memory_space<vmem>>
      %dma_start3A_818 = tpu.memref_squeeze %dma_start3A_817 : memref<1x128xi32, #tpu.memory_space<vmem>> -> memref<128xi32, #tpu.memory_space<vmem>>
      %dma_start3A_819 = arith.constant 0 : i32
      %dma_start3A_820 = tpu.memref_slice %arg3[%add3A_808, %dma_start3A_819] : memref<2500x128xi32, #tpu.memory_space<hbm>> -> memref<1x128xi32, #tpu.memory_space<hbm>>
      %dma_start3A_821 = tpu.memref_squeeze %dma_start3A_820 : memref<1x128xi32, #tpu.memory_space<hbm>> -> memref<128xi32, #tpu.memory_space<hbm>>
      tpu.enqueue_dma source(%dma_start3A_821 : memref<128xi32, #tpu.memory_space<hbm>>) target(%dma_start3A_818 : memref<128xi32, #tpu.memory_space<vmem>>) target_semaphore(%arg11 : memref<!tpu.dma_semaphore, #tpu.memory_space<semaphore_mem>>)
      %dma_start3A_822 = arith.constant 0 : i32
      %dma_start3A_823 = arith.constant 0 : i32
      %dma_start3A_824 = tpu.memref_slice %arg7[%dma_start3A_822, %dma_start3A_823] : memref<4x128xi32, #tpu.memory_space<vmem>> -> memref<1x128xi32, #tpu.memory_space<vmem>>
      %dma_start3A_825 = tpu.memref_squeeze %dma_start3A_824 : memref<1x128xi32, #tpu.memory_space<vmem>> -> memref<128xi32, #tpu.memory_space<vmem>>
      %dma_start3A_826 = arith.constant 0 : i32
      %dma_start3A_827 = tpu.memref_slice %arg4[%add3A_808, %dma_start3A_826] : memref<2500x128xi32, #tpu.memory_space<hbm>> -> memref<1x128xi32, #tpu.memory_space<hbm>>
      %dma_start3A_828 = tpu.memref_squeeze %dma_start3A_827 : memref<1x128xi32, #tpu.memory_space<hbm>> -> memref<128xi32, #tpu.memory_space<hbm>>
      %dma_start3A_829 = arith.constant 0 : i32
      %dma_start3A_830 = tpu.memref_slice %arg7[%dma_start3A_822, %dma_start3A_829] : memref<4x128xi32, #tpu.memory_space<vmem>> -> memref<1x128xi32, #tpu.memory_space<vmem>>
      %dma_start3A_831 = tpu.memref_squeeze %dma_start3A_830 : memref<1x128xi32, #tpu.memory_space<vmem>> -> memref<128xi32, #tpu.memory_space<vmem>>
      %dma_start3A_832 = arith.constant 0 : i32
      %dma_start3A_833 = tpu.memref_slice %arg4[%add3A_808, %dma_start3A_832] : memref<2500x128xi32, #tpu.memory_space<hbm>> -> memref<1x128xi32, #tpu.memory_space<hbm>>
      %dma_start3A_834 = tpu.memref_squeeze %dma_start3A_833 : memref<1x128xi32, #tpu.memory_space<hbm>> -> memref<128xi32, #tpu.memory_space<hbm>>
      tpu.enqueue_dma source(%dma_start3A_834 : memref<128xi32, #tpu.memory_space<hbm>>) target(%dma_start3A_831 : memref<128xi32, #tpu.memory_space<vmem>>) target_semaphore(%arg11 : memref<!tpu.dma_semaphore, #tpu.memory_space<semaphore_mem>>)
      %dma_wait3A_835 = arith.constant 2 : i32
      %dma_wait3A_836 = arith.constant 0 : i32
      %dma_wait3A_837 = tpu.memref_slice %arg6[%dma_wait3A_835, %dma_wait3A_836] : memref<4x128xi32, #tpu.memory_space<vmem>> -> memref<1x128xi32, #tpu.memory_space<vmem>>
      %dma_wait3A_838 = tpu.memref_squeeze %dma_wait3A_837 : memref<1x128xi32, #tpu.memory_space<vmem>> -> memref<128xi32, #tpu.memory_space<vmem>>
      %dma_wait3A_839 = arith.constant 0 : i32
      %dma_wait3A_840 = arith.constant 0 : i32
      %dma_wait3A_841 = tpu.memref_slice %arg2[%dma_wait3A_839, %dma_wait3A_840] : memref<10000x128xf32, #tpu.memory_space<hbm>> -> memref<10000x128xf32, #tpu.memory_space<hbm>>
      tpu.wait_indirect_dma semaphore(%arg15 : memref<!tpu.dma_semaphore, #tpu.memory_space<semaphore_mem>>) src(%dma_wait3A_841 : memref<10000x128xf32, #tpu.memory_space<hbm>>) dst(%arg8 : memref<128x128xf32, #tpu.memory_space<vmem>>)
      %dma_start3A_842 = arith.constant 2 : i32
      %dma_start3A_843 = arith.constant 0 : i32
      %dma_start3A_844 = tpu.memref_slice %arg7[%dma_start3A_842, %dma_start3A_843] : memref<4x128xi32, #tpu.memory_space<vmem>> -> memref<1x128xi32, #tpu.memory_space<vmem>>
      %dma_start3A_845 = tpu.memref_squeeze %dma_start3A_844 : memref<1x128xi32, #tpu.memory_space<vmem>> -> memref<128xi32, #tpu.memory_space<vmem>>
      %dma_start3A_846 = arith.constant 0 : i32
      %dma_start3A_847 = arith.constant 0 : i32
      %dma_start3A_848 = tpu.memref_slice %arg10[%dma_start3A_846, %dma_start3A_847] : memref<10000x128xf32, #tpu.memory_space<vmem_shared>> -> memref<10000x128xf32, #tpu.memory_space<vmem_shared>>
      tpu.enqueue_indirect_dma source(%arg8 : memref<128x128xf32, #tpu.memory_space<vmem>>) target(%dma_start3A_848 : memref<10000x128xf32, #tpu.memory_space<vmem_shared>>) offsets(%dma_start3A_845 : memref<128xi32, #tpu.memory_space<vmem>>) semaphore(%arg17 : memref<!tpu.dma_semaphore, #tpu.memory_space<semaphore_mem>>) {add = true}
      %mul3A_849 = arith.constant 4 : i32
      %mul3A_850 = arith.muli %mul3A_849, %scan3A_559 : i32
      %add3A_851 = arith.constant 4 : i32
      %add3A_852 = arith.addi %add3A_851, %mul3A_850 : i32
      %add3A_853 = arith.constant 3 : i32
      %add3A_854 = arith.addi %add3A_852, %add3A_853 : i32
      %dma_wait3A_855 = arith.constant 2 : i32
      %dma_wait3A_856 = arith.constant 0 : i32
      %dma_wait3A_857 = tpu.memref_slice %arg7[%dma_wait3A_855, %dma_wait3A_856] : memref<4x128xi32, #tpu.memory_space<vmem>> -> memref<1x128xi32, #tpu.memory_space<vmem>>
      %dma_wait3A_858 = tpu.memref_squeeze %dma_wait3A_857 : memref<1x128xi32, #tpu.memory_space<vmem>> -> memref<128xi32, #tpu.memory_space<vmem>>
      %dma_wait3A_859 = arith.constant 0 : i32
      %dma_wait3A_860 = arith.constant 0 : i32
      %dma_wait3A_861 = tpu.memref_slice %arg10[%dma_wait3A_859, %dma_wait3A_860] : memref<10000x128xf32, #tpu.memory_space<vmem_shared>> -> memref<10000x128xf32, #tpu.memory_space<vmem_shared>>
      tpu.wait_indirect_dma semaphore(%arg17 : memref<!tpu.dma_semaphore, #tpu.memory_space<semaphore_mem>>) src(%arg8 : memref<128x128xf32, #tpu.memory_space<vmem>>) dst(%dma_wait3A_861 : memref<10000x128xf32, #tpu.memory_space<vmem_shared>>)
      %add3A_862 = arith.constant 1 : i32
      %add3A_863 = arith.addi %add3A_854, %add3A_862 : i32
      %mul3A_864 = arith.constant 32 : i32
      %mul3A_865 = arith.muli %add3A_863, %mul3A_864 : i32
      %add3A_866 = arith.addi %add3A, %mul3A_865 : i32
      %dma_wait3A_867 = arith.constant 0 : i32
      %dma_wait3A_868 = arith.constant 0 : i32
      %dma_wait3A_869 = tpu.memref_slice %arg6[%dma_wait3A_867, %dma_wait3A_868] : memref<4x128xi32, #tpu.memory_space<vmem>> -> memref<1x128xi32, #tpu.memory_space<vmem>>
      %dma_wait3A_870 = tpu.memref_squeeze %dma_wait3A_869 : memref<1x128xi32, #tpu.memory_space<vmem>> -> memref<128xi32, #tpu.memory_space<vmem>>
      %dma_wait3A_871 = arith.constant 0 : i32
      %dma_wait3A_872 = tpu.memref_slice %arg3[%add3A_866, %dma_wait3A_871] : memref<2500x128xi32, #tpu.memory_space<hbm>> -> memref<1x128xi32, #tpu.memory_space<hbm>>
      %dma_wait3A_873 = tpu.memref_squeeze %dma_wait3A_872 : memref<1x128xi32, #tpu.memory_space<hbm>> -> memref<128xi32, #tpu.memory_space<hbm>>
      %dma_wait3A_874 = arith.constant 0 : i32
      %dma_wait3A_875 = tpu.memref_slice %arg6[%dma_wait3A_867, %dma_wait3A_874] : memref<4x128xi32, #tpu.memory_space<vmem>> -> memref<1x128xi32, #tpu.memory_space<vmem>>
      %dma_wait3A_876 = tpu.memref_squeeze %dma_wait3A_875 : memref<1x128xi32, #tpu.memory_space<vmem>> -> memref<128xi32, #tpu.memory_space<vmem>>
      %dma_wait3A_877 = arith.constant 0 : i32
      %dma_wait3A_878 = tpu.memref_slice %arg3[%add3A_866, %dma_wait3A_877] : memref<2500x128xi32, #tpu.memory_space<hbm>> -> memref<1x128xi32, #tpu.memory_space<hbm>>
      %dma_wait3A_879 = tpu.memref_squeeze %dma_wait3A_878 : memref<1x128xi32, #tpu.memory_space<hbm>> -> memref<128xi32, #tpu.memory_space<hbm>>
      tpu.wait_dma2 semaphore(%arg11 : memref<!tpu.dma_semaphore, #tpu.memory_space<semaphore_mem>>) src(%dma_wait3A_879 : memref<128xi32, #tpu.memory_space<hbm>>) dst(%dma_wait3A_876 : memref<128xi32, #tpu.memory_space<vmem>>)
      %dma_wait3A_880 = arith.constant 0 : i32
      %dma_wait3A_881 = arith.constant 0 : i32
      %dma_wait3A_882 = tpu.memref_slice %arg7[%dma_wait3A_880, %dma_wait3A_881] : memref<4x128xi32, #tpu.memory_space<vmem>> -> memref<1x128xi32, #tpu.memory_space<vmem>>
      %dma_wait3A_883 = tpu.memref_squeeze %dma_wait3A_882 : memref<1x128xi32, #tpu.memory_space<vmem>> -> memref<128xi32, #tpu.memory_space<vmem>>
      %dma_wait3A_884 = arith.constant 0 : i32
      %dma_wait3A_885 = tpu.memref_slice %arg4[%add3A_866, %dma_wait3A_884] : memref<2500x128xi32, #tpu.memory_space<hbm>> -> memref<1x128xi32, #tpu.memory_space<hbm>>
      %dma_wait3A_886 = tpu.memref_squeeze %dma_wait3A_885 : memref<1x128xi32, #tpu.memory_space<hbm>> -> memref<128xi32, #tpu.memory_space<hbm>>
      %dma_wait3A_887 = arith.constant 0 : i32
      %dma_wait3A_888 = tpu.memref_slice %arg7[%dma_wait3A_880, %dma_wait3A_887] : memref<4x128xi32, #tpu.memory_space<vmem>> -> memref<1x128xi32, #tpu.memory_space<vmem>>
      %dma_wait3A_889 = tpu.memref_squeeze %dma_wait3A_888 : memref<1x128xi32, #tpu.memory_space<vmem>> -> memref<128xi32, #tpu.memory_space<vmem>>
      %dma_wait3A_890 = arith.constant 0 : i32
      %dma_wait3A_891 = tpu.memref_slice %arg4[%add3A_866, %dma_wait3A_890] : memref<2500x128xi32, #tpu.memory_space<hbm>> -> memref<1x128xi32, #tpu.memory_space<hbm>>
      %dma_wait3A_892 = tpu.memref_squeeze %dma_wait3A_891 : memref<1x128xi32, #tpu.memory_space<hbm>> -> memref<128xi32, #tpu.memory_space<hbm>>
      tpu.wait_dma2 semaphore(%arg11 : memref<!tpu.dma_semaphore, #tpu.memory_space<semaphore_mem>>) src(%dma_wait3A_892 : memref<128xi32, #tpu.memory_space<hbm>>) dst(%dma_wait3A_889 : memref<128xi32, #tpu.memory_space<vmem>>)
      %dma_start3A_893 = arith.constant 0 : i32
      %dma_start3A_894 = arith.constant 0 : i32
      %dma_start3A_895 = tpu.memref_slice %arg6[%dma_start3A_893, %dma_start3A_894] : memref<4x128xi32, #tpu.memory_space<vmem>> -> memref<1x128xi32, #tpu.memory_space<vmem>>
      %dma_start3A_896 = tpu.memref_squeeze %dma_start3A_895 : memref<1x128xi32, #tpu.memory_space<vmem>> -> memref<128xi32, #tpu.memory_space<vmem>>
      %dma_start3A_897 = arith.constant 0 : i32
      %dma_start3A_898 = arith.constant 0 : i32
      %dma_start3A_899 = tpu.memref_slice %arg2[%dma_start3A_897, %dma_start3A_898] : memref<10000x128xf32, #tpu.memory_space<hbm>> -> memref<10000x128xf32, #tpu.memory_space<hbm>>
      tpu.enqueue_indirect_dma source(%dma_start3A_899 : memref<10000x128xf32, #tpu.memory_space<hbm>>) target(%arg8 : memref<128x128xf32, #tpu.memory_space<vmem>>) offsets(%dma_start3A_896 : memref<128xi32, #tpu.memory_space<vmem>>) semaphore(%arg15 : memref<!tpu.dma_semaphore, #tpu.memory_space<semaphore_mem>>)
      %add3A_900 = arith.constant 2 : i32
      %add3A_901 = arith.addi %add3A_854, %add3A_900 : i32
      %mul3A_902 = arith.constant 32 : i32
      %mul3A_903 = arith.muli %add3A_901, %mul3A_902 : i32
      %add3A_904 = arith.addi %add3A, %mul3A_903 : i32
      %dma_start3A_905 = arith.constant 1 : i32
      %dma_start3A_906 = arith.constant 0 : i32
      %dma_start3A_907 = tpu.memref_slice %arg6[%dma_start3A_905, %dma_start3A_906] : memref<4x128xi32, #tpu.memory_space<vmem>> -> memref<1x128xi32, #tpu.memory_space<vmem>>
      %dma_start3A_908 = tpu.memref_squeeze %dma_start3A_907 : memref<1x128xi32, #tpu.memory_space<vmem>> -> memref<128xi32, #tpu.memory_space<vmem>>
      %dma_start3A_909 = arith.constant 0 : i32
      %dma_start3A_910 = tpu.memref_slice %arg3[%add3A_904, %dma_start3A_909] : memref<2500x128xi32, #tpu.memory_space<hbm>> -> memref<1x128xi32, #tpu.memory_space<hbm>>
      %dma_start3A_911 = tpu.memref_squeeze %dma_start3A_910 : memref<1x128xi32, #tpu.memory_space<hbm>> -> memref<128xi32, #tpu.memory_space<hbm>>
      %dma_start3A_912 = arith.constant 0 : i32
      %dma_start3A_913 = tpu.memref_slice %arg6[%dma_start3A_905, %dma_start3A_912] : memref<4x128xi32, #tpu.memory_space<vmem>> -> memref<1x128xi32, #tpu.memory_space<vmem>>
      %dma_start3A_914 = tpu.memref_squeeze %dma_start3A_913 : memref<1x128xi32, #tpu.memory_space<vmem>> -> memref<128xi32, #tpu.memory_space<vmem>>
      %dma_start3A_915 = arith.constant 0 : i32
      %dma_start3A_916 = tpu.memref_slice %arg3[%add3A_904, %dma_start3A_915] : memref<2500x128xi32, #tpu.memory_space<hbm>> -> memref<1x128xi32, #tpu.memory_space<hbm>>
      %dma_start3A_917 = tpu.memref_squeeze %dma_start3A_916 : memref<1x128xi32, #tpu.memory_space<hbm>> -> memref<128xi32, #tpu.memory_space<hbm>>
      tpu.enqueue_dma source(%dma_start3A_917 : memref<128xi32, #tpu.memory_space<hbm>>) target(%dma_start3A_914 : memref<128xi32, #tpu.memory_space<vmem>>) target_semaphore(%arg12 : memref<!tpu.dma_semaphore, #tpu.memory_space<semaphore_mem>>)
      %dma_start3A_918 = arith.constant 1 : i32
      %dma_start3A_919 = arith.constant 0 : i32
      %dma_start3A_920 = tpu.memref_slice %arg7[%dma_start3A_918, %dma_start3A_919] : memref<4x128xi32, #tpu.memory_space<vmem>> -> memref<1x128xi32, #tpu.memory_space<vmem>>
      %dma_start3A_921 = tpu.memref_squeeze %dma_start3A_920 : memref<1x128xi32, #tpu.memory_space<vmem>> -> memref<128xi32, #tpu.memory_space<vmem>>
      %dma_start3A_922 = arith.constant 0 : i32
      %dma_start3A_923 = tpu.memref_slice %arg4[%add3A_904, %dma_start3A_922] : memref<2500x128xi32, #tpu.memory_space<hbm>> -> memref<1x128xi32, #tpu.memory_space<hbm>>
      %dma_start3A_924 = tpu.memref_squeeze %dma_start3A_923 : memref<1x128xi32, #tpu.memory_space<hbm>> -> memref<128xi32, #tpu.memory_space<hbm>>
      %dma_start3A_925 = arith.constant 0 : i32
      %dma_start3A_926 = tpu.memref_slice %arg7[%dma_start3A_918, %dma_start3A_925] : memref<4x128xi32, #tpu.memory_space<vmem>> -> memref<1x128xi32, #tpu.memory_space<vmem>>
      %dma_start3A_927 = tpu.memref_squeeze %dma_start3A_926 : memref<1x128xi32, #tpu.memory_space<vmem>> -> memref<128xi32, #tpu.memory_space<vmem>>
      %dma_start3A_928 = arith.constant 0 : i32
      %dma_start3A_929 = tpu.memref_slice %arg4[%add3A_904, %dma_start3A_928] : memref<2500x128xi32, #tpu.memory_space<hbm>> -> memref<1x128xi32, #tpu.memory_space<hbm>>
      %dma_start3A_930 = tpu.memref_squeeze %dma_start3A_929 : memref<1x128xi32, #tpu.memory_space<hbm>> -> memref<128xi32, #tpu.memory_space<hbm>>
      tpu.enqueue_dma source(%dma_start3A_930 : memref<128xi32, #tpu.memory_space<hbm>>) target(%dma_start3A_927 : memref<128xi32, #tpu.memory_space<vmem>>) target_semaphore(%arg12 : memref<!tpu.dma_semaphore, #tpu.memory_space<semaphore_mem>>)
      %dma_wait3A_931 = arith.constant 3 : i32
      %dma_wait3A_932 = arith.constant 0 : i32
      %dma_wait3A_933 = tpu.memref_slice %arg6[%dma_wait3A_931, %dma_wait3A_932] : memref<4x128xi32, #tpu.memory_space<vmem>> -> memref<1x128xi32, #tpu.memory_space<vmem>>
      %dma_wait3A_934 = tpu.memref_squeeze %dma_wait3A_933 : memref<1x128xi32, #tpu.memory_space<vmem>> -> memref<128xi32, #tpu.memory_space<vmem>>
      %dma_wait3A_935 = arith.constant 0 : i32
      %dma_wait3A_936 = arith.constant 0 : i32
      %dma_wait3A_937 = tpu.memref_slice %arg2[%dma_wait3A_935, %dma_wait3A_936] : memref<10000x128xf32, #tpu.memory_space<hbm>> -> memref<10000x128xf32, #tpu.memory_space<hbm>>
      tpu.wait_indirect_dma semaphore(%arg16 : memref<!tpu.dma_semaphore, #tpu.memory_space<semaphore_mem>>) src(%dma_wait3A_937 : memref<10000x128xf32, #tpu.memory_space<hbm>>) dst(%arg9 : memref<128x128xf32, #tpu.memory_space<vmem>>)
      %dma_start3A_938 = arith.constant 3 : i32
      %dma_start3A_939 = arith.constant 0 : i32
      %dma_start3A_940 = tpu.memref_slice %arg7[%dma_start3A_938, %dma_start3A_939] : memref<4x128xi32, #tpu.memory_space<vmem>> -> memref<1x128xi32, #tpu.memory_space<vmem>>
      %dma_start3A_941 = tpu.memref_squeeze %dma_start3A_940 : memref<1x128xi32, #tpu.memory_space<vmem>> -> memref<128xi32, #tpu.memory_space<vmem>>
      %dma_start3A_942 = arith.constant 0 : i32
      %dma_start3A_943 = arith.constant 0 : i32
      %dma_start3A_944 = tpu.memref_slice %arg10[%dma_start3A_942, %dma_start3A_943] : memref<10000x128xf32, #tpu.memory_space<vmem_shared>> -> memref<10000x128xf32, #tpu.memory_space<vmem_shared>>
      tpu.enqueue_indirect_dma source(%arg9 : memref<128x128xf32, #tpu.memory_space<vmem>>) target(%dma_start3A_944 : memref<10000x128xf32, #tpu.memory_space<vmem_shared>>) offsets(%dma_start3A_941 : memref<128xi32, #tpu.memory_space<vmem>>) semaphore(%arg18 : memref<!tpu.dma_semaphore, #tpu.memory_space<semaphore_mem>>) {add = true}
      %scan3A_945 = arith.constant 0 : i32
      scf.yield %scan3A_945 : i32
    }
    %scan3A_448 = arith.constant 18 : i32
    %dma_wait3A_449 = arith.constant 3 : i32
    %dma_wait3A_450 = arith.constant 0 : i32
    %dma_wait3A_451 = tpu.memref_slice %arg7[%dma_wait3A_449, %dma_wait3A_450] : memref<4x128xi32, #tpu.memory_space<vmem>> -> memref<1x128xi32, #tpu.memory_space<vmem>>
    %dma_wait3A_452 = tpu.memref_squeeze %dma_wait3A_451 : memref<1x128xi32, #tpu.memory_space<vmem>> -> memref<128xi32, #tpu.memory_space<vmem>>
    %dma_wait3A_453 = arith.constant 0 : i32
    %dma_wait3A_454 = arith.constant 0 : i32
    %dma_wait3A_455 = tpu.memref_slice %arg10[%dma_wait3A_453, %dma_wait3A_454] : memref<10000x128xf32, #tpu.memory_space<vmem_shared>> -> memref<10000x128xf32, #tpu.memory_space<vmem_shared>>
    tpu.wait_indirect_dma semaphore(%arg18 : memref<!tpu.dma_semaphore, #tpu.memory_space<semaphore_mem>>) src(%arg9 : memref<128x128xf32, #tpu.memory_space<vmem>>) dst(%dma_wait3A_455 : memref<10000x128xf32, #tpu.memory_space<vmem_shared>>)
    %add3A_456 = arith.constant 2464 : i32
    %add3A_457 = arith.addi %add3A, %add3A_456 : i32
    %dma_wait3A_458 = arith.constant 1 : i32
    %dma_wait3A_459 = arith.constant 0 : i32
    %dma_wait3A_460 = tpu.memref_slice %arg6[%dma_wait3A_458, %dma_wait3A_459] : memref<4x128xi32, #tpu.memory_space<vmem>> -> memref<1x128xi32, #tpu.memory_space<vmem>>
    %dma_wait3A_461 = tpu.memref_squeeze %dma_wait3A_460 : memref<1x128xi32, #tpu.memory_space<vmem>> -> memref<128xi32, #tpu.memory_space<vmem>>
    %dma_wait3A_462 = arith.constant 0 : i32
    %dma_wait3A_463 = tpu.memref_slice %arg3[%add3A_457, %dma_wait3A_462] : memref<2500x128xi32, #tpu.memory_space<hbm>> -> memref<1x128xi32, #tpu.memory_space<hbm>>
    %dma_wait3A_464 = tpu.memref_squeeze %dma_wait3A_463 : memref<1x128xi32, #tpu.memory_space<hbm>> -> memref<128xi32, #tpu.memory_space<hbm>>
    %dma_wait3A_465 = arith.constant 0 : i32
    %dma_wait3A_466 = tpu.memref_slice %arg6[%dma_wait3A_458, %dma_wait3A_465] : memref<4x128xi32, #tpu.memory_space<vmem>> -> memref<1x128xi32, #tpu.memory_space<vmem>>
    %dma_wait3A_467 = tpu.memref_squeeze %dma_wait3A_466 : memref<1x128xi32, #tpu.memory_space<vmem>> -> memref<128xi32, #tpu.memory_space<vmem>>
    %dma_wait3A_468 = arith.constant 0 : i32
    %dma_wait3A_469 = tpu.memref_slice %arg3[%add3A_457, %dma_wait3A_468] : memref<2500x128xi32, #tpu.memory_space<hbm>> -> memref<1x128xi32, #tpu.memory_space<hbm>>
    %dma_wait3A_470 = tpu.memref_squeeze %dma_wait3A_469 : memref<1x128xi32, #tpu.memory_space<hbm>> -> memref<128xi32, #tpu.memory_space<hbm>>
    tpu.wait_dma2 semaphore(%arg12 : memref<!tpu.dma_semaphore, #tpu.memory_space<semaphore_mem>>) src(%dma_wait3A_470 : memref<128xi32, #tpu.memory_space<hbm>>) dst(%dma_wait3A_467 : memref<128xi32, #tpu.memory_space<vmem>>)
    %dma_wait3A_471 = arith.constant 1 : i32
    %dma_wait3A_472 = arith.constant 0 : i32
    %dma_wait3A_473 = tpu.memref_slice %arg7[%dma_wait3A_471, %dma_wait3A_472] : memref<4x128xi32, #tpu.memory_space<vmem>> -> memref<1x128xi32, #tpu.memory_space<vmem>>
    %dma_wait3A_474 = tpu.memref_squeeze %dma_wait3A_473 : memref<1x128xi32, #tpu.memory_space<vmem>> -> memref<128xi32, #tpu.memory_space<vmem>>
    %dma_wait3A_475 = arith.constant 0 : i32
    %dma_wait3A_476 = tpu.memref_slice %arg4[%add3A_457, %dma_wait3A_475] : memref<2500x128xi32, #tpu.memory_space<hbm>> -> memref<1x128xi32, #tpu.memory_space<hbm>>
    %dma_wait3A_477 = tpu.memref_squeeze %dma_wait3A_476 : memref<1x128xi32, #tpu.memory_space<hbm>> -> memref<128xi32, #tpu.memory_space<hbm>>
    %dma_wait3A_478 = arith.constant 0 : i32
    %dma_wait3A_479 = tpu.memref_slice %arg7[%dma_wait3A_471, %dma_wait3A_478] : memref<4x128xi32, #tpu.memory_space<vmem>> -> memref<1x128xi32, #tpu.memory_space<vmem>>
    %dma_wait3A_480 = tpu.memref_squeeze %dma_wait3A_479 : memref<1x128xi32, #tpu.memory_space<vmem>> -> memref<128xi32, #tpu.memory_space<vmem>>
    %dma_wait3A_481 = arith.constant 0 : i32
    %dma_wait3A_482 = tpu.memref_slice %arg4[%add3A_457, %dma_wait3A_481] : memref<2500x128xi32, #tpu.memory_space<hbm>> -> memref<1x128xi32, #tpu.memory_space<hbm>>
    %dma_wait3A_483 = tpu.memref_squeeze %dma_wait3A_482 : memref<1x128xi32, #tpu.memory_space<hbm>> -> memref<128xi32, #tpu.memory_space<hbm>>
    tpu.wait_dma2 semaphore(%arg12 : memref<!tpu.dma_semaphore, #tpu.memory_space<semaphore_mem>>) src(%dma_wait3A_483 : memref<128xi32, #tpu.memory_space<hbm>>) dst(%dma_wait3A_480 : memref<128xi32, #tpu.memory_space<vmem>>)
    %dma_start3A_484 = arith.constant 1 : i32
    %dma_start3A_485 = arith.constant 0 : i32
    %dma_start3A_486 = tpu.memref_slice %arg6[%dma_start3A_484, %dma_start3A_485] : memref<4x128xi32, #tpu.memory_space<vmem>> -> memref<1x128xi32, #tpu.memory_space<vmem>>
    %dma_start3A_487 = tpu.memref_squeeze %dma_start3A_486 : memref<1x128xi32, #tpu.memory_space<vmem>> -> memref<128xi32, #tpu.memory_space<vmem>>
    %dma_start3A_488 = arith.constant 0 : i32
    %dma_start3A_489 = arith.constant 0 : i32
    %dma_start3A_490 = tpu.memref_slice %arg2[%dma_start3A_488, %dma_start3A_489] : memref<10000x128xf32, #tpu.memory_space<hbm>> -> memref<10000x128xf32, #tpu.memory_space<hbm>>
    tpu.enqueue_indirect_dma source(%dma_start3A_490 : memref<10000x128xf32, #tpu.memory_space<hbm>>) target(%arg9 : memref<128x128xf32, #tpu.memory_space<vmem>>) offsets(%dma_start3A_487 : memref<128xi32, #tpu.memory_space<vmem>>) semaphore(%arg16 : memref<!tpu.dma_semaphore, #tpu.memory_space<semaphore_mem>>)
    %dma_wait3A_491 = arith.constant 0 : i32
    %dma_wait3A_492 = arith.constant 0 : i32
    %dma_wait3A_493 = tpu.memref_slice %arg6[%dma_wait3A_491, %dma_wait3A_492] : memref<4x128xi32, #tpu.memory_space<vmem>> -> memref<1x128xi32, #tpu.memory_space<vmem>>
    %dma_wait3A_494 = tpu.memref_squeeze %dma_wait3A_493 : memref<1x128xi32, #tpu.memory_space<vmem>> -> memref<128xi32, #tpu.memory_space<vmem>>
    %dma_wait3A_495 = arith.constant 0 : i32
    %dma_wait3A_496 = arith.constant 0 : i32
    %dma_wait3A_497 = tpu.memref_slice %arg2[%dma_wait3A_495, %dma_wait3A_496] : memref<10000x128xf32, #tpu.memory_space<hbm>> -> memref<10000x128xf32, #tpu.memory_space<hbm>>
    tpu.wait_indirect_dma semaphore(%arg15 : memref<!tpu.dma_semaphore, #tpu.memory_space<semaphore_mem>>) src(%dma_wait3A_497 : memref<10000x128xf32, #tpu.memory_space<hbm>>) dst(%arg8 : memref<128x128xf32, #tpu.memory_space<vmem>>)
    %dma_start3A_498 = arith.constant 0 : i32
    %dma_start3A_499 = arith.constant 0 : i32
    %dma_start3A_500 = tpu.memref_slice %arg7[%dma_start3A_498, %dma_start3A_499] : memref<4x128xi32, #tpu.memory_space<vmem>> -> memref<1x128xi32, #tpu.memory_space<vmem>>
    %dma_start3A_501 = tpu.memref_squeeze %dma_start3A_500 : memref<1x128xi32, #tpu.memory_space<vmem>> -> memref<128xi32, #tpu.memory_space<vmem>>
    %dma_start3A_502 = arith.constant 0 : i32
    %dma_start3A_503 = arith.constant 0 : i32
    %dma_start3A_504 = tpu.memref_slice %arg10[%dma_start3A_502, %dma_start3A_503] : memref<10000x128xf32, #tpu.memory_space<vmem_shared>> -> memref<10000x128xf32, #tpu.memory_space<vmem_shared>>
    tpu.enqueue_indirect_dma source(%arg8 : memref<128x128xf32, #tpu.memory_space<vmem>>) target(%dma_start3A_504 : memref<10000x128xf32, #tpu.memory_space<vmem_shared>>) offsets(%dma_start3A_501 : memref<128xi32, #tpu.memory_space<vmem>>) semaphore(%arg17 : memref<!tpu.dma_semaphore, #tpu.memory_space<semaphore_mem>>) {add = true}
    %dma_wait3A_505 = arith.constant 0 : i32
    %dma_wait3A_506 = arith.constant 0 : i32
    %dma_wait3A_507 = tpu.memref_slice %arg7[%dma_wait3A_505, %dma_wait3A_506] : memref<4x128xi32, #tpu.memory_space<vmem>> -> memref<1x128xi32, #tpu.memory_space<vmem>>
    %dma_wait3A_508 = tpu.memref_squeeze %dma_wait3A_507 : memref<1x128xi32, #tpu.memory_space<vmem>> -> memref<128xi32, #tpu.memory_space<vmem>>
    %dma_wait3A_509 = arith.constant 0 : i32
    %dma_wait3A_510 = arith.constant 0 : i32
    %dma_wait3A_511 = tpu.memref_slice %arg10[%dma_wait3A_509, %dma_wait3A_510] : memref<10000x128xf32, #tpu.memory_space<vmem_shared>> -> memref<10000x128xf32, #tpu.memory_space<vmem_shared>>
    tpu.wait_indirect_dma semaphore(%arg17 : memref<!tpu.dma_semaphore, #tpu.memory_space<semaphore_mem>>) src(%arg8 : memref<128x128xf32, #tpu.memory_space<vmem>>) dst(%dma_wait3A_511 : memref<10000x128xf32, #tpu.memory_space<vmem_shared>>)
    %dma_wait3A_512 = arith.constant 1 : i32
    %dma_wait3A_513 = arith.constant 0 : i32
    %dma_wait3A_514 = tpu.memref_slice %arg6[%dma_wait3A_512, %dma_wait3A_513] : memref<4x128xi32, #tpu.memory_space<vmem>> -> memref<1x128xi32, #tpu.memory_space<vmem>>
    %dma_wait3A_515 = tpu.memref_squeeze %dma_wait3A_514 : memref<1x128xi32, #tpu.memory_space<vmem>> -> memref<128xi32, #tpu.memory_space<vmem>>
    %dma_wait3A_516 = arith.constant 0 : i32
    %dma_wait3A_517 = arith.constant 0 : i32
    %dma_wait3A_518 = tpu.memref_slice %arg2[%dma_wait3A_516, %dma_wait3A_517] : memref<10000x128xf32, #tpu.memory_space<hbm>> -> memref<10000x128xf32, #tpu.memory_space<hbm>>
    tpu.wait_indirect_dma semaphore(%arg16 : memref<!tpu.dma_semaphore, #tpu.memory_space<semaphore_mem>>) src(%dma_wait3A_518 : memref<10000x128xf32, #tpu.memory_space<hbm>>) dst(%arg9 : memref<128x128xf32, #tpu.memory_space<vmem>>)
    %dma_start3A_519 = arith.constant 1 : i32
    %dma_start3A_520 = arith.constant 0 : i32
    %dma_start3A_521 = tpu.memref_slice %arg7[%dma_start3A_519, %dma_start3A_520] : memref<4x128xi32, #tpu.memory_space<vmem>> -> memref<1x128xi32, #tpu.memory_space<vmem>>
    %dma_start3A_522 = tpu.memref_squeeze %dma_start3A_521 : memref<1x128xi32, #tpu.memory_space<vmem>> -> memref<128xi32, #tpu.memory_space<vmem>>
    %dma_start3A_523 = arith.constant 0 : i32
    %dma_start3A_524 = arith.constant 0 : i32
    %dma_start3A_525 = tpu.memref_slice %arg10[%dma_start3A_523, %dma_start3A_524] : memref<10000x128xf32, #tpu.memory_space<vmem_shared>> -> memref<10000x128xf32, #tpu.memory_space<vmem_shared>>
    tpu.enqueue_indirect_dma source(%arg9 : memref<128x128xf32, #tpu.memory_space<vmem>>) target(%dma_start3A_525 : memref<10000x128xf32, #tpu.memory_space<vmem_shared>>) offsets(%dma_start3A_522 : memref<128xi32, #tpu.memory_space<vmem>>) semaphore(%arg18 : memref<!tpu.dma_semaphore, #tpu.memory_space<semaphore_mem>>) {add = true}
    %dma_wait3A_526 = arith.constant 1 : i32
    %dma_wait3A_527 = arith.constant 0 : i32
    %dma_wait3A_528 = tpu.memref_slice %arg7[%dma_wait3A_526, %dma_wait3A_527] : memref<4x128xi32, #tpu.memory_space<vmem>> -> memref<1x128xi32, #tpu.memory_space<vmem>>
    %dma_wait3A_529 = tpu.memref_squeeze %dma_wait3A_528 : memref<1x128xi32, #tpu.memory_space<vmem>> -> memref<128xi32, #tpu.memory_space<vmem>>
    %dma_wait3A_530 = arith.constant 0 : i32
    %dma_wait3A_531 = arith.constant 0 : i32
    %dma_wait3A_532 = tpu.memref_slice %arg10[%dma_wait3A_530, %dma_wait3A_531] : memref<10000x128xf32, #tpu.memory_space<vmem_shared>> -> memref<10000x128xf32, #tpu.memory_space<vmem_shared>>
    tpu.wait_indirect_dma semaphore(%arg18 : memref<!tpu.dma_semaphore, #tpu.memory_space<semaphore_mem>>) src(%arg9 : memref<128x128xf32, #tpu.memory_space<vmem>>) dst(%dma_wait3A_532 : memref<10000x128xf32, #tpu.memory_space<vmem_shared>>)
    %lt3A = arith.constant 4 : i32
    %lt3A_533 = arith.cmpi slt, %add3A, %lt3A : i32
    %convert_element_type3A_534 = arith.extui %lt3A_533 : i1 to i32
    %cond3A_535 = arith.constant 0 : i32
    %cond3A_536 = arith.cmpi ne, %convert_element_type3A_534, %cond3A_535 : i32
    scf.if %cond3A_536 {
      %add3A_559 = arith.constant 2496 : i32
      %add3A_560 = arith.addi %add3A_559, %add3A : i32
      %run_scoped3A = arith.constant 0 : i32
      "tpu.region"() ({
        %run_scoped3A_577 = tpu.sem_alloc : memref<!tpu.dma_semaphore, #tpu.memory_space<semaphore_mem>>
        %dma_start3A_578 = arith.constant 0 : i32
        %dma_start3A_579 = tpu.memref_slice %arg6[%run_scoped3A, %dma_start3A_578] : memref<4x128xi32, #tpu.memory_space<vmem>> -> memref<1x128xi32, #tpu.memory_space<vmem>>
        %dma_start3A_580 = tpu.memref_squeeze %dma_start3A_579 : memref<1x128xi32, #tpu.memory_space<vmem>> -> memref<128xi32, #tpu.memory_space<vmem>>
        %dma_start3A_581 = arith.constant 0 : i32
        %dma_start3A_582 = tpu.memref_slice %arg3[%add3A_560, %dma_start3A_581] : memref<2500x128xi32, #tpu.memory_space<hbm>> -> memref<1x128xi32, #tpu.memory_space<hbm>>
        %dma_start3A_583 = tpu.memref_squeeze %dma_start3A_582 : memref<1x128xi32, #tpu.memory_space<hbm>> -> memref<128xi32, #tpu.memory_space<hbm>>
        %dma_start3A_584 = arith.constant 0 : i32
        %dma_start3A_585 = tpu.memref_slice %arg6[%run_scoped3A, %dma_start3A_584] : memref<4x128xi32, #tpu.memory_space<vmem>> -> memref<1x128xi32, #tpu.memory_space<vmem>>
        %dma_start3A_586 = tpu.memref_squeeze %dma_start3A_585 : memref<1x128xi32, #tpu.memory_space<vmem>> -> memref<128xi32, #tpu.memory_space<vmem>>
        %dma_start3A_587 = arith.constant 0 : i32
        %dma_start3A_588 = tpu.memref_slice %arg3[%add3A_560, %dma_start3A_587] : memref<2500x128xi32, #tpu.memory_space<hbm>> -> memref<1x128xi32, #tpu.memory_space<hbm>>
        %dma_start3A_589 = tpu.memref_squeeze %dma_start3A_588 : memref<1x128xi32, #tpu.memory_space<hbm>> -> memref<128xi32, #tpu.memory_space<hbm>>
        tpu.enqueue_dma source(%dma_start3A_589 : memref<128xi32, #tpu.memory_space<hbm>>) target(%dma_start3A_586 : memref<128xi32, #tpu.memory_space<vmem>>) target_semaphore(%run_scoped3A_577 : memref<!tpu.dma_semaphore, #tpu.memory_space<semaphore_mem>>)
        %dma_wait3A_590 = arith.constant 0 : i32
        %dma_wait3A_591 = tpu.memref_slice %arg6[%run_scoped3A, %dma_wait3A_590] : memref<4x128xi32, #tpu.memory_space<vmem>> -> memref<1x128xi32, #tpu.memory_space<vmem>>
        %dma_wait3A_592 = tpu.memref_squeeze %dma_wait3A_591 : memref<1x128xi32, #tpu.memory_space<vmem>> -> memref<128xi32, #tpu.memory_space<vmem>>
        %dma_wait3A_593 = arith.constant 0 : i32
        %dma_wait3A_594 = tpu.memref_slice %arg3[%add3A_560, %dma_wait3A_593] : memref<2500x128xi32, #tpu.memory_space<hbm>> -> memref<1x128xi32, #tpu.memory_space<hbm>>
        %dma_wait3A_595 = tpu.memref_squeeze %dma_wait3A_594 : memref<1x128xi32, #tpu.memory_space<hbm>> -> memref<128xi32, #tpu.memory_space<hbm>>
        %dma_wait3A_596 = arith.constant 0 : i32
        %dma_wait3A_597 = tpu.memref_slice %arg6[%run_scoped3A, %dma_wait3A_596] : memref<4x128xi32, #tpu.memory_space<vmem>> -> memref<1x128xi32, #tpu.memory_space<vmem>>
        %dma_wait3A_598 = tpu.memref_squeeze %dma_wait3A_597 : memref<1x128xi32, #tpu.memory_space<vmem>> -> memref<128xi32, #tpu.memory_space<vmem>>
        %dma_wait3A_599 = arith.constant 0 : i32
        %dma_wait3A_600 = tpu.memref_slice %arg3[%add3A_560, %dma_wait3A_599] : memref<2500x128xi32, #tpu.memory_space<hbm>> -> memref<1x128xi32, #tpu.memory_space<hbm>>
        %dma_wait3A_601 = tpu.memref_squeeze %dma_wait3A_600 : memref<1x128xi32, #tpu.memory_space<hbm>> -> memref<128xi32, #tpu.memory_space<hbm>>
        tpu.wait_dma2 semaphore(%run_scoped3A_577 : memref<!tpu.dma_semaphore, #tpu.memory_space<semaphore_mem>>) src(%dma_wait3A_601 : memref<128xi32, #tpu.memory_space<hbm>>) dst(%dma_wait3A_598 : memref<128xi32, #tpu.memory_space<vmem>>)
        tpu.yield
      }) : () -> ()
      %run_scoped3A_561 = arith.constant 0 : i32
      "tpu.region"() ({
        %run_scoped3A_577 = tpu.sem_alloc : memref<!tpu.dma_semaphore, #tpu.memory_space<semaphore_mem>>
        %dma_start3A_578 = arith.constant 0 : i32
        %dma_start3A_579 = tpu.memref_slice %arg7[%run_scoped3A_561, %dma_start3A_578] : memref<4x128xi32, #tpu.memory_space<vmem>> -> memref<1x128xi32, #tpu.memory_space<vmem>>
        %dma_start3A_580 = tpu.memref_squeeze %dma_start3A_579 : memref<1x128xi32, #tpu.memory_space<vmem>> -> memref<128xi32, #tpu.memory_space<vmem>>
        %dma_start3A_581 = arith.constant 0 : i32
        %dma_start3A_582 = tpu.memref_slice %arg4[%add3A_560, %dma_start3A_581] : memref<2500x128xi32, #tpu.memory_space<hbm>> -> memref<1x128xi32, #tpu.memory_space<hbm>>
        %dma_start3A_583 = tpu.memref_squeeze %dma_start3A_582 : memref<1x128xi32, #tpu.memory_space<hbm>> -> memref<128xi32, #tpu.memory_space<hbm>>
        %dma_start3A_584 = arith.constant 0 : i32
        %dma_start3A_585 = tpu.memref_slice %arg7[%run_scoped3A_561, %dma_start3A_584] : memref<4x128xi32, #tpu.memory_space<vmem>> -> memref<1x128xi32, #tpu.memory_space<vmem>>
        %dma_start3A_586 = tpu.memref_squeeze %dma_start3A_585 : memref<1x128xi32, #tpu.memory_space<vmem>> -> memref<128xi32, #tpu.memory_space<vmem>>
        %dma_start3A_587 = arith.constant 0 : i32
        %dma_start3A_588 = tpu.memref_slice %arg4[%add3A_560, %dma_start3A_587] : memref<2500x128xi32, #tpu.memory_space<hbm>> -> memref<1x128xi32, #tpu.memory_space<hbm>>
        %dma_start3A_589 = tpu.memref_squeeze %dma_start3A_588 : memref<1x128xi32, #tpu.memory_space<hbm>> -> memref<128xi32, #tpu.memory_space<hbm>>
        tpu.enqueue_dma source(%dma_start3A_589 : memref<128xi32, #tpu.memory_space<hbm>>) target(%dma_start3A_586 : memref<128xi32, #tpu.memory_space<vmem>>) target_semaphore(%run_scoped3A_577 : memref<!tpu.dma_semaphore, #tpu.memory_space<semaphore_mem>>)
        %dma_wait3A_590 = arith.constant 0 : i32
        %dma_wait3A_591 = tpu.memref_slice %arg7[%run_scoped3A_561, %dma_wait3A_590] : memref<4x128xi32, #tpu.memory_space<vmem>> -> memref<1x128xi32, #tpu.memory_space<vmem>>
        %dma_wait3A_592 = tpu.memref_squeeze %dma_wait3A_591 : memref<1x128xi32, #tpu.memory_space<vmem>> -> memref<128xi32, #tpu.memory_space<vmem>>
        %dma_wait3A_593 = arith.constant 0 : i32
        %dma_wait3A_594 = tpu.memref_slice %arg4[%add3A_560, %dma_wait3A_593] : memref<2500x128xi32, #tpu.memory_space<hbm>> -> memref<1x128xi32, #tpu.memory_space<hbm>>
        %dma_wait3A_595 = tpu.memref_squeeze %dma_wait3A_594 : memref<1x128xi32, #tpu.memory_space<hbm>> -> memref<128xi32, #tpu.memory_space<hbm>>
        %dma_wait3A_596 = arith.constant 0 : i32
        %dma_wait3A_597 = tpu.memref_slice %arg7[%run_scoped3A_561, %dma_wait3A_596] : memref<4x128xi32, #tpu.memory_space<vmem>> -> memref<1x128xi32, #tpu.memory_space<vmem>>
        %dma_wait3A_598 = tpu.memref_squeeze %dma_wait3A_597 : memref<1x128xi32, #tpu.memory_space<vmem>> -> memref<128xi32, #tpu.memory_space<vmem>>
        %dma_wait3A_599 = arith.constant 0 : i32
        %dma_wait3A_600 = tpu.memref_slice %arg4[%add3A_560, %dma_wait3A_599] : memref<2500x128xi32, #tpu.memory_space<hbm>> -> memref<1x128xi32, #tpu.memory_space<hbm>>
        %dma_wait3A_601 = tpu.memref_squeeze %dma_wait3A_600 : memref<1x128xi32, #tpu.memory_space<hbm>> -> memref<128xi32, #tpu.memory_space<hbm>>
        tpu.wait_dma2 semaphore(%run_scoped3A_577 : memref<!tpu.dma_semaphore, #tpu.memory_space<semaphore_mem>>) src(%dma_wait3A_601 : memref<128xi32, #tpu.memory_space<hbm>>) dst(%dma_wait3A_598 : memref<128xi32, #tpu.memory_space<vmem>>)
        tpu.yield
      }) : () -> ()
      %dma_start3A_562 = arith.constant 0 : i32
      %dma_start3A_563 = arith.constant 0 : i32
      %dma_start3A_564 = tpu.memref_slice %arg6[%dma_start3A_562, %dma_start3A_563] : memref<4x128xi32, #tpu.memory_space<vmem>> -> memref<1x128xi32, #tpu.memory_space<vmem>>
      %dma_start3A_565 = tpu.memref_squeeze %dma_start3A_564 : memref<1x128xi32, #tpu.memory_space<vmem>> -> memref<128xi32, #tpu.memory_space<vmem>>
      %dma_start3A_566 = arith.constant 0 : i32
      %dma_start3A_567 = arith.constant 0 : i32
      %dma_start3A_568 = tpu.memref_slice %arg2[%dma_start3A_566, %dma_start3A_567] : memref<10000x128xf32, #tpu.memory_space<hbm>> -> memref<10000x128xf32, #tpu.memory_space<hbm>>
      tpu.enqueue_indirect_dma source(%dma_start3A_568 : memref<10000x128xf32, #tpu.memory_space<hbm>>) target(%arg8 : memref<128x128xf32, #tpu.memory_space<vmem>>) offsets(%dma_start3A_565 : memref<128xi32, #tpu.memory_space<vmem>>) semaphore(%arg15 : memref<!tpu.dma_semaphore, #tpu.memory_space<semaphore_mem>>)
      %dma_wait3A_569 = arith.constant 0 : i32
      %dma_wait3A_570 = arith.constant 0 : i32
      %dma_wait3A_571 = tpu.memref_slice %arg6[%dma_wait3A_569, %dma_wait3A_570] : memref<4x128xi32, #tpu.memory_space<vmem>> -> memref<1x128xi32, #tpu.memory_space<vmem>>
      %dma_wait3A_572 = tpu.memref_squeeze %dma_wait3A_571 : memref<1x128xi32, #tpu.memory_space<vmem>> -> memref<128xi32, #tpu.memory_space<vmem>>
      %dma_wait3A_573 = arith.constant 0 : i32
      %dma_wait3A_574 = arith.constant 0 : i32
      %dma_wait3A_575 = tpu.memref_slice %arg2[%dma_wait3A_573, %dma_wait3A_574] : memref<10000x128xf32, #tpu.memory_space<hbm>> -> memref<10000x128xf32, #tpu.memory_space<hbm>>
      tpu.wait_indirect_dma semaphore(%arg15 : memref<!tpu.dma_semaphore, #tpu.memory_space<semaphore_mem>>) src(%dma_wait3A_575 : memref<10000x128xf32, #tpu.memory_space<hbm>>) dst(%arg8 : memref<128x128xf32, #tpu.memory_space<vmem>>)
      %run_scoped3A_576 = arith.constant 0 : i32
      "tpu.region"() ({
        %run_scoped3A_577 = tpu.sem_alloc : memref<!tpu.dma_semaphore, #tpu.memory_space<semaphore_mem>>
        %dma_start3A_578 = arith.constant 0 : i32
        %dma_start3A_579 = tpu.memref_slice %arg7[%run_scoped3A_576, %dma_start3A_578] : memref<4x128xi32, #tpu.memory_space<vmem>> -> memref<1x128xi32, #tpu.memory_space<vmem>>
        %dma_start3A_580 = tpu.memref_squeeze %dma_start3A_579 : memref<1x128xi32, #tpu.memory_space<vmem>> -> memref<128xi32, #tpu.memory_space<vmem>>
        %dma_start3A_581 = arith.constant 0 : i32
        %dma_start3A_582 = arith.constant 0 : i32
        %dma_start3A_583 = tpu.memref_slice %arg10[%dma_start3A_581, %dma_start3A_582] : memref<10000x128xf32, #tpu.memory_space<vmem_shared>> -> memref<10000x128xf32, #tpu.memory_space<vmem_shared>>
        tpu.enqueue_indirect_dma source(%arg8 : memref<128x128xf32, #tpu.memory_space<vmem>>) target(%dma_start3A_583 : memref<10000x128xf32, #tpu.memory_space<vmem_shared>>) offsets(%dma_start3A_580 : memref<128xi32, #tpu.memory_space<vmem>>) semaphore(%run_scoped3A_577 : memref<!tpu.dma_semaphore, #tpu.memory_space<semaphore_mem>>) {add = true}
        %dma_wait3A_584 = arith.constant 0 : i32
        %dma_wait3A_585 = tpu.memref_slice %arg7[%run_scoped3A_576, %dma_wait3A_584] : memref<4x128xi32, #tpu.memory_space<vmem>> -> memref<1x128xi32, #tpu.memory_space<vmem>>
        %dma_wait3A_586 = tpu.memref_squeeze %dma_wait3A_585 : memref<1x128xi32, #tpu.memory_space<vmem>> -> memref<128xi32, #tpu.memory_space<vmem>>
        %dma_wait3A_587 = arith.constant 0 : i32
        %dma_wait3A_588 = arith.constant 0 : i32
        %dma_wait3A_589 = tpu.memref_slice %arg10[%dma_wait3A_587, %dma_wait3A_588] : memref<10000x128xf32, #tpu.memory_space<vmem_shared>> -> memref<10000x128xf32, #tpu.memory_space<vmem_shared>>
        tpu.wait_indirect_dma semaphore(%run_scoped3A_577 : memref<!tpu.dma_semaphore, #tpu.memory_space<semaphore_mem>>) src(%arg8 : memref<128x128xf32, #tpu.memory_space<vmem>>) dst(%dma_wait3A_589 : memref<10000x128xf32, #tpu.memory_space<vmem_shared>>)
        tpu.yield
      }) : () -> ()
    } else {
    }
    %barrier3A_537 = arith.constant 0 : index
    tpu.barrier barrier_id(%barrier3A_537)
    %mul3A_538 = arith.constant 624 : i32
    %mul3A_539 = arith.muli %arg1, %mul3A_538 : i32
    %mul3A_540 = arith.constant 10000 : i32
    %mul3A_541 = arith.muli %arg0, %mul3A_540 : i32
    %add3A_542 = arith.addi %mul3A_541, %mul3A_539 : i32
    %dma_start3A_543 = arith.constant 0 : i32
    %dma_start3A_544 = tpu.memref_slice %arg5[%add3A_542, %dma_start3A_543] : memref<20000x128xf32, #tpu.memory_space<hbm>> -> memref<624x128xf32, #tpu.memory_space<hbm>>
    %dma_start3A_545 = arith.constant 0 : i32
    %dma_start3A_546 = tpu.memref_slice %arg10[%mul3A_539, %dma_start3A_545] : memref<10000x128xf32, #tpu.memory_space<vmem_shared>> -> memref<624x128xf32, #tpu.memory_space<vmem_shared>>
    tpu.enqueue_dma source(%dma_start3A_546 : memref<624x128xf32, #tpu.memory_space<vmem_shared>>) target(%dma_start3A_544 : memref<624x128xf32, #tpu.memory_space<hbm>>) target_semaphore(%arg12 : memref<!tpu.dma_semaphore, #tpu.memory_space<semaphore_mem>>)
    %eq3A_547 = arith.constant 15 : i32
    %eq3A_548 = arith.cmpi eq, %arg1, %eq3A_547 : i32
    %convert_element_type3A_549 = arith.extui %eq3A_548 : i1 to i32
    %cond3A_550 = arith.constant 0 : i32
    %cond3A_551 = arith.cmpi ne, %convert_element_type3A_549, %cond3A_550 : i32
    scf.if %cond3A_551 {
      %mul3A_559 = arith.constant 10000 : i32
      %mul3A_560 = arith.muli %arg0, %mul3A_559 : i32
      %add3A_561 = arith.constant 9984 : i32
      %add3A_562 = arith.addi %mul3A_560, %add3A_561 : i32
      "tpu.region"() ({
        %run_scoped3A = tpu.sem_alloc : memref<!tpu.dma_semaphore, #tpu.memory_space<semaphore_mem>>
        %dma_start3A_563 = arith.constant 0 : i32
        %dma_start3A_564 = tpu.memref_slice %arg5[%add3A_562, %dma_start3A_563] : memref<20000x128xf32, #tpu.memory_space<hbm>> -> memref<16x128xf32, #tpu.memory_space<hbm>>
        %dma_start3A_565 = arith.constant 9984 : i32
        %dma_start3A_566 = arith.constant 0 : i32
        %dma_start3A_567 = tpu.memref_slice %arg10[%dma_start3A_565, %dma_start3A_566] : memref<10000x128xf32, #tpu.memory_space<vmem_shared>> -> memref<16x128xf32, #tpu.memory_space<vmem_shared>>
        tpu.enqueue_dma source(%dma_start3A_567 : memref<16x128xf32, #tpu.memory_space<vmem_shared>>) target(%dma_start3A_564 : memref<16x128xf32, #tpu.memory_space<hbm>>) target_semaphore(%run_scoped3A : memref<!tpu.dma_semaphore, #tpu.memory_space<semaphore_mem>>)
        %dma_wait3A_568 = arith.constant 0 : i32
        %dma_wait3A_569 = tpu.memref_slice %arg5[%add3A_562, %dma_wait3A_568] : memref<20000x128xf32, #tpu.memory_space<hbm>> -> memref<16x128xf32, #tpu.memory_space<hbm>>
        %dma_wait3A_570 = arith.constant 9984 : i32
        %dma_wait3A_571 = arith.constant 0 : i32
        %dma_wait3A_572 = tpu.memref_slice %arg10[%dma_wait3A_570, %dma_wait3A_571] : memref<10000x128xf32, #tpu.memory_space<vmem_shared>> -> memref<16x128xf32, #tpu.memory_space<vmem_shared>>
        tpu.wait_dma2 semaphore(%run_scoped3A : memref<!tpu.dma_semaphore, #tpu.memory_space<semaphore_mem>>) src(%dma_wait3A_572 : memref<16x128xf32, #tpu.memory_space<vmem_shared>>) dst(%dma_wait3A_569 : memref<16x128xf32, #tpu.memory_space<hbm>>)
        tpu.yield
      }) : () -> ()
    } else {
    }
    %mul3A_552 = arith.constant 10000 : i32
    %mul3A_553 = arith.muli %arg0, %mul3A_552 : i32
    %add3A_554 = arith.addi %mul3A_553, %mul3A_539 : i32
    %dma_wait3A_555 = arith.constant 0 : i32
    %dma_wait3A_556 = tpu.memref_slice %arg5[%add3A_554, %dma_wait3A_555] : memref<20000x128xf32, #tpu.memory_space<hbm>> -> memref<624x128xf32, #tpu.memory_space<hbm>>
    %dma_wait3A_557 = arith.constant 0 : i32
    %dma_wait3A_558 = tpu.memref_slice %arg10[%mul3A_539, %dma_wait3A_557] : memref<10000x128xf32, #tpu.memory_space<vmem_shared>> -> memref<624x128xf32, #tpu.memory_space<vmem_shared>>
    tpu.wait_dma2 semaphore(%arg12 : memref<!tpu.dma_semaphore, #tpu.memory_space<semaphore_mem>>) src(%dma_wait3A_558 : memref<624x128xf32, #tpu.memory_space<vmem_shared>>) dst(%dma_wait3A_556 : memref<624x128xf32, #tpu.memory_space<hbm>>)
    return
  }
}

module attributes {stable_mosaic.version = 14 : i64} {
  func.func @_tc_lin(%arg0: i32, %arg1: memref<2000x128xf32, #tpu.memory_space<vmem>>, %arg2: memref<128x128xf32, #tpu.memory_space<vmem>>, %arg3: memref<1x128xf32, #tpu.memory_space<vmem>>, %arg4: memref<2000x128xf32, #tpu.memory_space<vmem>>) attributes {dimension_semantics = [#tpu.dimension_semantics<arbitrary>], iteration_bounds = array<i64: 5>, scalar_prefetch = 0 : i64, scratch_operands = 0 : i64, tpu.core_type = #tpu.core_type<tc>, window_params = [{transform_indices = @transform_0, window_bounds = array<i64: 2000, 128>}, {pipeline_mode = #tpu.pipeline_mode<synchronous>, transform_indices = @transform_1, window_bounds = array<i64: 128, 128>}, {pipeline_mode = #tpu.pipeline_mode<synchronous>, transform_indices = @transform_2, window_bounds = array<i64: 1, 128>}, {transform_indices = @transform_3, window_bounds = array<i64: 2000, 128>}]} {
    %get3A = arith.constant 0 : index
    %get3A_0 = arith.constant 0 : index
    %get3A_1 = vector.load %arg1[%get3A, %get3A_0] : memref<2000x128xf32, #tpu.memory_space<vmem>>, vector<2000x128xf32>
    %get3A_2 = arith.constant 0 : index
    %get3A_3 = arith.constant 0 : index
    %get3A_4 = vector.load %arg2[%get3A_2, %get3A_3] : memref<128x128xf32, #tpu.memory_space<vmem>>, vector<128x128xf32>
    %dot_general3A = arith.constant dense<0.000000e+00> : vector<2000x128xf32>
    %dot_general3A_5 = tpu.matmul %get3A_1, %get3A_4, %dot_general3A {dimension_numbers = #tpu.dot_dimension_numbers<[1], [0], [0], [1], [0, 0, 1, 1], [], []>, precision = #tpu.contract_precision<fp32>, transpose_lhs_hint = false} : vector<2000x128xf32>, vector<128x128xf32>, vector<2000x128xf32> -> vector<2000x128xf32>
    %get3A_6 = arith.constant 0 : index
    %get3A_7 = arith.constant 0 : index
    %get3A_8 = vector.load %arg3[%get3A_6, %get3A_7] : memref<1x128xf32, #tpu.memory_space<vmem>>, vector<1x128xf32>
    %add3A = vector.broadcast %get3A_8 : vector<1x128xf32> to vector<2000x128xf32>
    %add3A_9 = arith.addf %dot_general3A_5, %add3A : vector<2000x128xf32>
    %swap3A = arith.constant 0 : index
    %swap3A_10 = arith.constant 0 : index
    %swap3A_11 = vector.load %arg4[%swap3A, %swap3A_10] : memref<2000x128xf32, #tpu.memory_space<vmem>>, vector<2000x128xf32>
    tpu.vector_store %arg4[%swap3A, %swap3A_10], %add3A_9 {strides = array<i32>} : memref<2000x128xf32, #tpu.memory_space<vmem>>, vector<2000x128xf32>,
    return
  }
  func.func @transform_0(%arg0: i32) -> (i32, i32) {
    %c0_i32 = arith.constant 0 : i32
    %c0_i32_0 = arith.constant 0 : i32
    return %arg0, %c0_i32 : i32, i32
  }
  func.func @transform_1(%arg0: i32) -> (i32, i32) {
    %c0_i32 = arith.constant 0 : i32
    %c0_i32_0 = arith.constant 0 : i32
    %c0_i32_1 = arith.constant 0 : i32
    return %c0_i32, %c0_i32_0 : i32, i32
  }
  func.func @transform_2(%arg0: i32) -> (i32, i32) {
    %c0_i32 = arith.constant 0 : i32
    %c0_i32_0 = arith.constant 0 : i32
    %c0_i32_1 = arith.constant 0 : i32
    return %c0_i32, %c0_i32_0 : i32, i32
  }
  func.func @transform_3(%arg0: i32) -> (i32, i32) {
    %c0_i32 = arith.constant 0 : i32
    %c0_i32_0 = arith.constant 0 : i32
    return %arg0, %c0_i32 : i32, i32
  }
}

module attributes {stable_mosaic.version = 14 : i64} {
  func.func @_tc_layer1(%arg0: i32, %arg1: memref<2000x128xf32, #tpu.memory_space<vmem>>, %arg2: memref<2000x128xf32, #tpu.memory_space<vmem>>, %arg3: memref<2000x32xf32, #tpu.memory_space<vmem>>, %arg4: memref<2000x128xf32, #tpu.memory_space<vmem>>, %arg5: memref<128x128xf32, #tpu.memory_space<vmem>>, %arg6: memref<2000x128xf32, #tpu.memory_space<vmem>>) attributes {dimension_semantics = [#tpu.dimension_semantics<arbitrary>], iteration_bounds = array<i64: 5>, scalar_prefetch = 0 : i64, scratch_operands = 0 : i64, tpu.core_type = #tpu.core_type<tc>, window_params = [{transform_indices = @transform_0, window_bounds = array<i64: 2000, 128>}, {transform_indices = @transform_1, window_bounds = array<i64: 2000, 128>}, {transform_indices = @transform_2, window_bounds = array<i64: 2000, 32>}, {transform_indices = @transform_3, window_bounds = array<i64: 2000, 128>}, {pipeline_mode = #tpu.pipeline_mode<synchronous>, transform_indices = @transform_4, window_bounds = array<i64: 128, 128>}, {transform_indices = @transform_5, window_bounds = array<i64: 2000, 128>}]} {
    %get3A = arith.constant 0 : index
    %get3A_0 = arith.constant 0 : index
    %get3A_1 = vector.load %arg1[%get3A, %get3A_0] : memref<2000x128xf32, #tpu.memory_space<vmem>>, vector<2000x128xf32>
    %get3A_2 = arith.constant 0 : index
    %get3A_3 = arith.constant 0 : index
    %get3A_4 = vector.load %arg2[%get3A_2, %get3A_3] : memref<2000x128xf32, #tpu.memory_space<vmem>>, vector<2000x128xf32>
    %add3A = arith.addf %get3A_1, %get3A_4 : vector<2000x128xf32>
    %get3A_5 = arith.constant 0 : index
    %get3A_6 = arith.constant 0 : index
    %get3A_7 = vector.load %arg3[%get3A_5, %get3A_6] : memref<2000x32xf32, #tpu.memory_space<vmem>>, vector<2000x32xf32>
    %reduce_sum3A = arith.constant dense<0.000000e+00> : vector<2000xf32>
    %reduce_sum3A_8 = vector.multi_reduction <add>, %get3A_7, %reduce_sum3A [1] : vector<2000x32xf32> to vector<2000xf32>
    %max3A = arith.constant 1.000000e+00 : f32
    %max3A_9 = vector.broadcast %max3A : f32 to vector<2000xf32>
    %max3A_10 = arith.maximumf %reduce_sum3A_8, %max3A_9 : vector<2000xf32>
    %div3A = arith.constant 1.000000e+00 : f32
    %div3A_11 = vector.broadcast %div3A : f32 to vector<2000xf32>
    %div3A_12 = arith.divf %div3A_11, %max3A_10 : vector<2000xf32>
    %broadcast_in_dim3A = vector.shape_cast %div3A_12 : vector<2000xf32> to vector<2000x1xf32>
    %mul3A = vector.broadcast %broadcast_in_dim3A : vector<2000x1xf32> to vector<2000x128xf32>
    %mul3A_13 = arith.mulf %add3A, %mul3A : vector<2000x128xf32>
    %get3A_14 = arith.constant 0 : index
    %get3A_15 = arith.constant 0 : index
    %get3A_16 = vector.load %arg5[%get3A_14, %get3A_15] : memref<128x128xf32, #tpu.memory_space<vmem>>, vector<128x128xf32>
    %dot_general3A = arith.constant dense<0.000000e+00> : vector<2000x128xf32>
    %dot_general3A_17 = tpu.matmul %mul3A_13, %get3A_16, %dot_general3A {dimension_numbers = #tpu.dot_dimension_numbers<[1], [0], [0], [1], [0, 0, 1, 1], [], []>, precision = #tpu.contract_precision<fp32>, transpose_lhs_hint = false} : vector<2000x128xf32>, vector<128x128xf32>, vector<2000x128xf32> -> vector<2000x128xf32>
    %get3A_18 = arith.constant 0 : index
    %get3A_19 = arith.constant 0 : index
    %get3A_20 = vector.load %arg4[%get3A_18, %get3A_19] : memref<2000x128xf32, #tpu.memory_space<vmem>>, vector<2000x128xf32>
    %add3A_21 = arith.addf %dot_general3A_17, %get3A_20 : vector<2000x128xf32>
    %max3A_22 = arith.constant 0.000000e+00 : f32
    %max3A_23 = vector.broadcast %max3A_22 : f32 to vector<2000x128xf32>
    %max3A_24 = arith.maximumf %add3A_21, %max3A_23 : vector<2000x128xf32>
    %swap3A = arith.constant 0 : index
    %swap3A_25 = arith.constant 0 : index
    %swap3A_26 = vector.load %arg6[%swap3A, %swap3A_25] : memref<2000x128xf32, #tpu.memory_space<vmem>>, vector<2000x128xf32>
    tpu.vector_store %arg6[%swap3A, %swap3A_25], %max3A_24 {strides = array<i32>} : memref<2000x128xf32, #tpu.memory_space<vmem>>, vector<2000x128xf32>,
    return
  }
  func.func @transform_0(%arg0: i32) -> (i32, i32) {
    %c0_i32 = arith.constant 0 : i32
    %c0_i32_0 = arith.constant 0 : i32
    return %arg0, %c0_i32 : i32, i32
  }
  func.func @transform_1(%arg0: i32) -> (i32, i32) {
    %add3A = arith.constant 5 : i32
    %add3A_0 = arith.addi %arg0, %add3A : i32
    %c0_i32 = arith.constant 0 : i32
    %c0_i32_1 = arith.constant 0 : i32
    return %add3A_0, %c0_i32 : i32, i32
  }
  func.func @transform_2(%arg0: i32) -> (i32, i32) {
    %c0_i32 = arith.constant 0 : i32
    %c0_i32_0 = arith.constant 0 : i32
    return %arg0, %c0_i32 : i32, i32
  }
  func.func @transform_3(%arg0: i32) -> (i32, i32) {
    %c0_i32 = arith.constant 0 : i32
    %c0_i32_0 = arith.constant 0 : i32
    return %arg0, %c0_i32 : i32, i32
  }
  func.func @transform_4(%arg0: i32) -> (i32, i32) {
    %c0_i32 = arith.constant 0 : i32
    %c0_i32_0 = arith.constant 0 : i32
    %c0_i32_1 = arith.constant 0 : i32
    return %c0_i32, %c0_i32_0 : i32, i32
  }
  func.func @transform_5(%arg0: i32) -> (i32, i32) {
    %c0_i32 = arith.constant 0 : i32
    %c0_i32_0 = arith.constant 0 : i32
    return %arg0, %c0_i32 : i32, i32
  }
}

module attributes {stable_mosaic.version = 14 : i64} {
  func.func @_tc_layer2(%arg0: i32, %arg1: memref<2000x128xf32, #tpu.memory_space<vmem>>, %arg2: memref<2000x128xf32, #tpu.memory_space<vmem>>, %arg3: memref<2000x32xf32, #tpu.memory_space<vmem>>, %arg4: memref<2000x128xf32, #tpu.memory_space<vmem>>, %arg5: memref<128x128xf32, #tpu.memory_space<vmem>>, %arg6: memref<128x64xf32, #tpu.memory_space<vmem>>, %arg7: memref<1x64xf32, #tpu.memory_space<vmem>>, %arg8: memref<2000x64xf32, #tpu.memory_space<vmem>>) attributes {dimension_semantics = [#tpu.dimension_semantics<arbitrary>], iteration_bounds = array<i64: 5>, scalar_prefetch = 0 : i64, scratch_operands = 0 : i64, tpu.core_type = #tpu.core_type<tc>, window_params = [{transform_indices = @transform_0, window_bounds = array<i64: 2000, 128>}, {transform_indices = @transform_1, window_bounds = array<i64: 2000, 128>}, {transform_indices = @transform_2, window_bounds = array<i64: 2000, 32>}, {transform_indices = @transform_3, window_bounds = array<i64: 2000, 128>}, {pipeline_mode = #tpu.pipeline_mode<synchronous>, transform_indices = @transform_4, window_bounds = array<i64: 128, 128>}, {pipeline_mode = #tpu.pipeline_mode<synchronous>, transform_indices = @transform_5, window_bounds = array<i64: 128, 64>}, {pipeline_mode = #tpu.pipeline_mode<synchronous>, transform_indices = @transform_6, window_bounds = array<i64: 1, 64>}, {transform_indices = @transform_7, window_bounds = array<i64: 2000, 64>}]} {
    %get3A = arith.constant 0 : index
    %get3A_0 = arith.constant 0 : index
    %get3A_1 = vector.load %arg1[%get3A, %get3A_0] : memref<2000x128xf32, #tpu.memory_space<vmem>>, vector<2000x128xf32>
    %get3A_2 = arith.constant 0 : index
    %get3A_3 = arith.constant 0 : index
    %get3A_4 = vector.load %arg2[%get3A_2, %get3A_3] : memref<2000x128xf32, #tpu.memory_space<vmem>>, vector<2000x128xf32>
    %add3A = arith.addf %get3A_1, %get3A_4 : vector<2000x128xf32>
    %get3A_5 = arith.constant 0 : index
    %get3A_6 = arith.constant 0 : index
    %get3A_7 = vector.load %arg3[%get3A_5, %get3A_6] : memref<2000x32xf32, #tpu.memory_space<vmem>>, vector<2000x32xf32>
    %reduce_sum3A = arith.constant dense<0.000000e+00> : vector<2000xf32>
    %reduce_sum3A_8 = vector.multi_reduction <add>, %get3A_7, %reduce_sum3A [1] : vector<2000x32xf32> to vector<2000xf32>
    %max3A = arith.constant 1.000000e+00 : f32
    %max3A_9 = vector.broadcast %max3A : f32 to vector<2000xf32>
    %max3A_10 = arith.maximumf %reduce_sum3A_8, %max3A_9 : vector<2000xf32>
    %div3A = arith.constant 1.000000e+00 : f32
    %div3A_11 = vector.broadcast %div3A : f32 to vector<2000xf32>
    %div3A_12 = arith.divf %div3A_11, %max3A_10 : vector<2000xf32>
    %broadcast_in_dim3A = vector.shape_cast %div3A_12 : vector<2000xf32> to vector<2000x1xf32>
    %mul3A = vector.broadcast %broadcast_in_dim3A : vector<2000x1xf32> to vector<2000x128xf32>
    %mul3A_13 = arith.mulf %add3A, %mul3A : vector<2000x128xf32>
    %get3A_14 = arith.constant 0 : index
    %get3A_15 = arith.constant 0 : index
    %get3A_16 = vector.load %arg5[%get3A_14, %get3A_15] : memref<128x128xf32, #tpu.memory_space<vmem>>, vector<128x128xf32>
    %dot_general3A = arith.constant dense<0.000000e+00> : vector<2000x128xf32>
    %dot_general3A_17 = tpu.matmul %mul3A_13, %get3A_16, %dot_general3A {dimension_numbers = #tpu.dot_dimension_numbers<[1], [0], [0], [1], [0, 0, 1, 1], [], []>, precision = #tpu.contract_precision<fp32>, transpose_lhs_hint = false} : vector<2000x128xf32>, vector<128x128xf32>, vector<2000x128xf32> -> vector<2000x128xf32>
    %get3A_18 = arith.constant 0 : index
    %get3A_19 = arith.constant 0 : index
    %get3A_20 = vector.load %arg4[%get3A_18, %get3A_19] : memref<2000x128xf32, #tpu.memory_space<vmem>>, vector<2000x128xf32>
    %add3A_21 = arith.addf %dot_general3A_17, %get3A_20 : vector<2000x128xf32>
    %max3A_22 = arith.constant 0.000000e+00 : f32
    %max3A_23 = vector.broadcast %max3A_22 : f32 to vector<2000x128xf32>
    %max3A_24 = arith.maximumf %add3A_21, %max3A_23 : vector<2000x128xf32>
    %get3A_25 = arith.constant 0 : index
    %get3A_26 = arith.constant 0 : index
    %get3A_27 = vector.load %arg6[%get3A_25, %get3A_26] : memref<128x64xf32, #tpu.memory_space<vmem>>, vector<128x64xf32>
    %dot_general3A_28 = arith.constant dense<0.000000e+00> : vector<2000x64xf32>
    %dot_general3A_29 = tpu.matmul %max3A_24, %get3A_27, %dot_general3A_28 {dimension_numbers = #tpu.dot_dimension_numbers<[1], [0], [0], [1], [0, 0, 1, 1], [], []>, precision = #tpu.contract_precision<fp32>, transpose_lhs_hint = false} : vector<2000x128xf32>, vector<128x64xf32>, vector<2000x64xf32> -> vector<2000x64xf32>
    %get3A_30 = arith.constant 0 : index
    %get3A_31 = arith.constant 0 : index
    %get3A_32 = vector.load %arg7[%get3A_30, %get3A_31] : memref<1x64xf32, #tpu.memory_space<vmem>>, vector<1x64xf32>
    %add3A_33 = vector.broadcast %get3A_32 : vector<1x64xf32> to vector<2000x64xf32>
    %add3A_34 = arith.addf %dot_general3A_29, %add3A_33 : vector<2000x64xf32>
    %swap3A = arith.constant 0 : index
    %swap3A_35 = arith.constant 0 : index
    %swap3A_36 = vector.load %arg8[%swap3A, %swap3A_35] : memref<2000x64xf32, #tpu.memory_space<vmem>>, vector<2000x64xf32>
    tpu.vector_store %arg8[%swap3A, %swap3A_35], %add3A_34 {strides = array<i32>} : memref<2000x64xf32, #tpu.memory_space<vmem>>, vector<2000x64xf32>,
    return
  }
  func.func @transform_0(%arg0: i32) -> (i32, i32) {
    %c0_i32 = arith.constant 0 : i32
    %c0_i32_0 = arith.constant 0 : i32
    return %arg0, %c0_i32 : i32, i32
  }
  func.func @transform_1(%arg0: i32) -> (i32, i32) {
    %add3A = arith.constant 5 : i32
    %add3A_0 = arith.addi %arg0, %add3A : i32
    %c0_i32 = arith.constant 0 : i32
    %c0_i32_1 = arith.constant 0 : i32
    return %add3A_0, %c0_i32 : i32, i32
  }
  func.func @transform_2(%arg0: i32) -> (i32, i32) {
    %c0_i32 = arith.constant 0 : i32
    %c0_i32_0 = arith.constant 0 : i32
    return %arg0, %c0_i32 : i32, i32
  }
  func.func @transform_3(%arg0: i32) -> (i32, i32) {
    %c0_i32 = arith.constant 0 : i32
    %c0_i32_0 = arith.constant 0 : i32
    return %arg0, %c0_i32 : i32, i32
  }
  func.func @transform_4(%arg0: i32) -> (i32, i32) {
    %c0_i32 = arith.constant 0 : i32
    %c0_i32_0 = arith.constant 0 : i32
    %c0_i32_1 = arith.constant 0 : i32
    return %c0_i32, %c0_i32_0 : i32, i32
  }
  func.func @transform_5(%arg0: i32) -> (i32, i32) {
    %c0_i32 = arith.constant 0 : i32
    %c0_i32_0 = arith.constant 0 : i32
    %c0_i32_1 = arith.constant 0 : i32
    return %c0_i32, %c0_i32_0 : i32, i32
  }
  func.func @transform_6(%arg0: i32) -> (i32, i32) {
    %c0_i32 = arith.constant 0 : i32
    %c0_i32_0 = arith.constant 0 : i32
    %c0_i32_1 = arith.constant 0 : i32
    return %c0_i32, %c0_i32_0 : i32, i32
  }
  func.func @transform_7(%arg0: i32) -> (i32, i32) {
    %c0_i32 = arith.constant 0 : i32
    %c0_i32_0 = arith.constant 0 : i32
    return %arg0, %c0_i32 : i32, i32
  }
}

</mosaic_0001>

<sc_bundles>
// kernel: kernel.11.cloned.1.call-start
scs
__scs_entry_jumppad:
0x0: {  	(pc) =	sbr.rel $0x88, $3  }
0x1: {  	(tag) =	ssettag $0x0;
	lr =	simm.s32 $0x1  }
0x2: {  	[smem:$0x3F97] =	sst lr;
	_ =	strace $0xD0000000  }
0x3: {  	_ = 	snop  }
0x4: {  	_ = 	snop  }
0x5: {  	_ = 	snop  }
0x6: {  	_ = 	snop  }
0x7: {  	_ = 	snop  }
__scs_overlays_trampoline_lowered:
0x8: {  	[smem:$0x3FA6] =	sst s0  }
0x9: {  	[smem:$0x3FA7] =	sst s1  }
0xa: {  	[smem:$0x3FA8] =	sst s2  }
0xb: {  	[smem:$0x3FA9] =	sst s3  }
0xc: {  	[smem:$0x3FAA] =	sst s4  }
0xd: {  	[smem:$0x3FAB] =	sst s5  }
0xe: {  	[smem:$0x3FAC] =	sst s6  }
0xf: {  	[smem:$0x3FAD] =	sst s7  }
0x10: {  	[smem:$0x3FAE] =	sst s8  }
0x11: {  	[smem:$0x3FAF] =	sst s9;
	s0 =	simm.s32 @!p0 $0x0  }
0x12: {  	s1 =	sld [smem:$0x3F95];
	s0 =	simm.s32 @p0 $0x1  }
0x13: {  	[smem:$0x3FB0] =	sst s0;
	s0 =	simm.s32 @!p1 $0x0  }
0x14: {  	s2 =	sld [smem:$0x3F94];
	s0 =	simm.s32 @p1 $0x1  }
0x15: {  	[smem:$0x3FB1] =	sst s0;
	s0 =	simm.s32 @!p2 $0x0  }
0x16: {  	s3 =	sld [smem:$0x3FDB];
	s0 =	simm.s32 @p2 $0x1  }
0x17: {  	s4 =	simm.s32 $0x1BF5;
	[smem:$0x3FB3] =	sst s0  }
0x18: {  	s0 =	sld [smem:$0x3F96];
	_ =	swait.ge [sflag:s4], $0x0  }
0x19: {  	s7 =	sld [smem:$0x3F97]  }
0x1a: {  	s8 =	sadd.s32 $0xFFFFE003, lr  }
0x1b: {  	s9 =	sadd.s32 $0xFFFFFEF7, lr;
	s5 =	simm.s32 $0xFFFFFFFF;
	p2 =	slt.u32 s8, $0xFFFFF086  }
0x1c: {  	p1 =	slt.u32 s9, $0xF7A;
	s5 =	simm.s32 @!p2 $0x0  }
0x1d: {  	s5 =	simm.s32 @p1 $0x1;
	p0 =	seq.s32 s7, s2  }
0x1e: {  	s7 =	smul.u32 @!p0 $0xF7A, s2;
	p2 =	seq.s32 @!p0 s5, $0x0  }
0x1f: {  	s9 =	smul.u32 $0xF7A, s1;
	s8 =	simm.s32 @!p0 $0x1BF5;
	p2 =	por !p2, p0  }
0x20: {  	[sflag:s8] =	ssyncset.s32 @!p0 $0xFFFFF086;
	s6 =	sadd.s32 @!p0 s3, s7;
	s7 =	simm.s32 @!p0 $0x108  }
0x21: {  	s3 =	sadd.s32 s3, s9;
	s6 =	sadd.s32 @!p0 $0x88, s6;
	s7 =	simm.s32 @p2 $0x1082  }
0x22: {  	[simem:s7], [sflag:s8] =	dma.local @!p0 [hbm:s6], $0xF7A  }
0x23: {  	s9 =	sor.u32 $0xD0000000, s2;
	s6 =	simm.s32 $0x108;
	_ =	swait.ge @!p0 [sflag:s8], $0x0  }
0x24: {  	s3 =	sadd.s32 $0x88, s3;
	s6 =	simm.s32 @!p1 $0x1082;
	[sflag:s4] =	ssyncset.s32 $0xFFFFF086  }
0x25: {  	[simem:s6], [sflag:s4] =	dma.local [hbm:s3], $0xF7A  }
0x26: {  	[smem:$0x3F97] =	sst s1;
	(tag) =	ssettag s2;
	_ =	strace s9  }
0x27: {  	s1 =	sld [smem:$0x3FA7]  }
0x28: {  	s2 =	sld [smem:$0x3FA8]  }
0x29: {  	s4 =	sld [smem:$0x3FAA]  }
0x2a: {  	p0 =	seq.s32 s5, $0x0;
	s5 =	sld [smem:$0x3FAB]  }
0x2b: {  	s6 =	sld [smem:$0x3FAC]  }
0x2c: {  	s7 =	sld [smem:$0x3FAD]  }
0x2d: {  	s3 =	simm.s32 $0x108;
	s8 =	sld [smem:$0x3FAE]  }
0x2e: {  	s3 =	simm.s32 @!p0 $0x1082;
	s9 =	sld [smem:$0x3FAF]  }
0x2f: {  	lr =	sadd.s32 s0, s3;
	s0 =	sld [smem:$0x3FA6]  }
0x30: {  	s3 =	sld [smem:$0x3FA9]  }
0x31: {  	[smem:$0x3FB2] =	sst s10  }
0x32: {  	s10 =	sld [smem:$0x3FB0];
	_ =	sdelay $0x3  }
0x33: {  	p0 =	seq.s32 s10, $0x1;
	s10 =	sld [smem:$0x3FB2];
	_ =	sdelay $0x3  }
0x34: {  	[smem:$0x3FB2] =	sst s10  }
0x35: {  	s10 =	sld [smem:$0x3FB1];
	_ =	sdelay $0x3  }
0x36: {  	p1 =	seq.s32 s10, $0x1;
	s10 =	sld [smem:$0x3FB2];
	_ =	sdelay $0x3  }
0x37: {  	[smem:$0x3FB2] =	sst s10  }
0x38: {  	s10 =	sld [smem:$0x3FB3]  }
0x39: {  	_ = 	snop;
	(pc) =	sbr.ind lr, $3  }
0x3a: {  	_ = 	snop  }
0x3b: {  	_ = 	snop  }
0x3c: {  	p2 =	seq.s32 s10, $0x1;
	s10 =	sld [smem:$0x3FB2]  }
0x3d: {  	_ =	shalt  }
0x3e: {  	_ =	shalt  }
0x3f: {  	_ =	shalt  }
0x40: {  	_ =	shalt  }
0x41: {  	_ =	shalt  }
0x42: {  	_ =	shalt  }
0x43: {  	_ =	shalt  }
0x44: {  	_ =	shalt  }
0x45: {  	_ =	shalt  }
0x46: {  	_ =	shalt  }
0x47: {  	_ =	shalt  }
0x48: {  	_ =	shalt  }
0x49: {  	_ =	shalt  }
0x4a: {  	_ =	shalt  }
0x4b: {  	_ =	shalt  }
0x4c: {  	_ =	shalt  }
0x4d: {  	_ =	shalt  }
0x4e: {  	_ =	shalt  }
0x4f: {  	_ =	shalt  }
0x50: {  	_ =	shalt  }
0x51: {  	_ =	shalt  }
0x52: {  	_ =	shalt  }
0x53: {  	_ =	shalt  }
0x54: {  	_ =	shalt  }
0x55: {  	_ =	shalt  }
0x56: {  	_ =	shalt  }
0x57: {  	_ =	shalt  }
0x58: {  	_ =	shalt  }
0x59: {  	_ =	shalt  }
0x5a: {  	_ =	shalt  }
0x5b: {  	_ =	shalt  }
0x5c: {  	_ =	shalt  }
0x5d: {  	_ =	shalt  }
0x5e: {  	_ =	shalt  }
0x5f: {  	_ =	shalt  }
0x60: {  	_ =	shalt  }
0x61: {  	_ =	shalt  }
0x62: {  	_ =	shalt  }
0x63: {  	_ =	shalt  }
0x64: {  	_ =	shalt  }
0x65: {  	_ =	shalt  }
0x66: {  	_ =	shalt  }
0x67: {  	_ =	shalt  }
0x68: {  	_ =	shalt  }
0x69: {  	_ =	shalt  }
0x6a: {  	_ =	shalt  }
0x6b: {  	_ =	shalt  }
0x6c: {  	_ =	shalt  }
0x6d: {  	_ =	shalt  }
0x6e: {  	_ =	shalt  }
0x6f: {  	_ =	shalt  }
0x70: {  	_ =	shalt  }
0x71: {  	_ =	shalt  }
0x72: {  	_ =	shalt  }
0x73: {  	_ =	shalt  }
0x74: {  	_ =	shalt  }
0x75: {  	_ =	shalt  }
0x76: {  	_ =	shalt  }
0x77: {  	_ =	shalt  }
0x78: {  	_ =	shalt  }
0x79: {  	_ =	shalt  }
0x7a: {  	_ =	shalt  }
0x7b: {  	_ =	shalt  }
0x7c: {  	_ =	shalt  }
0x7d: {  	_ =	shalt  }
0x7e: {  	_ =	shalt  }
0x7f: {  	_ =	shalt  }
0x80: {  	_ =	shalt  }
0x81: {  	_ =	shalt  }
0x82: {  	_ =	shalt  }
0x83: {  	_ =	shalt  }
0x84: {  	_ =	shalt  }
0x85: {  	_ =	shalt  }
0x86: {  	_ =	shalt  }
0x87: {  	_ =	shalt  }
.Lfunc_end0:
.L_simem_size_0:
called_computation.1_lowered:
.L_overlay_start_0:
0x88: {  	s2 =	sld [smem:$0x3FD9]  }
0x89: {  	s3 =	sld [smem:$0x3FFE];
	_ =	sdelay $0x1  }
0x8a: {  	s1 =	srdreg.scid  }
0x8b: {  	s0 =	sand.u32 $0x1, s1  }
0x8c: {  	s17 =	sshll.u32 s0, $0xA;
	s2 =	sadd.s32 s3, s2  }
0x8d: {  	s2 =	sadd.s32 s2, s17  }
0x8e: {  	[smem:$0x3FBE] =	sst s2  }
0x8f: {  	_ = 	snop  }
0x90: {  	s2 =	sld [smem:$0x3FD0];
	(tm) =	ssettm $0x1  }
0x91: {  	s18 =	sld [smem:$0x3FFB];
	_ =	sdelay $0x3  }
0x92: {  	_ =	strace s18  }
0x93: {  	s3 =	sld [smem:$0x3FFC];
	_ =	sdelay $0x3  }
0x94: {  	_ =	strace s3  }
0x95: {  	s3 =	sld [smem:$0x3FFD];
	_ =	sdelay $0x3  }
0x96: {  	_ =	strace s3  }
0x97: {  	_ =	strace $0x8FFFFFFF  }
0x98: {  	s19 =	sld [smem:$0x3FDB];
	_ =	sdelay $0x1  }
0x99: {  	s4 =	simm.s32 $_scs_section_size  }
0x9a: {  	s5 =	simm.s32 $_size__tile_overlayer_lowered;
	s6 =	simm.s32 $_tile_overlayer_lowered  }
0x9b: {  	s22 =	simm.s32 $0x1BFF;
	s21 =	sshll.u32 s6, $0x1;
	s3 =	sadd.s32 s4, s19  }
0x9c: {  	s7 =	simm.s32 $0x0;
	s20 =	sshll.u32 s5, $0x1;
	s5 =	sadd.s32 s21, s3  }
0x9d: {  	[timem:s7], [sflag:s22] =	dma.local [hbm:s5], s20  }
0x9e: {  	_ =	swait.ge [sflag:s22], s20  }
0x9f: {  	s4 =	ssub.s32 $0x0, s20;
	[sflag:s22] =	ssyncset.done $0x0  }
0xa0: {  	[sflag:s22] =	ssyncadd.s32 s4;
	_ =	sdelay $0x1  }
0xa1: {  	s23 =	simm.s32 $0x1B8B  }
0xa2: {  	_ =	swait.ge [sflag:s23], $0x1  }
0xa3: {  	[sflag:s23] =	ssyncset.done $0x0  }
0xa4: {  	s25 =	simm.s32 $0x1B8E;
	s24 =	sld [smem:$0x3FFE];
	[sflag:s23] =	ssyncadd.s32 $0xFFFFFFFF  }
0xa5: {  	s26 =	simm.s32 $execute0_lowered;
	[smem:$0x3FD2] =	sst s25  }
0xa6: {  	s5 =	sshll.u32 s26, $0x1;
	_ =	strace $0x80000049;
	[dreg:$0x1] =	wrdreg $0xFFFFFFFF  }
0xa7: {  	s28 =	simm.s32 $_size_execute0_lowered;
	s3 =	sadd.s32 s3, s5;
	[dreg:$0x0] =	wrdreg $0x0  }
0xa8: {  	s5 =	sshll.u32 s28, $0x1;
	[dreg:$0x2] =	wrdreg s3  }
0xa9: {  	[dreg:$0x3] =	wrdreg s5  }
0xaa: {  	[dreg:$0x4] =	wrdreg $0xC0  }
0xab: {  	_ =	task [dreg:s7], $0x5FFFF  }
0xac: {  	[dreg:$0x1] =	wrdreg $0xFFFFFFFF  }
0xad: {  	[dreg:$0x0] =	wrdreg $0x60  }
0xae: {  	[dreg:$0x2] =	wrdreg s24  }
0xaf: {  	[dreg:$0x3] =	wrdreg s2  }
0xb0: {  	[dreg:$0x4] =	wrdreg $0x84000  }
0xb1: {  	[dreg:$0x5] =	wrdreg $0x9  }
0xb2: {  	_ =	task.clear_ibuf [dreg:s7], $0x6FFFF;
	_ =	strace $0x90000049  }
0xb3: {  	s29 =	simm.s32 $0x9;
	_ =	strace $0x8000004B  }
0xb4: {  	_ =	swait.ge [sflag:s29], $0x1  }
0xb5: {  	[sflag:s29] =	ssyncadd.s32 $0xFFFFFFFF  }
0xb6: {  	_ =	strace $0x9000004B  }
0xb7: {  	_ =	sfence  }
0xb8: {  	s30 =	sld [smem:$0x0];
	_ =	sdelay $0x2  }
0xb9: {  	s31 =	sshll.u32 s1, $0xD;
	s1 =	sshrl.u32 s1, $0x2  }
0xba: {  	s3 =	sand.u32 $0x4000, s31;
	s1 =	sadd.s32 s1, s30  }
0xbb: {  	s0 =	sor.u32 s3, s0;
	s1 =	sshll.u32 s1, $0x11  }
0xbc: {  	s0 =	sor.u32 s1, s0  }
0xbd: {  	s0 =	sadd.s32 $0x8F2B, s0  }
0xbe: {  	[sflag:s0] =	ssyncadd.remote.s32 $0x1  }
0xbf: {  	_ =	sfence.sel $0xFFFF  }
0xc0: {  	[dreg:$0x0] =	wrdreg $0xFFFFFFFF;
	(pc) =	sbr.abs _section_cstart, $3  }
0xc1: {  	[dreg:$0x1] =	wrdreg $0xFFFFFFFF  }
0xc2: {  	_ =	task.clear_ibuf [dreg:s7], $0x2FFFF;
	_ =	strace $0x9FFFFFFF  }
0xc3: {  	(tm) =	ssettm $0x7FFFFFFF  }
tec
execute0_lowered:
.L_overlay_start_1:
0x0: {  	(tag) =	ssettag $0x1  }
0x1: {  	s0 =	rddreg [dreg:$0x0]  }
0x2: {  	s3 =	rddreg [dreg:$0x1]  }
0x3: {  	s1 =	rddreg [dreg:$0x2];
	s2 =	simm.s32 $0x0;
	s4 =	srdreg.scid  }
0x4: {  	s16 =	stileid.u32;
	s31 =	simm.s32 $0x200;
	[smem:$0x7FF] =	sst s2  }
0x5: {  	s6 =	sand.u32 $0x1, s4;
	s5 =	sadd.s32 $0x2000, s0;
	s11 =	smul.u32 $0x4E000, s16  }
0x6: {  	s8 =	sshll.u32 s16, $0x5;
	s10 =	sadd.s32 $0x33000, s0;
	s15 =	smul.u32 $0x2700, s16  }
0x7: {  	p0 =	sne.s32 s16, $0xF;
	p1 =	sgt.u32 s16, $0x1;
	s30 =	sadd.s32 $0x138000, s1  }
0x8: {  	s16 =	simm.s32 $0x6;
	_ =	strace $0x8000004A;
	s4 =	ssub.s32 $0x2, s6  }
0x9: {  	s9 =	sshll.u32 s6, $0x4;
	s20 =	smul.u32 $0x27100, s6;
	s7 =	sshrl.u32 s4, $0x1  }
0xa: {  	s6 =	smul.u32 $0x138800, s6;
	s4 =	ssub.s32 s4, s7;
	s7 =	sor.u32 s9, s8  }
0xb: {  	s25 =	sor.u32 $0x1000, s8;
	s29 =	sor.u32 $0xE00, s8;
	s9 =	sadd.s32 s5, s7  }
0xc: {  	s13 =	sor.u32 $0x200, s7;
	s12 =	sadd.s32 s3, s7;
	[dreg:$0xa] =	wrdreg s9  }
0xd: {  	s11 =	sshrl.u32 s11, $0x2;
	[dreg:$0xb] =	wrdreg s12;
	s14 =	sadd.s32 s5, s13  }
0xe: {  	s17 =	sor.u32 $0x400, s7;
	s9 =	sadd.s32 s3, s13;
	[dreg:$0xc] =	wrdreg s14  }
0xf: {  	s6 =	sshrl.u32 s6, $0x3;
	s13 =	sadd.s32 s5, s17;
	[dreg:$0xd] =	wrdreg s9  }
0x10: {  	s18 =	sor.u32 $0x600, s7;
	s12 =	sadd.s32 s3, s17;
	[dreg:$0xe] =	wrdreg s13  }
0x11: {  	s21 =	sor.u32 $0x800, s7;
	s19 =	sadd.s32 s5, s18;
	[dreg:$0xf] =	wrdreg s12  }
0x12: {  	s6 =	sadd.s32 s10, s6;
	s17 =	sand.u32 $0xF80, s29;
	[dreg:$0x10] =	wrdreg s19  }
0x13: {  	s14 =	sor.u32 $0x1200, s8;
	s12 =	sadd.s32 s3, s18;
	s9 =	sadd.s32 s15, s20  }
0x14: {  	s15 =	sand.u32 $0x70, s7;
	s13 =	sand.u32 $0x1180, s25;
	s18 =	sadd.s32 s5, s21  }
0x15: {  	s19 =	sadd.s32 s17, s5;
	s20 =	sor.u32 $0xA00, s7;
	s8 =	sor.u32 $0xC00, s8  }
0x16: {  	s7 =	sor.u32 $0x9C00, s7;
	s25 =	smax.u32 s4, $0x1;
	s4 =	simm.s32 $0x400  }
0x17: {  	[dreg:$0x11] =	wrdreg s12;
	s14 =	sand.u32 $0x1380, s14;
	s9 =	sadd.s32 s10, s9  }
0x18: {  	s26 =	sadd.s32 s13, s5;
	s28 =	sadd.s32 s13, s3;
	[dreg:$0x13] =	wrdreg s18  }
0x19: {  	s12 =	sadd.s32 s3, s21;
	s10 =	sadd.s32 s17, s3;
	s21 =	sadd.s32 s5, s20  }
0x1a: {  	s8 =	sand.u32 $0xD80, s8;
	[dreg:$0x1b] =	wrdreg s25;
	s13 =	simm.s32 $0x3  }
0x1b: {  	s17 =	simm.s32 $0x8;
	s18 =	simm.s32 $0x4;
	[dreg:$0x12] =	wrdreg s9  }
0x1c: {  	s22 =	sadd.s32 s14, s5;
	s24 =	sadd.s32 s14, s3;
	[dreg:$0x14] =	wrdreg s12  }
0x1d: {  	s14 =	sadd.s32 s15, s28;
	s10 =	sadd.s32 s15, s10;
	[dreg:$0x15] =	wrdreg s21  }
0x1e: {  	s12 =	simm.s32 $0x7;
	s23 =	sadd.s32 s15, s22;
	[dreg:$0x7] =	wrdreg s14  }
0x1f: {  	s9 =	sadd.s32 s15, s24;
	[dreg:$0x9] =	wrdreg s10;
	s22 =	sadd.s32 s5, s7  }
0x20: {  	s7 =	sadd.s32 s3, s7;
	s5 =	sadd.s32 s8, s5;
	[dreg:$0x4] =	wrdreg s23  }
0x21: {  	s24 =	sadd.s32 $0x27000, s6;
	s6 =	simm.s32 $0x1;
	[dreg:$0x5] =	wrdreg s9  }
0x22: {  	s10 =	simm.s32 $0x300;
	s14 =	simm.s32 $0x180;
	[dreg:$0x17] =	wrdreg s22  }
0x23: {  	s9 =	sadd.s32 s15, s26;
	[dreg:$0x18] =	wrdreg s7;
	s21 =	sadd.s32 s15, s5  }
0x24: {  	[dreg:$0x1a] =	wrdreg s24;
	s5 =	simm.s32 $0x9;
	s7 =	simm.s32 $0x2  }
0x25: {  	[dreg:$0x6] =	wrdreg s9;
	s9 =	sadd.s32 s15, s19;
	s19 =	sadd.s32 $0xBE00, s0  }
0x26: {  	s0 =	simm.s32 $0x80;
	[dreg:$0x8] =	wrdreg s9;
	s9 =	sadd.s32 s3, s20  }
0x27: {  	s3 =	sadd.s32 s8, s3;
	s20 =	sadd.s32 s11, s1;
	s8 =	simm.s32 $0x4400  }
0x28: {  	s11 =	simm.s32 $0x5;
	[dreg:$0x16] =	wrdreg s9;
	s23 =	sadd.s32 $0x4000, s20  }
0x29: {  	s22 =	sadd.s32 s15, s3;
	s26 =	sadd.s32 $0x8000, s20;
	[dreg:$0x19] =	wrdreg s23  }
0x2a: {  	s28 =	sadd.s32 $0xC000, s20;
	s29 =	sadd.s32 $0x10000, s20;
	[dreg:$0x1c] =	wrdreg s26  }
0x2b: {  	s3 =	simm.s32 $0x280;
	s9 =	simm.s32 $0x100;
	[dreg:$0x1d] =	wrdreg s28  }
0x2c: {  	v0 =	vimm.f32 $0.0e+00;
	s15 =	simm.s32 $0x380;
	[dreg:$0x1e] =	wrdreg s29;
	s23 =	simm.s32 $0x0  }
.LBB2_1:
0x2d: {  	s24 =	rddreg [dreg:$0xa]  }
0x2e: {  	[tilespmem:s2], [sflag:$0x1] =	stream.linear.gather [hbm4b:s24+s2], $0x80, $0x38;
	[tilespmem:$0x1BC80] =	vst v63  }
0x2f: {  	s26 =	rddreg [dreg:$0xb]  }
0x30: {  	[tilespmem:s31], [sflag:$0x1] =	stream.linear.gather [hbm4b:s26+s2], $0x80, $0x38;
	[tilespmem:$0x1BC80] =	vst v63  }
0x31: {  	s28 =	rddreg [dreg:$0xc]  }
0x32: {  	[tilespmem:s0], [sflag:$0x2] =	stream.linear.gather [hbm4b:s28+s2], $0x80, $0x38;
	[tilespmem:$0x1BC80] =	vst v63  }
0x33: {  	s29 =	rddreg [dreg:$0xd];
	s25 =	simm.s32 $0x200;
	s24 =	simm.s32 $0x0  }
0x34: {  	[tilespmem:s3], [sflag:$0x2] =	stream.linear.gather [hbm4b:s29+s2], $0x80, $0x38;
	[tilespmem:$0x1BC80] =	vst v63  }
.LBB2_2:
0x35: {  	p2 =	sne.s32 s25, $0xFE00;
	[tilespmem:s24+$0x470] =	vst v0  }
0x36: {  	[tilespmem:s24+$0x400] =	vst v0  }
0x37: {  	[tilespmem:s24+$0x410] =	vst v0  }
.Ltmp0:
0x38: {  	[tilespmem:s24+$0x420] =	vst v0;
	(pc) =	sbr.rel @p2 .LBB2_2-.Ltmp0, $4  }
0x39: {  	[tilespmem:s24+$0x430] =	vst v0  }
0x3a: {  	[tilespmem:s24+$0x440] =	vst v0  }
0x3b: {  	[tilespmem:s24+$0x450] =	vst v0  }
0x3c: {  	[tilespmem:s24+$0x460] =	vst v0;
	s24 =	sshra.s32 s25, $0x2;
	s25 =	sadd.s32 $0x200, s25  }
0x3d: {  	[tilespmem:s24+$0x470] =	vst v0  }
0x3e: {  	[tilespmem:s24+$0x400] =	vst v0  }
0x3f: {  	[tilespmem:s24+$0x410] =	vst v0  }
0x40: {  	[tilespmem:s24+$0x420] =	vst v0  }
0x41: {  	[tilespmem:s24+$0x430] =	vst v0  }
0x42: {  	[tilespmem:s24+$0x440] =	vst v0  }
0x43: {  	[tilespmem:s24+$0x450] =	vst v0  }
0x44: {  	[tilespmem:s24+$0x460] =	vst v0  }
0x45: {  	[spmem:s20] =	stream.linear.scatter [tilespmem:s4], [sflag:$0x9], $0x4000, $0x38;
	[tilespmem:$0x1BC80] =	vst v63  }
0x46: {  	_ =	swait.ge [sflag:s5], $0x4000  }
0x47: {  	[sflag:s5] =	ssyncset.done $0x0  }
0x48: {  	s29 =	rddreg [dreg:$0x19];
	[sflag:s5] =	ssyncadd.s32 $0xFFFFC000  }
0x49: {  	[spmem:s29] =	stream.linear.scatter [tilespmem:s4], [sflag:$0x9], $0x4000, $0x38;
	[tilespmem:$0x1BC80] =	vst v63  }
0x4a: {  	_ =	swait.ge [sflag:s5], $0x4000  }
0x4b: {  	[sflag:s5] =	ssyncset.done $0x0  }
0x4c: {  	s25 =	rddreg [dreg:$0x1c];
	[sflag:s5] =	ssyncadd.s32 $0xFFFFC000  }
0x4d: {  	[spmem:s25] =	stream.linear.scatter [tilespmem:s4], [sflag:$0x9], $0x4000, $0x38;
	[tilespmem:$0x1BC80] =	vst v63  }
0x4e: {  	_ =	swait.ge [sflag:s5], $0x4000  }
0x4f: {  	[sflag:s5] =	ssyncset.done $0x0  }
0x50: {  	s26 =	rddreg [dreg:$0x1d];
	[sflag:s5] =	ssyncadd.s32 $0xFFFFC000  }
0x51: {  	[spmem:s26] =	stream.linear.scatter [tilespmem:s4], [sflag:$0x9], $0x4000, $0x38;
	[tilespmem:$0x1BC80] =	vst v63  }
0x52: {  	_ =	swait.ge [sflag:s5], $0x4000  }
0x53: {  	[sflag:s5] =	ssyncset.done $0x0  }
0x54: {  	s28 =	rddreg [dreg:$0x1e];
	[sflag:s5] =	ssyncadd.s32 $0xFFFFC000  }
0x55: {  	[spmem:s28] =	stream.linear.scatter [tilespmem:s4], [sflag:$0x9], $0x3800, $0x38;
	[tilespmem:$0x1BC80] =	vst v63  }
0x56: {  	_ =	swait.ge [sflag:s5], $0x3800  }
0x57: {  	[sflag:s5] =	ssyncset.done $0x0  }
0x58: {  	s24 =	simm.s32 @!p0 $0x400;
	[sflag:s5] =	ssyncadd.s32 $0xFFFFC800  }
0x59: {  	[spmem:s30] =	stream.linear.scatter @!p0 [tilespmem:s24], [sflag:$0x9], $0x800, $0x38;
	[tilespmem:$0x1BC80] =	vst v63  }
0x5a: {  	s24 =	simm.s32 @!p0 $0x9  }
0x5b: {  	_ =	swait.ge @!p0 [sflag:s24], $0x800  }
0x5c: {  	[sflag:s24] =	ssyncset.done @!p0 $0x0  }
0x5d: {  	[sflag:s24] =	ssyncadd.s32 @!p0 $0xFFFFF800  }
0x5e: {  	_ =	swait.ge [sflag:s6], $0x80  }
0x5f: {  	[sflag:s6] =	ssyncset.done $0x0  }
0x60: {  	[sflag:s6] =	ssyncadd.s32 $0xFFFFFF80  }
0x61: {  	_ =	swait.ge [sflag:s6], $0x80  }
0x62: {  	[sflag:s6] =	ssyncset.done $0x0  }
0x63: {  	s24 =	simm.s32 $0x0;
	[sflag:s6] =	ssyncadd.s32 $0xFFFFFF80  }
0x64: {  	[tilespmem:s4], [sflag:$0x5] =	stream.indirect.gather [hbm4b:s19+s0], $0x80, s24, s0, $0xb8;
	[tilespmem:$0x1BC80] =	vst v63  }
0x65: {  	[bflag:$0x0] =	sbarrier.arrive $0xFFFF  }
0x66: {  	_ =	swait.ge [sflag:s7], $0x80  }
0x67: {  	[sflag:s7] =	ssyncset.done $0x0  }
0x68: {  	[sflag:s7] =	ssyncadd.s32 $0xFFFFFF80  }
0x69: {  	_ =	swait.ge [sflag:s7], $0x80  }
0x6a: {  	[sflag:s7] =	ssyncset.done $0x0  }
0x6b: {  	[sflag:s7] =	ssyncadd.s32 $0xFFFFFF80  }
0x6c: {  	[tilespmem:s8], [sflag:$0x6] =	stream.indirect.gather [hbm4b:s19+s0], $0x80, s0, s0, $0xb8;
	[tilespmem:$0x1BC80] =	vst v63  }
0x6d: {  	s25 =	rddreg [dreg:$0xe]  }
0x6e: {  	[tilespmem:s9], [sflag:$0x3] =	stream.linear.gather [hbm4b:s25+s24], $0x80, $0x38;
	[tilespmem:$0x1BC80] =	vst v63  }
0x6f: {  	s29 =	rddreg [dreg:$0xf]  }
0x70: {  	[tilespmem:s10], [sflag:$0x3] =	stream.linear.gather [hbm4b:s29+s24], $0x80, $0x38;
	[tilespmem:$0x1BC80] =	vst v63  }
0x71: {  	_ =	swait.ge [sflag:s11], $0x4000  }
0x72: {  	[sflag:s11] =	ssyncset.done $0x0  }
0x73: {  	[sflag:s11] =	ssyncadd.s32 $0xFFFFC000  }
0x74: {  	[spmem:s1] =	stream.indirect.scatter.add.f32 [tilespmem:s4], [sflag:$0x7], $0x80, s31, s0, $0xb8;
	[tilespmem:$0x1BC80] =	vst v63  }
0x75: {  	_ =	swait.ge [sflag:s12], $0x4000  }
0x76: {  	[sflag:s12] =	ssyncset.done $0x0  }
0x77: {  	[sflag:s12] =	ssyncadd.s32 $0xFFFFC000  }
0x78: {  	_ =	swait.ge [sflag:s13], $0x80  }
0x79: {  	[sflag:s13] =	ssyncset.done $0x0  }
0x7a: {  	[sflag:s13] =	ssyncadd.s32 $0xFFFFFF80  }
0x7b: {  	_ =	swait.ge [sflag:s13], $0x80  }
0x7c: {  	[sflag:s13] =	ssyncset.done $0x0  }
0x7d: {  	[sflag:s13] =	ssyncadd.s32 $0xFFFFFF80  }
0x7e: {  	[tilespmem:s4], [sflag:$0x5] =	stream.indirect.gather [hbm4b:s19+s0], $0x80, s9, s0, $0xb8;
	[tilespmem:$0x1BC80] =	vst v63  }
0x7f: {  	s26 =	rddreg [dreg:$0x10]  }
0x80: {  	[tilespmem:s14], [sflag:$0x4] =	stream.linear.gather [hbm4b:s26+s24], $0x80, $0x38;
	[tilespmem:$0x1BC80] =	vst v63  }
0x81: {  	s28 =	rddreg [dreg:$0x11]  }
0x82: {  	[tilespmem:s15], [sflag:$0x4] =	stream.linear.gather [hbm4b:s28+s24], $0x80, $0x38;
	[tilespmem:$0x1BC80] =	vst v63  }
0x83: {  	_ =	swait.ge [sflag:s16], $0x4000  }
0x84: {  	[sflag:s16] =	ssyncset.done $0x0  }
0x85: {  	[sflag:s16] =	ssyncadd.s32 $0xFFFFC000  }
0x86: {  	[spmem:s1] =	stream.indirect.scatter.add.f32 [tilespmem:s8], [sflag:$0x8], $0x80, s3, s0, $0xb8;
	[tilespmem:$0x1BC80] =	vst v63  }
0x87: {  	_ =	swait.ge [sflag:s17], $0x4000  }
0x88: {  	[sflag:s17] =	ssyncset.done $0x0  }
0x89: {  	[sflag:s17] =	ssyncadd.s32 $0xFFFFC000  }
0x8a: {  	_ =	swait.ge [sflag:s18], $0x80  }
0x8b: {  	[sflag:s18] =	ssyncset.done $0x0  }
0x8c: {  	[sflag:s18] =	ssyncadd.s32 $0xFFFFFF80  }
0x8d: {  	_ =	swait.ge [sflag:s18], $0x80  }
0x8e: {  	[sflag:s18] =	ssyncset.done $0x0  }
0x8f: {  	[sflag:s18] =	ssyncadd.s32 $0xFFFFFF80  }
0x90: {  	[tilespmem:s8], [sflag:$0x6] =	stream.indirect.gather [hbm4b:s19+s0], $0x80, s14, s0, $0xb8;
	[tilespmem:$0x1BC80] =	vst v63  }
0x91: {  	s29 =	rddreg [dreg:$0x13]  }
0x92: {  	[tilespmem:s24], [sflag:$0x1] =	stream.linear.gather [hbm4b:s29+s24], $0x80, $0x38;
	[tilespmem:$0x1BC80] =	vst v63  }
0x93: {  	s26 =	rddreg [dreg:$0x14]  }
0x94: {  	[tilespmem:s31], [sflag:$0x1] =	stream.linear.gather [hbm4b:s26+s24], $0x80, $0x38;
	[tilespmem:$0x1BC80] =	vst v63  }
0x95: {  	_ =	swait.ge [sflag:s11], $0x4000  }
0x96: {  	[sflag:s11] =	ssyncset.done $0x0  }
0x97: {  	[sflag:s11] =	ssyncadd.s32 $0xFFFFC000  }
0x98: {  	[spmem:s1] =	stream.indirect.scatter.add.f32 [tilespmem:s4], [sflag:$0x7], $0x80, s10, s0, $0xb8;
	[tilespmem:$0x1BC80] =	vst v63  }
0x99: {  	_ =	swait.ge [sflag:s12], $0x4000  }
0x9a: {  	[sflag:s12] =	ssyncset.done $0x0  }
0x9b: {  	[sflag:s12] =	ssyncadd.s32 $0xFFFFC000  }
0x9c: {  	_ =	swait.ge [sflag:s6], $0x80  }
0x9d: {  	[sflag:s6] =	ssyncset.done $0x0  }
0x9e: {  	[sflag:s6] =	ssyncadd.s32 $0xFFFFFF80  }
0x9f: {  	_ =	swait.ge [sflag:s6], $0x80  }
0xa0: {  	[sflag:s6] =	ssyncset.done $0x0  }
0xa1: {  	[sflag:s6] =	ssyncadd.s32 $0xFFFFFF80  }
0xa2: {  	[tilespmem:s4], [sflag:$0x5] =	stream.indirect.gather [hbm4b:s19+s0], $0x80, s24, s0, $0xb8;
	[tilespmem:$0x1BC80] =	vst v63  }
0xa3: {  	s28 =	rddreg [dreg:$0x15]  }
0xa4: {  	[tilespmem:s0], [sflag:$0x2] =	stream.linear.gather [hbm4b:s28+s24], $0x80, $0x38;
	[tilespmem:$0x1BC80] =	vst v63  }
0xa5: {  	s29 =	rddreg [dreg:$0x16]  }
0xa6: {  	[tilespmem:s3], [sflag:$0x2] =	stream.linear.gather [hbm4b:s29+s24], $0x80, $0x38;
	[tilespmem:$0x1BC80] =	vst v63  }
0xa7: {  	_ =	swait.ge [sflag:s16], $0x4000  }
0xa8: {  	[sflag:s16] =	ssyncset.done $0x0  }
0xa9: {  	[sflag:s16] =	ssyncadd.s32 $0xFFFFC000  }
0xaa: {  	[spmem:s1] =	stream.indirect.scatter.add.f32 [tilespmem:s8], [sflag:$0x8], $0x80, s15, s0, $0xb8;
	[tilespmem:$0x1BC80] =	vst v63  }
0xab: {  	_ =	swait.ge [sflag:s17], $0x4000  }
0xac: {  	[sflag:s17] =	ssyncset.done $0x0  }
0xad: {  	[sflag:s17] =	ssyncadd.s32 $0xFFFFC000  }
0xae: {  	_ =	swait.ge [sflag:s7], $0x80  }
0xaf: {  	[sflag:s7] =	ssyncset.done $0x0  }
0xb0: {  	[sflag:s7] =	ssyncadd.s32 $0xFFFFFF80  }
0xb1: {  	_ =	swait.ge [sflag:s7], $0x80  }
0xb2: {  	[sflag:s7] =	ssyncset.done $0x0  }
0xb3: {  	[sflag:s7] =	ssyncadd.s32 $0xFFFFFF80  }
0xb4: {  	[tilespmem:s8], [sflag:$0x6] =	stream.indirect.gather [hbm4b:s19+s0], $0x80, s0, s0, $0xb8;
	[tilespmem:$0x1BC80] =	vst v63  }
0xb5: {  	s25 =	sadd.s32 $0x0, s21  }
0xb6: {  	[tilespmem:s9], [sflag:$0x3] =	stream.linear.gather [hbm4b:s25+s2], $0x80, $0x38;
	[tilespmem:$0x1BC80] =	vst v63  }
0xb7: {  	s26 =	sadd.s32 $0x0, s22  }
0xb8: {  	[tilespmem:s10], [sflag:$0x3] =	stream.linear.gather [hbm4b:s26+s2], $0x80, $0x38;
	[tilespmem:$0x1BC80] =	vst v63  }
0xb9: {  	_ =	swait.ge [sflag:s11], $0x4000  }
0xba: {  	[sflag:s11] =	ssyncset.done $0x0  }
0xbb: {  	[sflag:s11] =	ssyncadd.s32 $0xFFFFC000  }
0xbc: {  	[spmem:s1] =	stream.indirect.scatter.add.f32 [tilespmem:s4], [sflag:$0x7], $0x80, s31, s0, $0xb8;
	[tilespmem:$0x1BC80] =	vst v63  }
0xbd: {  	_ =	swait.ge [sflag:s12], $0x4000  }
0xbe: {  	[sflag:s12] =	ssyncset.done $0x0  }
0xbf: {  	[sflag:s12] =	ssyncadd.s32 $0xFFFFC000  }
0xc0: {  	_ =	swait.ge [sflag:s13], $0x80  }
0xc1: {  	[sflag:s13] =	ssyncset.done $0x0  }
0xc2: {  	[sflag:s13] =	ssyncadd.s32 $0xFFFFFF80  }
0xc3: {  	_ =	swait.ge [sflag:s13], $0x80  }
0xc4: {  	[sflag:s13] =	ssyncset.done $0x0  }
0xc5: {  	s28 =	rddreg [dreg:$0x8];
	[sflag:s13] =	ssyncadd.s32 $0xFFFFFF80  }
0xc6: {  	[tilespmem:s4], [sflag:$0x5] =	stream.indirect.gather [hbm4b:s19+s0], $0x80, s9, s0, $0xb8;
	[tilespmem:$0x1BC80] =	vst v63  }
0xc7: {  	s29 =	rddreg [dreg:$0x9];
	s24 =	sadd.s32 $0x0, s28  }
0xc8: {  	[tilespmem:s14], [sflag:$0x4] =	stream.linear.gather [hbm4b:s24+s2], $0x80, $0x38;
	[tilespmem:$0x1BC80] =	vst v63  }
0xc9: {  	s26 =	sadd.s32 $0x0, s29  }
0xca: {  	[tilespmem:s15], [sflag:$0x4] =	stream.linear.gather [hbm4b:s26+s2], $0x80, $0x38;
	[tilespmem:$0x1BC80] =	vst v63  }
0xcb: {  	_ =	swait.ge [sflag:s16], $0x4000  }
0xcc: {  	[sflag:s16] =	ssyncset.done $0x0  }
0xcd: {  	[sflag:s16] =	ssyncadd.s32 $0xFFFFC000  }
0xce: {  	[spmem:s1] =	stream.indirect.scatter.add.f32 [tilespmem:s8], [sflag:$0x8], $0x80, s3, s0, $0xb8;
	[tilespmem:$0x1BC80] =	vst v63  }
0xcf: {  	_ =	swait.ge [sflag:s17], $0x4000  }
0xd0: {  	[sflag:s17] =	ssyncset.done $0x0  }
0xd1: {  	[sflag:s17] =	ssyncadd.s32 $0xFFFFC000  }
0xd2: {  	_ =	swait.ge [sflag:s18], $0x80  }
0xd3: {  	[sflag:s18] =	ssyncset.done $0x0  }
0xd4: {  	[sflag:s18] =	ssyncadd.s32 $0xFFFFFF80  }
0xd5: {  	_ =	swait.ge [sflag:s18], $0x80  }
0xd6: {  	[sflag:s18] =	ssyncset.done $0x0  }
0xd7: {  	s28 =	rddreg [dreg:$0x6];
	[sflag:s18] =	ssyncadd.s32 $0xFFFFFF80  }
0xd8: {  	[tilespmem:s8], [sflag:$0x6] =	stream.indirect.gather [hbm4b:s19+s0], $0x80, s14, s0, $0xb8;
	[tilespmem:$0x1BC80] =	vst v63  }
0xd9: {  	s29 =	rddreg [dreg:$0x7];
	s24 =	sadd.s32 $0x0, s28  }
0xda: {  	[tilespmem:s2], [sflag:$0x1] =	stream.linear.gather [hbm4b:s24+s2], $0x80, $0x38;
	[tilespmem:$0x1BC80] =	vst v63  }
0xdb: {  	s25 =	sadd.s32 $0x0, s29  }
0xdc: {  	[tilespmem:s31], [sflag:$0x1] =	stream.linear.gather [hbm4b:s25+s2], $0x80, $0x38;
	[tilespmem:$0x1BC80] =	vst v63  }
0xdd: {  	_ =	swait.ge [sflag:s11], $0x4000  }
0xde: {  	[sflag:s11] =	ssyncset.done $0x0  }
0xdf: {  	[sflag:s11] =	ssyncadd.s32 $0xFFFFC000  }
0xe0: {  	[spmem:s1] =	stream.indirect.scatter.add.f32 [tilespmem:s4], [sflag:$0x7], $0x80, s10, s0, $0xb8;
	[tilespmem:$0x1BC80] =	vst v63  }
0xe1: {  	_ =	swait.ge [sflag:s12], $0x4000  }
0xe2: {  	[sflag:s12] =	ssyncset.done $0x0  }
0xe3: {  	[sflag:s12] =	ssyncadd.s32 $0xFFFFC000  }
0xe4: {  	_ =	swait.ge [sflag:s6], $0x80  }
0xe5: {  	[sflag:s6] =	ssyncset.done $0x0  }
0xe6: {  	[sflag:s6] =	ssyncadd.s32 $0xFFFFFF80  }
0xe7: {  	_ =	swait.ge [sflag:s6], $0x80  }
0xe8: {  	[sflag:s6] =	ssyncset.done $0x0  }
0xe9: {  	s26 =	rddreg [dreg:$0x4];
	[sflag:s6] =	ssyncadd.s32 $0xFFFFFF80  }
0xea: {  	[tilespmem:s4], [sflag:$0x5] =	stream.indirect.gather [hbm4b:s19+s0], $0x80, s2, s0, $0xb8;
	[tilespmem:$0x1BC80] =	vst v63  }
0xeb: {  	s28 =	rddreg [dreg:$0x5];
	s24 =	sadd.s32 $0x0, s26  }
0xec: {  	[tilespmem:s0], [sflag:$0x2] =	stream.linear.gather [hbm4b:s24+s2], $0x80, $0x38;
	[tilespmem:$0x1BC80] =	vst v63  }
0xed: {  	s29 =	sadd.s32 $0x0, s28  }
0xee: {  	[tilespmem:s3], [sflag:$0x2] =	stream.linear.gather [hbm4b:s29+s2], $0x80, $0x38;
	[tilespmem:$0x1BC80] =	vst v63  }
0xef: {  	_ =	swait.ge [sflag:s16], $0x4000  }
0xf0: {  	[sflag:s16] =	ssyncset.done $0x0  }
0xf1: {  	s24 =	simm.s32 $0x800;
	[sflag:s16] =	ssyncadd.s32 $0xFFFFC000  }
.LBB2_4:
0xf2: {  	[spmem:s1] =	stream.indirect.scatter.add.f32 [tilespmem:s8], [sflag:$0x8], $0x80, s15, s0, $0xb8;
	[tilespmem:$0x1BC80] =	vst v63  }
0xf3: {  	_ =	swait.ge [sflag:s17], $0x4000  }
0xf4: {  	[sflag:s17] =	ssyncset.done $0x0  }
0xf5: {  	[sflag:s17] =	ssyncadd.s32 $0xFFFFC000  }
0xf6: {  	_ =	swait.ge [sflag:s7], $0x80  }
0xf7: {  	[sflag:s7] =	ssyncset.done $0x0  }
0xf8: {  	[sflag:s7] =	ssyncadd.s32 $0xFFFFFF80  }
0xf9: {  	_ =	swait.ge [sflag:s7], $0x80  }
0xfa: {  	[sflag:s7] =	ssyncset.done $0x0  }
0xfb: {  	s25 =	smov.u32 s24;
	[sflag:s7] =	ssyncadd.s32 $0xFFFFFF80  }
0xfc: {  	[tilespmem:s8], [sflag:$0x6] =	stream.indirect.gather [hbm4b:s19+s0], $0x80, s0, s0, $0xb8;
	[tilespmem:$0x1BC80] =	vst v63  }
0xfd: {  	s26 =	sadd.s32 s25, s21  }
0xfe: {  	[tilespmem:s9], [sflag:$0x3] =	stream.linear.gather [hbm4b:s26+s2], $0x80, $0x38;
	[tilespmem:$0x1BC80] =	vst v63  }
0xff: {  	s28 =	sadd.s32 s25, s22  }
0x100: {  	[tilespmem:s10], [sflag:$0x3] =	stream.linear.gather [hbm4b:s28+s2], $0x80, $0x38;
	[tilespmem:$0x1BC80] =	vst v63  }
0x101: {  	_ =	swait.ge [sflag:s11], $0x4000  }
0x102: {  	[sflag:s11] =	ssyncset.done $0x0  }
0x103: {  	[sflag:s11] =	ssyncadd.s32 $0xFFFFC000  }
0x104: {  	[spmem:s1] =	stream.indirect.scatter.add.f32 [tilespmem:s4], [sflag:$0x7], $0x80, s31, s0, $0xb8;
	[tilespmem:$0x1BC80] =	vst v63  }
0x105: {  	_ =	swait.ge [sflag:s12], $0x4000  }
0x106: {  	[sflag:s12] =	ssyncset.done $0x0  }
0x107: {  	[sflag:s12] =	ssyncadd.s32 $0xFFFFC000  }
0x108: {  	_ =	swait.ge [sflag:s13], $0x80  }
0x109: {  	[sflag:s13] =	ssyncset.done $0x0  }
0x10a: {  	[sflag:s13] =	ssyncadd.s32 $0xFFFFFF80  }
0x10b: {  	_ =	swait.ge [sflag:s13], $0x80  }
0x10c: {  	[sflag:s13] =	ssyncset.done $0x0  }
0x10d: {  	s29 =	rddreg [dreg:$0x8];
	[sflag:s13] =	ssyncadd.s32 $0xFFFFFF80  }
0x10e: {  	[tilespmem:s4], [sflag:$0x5] =	stream.indirect.gather [hbm4b:s19+s0], $0x80, s9, s0, $0xb8;
	[tilespmem:$0x1BC80] =	vst v63  }
0x10f: {  	s28 =	rddreg [dreg:$0x9];
	s26 =	sadd.s32 s25, s29  }
0x110: {  	[tilespmem:s14], [sflag:$0x4] =	stream.linear.gather [hbm4b:s26+s2], $0x80, $0x38;
	[tilespmem:$0x1BC80] =	vst v63  }
0x111: {  	s28 =	sadd.s32 s25, s28  }
0x112: {  	[tilespmem:s15], [sflag:$0x4] =	stream.linear.gather [hbm4b:s28+s2], $0x80, $0x38;
	[tilespmem:$0x1BC80] =	vst v63  }
0x113: {  	_ =	swait.ge [sflag:s16], $0x4000  }
0x114: {  	[sflag:s16] =	ssyncset.done $0x0  }
0x115: {  	[sflag:s16] =	ssyncadd.s32 $0xFFFFC000  }
0x116: {  	[spmem:s1] =	stream.indirect.scatter.add.f32 [tilespmem:s8], [sflag:$0x8], $0x80, s3, s0, $0xb8;
	[tilespmem:$0x1BC80] =	vst v63  }
0x117: {  	_ =	swait.ge [sflag:s17], $0x4000  }
0x118: {  	[sflag:s17] =	ssyncset.done $0x0  }
0x119: {  	[sflag:s17] =	ssyncadd.s32 $0xFFFFC000  }
0x11a: {  	_ =	swait.ge [sflag:s18], $0x80  }
0x11b: {  	[sflag:s18] =	ssyncset.done $0x0  }
0x11c: {  	[sflag:s18] =	ssyncadd.s32 $0xFFFFFF80  }
0x11d: {  	_ =	swait.ge [sflag:s18], $0x80  }
0x11e: {  	[sflag:s18] =	ssyncset.done $0x0  }
0x11f: {  	s26 =	rddreg [dreg:$0x6];
	[sflag:s18] =	ssyncadd.s32 $0xFFFFFF80  }
0x120: {  	[tilespmem:s8], [sflag:$0x6] =	stream.indirect.gather [hbm4b:s19+s0], $0x80, s14, s0, $0xb8;
	[tilespmem:$0x1BC80] =	vst v63  }
0x121: {  	s29 =	rddreg [dreg:$0x7];
	s26 =	sadd.s32 s25, s26  }
0x122: {  	[tilespmem:s2], [sflag:$0x1] =	stream.linear.gather [hbm4b:s26+s2], $0x80, $0x38;
	[tilespmem:$0x1BC80] =	vst v63  }
0x123: {  	s28 =	sadd.s32 s25, s29  }
0x124: {  	[tilespmem:s31], [sflag:$0x1] =	stream.linear.gather [hbm4b:s28+s2], $0x80, $0x38;
	[tilespmem:$0x1BC80] =	vst v63  }
0x125: {  	_ =	swait.ge [sflag:s11], $0x4000  }
0x126: {  	[sflag:s11] =	ssyncset.done $0x0  }
0x127: {  	[sflag:s11] =	ssyncadd.s32 $0xFFFFC000  }
0x128: {  	[spmem:s1] =	stream.indirect.scatter.add.f32 [tilespmem:s4], [sflag:$0x7], $0x80, s10, s0, $0xb8;
	[tilespmem:$0x1BC80] =	vst v63  }
0x129: {  	_ =	swait.ge [sflag:s12], $0x4000  }
0x12a: {  	[sflag:s12] =	ssyncset.done $0x0  }
0x12b: {  	[sflag:s12] =	ssyncadd.s32 $0xFFFFC000  }
0x12c: {  	_ =	swait.ge [sflag:s6], $0x80  }
0x12d: {  	[sflag:s6] =	ssyncset.done $0x0  }
0x12e: {  	[sflag:s6] =	ssyncadd.s32 $0xFFFFFF80  }
0x12f: {  	_ =	swait.ge [sflag:s6], $0x80  }
0x130: {  	[sflag:s6] =	ssyncset.done $0x0  }
0x131: {  	s26 =	rddreg [dreg:$0x4];
	[sflag:s6] =	ssyncadd.s32 $0xFFFFFF80  }
0x132: {  	[tilespmem:s4], [sflag:$0x5] =	stream.indirect.gather [hbm4b:s19+s0], $0x80, s2, s0, $0xb8;
	[tilespmem:$0x1BC80] =	vst v63  }
0x133: {  	p2 =	sne.s32 s24, $0x8800;
	s29 =	rddreg [dreg:$0x5];
	s26 =	sadd.s32 s25, s26  }
0x134: {  	[tilespmem:s0], [sflag:$0x2] =	stream.linear.gather [hbm4b:s26+s2], $0x80, $0x38;
	[tilespmem:$0x1BC80] =	vst v63  }
.Ltmp1:
0x135: {  	s25 =	sadd.s32 s25, s29;
	(pc) =	sbr.rel @p2 .LBB2_4-.Ltmp1, $4  }
0x136: {  	[tilespmem:s3], [sflag:$0x2] =	stream.linear.gather [hbm4b:s25+s2], $0x80, $0x38;
	[tilespmem:$0x1BC80] =	vst v63  }
0x137: {  	_ =	swait.ge [sflag:s16], $0x4000  }
0x138: {  	[sflag:s16] =	ssyncset.done $0x0  }
0x139: {  	s24 =	sadd.s32 $0x800, s24;
	[sflag:s16] =	ssyncadd.s32 $0xFFFFC000  }
0x13a: {  	[spmem:s1] =	stream.indirect.scatter.add.f32 [tilespmem:s8], [sflag:$0x8], $0x80, s15, s0, $0xb8;
	[tilespmem:$0x1BC80] =	vst v63  }
0x13b: {  	_ =	swait.ge [sflag:s17], $0x4000  }
0x13c: {  	[sflag:s17] =	ssyncset.done $0x0  }
0x13d: {  	[sflag:s17] =	ssyncadd.s32 $0xFFFFC000  }
0x13e: {  	_ =	swait.ge [sflag:s7], $0x80  }
0x13f: {  	[sflag:s7] =	ssyncset.done $0x0  }
0x140: {  	[sflag:s7] =	ssyncadd.s32 $0xFFFFFF80  }
0x141: {  	_ =	swait.ge [sflag:s7], $0x80  }
0x142: {  	[sflag:s7] =	ssyncset.done $0x0  }
0x143: {  	[sflag:s7] =	ssyncadd.s32 $0xFFFFFF80  }
0x144: {  	[tilespmem:s8], [sflag:$0x6] =	stream.indirect.gather [hbm4b:s19+s0], $0x80, s0, s0, $0xb8;
	[tilespmem:$0x1BC80] =	vst v63  }
0x145: {  	_ =	swait.ge [sflag:s11], $0x4000  }
0x146: {  	[sflag:s11] =	ssyncset.done $0x0  }
0x147: {  	[sflag:s11] =	ssyncadd.s32 $0xFFFFC000  }
0x148: {  	[spmem:s1] =	stream.indirect.scatter.add.f32 [tilespmem:s4], [sflag:$0x7], $0x80, s31, s0, $0xb8;
	[tilespmem:$0x1BC80] =	vst v63  }
0x149: {  	_ =	swait.ge [sflag:s12], $0x4000  }
0x14a: {  	[sflag:s12] =	ssyncset.done $0x0  }
0x14b: {  	[sflag:s12] =	ssyncadd.s32 $0xFFFFC000  }
0x14c: {  	_ =	swait.ge [sflag:s16], $0x4000  }
0x14d: {  	[sflag:s16] =	ssyncset.done $0x0  }
0x14e: {  	[sflag:s16] =	ssyncadd.s32 $0xFFFFC000  }
0x14f: {  	[spmem:s1] =	stream.indirect.scatter.add.f32 [tilespmem:s8], [sflag:$0x8], $0x80, s3, s0, $0xb8;
	[tilespmem:$0x1BC80] =	vst v63  }
0x150: {  	_ =	swait.ge [sflag:s17], $0x4000  }
0x151: {  	[sflag:s17] =	ssyncset.done $0x0  }
0x152: {  	s24 =	simm.s32 @!p1 $0x0;
	s25 =	rddreg [dreg:$0x17];
	[sflag:s17] =	ssyncadd.s32 $0xFFFFC000  }
0x153: {  	[tilespmem:s24], [sflag:$0x9] =	stream.linear.gather @!p1 [hbm4b:s25+s24], $0x80, $0x38;
	[tilespmem:$0x1BC80] =	vst v63  }
0x154: {  	s25 =	simm.s32 @!p1 $0x9  }
0x155: {  	_ =	swait.ge @!p1 [sflag:s25], $0x80  }
0x156: {  	[sflag:s25] =	ssyncset.done @!p1 $0x0  }
0x157: {  	s26 =	simm.s32 @!p1 $0x200;
	s28 =	rddreg [dreg:$0x18];
	[sflag:s25] =	ssyncadd.s32 @!p1 $0xFFFFFF80  }
0x158: {  	[tilespmem:s26], [sflag:$0x9] =	stream.linear.gather @!p1 [hbm4b:s28+s24], $0x80, $0x38;
	[tilespmem:$0x1BC80] =	vst v63  }
0x159: {  	_ =	swait.ge @!p1 [sflag:s25], $0x80  }
0x15a: {  	[sflag:s25] =	ssyncset.done @!p1 $0x0  }
0x15b: {  	s29 =	simm.s32 @!p1 $0x400;
	s28 =	simm.s32 @!p1 $0x80;
	[sflag:s25] =	ssyncadd.s32 @!p1 $0xFFFFFF80  }
0x15c: {  	[tilespmem:s29], [sflag:$0x5] =	stream.indirect.gather @!p1 [hbm4b:s19+s28], $0x80, s24, s28, $0xb8;
	[tilespmem:$0x1BC80] =	vst v63  }
0x15d: {  	s24 =	simm.s32 @!p1 $0x5  }
0x15e: {  	_ =	swait.ge @!p1 [sflag:s24], $0x4000  }
0x15f: {  	[sflag:s24] =	ssyncset.done @!p1 $0x0  }
0x160: {  	[sflag:s24] =	ssyncadd.s32 @!p1 $0xFFFFC000  }
0x161: {  	[spmem:s1] =	stream.indirect.scatter.add.f32 @!p1 [tilespmem:s29], [sflag:$0x9], $0x80, s26, s28, $0xb8;
	[tilespmem:$0x1BC80] =	vst v63  }
0x162: {  	_ =	swait.ge @!p1 [sflag:s25], $0x4000  }
0x163: {  	[sflag:s25] =	ssyncset.done @!p1 $0x0  }
0x164: {  	[sflag:s25] =	ssyncadd.s32 @!p1 $0xFFFFC000;
	s25 =	stileid.u32  }
0x165: {  	s24 =	sshll.u32 s25, $0x6;
	[bflag:$0x0] =	sbarrier.arrive $0xFFFF  }
0x166: {  	s26 =	sshrl.u32 s20, $0x3;
	s24 =	sor.u32 $0x1C02, s24;
	s28 =	rddreg [dreg:$0x12]  }
0x167: {  	[hbm:s28], [sflag:s24] =	dma.local [spmem:s26], $0x2700  }
0x168: {  	s25 =	simm.s32 @!p0 $0x1FC9;
	s24 =	sshrl.u32 @!p0 s30, $0x3;
	s26 =	rddreg [dreg:$0x1a]  }
0x169: {  	[hbm:s26], [sflag:s25] =	dma.local @!p0 [spmem:s24], $0x100  }
0x16a: {  	s24 =	simm.s32 @!p0 $0x9  }
0x16b: {  	_ =	swait.ge @!p0 [sflag:s24], $0x100  }
0x16c: {  	[sflag:s24] =	ssyncset.done @!p0 $0x0  }
0x16d: {  	[sflag:s24] =	ssyncadd.s32 @!p0 $0xFFFFFF00  }
0x16e: {  	_ =	swait.ge [sflag:s7], $0x2700  }
0x16f: {  	s23 =	sadd.s32 $0x1, s23;
	s29 =	rddreg [dreg:$0x1b]  }
0x170: {  	p2 =	sne.s32 s23, s29  }
.Ltmp2:
0x171: {  	_ = 	snop;
	(pc) =	sbr.rel @p2 .LBB2_1-.Ltmp2, $3  }
0x172: {  	_ =	sdelay $0x1  }
0x173: {  	[sflag:s7] =	ssyncset.done $0x0  }
0x174: {  	[sflag:s7] =	ssyncadd.s32 $0xFFFFD900  }
0x175: {  	_ =	sfence.sel $0x180000  }
0x176: {  	[bflag:$0x0] =	sbarrier.arrive $0xFFFF  }
0x177: {  	_ =	strace $0x9000004A  }
0x178: {  	s0 =	stileid.u32;
	[bflag:$0x2] =	sbarrier.arrive $0xFFFF  }
0x179: {  	p0 =	sne.s32 s0, $0x0;
	s0 =	rddreg [dreg:$0x3]  }
0x17a: {  	s0 =	sadd.s32 @!p0 $0x100000, s0  }
0x17b: {  	[sflag:s0] =	ssyncadd.tile.s32 @!p0 $0x1;
	_ =	shalt  }
.Lfunc_end2:
_tile_overlayer_lowered:
.L_overlay_start_2:
0x17c: {  	(tag) =	ssettag $0x2  }
0x17d: {  	s0 =	rddreg [dreg:$0x0];
	s2 =	stileid.u32  }
0x17e: {  	s1 =	rddreg [dreg:$0x1];
	p0 =	sne.s32 s2, $0x0  }
0x17f: {  	s3 =	rddreg [dreg:$0x2];
	[bflag:$0x3] =	sbarrier.arrive $0xFFFF;
	s2 =	simm.s32 @!p0 $0x1C09  }
0x180: {  	[timem:s3], [sflag:s2] =	dma.local @!p0 [hbm:s0], s1  }
0x181: {  	s0 =	simm.s32 @!p0 $0x9  }
0x182: {  	_ =	swait.ge @!p0 [sflag:s0], s1  }
0x183: {  	s1 =	ssub.s32 @!p0 $0x0, s1;
	[sflag:s0] =	ssyncset.done @!p0 $0x0  }
0x184: {  	[sflag:s0] =	ssyncadd.s32 @!p0 s1  }
0x185: {  	[bflag:$0x3] =	sbarrier.arrive $0xFFFF  }
0x186: {  	_ =	shalt  }

// kernel: kernel.8.cloned.1.call-start
scs
__scs_entry_jumppad:
0x0: {  	(pc) =	sbr.rel $0x88, $3  }
0x1: {  	(tag) =	ssettag $0x0;
	lr =	simm.s32 $0x1  }
0x2: {  	[smem:$0x3F97] =	sst lr;
	_ =	strace $0xD0000000  }
0x3: {  	_ = 	snop  }
0x4: {  	_ = 	snop  }
0x5: {  	_ = 	snop  }
0x6: {  	_ = 	snop  }
0x7: {  	_ = 	snop  }
__scs_overlays_trampoline_lowered:
0x8: {  	[smem:$0x3FA6] =	sst s0  }
0x9: {  	[smem:$0x3FA7] =	sst s1  }
0xa: {  	[smem:$0x3FA8] =	sst s2  }
0xb: {  	[smem:$0x3FA9] =	sst s3  }
0xc: {  	[smem:$0x3FAA] =	sst s4  }
0xd: {  	[smem:$0x3FAB] =	sst s5  }
0xe: {  	[smem:$0x3FAC] =	sst s6  }
0xf: {  	[smem:$0x3FAD] =	sst s7  }
0x10: {  	[smem:$0x3FAE] =	sst s8  }
0x11: {  	[smem:$0x3FAF] =	sst s9;
	s0 =	simm.s32 @!p0 $0x0  }
0x12: {  	s1 =	sld [smem:$0x3F95];
	s0 =	simm.s32 @p0 $0x1  }
0x13: {  	[smem:$0x3FB0] =	sst s0;
	s0 =	simm.s32 @!p1 $0x0  }
0x14: {  	s2 =	sld [smem:$0x3F94];
	s0 =	simm.s32 @p1 $0x1  }
0x15: {  	[smem:$0x3FB1] =	sst s0;
	s0 =	simm.s32 @!p2 $0x0  }
0x16: {  	s3 =	sld [smem:$0x3FDB];
	s0 =	simm.s32 @p2 $0x1  }
0x17: {  	s4 =	simm.s32 $0x1BF5;
	[smem:$0x3FB3] =	sst s0  }
0x18: {  	s0 =	sld [smem:$0x3F96];
	_ =	swait.ge [sflag:s4], $0x0  }
0x19: {  	s7 =	sld [smem:$0x3F97]  }
0x1a: {  	s8 =	sadd.s32 $0xFFFFE003, lr  }
0x1b: {  	s9 =	sadd.s32 $0xFFFFFEF7, lr;
	s5 =	simm.s32 $0xFFFFFFFF;
	p2 =	slt.u32 s8, $0xFFFFF086  }
0x1c: {  	p1 =	slt.u32 s9, $0xF7A;
	s5 =	simm.s32 @!p2 $0x0  }
0x1d: {  	s5 =	simm.s32 @p1 $0x1;
	p0 =	seq.s32 s7, s2  }
0x1e: {  	s7 =	smul.u32 @!p0 $0xF7A, s2;
	p2 =	seq.s32 @!p0 s5, $0x0  }
0x1f: {  	s9 =	smul.u32 $0xF7A, s1;
	s8 =	simm.s32 @!p0 $0x1BF5;
	p2 =	por !p2, p0  }
0x20: {  	[sflag:s8] =	ssyncset.s32 @!p0 $0xFFFFF086;
	s6 =	sadd.s32 @!p0 s3, s7;
	s7 =	simm.s32 @!p0 $0x108  }
0x21: {  	s3 =	sadd.s32 s3, s9;
	s6 =	sadd.s32 @!p0 $0x88, s6;
	s7 =	simm.s32 @p2 $0x1082  }
0x22: {  	[simem:s7], [sflag:s8] =	dma.local @!p0 [hbm:s6], $0xF7A  }
0x23: {  	s9 =	sor.u32 $0xD0000000, s2;
	s6 =	simm.s32 $0x108;
	_ =	swait.ge @!p0 [sflag:s8], $0x0  }
0x24: {  	s3 =	sadd.s32 $0x88, s3;
	s6 =	simm.s32 @!p1 $0x1082;
	[sflag:s4] =	ssyncset.s32 $0xFFFFF086  }
0x25: {  	[simem:s6], [sflag:s4] =	dma.local [hbm:s3], $0xF7A  }
0x26: {  	[smem:$0x3F97] =	sst s1;
	(tag) =	ssettag s2;
	_ =	strace s9  }
0x27: {  	s1 =	sld [smem:$0x3FA7]  }
0x28: {  	s2 =	sld [smem:$0x3FA8]  }
0x29: {  	s4 =	sld [smem:$0x3FAA]  }
0x2a: {  	p0 =	seq.s32 s5, $0x0;
	s5 =	sld [smem:$0x3FAB]  }
0x2b: {  	s6 =	sld [smem:$0x3FAC]  }
0x2c: {  	s7 =	sld [smem:$0x3FAD]  }
0x2d: {  	s3 =	simm.s32 $0x108;
	s8 =	sld [smem:$0x3FAE]  }
0x2e: {  	s3 =	simm.s32 @!p0 $0x1082;
	s9 =	sld [smem:$0x3FAF]  }
0x2f: {  	lr =	sadd.s32 s0, s3;
	s0 =	sld [smem:$0x3FA6]  }
0x30: {  	s3 =	sld [smem:$0x3FA9]  }
0x31: {  	[smem:$0x3FB2] =	sst s10  }
0x32: {  	s10 =	sld [smem:$0x3FB0];
	_ =	sdelay $0x3  }
0x33: {  	p0 =	seq.s32 s10, $0x1;
	s10 =	sld [smem:$0x3FB2];
	_ =	sdelay $0x3  }
0x34: {  	[smem:$0x3FB2] =	sst s10  }
0x35: {  	s10 =	sld [smem:$0x3FB1];
	_ =	sdelay $0x3  }
0x36: {  	p1 =	seq.s32 s10, $0x1;
	s10 =	sld [smem:$0x3FB2];
	_ =	sdelay $0x3  }
0x37: {  	[smem:$0x3FB2] =	sst s10  }
0x38: {  	s10 =	sld [smem:$0x3FB3]  }
0x39: {  	_ = 	snop;
	(pc) =	sbr.ind lr, $3  }
0x3a: {  	_ = 	snop  }
0x3b: {  	_ = 	snop  }
0x3c: {  	p2 =	seq.s32 s10, $0x1;
	s10 =	sld [smem:$0x3FB2]  }
0x3d: {  	_ =	shalt  }
0x3e: {  	_ =	shalt  }
0x3f: {  	_ =	shalt  }
0x40: {  	_ =	shalt  }
0x41: {  	_ =	shalt  }
0x42: {  	_ =	shalt  }
0x43: {  	_ =	shalt  }
0x44: {  	_ =	shalt  }
0x45: {  	_ =	shalt  }
0x46: {  	_ =	shalt  }
0x47: {  	_ =	shalt  }
0x48: {  	_ =	shalt  }
0x49: {  	_ =	shalt  }
0x4a: {  	_ =	shalt  }
0x4b: {  	_ =	shalt  }
0x4c: {  	_ =	shalt  }
0x4d: {  	_ =	shalt  }
0x4e: {  	_ =	shalt  }
0x4f: {  	_ =	shalt  }
0x50: {  	_ =	shalt  }
0x51: {  	_ =	shalt  }
0x52: {  	_ =	shalt  }
0x53: {  	_ =	shalt  }
0x54: {  	_ =	shalt  }
0x55: {  	_ =	shalt  }
0x56: {  	_ =	shalt  }
0x57: {  	_ =	shalt  }
0x58: {  	_ =	shalt  }
0x59: {  	_ =	shalt  }
0x5a: {  	_ =	shalt  }
0x5b: {  	_ =	shalt  }
0x5c: {  	_ =	shalt  }
0x5d: {  	_ =	shalt  }
0x5e: {  	_ =	shalt  }
0x5f: {  	_ =	shalt  }
0x60: {  	_ =	shalt  }
0x61: {  	_ =	shalt  }
0x62: {  	_ =	shalt  }
0x63: {  	_ =	shalt  }
0x64: {  	_ =	shalt  }
0x65: {  	_ =	shalt  }
0x66: {  	_ =	shalt  }
0x67: {  	_ =	shalt  }
0x68: {  	_ =	shalt  }
0x69: {  	_ =	shalt  }
0x6a: {  	_ =	shalt  }
0x6b: {  	_ =	shalt  }
0x6c: {  	_ =	shalt  }
0x6d: {  	_ =	shalt  }
0x6e: {  	_ =	shalt  }
0x6f: {  	_ =	shalt  }
0x70: {  	_ =	shalt  }
0x71: {  	_ =	shalt  }
0x72: {  	_ =	shalt  }
0x73: {  	_ =	shalt  }
0x74: {  	_ =	shalt  }
0x75: {  	_ =	shalt  }
0x76: {  	_ =	shalt  }
0x77: {  	_ =	shalt  }
0x78: {  	_ =	shalt  }
0x79: {  	_ =	shalt  }
0x7a: {  	_ =	shalt  }
0x7b: {  	_ =	shalt  }
0x7c: {  	_ =	shalt  }
0x7d: {  	_ =	shalt  }
0x7e: {  	_ =	shalt  }
0x7f: {  	_ =	shalt  }
0x80: {  	_ =	shalt  }
0x81: {  	_ =	shalt  }
0x82: {  	_ =	shalt  }
0x83: {  	_ =	shalt  }
0x84: {  	_ =	shalt  }
0x85: {  	_ =	shalt  }
0x86: {  	_ =	shalt  }
0x87: {  	_ =	shalt  }
.Lfunc_end0:
.L_simem_size_0:
called_computation_lowered:
.L_overlay_start_0:
0x88: {  	s2 =	sld [smem:$0x3FD9]  }
0x89: {  	s3 =	sld [smem:$0x3FFE];
	_ =	sdelay $0x1  }
0x8a: {  	s1 =	srdreg.scid  }
0x8b: {  	s0 =	sand.u32 $0x1, s1  }
0x8c: {  	s17 =	sshll.u32 s0, $0xA;
	s2 =	sadd.s32 s3, s2  }
0x8d: {  	s2 =	sadd.s32 s2, s17  }
0x8e: {  	[smem:$0x3FBE] =	sst s2  }
0x8f: {  	_ = 	snop  }
0x90: {  	s2 =	sld [smem:$0x3FC9]  }
0x91: {  	s18 =	sld [smem:$0x3FD0];
	(tm) =	ssettm $0x1  }
0x92: {  	s4 =	sld [smem:$0x3FFB];
	_ =	sdelay $0x3  }
0x93: {  	_ =	strace s4  }
0x94: {  	s4 =	sld [smem:$0x3FFC];
	_ =	sdelay $0x3  }
0x95: {  	_ =	strace s4  }
0x96: {  	s4 =	sld [smem:$0x3FFD];
	_ =	sdelay $0x3  }
0x97: {  	_ =	strace s4  }
0x98: {  	_ =	strace $0x8FFFFFFF  }
0x99: {  	s19 =	sld [smem:$0x3FDB];
	_ =	sdelay $0x1  }
0x9a: {  	s5 =	simm.s32 $_scs_section_size  }
0x9b: {  	s6 =	simm.s32 $_size__tile_overlayer_lowered;
	s7 =	simm.s32 $_tile_overlayer_lowered  }
0x9c: {  	s22 =	simm.s32 $0x1BFF;
	s21 =	sshll.u32 s7, $0x1;
	s4 =	sadd.s32 s5, s19  }
0x9d: {  	s8 =	simm.s32 $0x0;
	s20 =	sshll.u32 s6, $0x1;
	s6 =	sadd.s32 s21, s4  }
0x9e: {  	[timem:s8], [sflag:s22] =	dma.local [hbm:s6], s20  }
0x9f: {  	_ =	swait.ge [sflag:s22], s20  }
0xa0: {  	s5 =	ssub.s32 $0x0, s20;
	[sflag:s22] =	ssyncset.done $0x0  }
0xa1: {  	[sflag:s22] =	ssyncadd.s32 s5;
	_ =	sdelay $0x1  }
0xa2: {  	s23 =	simm.s32 $0x1B8B  }
0xa3: {  	_ =	swait.ge [sflag:s23], $0x1  }
0xa4: {  	[sflag:s23] =	ssyncset.done $0x0  }
0xa5: {  	s25 =	simm.s32 $0x1B8E;
	s24 =	sld [smem:$0x3FFE];
	[sflag:s23] =	ssyncadd.s32 $0xFFFFFFFF  }
0xa6: {  	s26 =	simm.s32 $execute0_lowered;
	[smem:$0x3FD2] =	sst s25  }
0xa7: {  	s6 =	sshll.u32 s26, $0x1;
	_ =	strace $0x80000046;
	[dreg:$0x1] =	wrdreg $0xFFFFFFFF  }
0xa8: {  	s28 =	simm.s32 $_size_execute0_lowered;
	s4 =	sadd.s32 s4, s6;
	[dreg:$0x0] =	wrdreg $0x0  }
0xa9: {  	s6 =	sshll.u32 s28, $0x1;
	[dreg:$0x2] =	wrdreg s4  }
0xaa: {  	[dreg:$0x3] =	wrdreg s6  }
0xab: {  	[dreg:$0x4] =	wrdreg $0xC0  }
0xac: {  	_ =	task [dreg:s8], $0x5FFFF  }
0xad: {  	[dreg:$0x1] =	wrdreg $0xFFFFFFFF  }
0xae: {  	[dreg:$0x0] =	wrdreg $0x60  }
0xaf: {  	[dreg:$0x2] =	wrdreg s2  }
0xb0: {  	[dreg:$0x3] =	wrdreg s24  }
0xb1: {  	[dreg:$0x4] =	wrdreg s18  }
0xb2: {  	[dreg:$0x5] =	wrdreg $0x84000  }
0xb3: {  	[dreg:$0x6] =	wrdreg $0x9  }
0xb4: {  	_ =	task.clear_ibuf [dreg:s8], $0x7FFFF;
	_ =	strace $0x90000046  }
0xb5: {  	s29 =	simm.s32 $0x9;
	_ =	strace $0x80000048  }
0xb6: {  	_ =	swait.ge [sflag:s29], $0x1  }
0xb7: {  	[sflag:s29] =	ssyncadd.s32 $0xFFFFFFFF  }
0xb8: {  	_ =	strace $0x90000048  }
0xb9: {  	_ =	sfence  }
0xba: {  	s30 =	sld [smem:$0x0];
	_ =	sdelay $0x2  }
0xbb: {  	s31 =	sshll.u32 s1, $0xD;
	s1 =	sshrl.u32 s1, $0x2  }
0xbc: {  	s3 =	sand.u32 $0x4000, s31;
	s1 =	sadd.s32 s1, s30  }
0xbd: {  	s0 =	sor.u32 s3, s0;
	s1 =	sshll.u32 s1, $0x11  }
0xbe: {  	s0 =	sor.u32 s1, s0  }
0xbf: {  	s0 =	sadd.s32 $0x8F2B, s0  }
0xc0: {  	[sflag:s0] =	ssyncadd.remote.s32 $0x1  }
0xc1: {  	_ =	sfence.sel $0xFFFF  }
0xc2: {  	[dreg:$0x0] =	wrdreg $0xFFFFFFFF;
	(pc) =	sbr.abs _section_cstart, $3  }
0xc3: {  	[dreg:$0x1] =	wrdreg $0xFFFFFFFF  }
0xc4: {  	_ =	task.clear_ibuf [dreg:s8], $0x2FFFF;
	_ =	strace $0x9FFFFFFF  }
0xc5: {  	(tm) =	ssettm $0x7FFFFFFF  }
tec
execute0_lowered:
.L_overlay_start_1:
0x0: {  	(tag) =	ssettag $0x1  }
0x1: {  	s1 =	rddreg [dreg:$0x0]  }
0x2: {  	s2 =	rddreg [dreg:$0x1]  }
0x3: {  	s0 =	rddreg [dreg:$0x2]  }
0x4: {  	s3 =	rddreg [dreg:$0x3];
	s5 =	srdreg.scid  }
0x5: {  	s17 =	stileid.u32;
	s4 =	simm.s32 $0x0;
	s31 =	simm.s32 $0x200  }
0x6: {  	s7 =	sand.u32 $0x1, s5;
	s18 =	sshll.u32 s17, $0x1;
	[smem:$0x7FF] =	sst s4  }
0x7: {  	s6 =	sadd.s32 $0x2000, s2;
	s9 =	sadd.s32 $0x15C00, s2;
	s25 =	smul.u32 $0x2700, s17  }
0x8: {  	p0 =	sne.s32 s17, $0xF;
	p1 =	sgt.u32 s17, $0x1;
	s30 =	sadd.s32 $0x138000, s3  }
0x9: {  	s5 =	sor.u32 s7, s18;
	_ =	strace $0x80000047;
	s13 =	smul.u32 $0x27100, s7  }
0xa: {  	s10 =	ssub.s32 $0x2, s7;
	s15 =	sshll.u32 s7, $0x4;
	s7 =	smul.u32 $0x138800, s7  }
0xb: {  	s8 =	smul.u32 $0x4E2, s5;
	s19 =	sshrl.u32 s10, $0x1;
	s11 =	sshll.u32 s5, $0x4  }
0xc: {  	s5 =	ssub.s32 s10, s19;
	s20 =	sadd.s32 s6, s11;
	s21 =	sor.u32 $0x200, s11  }
0xd: {  	s22 =	sadd.s32 s0, s11;
	s24 =	sor.u32 $0x400, s11;
	[dreg:$0xc] =	wrdreg s20  }
0xe: {  	s26 =	sor.u32 $0x600, s11;
	[dreg:$0xd] =	wrdreg s22;
	s23 =	sadd.s32 s6, s21  }
0xf: {  	s2 =	sadd.s32 s8, s2;
	s8 =	sadd.s32 s0, s21;
	[dreg:$0xe] =	wrdreg s23  }
0x10: {  	s7 =	sshrl.u32 s7, $0x3;
	s12 =	sadd.s32 s6, s24;
	[dreg:$0xf] =	wrdreg s8  }
0x11: {  	s10 =	sadd.s32 s0, s24;
	s16 =	sadd.s32 s6, s26;
	[dreg:$0x10] =	wrdreg s12  }
0x12: {  	s7 =	sadd.s32 s9, s7;
	[dreg:$0x11] =	wrdreg s10;
	s12 =	sshll.u32 s17, $0x5  }
0x13: {  	[dreg:$0x12] =	wrdreg s16;
	s8 =	sadd.s32 s25, s13;
	s10 =	sadd.s32 s0, s26  }
0x14: {  	s25 =	sor.u32 $0x800, s11;
	s14 =	sor.u32 $0x1200, s12;
	s15 =	sor.u32 s15, s12  }
0x15: {  	s29 =	sor.u32 $0x1000, s12;
	s21 =	sor.u32 $0xE00, s12;
	[dreg:$0x13] =	wrdreg s10  }
0x16: {  	s26 =	sadd.s32 s6, s25;
	s8 =	sadd.s32 s9, s8;
	s14 =	sand.u32 $0x1380, s14  }
0x17: {  	s15 =	sand.u32 $0x70, s15;
	s19 =	sand.u32 $0x1180, s29;
	[dreg:$0x14] =	wrdreg s26  }
0x18: {  	s16 =	sand.u32 $0xF80, s21;
	[dreg:$0x16] =	wrdreg s8;
	s28 =	sadd.s32 s14, s6  }
0x19: {  	s14 =	sadd.s32 s14, s0;
	s20 =	sadd.s32 s19, s6;
	s23 =	sadd.s32 s16, s6  }
0x1a: {  	s29 =	sadd.s32 s16, s0;
	s13 =	sadd.s32 s15, s28;
	s18 =	sadd.s32 s15, s14  }
0x1b: {  	s14 =	sadd.s32 s19, s0;
	s24 =	sadd.s32 s15, s23;
	s28 =	sadd.s32 s0, s25  }
0x1c: {  	s10 =	sadd.s32 s15, s29;
	s19 =	sor.u32 $0x9C00, s11;
	[dreg:$0x5] =	wrdreg s13  }
0x1d: {  	s23 =	sadd.s32 $0xBE00, s2;
	s25 =	smax.u32 s5, $0x1;
	[dreg:$0x6] =	wrdreg s18  }
0x1e: {  	s2 =	simm.s32 $0x280;
	s5 =	simm.s32 $0x400;
	[dreg:$0x9] =	wrdreg s24  }
0x1f: {  	s13 =	sadd.s32 s15, s20;
	s22 =	sadd.s32 s15, s14;
	[dreg:$0x15] =	wrdreg s28  }
0x20: {  	[dreg:$0xa] =	wrdreg s10;
	s18 =	sor.u32 $0xC00, s12;
	s20 =	smul.u32 $0x4E000, s17  }
0x21: {  	s9 =	sadd.s32 s0, s19;
	[dreg:$0x1c] =	wrdreg s23;
	s24 =	sadd.s32 $0x27000, s7  }
0x22: {  	[dreg:$0x1e] =	wrdreg s25;
	s7 =	simm.s32 $0x1;
	s10 =	simm.s32 $0x100  }
0x23: {  	s12 =	simm.s32 $0x5;
	s17 =	simm.s32 $0x380;
	[dreg:$0x7] =	wrdreg s13  }
0x24: {  	s23 =	simm.s32 $0x0;
	[dreg:$0x8] =	wrdreg s22;
	s13 =	sor.u32 $0xA00, s11  }
0x25: {  	s8 =	sand.u32 $0xD80, s18;
	s11 =	sadd.s32 s6, s19;
	[dreg:$0x1a] =	wrdreg s9  }
0x26: {  	[dreg:$0x1d] =	wrdreg s24;
	s9 =	simm.s32 $0x4400;
	s18 =	simm.s32 $0x6  }
0x27: {  	s19 =	simm.s32 $0x8;
	s14 =	sadd.s32 s6, s13;
	s16 =	sadd.s32 s0, s13  }
0x28: {  	[dreg:$0x19] =	wrdreg s11;
	s6 =	sadd.s32 s8, s6;
	s0 =	sadd.s32 s8, s0  }
0x29: {  	s21 =	sshrl.u32 s20, $0x2;
	s8 =	simm.s32 $0x2;
	[dreg:$0x17] =	wrdreg s14  }
0x2a: {  	s11 =	simm.s32 $0x300;
	s13 =	simm.s32 $0x1BC80;
	[dreg:$0x18] =	wrdreg s16  }
0x2b: {  	s6 =	sadd.s32 s15, s6;
	s20 =	sadd.s32 s21, s3;
	s21 =	sadd.s32 s15, s0  }
0x2c: {  	s0 =	simm.s32 $0x80;
	[dreg:$0xb] =	wrdreg s6;
	s22 =	sadd.s32 $0x4000, s20  }
0x2d: {  	s14 =	simm.s32 $0x7;
	s26 =	sadd.s32 $0x8000, s20;
	[dreg:$0x1b] =	wrdreg s22  }
0x2e: {  	s15 =	simm.s32 $0x3;
	s28 =	sadd.s32 $0xC000, s20;
	[dreg:$0x1f] =	wrdreg s26  }
0x2f: {  	s16 =	simm.s32 $0x180;
	s29 =	sadd.s32 $0x10000, s20;
	[smem:$0x7FC] =	sst s28  }
0x30: {  	v0 =	vimm.f32 $0.0e+00;
	v1 =	vimm.f32 $1.000000000e+00;
	s6 =	simm.s32 $0x9;
	[smem:$0x7FD] =	sst s29;
	s22 =	simm.s32 $0x4  }
.LBB2_1:
0x31: {  	s24 =	rddreg [dreg:$0xc]  }
0x32: {  	[tilespmem:s4], [sflag:$0x1] =	stream.linear.gather [hbm4b:s24+s4], $0x80, $0x38;
	[tilespmem:$0x1E400] =	vst v63  }
0x33: {  	s26 =	rddreg [dreg:$0xd]  }
0x34: {  	[tilespmem:s31], [sflag:$0x1] =	stream.linear.gather [hbm4b:s26+s4], $0x80, $0x38;
	[tilespmem:$0x1E400] =	vst v63  }
0x35: {  	s28 =	rddreg [dreg:$0xe]  }
0x36: {  	[tilespmem:s0], [sflag:$0x2] =	stream.linear.gather [hbm4b:s28+s4], $0x80, $0x38;
	[tilespmem:$0x1E400] =	vst v63  }
0x37: {  	s29 =	rddreg [dreg:$0xf];
	s25 =	simm.s32 $0x200;
	s24 =	simm.s32 $0x0  }
0x38: {  	[tilespmem:s2], [sflag:$0x2] =	stream.linear.gather [hbm4b:s29+s4], $0x80, $0x38;
	[tilespmem:$0x1E400] =	vst v63  }
.LBB2_2:
0x39: {  	p2 =	sne.s32 s25, $0xFE00;
	[tilespmem:s24+$0x470] =	vst v0  }
0x3a: {  	[tilespmem:s24+$0x400] =	vst v0  }
0x3b: {  	[tilespmem:s24+$0x410] =	vst v0  }
.Ltmp0:
0x3c: {  	[tilespmem:s24+$0x420] =	vst v0;
	(pc) =	sbr.rel @p2 .LBB2_2-.Ltmp0, $4  }
0x3d: {  	[tilespmem:s24+$0x430] =	vst v0  }
0x3e: {  	[tilespmem:s24+$0x440] =	vst v0  }
0x3f: {  	[tilespmem:s24+$0x450] =	vst v0  }
0x40: {  	[tilespmem:s24+$0x460] =	vst v0;
	s24 =	sshra.s32 s25, $0x2;
	s25 =	sadd.s32 $0x200, s25  }
0x41: {  	[tilespmem:s24+$0x470] =	vst v0  }
0x42: {  	[tilespmem:s24+$0x400] =	vst v0  }
0x43: {  	[tilespmem:s24+$0x410] =	vst v0  }
0x44: {  	[tilespmem:s24+$0x420] =	vst v0  }
0x45: {  	[tilespmem:s24+$0x430] =	vst v0  }
0x46: {  	[tilespmem:s24+$0x440] =	vst v0  }
0x47: {  	[tilespmem:s24+$0x450] =	vst v0  }
0x48: {  	[tilespmem:s24+$0x460] =	vst v0  }
0x49: {  	[spmem:s20] =	stream.linear.scatter [tilespmem:s5], [sflag:$0x9], $0x4000, $0x38;
	[tilespmem:$0x1E400] =	vst v63  }
0x4a: {  	_ =	swait.ge [sflag:s6], $0x4000  }
0x4b: {  	[sflag:s6] =	ssyncset.done $0x0  }
0x4c: {  	s25 =	rddreg [dreg:$0x1b];
	[sflag:s6] =	ssyncadd.s32 $0xFFFFC000  }
0x4d: {  	[spmem:s25] =	stream.linear.scatter [tilespmem:s5], [sflag:$0x9], $0x4000, $0x38;
	[tilespmem:$0x1E400] =	vst v63  }
0x4e: {  	_ =	swait.ge [sflag:s6], $0x4000  }
0x4f: {  	[sflag:s6] =	ssyncset.done $0x0  }
0x50: {  	s26 =	rddreg [dreg:$0x1f];
	[sflag:s6] =	ssyncadd.s32 $0xFFFFC000  }
0x51: {  	[spmem:s26] =	stream.linear.scatter [tilespmem:s5], [sflag:$0x9], $0x4000, $0x38;
	[tilespmem:$0x1E400] =	vst v63  }
0x52: {  	_ =	swait.ge [sflag:s6], $0x4000  }
0x53: {  	s28 =	sld [smem:$0x7FC]  }
0x54: {  	[sflag:s6] =	ssyncset.done $0x0  }
0x55: {  	[sflag:s6] =	ssyncadd.s32 $0xFFFFC000  }
0x56: {  	[spmem:s28] =	stream.linear.scatter [tilespmem:s5], [sflag:$0x9], $0x4000, $0x38;
	[tilespmem:$0x1E400] =	vst v63  }
0x57: {  	_ =	swait.ge [sflag:s6], $0x4000  }
0x58: {  	s29 =	sld [smem:$0x7FD]  }
0x59: {  	[sflag:s6] =	ssyncset.done $0x0  }
0x5a: {  	[sflag:s6] =	ssyncadd.s32 $0xFFFFC000  }
0x5b: {  	[spmem:s29] =	stream.linear.scatter [tilespmem:s5], [sflag:$0x9], $0x3800, $0x38;
	[tilespmem:$0x1E400] =	vst v63  }
0x5c: {  	_ =	swait.ge [sflag:s6], $0x3800  }
0x5d: {  	[sflag:s6] =	ssyncset.done $0x0  }
0x5e: {  	s24 =	simm.s32 @!p0 $0x400;
	[sflag:s6] =	ssyncadd.s32 $0xFFFFC800  }
0x5f: {  	[spmem:s30] =	stream.linear.scatter @!p0 [tilespmem:s24], [sflag:$0x9], $0x800, $0x38;
	[tilespmem:$0x1E400] =	vst v63  }
0x60: {  	s24 =	simm.s32 @!p0 $0x9  }
0x61: {  	_ =	swait.ge @!p0 [sflag:s24], $0x800  }
0x62: {  	[sflag:s24] =	ssyncset.done @!p0 $0x0  }
0x63: {  	s25 =	simm.s32 $0x0;
	[sflag:s24] =	ssyncadd.s32 @!p0 $0xFFFFF800;
	s24 =	simm.s32 $0x40  }
.LBB2_4:
0x64: {  	p2 =	sne.s32 s24, $0x9C00;
	[tilespmem:s25+$0x1BC80] =	vst v0;
	s25 =	smov.u32 s24;
	s24 =	sadd.s32 $0x40, s24  }
.Ltmp1:
0x65: {  	(pc) =	sbr.rel @p2 .LBB2_4-.Ltmp1, $2  }
0x66: {  	_ =	sdelay $0x2  }
0x67: {  	s25 =	sshra.s32 s25, $0x2  }
0x68: {  	[tilespmem:s25+$0x1BC80] =	vst v0  }
0x69: {  	_ =	swait.ge [sflag:s7], $0x80  }
0x6a: {  	[sflag:s7] =	ssyncset.done $0x0  }
0x6b: {  	[sflag:s7] =	ssyncadd.s32 $0xFFFFFF80  }
0x6c: {  	_ =	swait.ge [sflag:s7], $0x80  }
0x6d: {  	[sflag:s7] =	ssyncset.done $0x0  }
0x6e: {  	s24 =	simm.s32 $0x0;
	[sflag:s7] =	ssyncadd.s32 $0xFFFFFF80  }
0x6f: {  	[tilespmem:s5], [sflag:$0x5] =	stream.indirect.gather [hbm4b:s1+s0], $0x80, s24, s0, $0xb8;
	[tilespmem:$0x1E400] =	vst v63  }
0x70: {  	[bflag:$0x0] =	sbarrier.arrive $0xFFFF  }
0x71: {  	_ =	swait.ge [sflag:s8], $0x80  }
0x72: {  	[sflag:s8] =	ssyncset.done $0x0  }
0x73: {  	[sflag:s8] =	ssyncadd.s32 $0xFFFFFF80  }
0x74: {  	_ =	swait.ge [sflag:s8], $0x80  }
0x75: {  	[sflag:s8] =	ssyncset.done $0x0  }
0x76: {  	[sflag:s8] =	ssyncadd.s32 $0xFFFFFF80  }
0x77: {  	[tilespmem:s9], [sflag:$0x6] =	stream.indirect.gather [hbm4b:s1+s0], $0x80, s0, s0, $0xb8;
	[tilespmem:$0x1E400] =	vst v63  }
0x78: {  	s28 =	rddreg [dreg:$0x10]  }
0x79: {  	[tilespmem:s10], [sflag:$0x3] =	stream.linear.gather [hbm4b:s28+s24], $0x80, $0x38;
	[tilespmem:$0x1E400] =	vst v63  }
0x7a: {  	s29 =	rddreg [dreg:$0x11]  }
0x7b: {  	[tilespmem:s11], [sflag:$0x3] =	stream.linear.gather [hbm4b:s29+s24], $0x80, $0x38;
	[tilespmem:$0x1E400] =	vst v63  }
0x7c: {  	_ =	swait.ge [sflag:s12], $0x4000  }
0x7d: {  	[sflag:s12] =	ssyncset.done $0x0  }
0x7e: {  	[sflag:s12] =	ssyncadd.s32 $0xFFFFC000  }
0x7f: {  	[spmem:s3] =	stream.indirect.scatter.add.f32 [tilespmem:s5], [sflag:$0x7], $0x80, s31, s0, $0xb8;
	[tilespmem:$0x1E400] =	vst v63  }
0x80: {  	v2 =	vld [tilespmem:$0x200];
	_ =	sdelay $0x7  }
0x81: {  	[tilespmem:v2+s13+$0x0] =	vst.idx.add.f32.msk $0xffff, v1  }
0x82: {  	v2 =	vld [tilespmem:$0x210];
	_ =	sdelay $0x7  }
0x83: {  	[tilespmem:v2+s13+$0x0] =	vst.idx.add.f32.msk $0xffff, v1  }
0x84: {  	v2 =	vld [tilespmem:$0x220];
	_ =	sdelay $0x7  }
0x85: {  	[tilespmem:v2+s13+$0x0] =	vst.idx.add.f32.msk $0xffff, v1  }
0x86: {  	v2 =	vld [tilespmem:$0x230];
	_ =	sdelay $0x7  }
0x87: {  	[tilespmem:v2+s13+$0x0] =	vst.idx.add.f32.msk $0xffff, v1  }
0x88: {  	v2 =	vld [tilespmem:$0x240];
	_ =	sdelay $0x7  }
0x89: {  	[tilespmem:v2+s13+$0x0] =	vst.idx.add.f32.msk $0xffff, v1  }
0x8a: {  	v2 =	vld [tilespmem:$0x250];
	_ =	sdelay $0x7  }
0x8b: {  	[tilespmem:v2+s13+$0x0] =	vst.idx.add.f32.msk $0xffff, v1  }
0x8c: {  	v2 =	vld [tilespmem:$0x260];
	_ =	sdelay $0x7  }
0x8d: {  	[tilespmem:v2+s13+$0x0] =	vst.idx.add.f32.msk $0xffff, v1  }
0x8e: {  	v2 =	vld [tilespmem:$0x270];
	_ =	sdelay $0x7  }
0x8f: {  	[tilespmem:v2+s13+$0x0] =	vst.idx.add.f32.msk $0xffff, v1  }
0x90: {  	_ =	swait.ge [sflag:s14], $0x4000  }
0x91: {  	[sflag:s14] =	ssyncset.done $0x0  }
0x92: {  	[sflag:s14] =	ssyncadd.s32 $0xFFFFC000  }
0x93: {  	_ =	swait.ge [sflag:s15], $0x80  }
0x94: {  	[sflag:s15] =	ssyncset.done $0x0  }
0x95: {  	[sflag:s15] =	ssyncadd.s32 $0xFFFFFF80  }
0x96: {  	_ =	swait.ge [sflag:s15], $0x80  }
0x97: {  	[sflag:s15] =	ssyncset.done $0x0  }
0x98: {  	[sflag:s15] =	ssyncadd.s32 $0xFFFFFF80  }
0x99: {  	[tilespmem:s5], [sflag:$0x5] =	stream.indirect.gather [hbm4b:s1+s0], $0x80, s10, s0, $0xb8;
	[tilespmem:$0x1E400] =	vst v63  }
0x9a: {  	s26 =	rddreg [dreg:$0x12]  }
0x9b: {  	[tilespmem:s16], [sflag:$0x4] =	stream.linear.gather [hbm4b:s26+s24], $0x80, $0x38;
	[tilespmem:$0x1E400] =	vst v63  }
0x9c: {  	s28 =	rddreg [dreg:$0x13]  }
0x9d: {  	[tilespmem:s17], [sflag:$0x4] =	stream.linear.gather [hbm4b:s28+s24], $0x80, $0x38;
	[tilespmem:$0x1E400] =	vst v63  }
0x9e: {  	_ =	swait.ge [sflag:s18], $0x4000  }
0x9f: {  	[sflag:s18] =	ssyncset.done $0x0  }
0xa0: {  	[sflag:s18] =	ssyncadd.s32 $0xFFFFC000  }
0xa1: {  	[spmem:s3] =	stream.indirect.scatter.add.f32 [tilespmem:s9], [sflag:$0x8], $0x80, s2, s0, $0xb8;
	[tilespmem:$0x1E400] =	vst v63  }
0xa2: {  	v2 =	vld [tilespmem:$0x280];
	_ =	sdelay $0x7  }
0xa3: {  	[tilespmem:v2+s13+$0x0] =	vst.idx.add.f32.msk $0xffff, v1  }
0xa4: {  	v2 =	vld [tilespmem:$0x290];
	_ =	sdelay $0x7  }
0xa5: {  	[tilespmem:v2+s13+$0x0] =	vst.idx.add.f32.msk $0xffff, v1  }
0xa6: {  	v2 =	vld [tilespmem:$0x2A0];
	_ =	sdelay $0x7  }
0xa7: {  	[tilespmem:v2+s13+$0x0] =	vst.idx.add.f32.msk $0xffff, v1  }
0xa8: {  	v2 =	vld [tilespmem:$0x2B0];
	_ =	sdelay $0x7  }
0xa9: {  	[tilespmem:v2+s13+$0x0] =	vst.idx.add.f32.msk $0xffff, v1  }
0xaa: {  	v2 =	vld [tilespmem:$0x2C0];
	_ =	sdelay $0x7  }
0xab: {  	[tilespmem:v2+s13+$0x0] =	vst.idx.add.f32.msk $0xffff, v1  }
0xac: {  	v2 =	vld [tilespmem:$0x2D0];
	_ =	sdelay $0x7  }
0xad: {  	[tilespmem:v2+s13+$0x0] =	vst.idx.add.f32.msk $0xffff, v1  }
0xae: {  	v2 =	vld [tilespmem:$0x2E0];
	_ =	sdelay $0x7  }
0xaf: {  	[tilespmem:v2+s13+$0x0] =	vst.idx.add.f32.msk $0xffff, v1  }
0xb0: {  	v2 =	vld [tilespmem:$0x2F0];
	_ =	sdelay $0x7  }
0xb1: {  	[tilespmem:v2+s13+$0x0] =	vst.idx.add.f32.msk $0xffff, v1  }
0xb2: {  	_ =	swait.ge [sflag:s19], $0x4000  }
0xb3: {  	[sflag:s19] =	ssyncset.done $0x0  }
0xb4: {  	[sflag:s19] =	ssyncadd.s32 $0xFFFFC000  }
0xb5: {  	_ =	swait.ge [sflag:s22], $0x80  }
0xb6: {  	[sflag:s22] =	ssyncset.done $0x0  }
0xb7: {  	[sflag:s22] =	ssyncadd.s32 $0xFFFFFF80  }
0xb8: {  	_ =	swait.ge [sflag:s22], $0x80  }
0xb9: {  	[sflag:s22] =	ssyncset.done $0x0  }
0xba: {  	[sflag:s22] =	ssyncadd.s32 $0xFFFFFF80  }
0xbb: {  	[tilespmem:s9], [sflag:$0x6] =	stream.indirect.gather [hbm4b:s1+s0], $0x80, s16, s0, $0xb8;
	[tilespmem:$0x1E400] =	vst v63  }
0xbc: {  	s29 =	rddreg [dreg:$0x14]  }
0xbd: {  	[tilespmem:s24], [sflag:$0x1] =	stream.linear.gather [hbm4b:s29+s24], $0x80, $0x38;
	[tilespmem:$0x1E400] =	vst v63  }
0xbe: {  	s26 =	rddreg [dreg:$0x15]  }
0xbf: {  	[tilespmem:s31], [sflag:$0x1] =	stream.linear.gather [hbm4b:s26+s24], $0x80, $0x38;
	[tilespmem:$0x1E400] =	vst v63  }
0xc0: {  	_ =	swait.ge [sflag:s12], $0x4000  }
0xc1: {  	[sflag:s12] =	ssyncset.done $0x0  }
0xc2: {  	[sflag:s12] =	ssyncadd.s32 $0xFFFFC000  }
0xc3: {  	[spmem:s3] =	stream.indirect.scatter.add.f32 [tilespmem:s5], [sflag:$0x7], $0x80, s11, s0, $0xb8;
	[tilespmem:$0x1E400] =	vst v63  }
0xc4: {  	v2 =	vld [tilespmem:$0x300];
	_ =	sdelay $0x7  }
0xc5: {  	[tilespmem:v2+s13+$0x0] =	vst.idx.add.f32.msk $0xffff, v1  }
0xc6: {  	v2 =	vld [tilespmem:$0x310];
	_ =	sdelay $0x7  }
0xc7: {  	[tilespmem:v2+s13+$0x0] =	vst.idx.add.f32.msk $0xffff, v1  }
0xc8: {  	v2 =	vld [tilespmem:$0x320];
	_ =	sdelay $0x7  }
0xc9: {  	[tilespmem:v2+s13+$0x0] =	vst.idx.add.f32.msk $0xffff, v1  }
0xca: {  	v2 =	vld [tilespmem:$0x330];
	_ =	sdelay $0x7  }
0xcb: {  	[tilespmem:v2+s13+$0x0] =	vst.idx.add.f32.msk $0xffff, v1  }
0xcc: {  	v2 =	vld [tilespmem:$0x340];
	_ =	sdelay $0x7  }
0xcd: {  	[tilespmem:v2+s13+$0x0] =	vst.idx.add.f32.msk $0xffff, v1  }
0xce: {  	v2 =	vld [tilespmem:$0x350];
	_ =	sdelay $0x7  }
0xcf: {  	[tilespmem:v2+s13+$0x0] =	vst.idx.add.f32.msk $0xffff, v1  }
0xd0: {  	v2 =	vld [tilespmem:$0x360];
	_ =	sdelay $0x7  }
0xd1: {  	[tilespmem:v2+s13+$0x0] =	vst.idx.add.f32.msk $0xffff, v1  }
0xd2: {  	v2 =	vld [tilespmem:$0x370];
	_ =	sdelay $0x7  }
0xd3: {  	[tilespmem:v2+s13+$0x0] =	vst.idx.add.f32.msk $0xffff, v1  }
0xd4: {  	_ =	swait.ge [sflag:s14], $0x4000  }
0xd5: {  	[sflag:s14] =	ssyncset.done $0x0  }
0xd6: {  	[sflag:s14] =	ssyncadd.s32 $0xFFFFC000  }
0xd7: {  	_ =	swait.ge [sflag:s7], $0x80  }
0xd8: {  	[sflag:s7] =	ssyncset.done $0x0  }
0xd9: {  	[sflag:s7] =	ssyncadd.s32 $0xFFFFFF80  }
0xda: {  	_ =	swait.ge [sflag:s7], $0x80  }
0xdb: {  	[sflag:s7] =	ssyncset.done $0x0  }
0xdc: {  	[sflag:s7] =	ssyncadd.s32 $0xFFFFFF80  }
0xdd: {  	[tilespmem:s5], [sflag:$0x5] =	stream.indirect.gather [hbm4b:s1+s0], $0x80, s24, s0, $0xb8;
	[tilespmem:$0x1E400] =	vst v63  }
0xde: {  	s28 =	rddreg [dreg:$0x17]  }
0xdf: {  	[tilespmem:s0], [sflag:$0x2] =	stream.linear.gather [hbm4b:s28+s24], $0x80, $0x38;
	[tilespmem:$0x1E400] =	vst v63  }
0xe0: {  	s29 =	rddreg [dreg:$0x18]  }
0xe1: {  	[tilespmem:s2], [sflag:$0x2] =	stream.linear.gather [hbm4b:s29+s24], $0x80, $0x38;
	[tilespmem:$0x1E400] =	vst v63  }
0xe2: {  	_ =	swait.ge [sflag:s18], $0x4000  }
0xe3: {  	[sflag:s18] =	ssyncset.done $0x0  }
0xe4: {  	[sflag:s18] =	ssyncadd.s32 $0xFFFFC000  }
0xe5: {  	[spmem:s3] =	stream.indirect.scatter.add.f32 [tilespmem:s9], [sflag:$0x8], $0x80, s17, s0, $0xb8;
	[tilespmem:$0x1E400] =	vst v63  }
0xe6: {  	v2 =	vld [tilespmem:$0x380];
	_ =	sdelay $0x7  }
0xe7: {  	[tilespmem:v2+s13+$0x0] =	vst.idx.add.f32.msk $0xffff, v1  }
0xe8: {  	v2 =	vld [tilespmem:$0x390];
	_ =	sdelay $0x7  }
0xe9: {  	[tilespmem:v2+s13+$0x0] =	vst.idx.add.f32.msk $0xffff, v1  }
0xea: {  	v2 =	vld [tilespmem:$0x3A0];
	_ =	sdelay $0x7  }
0xeb: {  	[tilespmem:v2+s13+$0x0] =	vst.idx.add.f32.msk $0xffff, v1  }
0xec: {  	v2 =	vld [tilespmem:$0x3B0];
	_ =	sdelay $0x7  }
0xed: {  	[tilespmem:v2+s13+$0x0] =	vst.idx.add.f32.msk $0xffff, v1  }
0xee: {  	v2 =	vld [tilespmem:$0x3C0];
	_ =	sdelay $0x7  }
0xef: {  	[tilespmem:v2+s13+$0x0] =	vst.idx.add.f32.msk $0xffff, v1  }
0xf0: {  	v2 =	vld [tilespmem:$0x3D0];
	_ =	sdelay $0x7  }
0xf1: {  	[tilespmem:v2+s13+$0x0] =	vst.idx.add.f32.msk $0xffff, v1  }
0xf2: {  	v2 =	vld [tilespmem:$0x3E0];
	_ =	sdelay $0x7  }
0xf3: {  	[tilespmem:v2+s13+$0x0] =	vst.idx.add.f32.msk $0xffff, v1  }
0xf4: {  	v2 =	vld [tilespmem:$0x3F0];
	_ =	sdelay $0x7  }
0xf5: {  	[tilespmem:v2+s13+$0x0] =	vst.idx.add.f32.msk $0xffff, v1  }
.LBB2_6:
0xf6: {  	_ =	swait.ge [sflag:s19], $0x4000  }
0xf7: {  	[sflag:s19] =	ssyncset.done $0x0  }
0xf8: {  	[sflag:s19] =	ssyncadd.s32 $0xFFFFC000  }
0xf9: {  	_ =	swait.ge [sflag:s8], $0x80  }
0xfa: {  	[sflag:s8] =	ssyncset.done $0x0  }
0xfb: {  	[sflag:s8] =	ssyncadd.s32 $0xFFFFFF80  }
0xfc: {  	_ =	swait.ge [sflag:s8], $0x80  }
0xfd: {  	[sflag:s8] =	ssyncset.done $0x0  }
0xfe: {  	s25 =	rddreg [dreg:$0xb];
	[sflag:s8] =	ssyncadd.s32 $0xFFFFFF80  }
0xff: {  	[tilespmem:s9], [sflag:$0x6] =	stream.indirect.gather [hbm4b:s1+s0], $0x80, s0, s0, $0xb8;
	[tilespmem:$0x1E400] =	vst v63  }
0x100: {  	s25 =	sadd.s32 s24, s25  }
0x101: {  	[tilespmem:s10], [sflag:$0x3] =	stream.linear.gather [hbm4b:s25+s4], $0x80, $0x38;
	[tilespmem:$0x1E400] =	vst v63  }
0x102: {  	s26 =	sadd.s32 s24, s21  }
0x103: {  	[tilespmem:s11], [sflag:$0x3] =	stream.linear.gather [hbm4b:s26+s4], $0x80, $0x38;
	[tilespmem:$0x1E400] =	vst v63  }
0x104: {  	_ =	swait.ge [sflag:s12], $0x4000  }
0x105: {  	[sflag:s12] =	ssyncset.done $0x0  }
0x106: {  	[sflag:s12] =	ssyncadd.s32 $0xFFFFC000  }
0x107: {  	[spmem:s3] =	stream.indirect.scatter.add.f32 [tilespmem:s5], [sflag:$0x7], $0x80, s31, s0, $0xb8;
	[tilespmem:$0x1E400] =	vst v63  }
0x108: {  	v2 =	vld [tilespmem:$0x200];
	_ =	sdelay $0x7  }
0x109: {  	[tilespmem:v2+s13+$0x0] =	vst.idx.add.f32.msk $0xffff, v1  }
0x10a: {  	v2 =	vld [tilespmem:$0x210];
	_ =	sdelay $0x7  }
0x10b: {  	[tilespmem:v2+s13+$0x0] =	vst.idx.add.f32.msk $0xffff, v1  }
0x10c: {  	v2 =	vld [tilespmem:$0x220];
	_ =	sdelay $0x7  }
0x10d: {  	[tilespmem:v2+s13+$0x0] =	vst.idx.add.f32.msk $0xffff, v1  }
0x10e: {  	v2 =	vld [tilespmem:$0x230];
	_ =	sdelay $0x7  }
0x10f: {  	[tilespmem:v2+s13+$0x0] =	vst.idx.add.f32.msk $0xffff, v1  }
0x110: {  	v2 =	vld [tilespmem:$0x240];
	_ =	sdelay $0x7  }
0x111: {  	[tilespmem:v2+s13+$0x0] =	vst.idx.add.f32.msk $0xffff, v1  }
0x112: {  	v2 =	vld [tilespmem:$0x250];
	_ =	sdelay $0x7  }
0x113: {  	[tilespmem:v2+s13+$0x0] =	vst.idx.add.f32.msk $0xffff, v1  }
0x114: {  	v2 =	vld [tilespmem:$0x260];
	_ =	sdelay $0x7  }
0x115: {  	[tilespmem:v2+s13+$0x0] =	vst.idx.add.f32.msk $0xffff, v1  }
0x116: {  	v2 =	vld [tilespmem:$0x270];
	_ =	sdelay $0x7  }
0x117: {  	[tilespmem:v2+s13+$0x0] =	vst.idx.add.f32.msk $0xffff, v1  }
0x118: {  	_ =	swait.ge [sflag:s14], $0x4000  }
0x119: {  	[sflag:s14] =	ssyncset.done $0x0  }
0x11a: {  	[sflag:s14] =	ssyncadd.s32 $0xFFFFC000  }
0x11b: {  	_ =	swait.ge [sflag:s15], $0x80  }
0x11c: {  	[sflag:s15] =	ssyncset.done $0x0  }
0x11d: {  	[sflag:s15] =	ssyncadd.s32 $0xFFFFFF80  }
0x11e: {  	_ =	swait.ge [sflag:s15], $0x80  }
0x11f: {  	[sflag:s15] =	ssyncset.done $0x0  }
0x120: {  	s28 =	rddreg [dreg:$0x9];
	[sflag:s15] =	ssyncadd.s32 $0xFFFFFF80  }
0x121: {  	[tilespmem:s5], [sflag:$0x5] =	stream.indirect.gather [hbm4b:s1+s0], $0x80, s10, s0, $0xb8;
	[tilespmem:$0x1E400] =	vst v63  }
0x122: {  	s26 =	rddreg [dreg:$0xa];
	s25 =	sadd.s32 s24, s28  }
0x123: {  	[tilespmem:s16], [sflag:$0x4] =	stream.linear.gather [hbm4b:s25+s4], $0x80, $0x38;
	[tilespmem:$0x1E400] =	vst v63  }
0x124: {  	s29 =	sadd.s32 s24, s26  }
0x125: {  	[tilespmem:s17], [sflag:$0x4] =	stream.linear.gather [hbm4b:s29+s4], $0x80, $0x38;
	[tilespmem:$0x1E400] =	vst v63  }
0x126: {  	_ =	swait.ge [sflag:s18], $0x4000  }
0x127: {  	[sflag:s18] =	ssyncset.done $0x0  }
0x128: {  	[sflag:s18] =	ssyncadd.s32 $0xFFFFC000  }
0x129: {  	[spmem:s3] =	stream.indirect.scatter.add.f32 [tilespmem:s9], [sflag:$0x8], $0x80, s2, s0, $0xb8;
	[tilespmem:$0x1E400] =	vst v63  }
0x12a: {  	v2 =	vld [tilespmem:$0x280];
	_ =	sdelay $0x7  }
0x12b: {  	[tilespmem:v2+s13+$0x0] =	vst.idx.add.f32.msk $0xffff, v1  }
0x12c: {  	v2 =	vld [tilespmem:$0x290];
	_ =	sdelay $0x7  }
0x12d: {  	[tilespmem:v2+s13+$0x0] =	vst.idx.add.f32.msk $0xffff, v1  }
0x12e: {  	v2 =	vld [tilespmem:$0x2A0];
	_ =	sdelay $0x7  }
0x12f: {  	[tilespmem:v2+s13+$0x0] =	vst.idx.add.f32.msk $0xffff, v1  }
0x130: {  	v2 =	vld [tilespmem:$0x2B0];
	_ =	sdelay $0x7  }
0x131: {  	[tilespmem:v2+s13+$0x0] =	vst.idx.add.f32.msk $0xffff, v1  }
0x132: {  	v2 =	vld [tilespmem:$0x2C0];
	_ =	sdelay $0x7  }
0x133: {  	[tilespmem:v2+s13+$0x0] =	vst.idx.add.f32.msk $0xffff, v1  }
0x134: {  	v2 =	vld [tilespmem:$0x2D0];
	_ =	sdelay $0x7  }
0x135: {  	[tilespmem:v2+s13+$0x0] =	vst.idx.add.f32.msk $0xffff, v1  }
0x136: {  	v2 =	vld [tilespmem:$0x2E0];
	_ =	sdelay $0x7  }
0x137: {  	[tilespmem:v2+s13+$0x0] =	vst.idx.add.f32.msk $0xffff, v1  }
0x138: {  	v2 =	vld [tilespmem:$0x2F0];
	_ =	sdelay $0x7  }
0x139: {  	[tilespmem:v2+s13+$0x0] =	vst.idx.add.f32.msk $0xffff, v1  }
0x13a: {  	_ =	swait.ge [sflag:s19], $0x4000  }
0x13b: {  	[sflag:s19] =	ssyncset.done $0x0  }
0x13c: {  	[sflag:s19] =	ssyncadd.s32 $0xFFFFC000  }
0x13d: {  	_ =	swait.ge [sflag:s22], $0x80  }
0x13e: {  	[sflag:s22] =	ssyncset.done $0x0  }
0x13f: {  	[sflag:s22] =	ssyncadd.s32 $0xFFFFFF80  }
0x140: {  	_ =	swait.ge [sflag:s22], $0x80  }
0x141: {  	[sflag:s22] =	ssyncset.done $0x0  }
0x142: {  	s26 =	rddreg [dreg:$0x7];
	[sflag:s22] =	ssyncadd.s32 $0xFFFFFF80  }
0x143: {  	[tilespmem:s9], [sflag:$0x6] =	stream.indirect.gather [hbm4b:s1+s0], $0x80, s16, s0, $0xb8;
	[tilespmem:$0x1E400] =	vst v63  }
0x144: {  	s28 =	rddreg [dreg:$0x8];
	s25 =	sadd.s32 s24, s26  }
0x145: {  	[tilespmem:s4], [sflag:$0x1] =	stream.linear.gather [hbm4b:s25+s4], $0x80, $0x38;
	[tilespmem:$0x1E400] =	vst v63  }
0x146: {  	s29 =	sadd.s32 s24, s28  }
0x147: {  	[tilespmem:s31], [sflag:$0x1] =	stream.linear.gather [hbm4b:s29+s4], $0x80, $0x38;
	[tilespmem:$0x1E400] =	vst v63  }
0x148: {  	_ =	swait.ge [sflag:s12], $0x4000  }
0x149: {  	[sflag:s12] =	ssyncset.done $0x0  }
0x14a: {  	[sflag:s12] =	ssyncadd.s32 $0xFFFFC000  }
0x14b: {  	[spmem:s3] =	stream.indirect.scatter.add.f32 [tilespmem:s5], [sflag:$0x7], $0x80, s11, s0, $0xb8;
	[tilespmem:$0x1E400] =	vst v63  }
0x14c: {  	v2 =	vld [tilespmem:$0x300];
	_ =	sdelay $0x7  }
0x14d: {  	[tilespmem:v2+s13+$0x0] =	vst.idx.add.f32.msk $0xffff, v1  }
0x14e: {  	v2 =	vld [tilespmem:$0x310];
	_ =	sdelay $0x7  }
0x14f: {  	[tilespmem:v2+s13+$0x0] =	vst.idx.add.f32.msk $0xffff, v1  }
0x150: {  	v2 =	vld [tilespmem:$0x320];
	_ =	sdelay $0x7  }
0x151: {  	[tilespmem:v2+s13+$0x0] =	vst.idx.add.f32.msk $0xffff, v1  }
0x152: {  	v2 =	vld [tilespmem:$0x330];
	_ =	sdelay $0x7  }
0x153: {  	[tilespmem:v2+s13+$0x0] =	vst.idx.add.f32.msk $0xffff, v1  }
0x154: {  	v2 =	vld [tilespmem:$0x340];
	_ =	sdelay $0x7  }
0x155: {  	[tilespmem:v2+s13+$0x0] =	vst.idx.add.f32.msk $0xffff, v1  }
0x156: {  	v2 =	vld [tilespmem:$0x350];
	_ =	sdelay $0x7  }
0x157: {  	[tilespmem:v2+s13+$0x0] =	vst.idx.add.f32.msk $0xffff, v1  }
0x158: {  	v2 =	vld [tilespmem:$0x360];
	_ =	sdelay $0x7  }
0x159: {  	[tilespmem:v2+s13+$0x0] =	vst.idx.add.f32.msk $0xffff, v1  }
0x15a: {  	v2 =	vld [tilespmem:$0x370];
	_ =	sdelay $0x7  }
0x15b: {  	[tilespmem:v2+s13+$0x0] =	vst.idx.add.f32.msk $0xffff, v1  }
0x15c: {  	_ =	swait.ge [sflag:s14], $0x4000  }
0x15d: {  	[sflag:s14] =	ssyncset.done $0x0  }
0x15e: {  	[sflag:s14] =	ssyncadd.s32 $0xFFFFC000  }
0x15f: {  	_ =	swait.ge [sflag:s7], $0x80  }
0x160: {  	[sflag:s7] =	ssyncset.done $0x0  }
0x161: {  	[sflag:s7] =	ssyncadd.s32 $0xFFFFFF80  }
0x162: {  	_ =	swait.ge [sflag:s7], $0x80  }
0x163: {  	[sflag:s7] =	ssyncset.done $0x0  }
0x164: {  	s26 =	rddreg [dreg:$0x5];
	[sflag:s7] =	ssyncadd.s32 $0xFFFFFF80  }
0x165: {  	[tilespmem:s5], [sflag:$0x5] =	stream.indirect.gather [hbm4b:s1+s0], $0x80, s4, s0, $0xb8;
	[tilespmem:$0x1E400] =	vst v63  }
0x166: {  	s28 =	rddreg [dreg:$0x6];
	s25 =	sadd.s32 s24, s26  }
0x167: {  	[tilespmem:s0], [sflag:$0x2] =	stream.linear.gather [hbm4b:s25+s4], $0x80, $0x38;
	[tilespmem:$0x1E400] =	vst v63  }
0x168: {  	s29 =	sadd.s32 s24, s28  }
0x169: {  	[tilespmem:s2], [sflag:$0x2] =	stream.linear.gather [hbm4b:s29+s4], $0x80, $0x38;
	[tilespmem:$0x1E400] =	vst v63  }
0x16a: {  	_ =	swait.ge [sflag:s18], $0x4000  }
0x16b: {  	[sflag:s18] =	ssyncset.done $0x0  }
0x16c: {  	[sflag:s18] =	ssyncadd.s32 $0xFFFFC000  }
0x16d: {  	[spmem:s3] =	stream.indirect.scatter.add.f32 [tilespmem:s9], [sflag:$0x8], $0x80, s17, s0, $0xb8;
	[tilespmem:$0x1E400] =	vst v63  }
0x16e: {  	v2 =	vld [tilespmem:$0x380];
	_ =	sdelay $0x7  }
0x16f: {  	[tilespmem:v2+s13+$0x0] =	vst.idx.add.f32.msk $0xffff, v1  }
0x170: {  	v2 =	vld [tilespmem:$0x390];
	_ =	sdelay $0x7  }
0x171: {  	[tilespmem:v2+s13+$0x0] =	vst.idx.add.f32.msk $0xffff, v1  }
0x172: {  	v2 =	vld [tilespmem:$0x3A0];
	_ =	sdelay $0x7  }
0x173: {  	[tilespmem:v2+s13+$0x0] =	vst.idx.add.f32.msk $0xffff, v1  }
0x174: {  	v2 =	vld [tilespmem:$0x3B0];
	_ =	sdelay $0x7  }
0x175: {  	[tilespmem:v2+s13+$0x0] =	vst.idx.add.f32.msk $0xffff, v1  }
0x176: {  	v2 =	vld [tilespmem:$0x3C0];
	_ =	sdelay $0x7  }
0x177: {  	[tilespmem:v2+s13+$0x0] =	vst.idx.add.f32.msk $0xffff, v1  }
0x178: {  	v2 =	vld [tilespmem:$0x3D0];
	_ =	sdelay $0x7  }
0x179: {  	[tilespmem:v2+s13+$0x0] =	vst.idx.add.f32.msk $0xffff, v1  }
0x17a: {  	v2 =	vld [tilespmem:$0x3E0];
	_ =	sdelay $0x7  }
0x17b: {  	[tilespmem:v2+s13+$0x0] =	vst.idx.add.f32.msk $0xffff, v1  }
0x17c: {  	v2 =	vld [tilespmem:$0x3F0];
	_ =	sdelay $0x2  }
0x17d: {  	p2 =	sne.s32 s24, $0x8800  }
.Ltmp2:
0x17e: {  	_ = 	snop;
	(pc) =	sbr.rel @p2 .LBB2_6-.Ltmp2, $2  }
0x17f: {  	_ =	sdelay $0x2  }
0x180: {  	s24 =	sadd.s32 $0x800, s24;
	[tilespmem:v2+s13+$0x0] =	vst.idx.add.f32.msk $0xffff, v1  }
0x181: {  	_ =	swait.ge [sflag:s19], $0x4000  }
0x182: {  	[sflag:s19] =	ssyncset.done $0x0  }
0x183: {  	[sflag:s19] =	ssyncadd.s32 $0xFFFFC000  }
0x184: {  	_ =	swait.ge [sflag:s8], $0x80  }
0x185: {  	[sflag:s8] =	ssyncset.done $0x0  }
0x186: {  	[sflag:s8] =	ssyncadd.s32 $0xFFFFFF80  }
0x187: {  	_ =	swait.ge [sflag:s8], $0x80  }
0x188: {  	[sflag:s8] =	ssyncset.done $0x0  }
0x189: {  	[sflag:s8] =	ssyncadd.s32 $0xFFFFFF80  }
0x18a: {  	[tilespmem:s9], [sflag:$0x6] =	stream.indirect.gather [hbm4b:s1+s0], $0x80, s0, s0, $0xb8;
	[tilespmem:$0x1E400] =	vst v63  }
0x18b: {  	_ =	swait.ge [sflag:s12], $0x4000  }
0x18c: {  	[sflag:s12] =	ssyncset.done $0x0  }
0x18d: {  	[sflag:s12] =	ssyncadd.s32 $0xFFFFC000  }
0x18e: {  	[spmem:s3] =	stream.indirect.scatter.add.f32 [tilespmem:s5], [sflag:$0x7], $0x80, s31, s0, $0xb8;
	[tilespmem:$0x1E400] =	vst v63  }
0x18f: {  	v2 =	vld [tilespmem:$0x200];
	_ =	sdelay $0x7  }
0x190: {  	[tilespmem:v2+s13+$0x0] =	vst.idx.add.f32.msk $0xffff, v1  }
0x191: {  	v2 =	vld [tilespmem:$0x210];
	_ =	sdelay $0x7  }
0x192: {  	[tilespmem:v2+s13+$0x0] =	vst.idx.add.f32.msk $0xffff, v1  }
0x193: {  	v2 =	vld [tilespmem:$0x220];
	_ =	sdelay $0x7  }
0x194: {  	[tilespmem:v2+s13+$0x0] =	vst.idx.add.f32.msk $0xffff, v1  }
0x195: {  	v2 =	vld [tilespmem:$0x230];
	_ =	sdelay $0x7  }
0x196: {  	[tilespmem:v2+s13+$0x0] =	vst.idx.add.f32.msk $0xffff, v1  }
0x197: {  	v2 =	vld [tilespmem:$0x240];
	_ =	sdelay $0x7  }
0x198: {  	[tilespmem:v2+s13+$0x0] =	vst.idx.add.f32.msk $0xffff, v1  }
0x199: {  	v2 =	vld [tilespmem:$0x250];
	_ =	sdelay $0x7  }
0x19a: {  	[tilespmem:v2+s13+$0x0] =	vst.idx.add.f32.msk $0xffff, v1  }
0x19b: {  	v2 =	vld [tilespmem:$0x260];
	_ =	sdelay $0x7  }
0x19c: {  	[tilespmem:v2+s13+$0x0] =	vst.idx.add.f32.msk $0xffff, v1  }
0x19d: {  	v2 =	vld [tilespmem:$0x270];
	_ =	sdelay $0x7  }
0x19e: {  	[tilespmem:v2+s13+$0x0] =	vst.idx.add.f32.msk $0xffff, v1  }
0x19f: {  	_ =	swait.ge [sflag:s14], $0x4000  }
0x1a0: {  	[sflag:s14] =	ssyncset.done $0x0  }
0x1a1: {  	[sflag:s14] =	ssyncadd.s32 $0xFFFFC000  }
0x1a2: {  	_ =	swait.ge [sflag:s18], $0x4000  }
0x1a3: {  	[sflag:s18] =	ssyncset.done $0x0  }
0x1a4: {  	[sflag:s18] =	ssyncadd.s32 $0xFFFFC000  }
0x1a5: {  	[spmem:s3] =	stream.indirect.scatter.add.f32 [tilespmem:s9], [sflag:$0x8], $0x80, s2, s0, $0xb8;
	[tilespmem:$0x1E400] =	vst v63  }
0x1a6: {  	v2 =	vld [tilespmem:$0x280];
	_ =	sdelay $0x7  }
0x1a7: {  	[tilespmem:v2+s13+$0x0] =	vst.idx.add.f32.msk $0xffff, v1  }
0x1a8: {  	v2 =	vld [tilespmem:$0x290];
	_ =	sdelay $0x7  }
0x1a9: {  	[tilespmem:v2+s13+$0x0] =	vst.idx.add.f32.msk $0xffff, v1  }
0x1aa: {  	v2 =	vld [tilespmem:$0x2A0];
	_ =	sdelay $0x7  }
0x1ab: {  	[tilespmem:v2+s13+$0x0] =	vst.idx.add.f32.msk $0xffff, v1  }
0x1ac: {  	v2 =	vld [tilespmem:$0x2B0];
	_ =	sdelay $0x7  }
0x1ad: {  	[tilespmem:v2+s13+$0x0] =	vst.idx.add.f32.msk $0xffff, v1  }
0x1ae: {  	v2 =	vld [tilespmem:$0x2C0];
	_ =	sdelay $0x7  }
0x1af: {  	[tilespmem:v2+s13+$0x0] =	vst.idx.add.f32.msk $0xffff, v1  }
0x1b0: {  	v2 =	vld [tilespmem:$0x2D0];
	_ =	sdelay $0x7  }
0x1b1: {  	[tilespmem:v2+s13+$0x0] =	vst.idx.add.f32.msk $0xffff, v1  }
0x1b2: {  	v2 =	vld [tilespmem:$0x2E0];
	_ =	sdelay $0x7  }
0x1b3: {  	[tilespmem:v2+s13+$0x0] =	vst.idx.add.f32.msk $0xffff, v1  }
0x1b4: {  	v2 =	vld [tilespmem:$0x2F0];
	_ =	sdelay $0x7  }
0x1b5: {  	[tilespmem:v2+s13+$0x0] =	vst.idx.add.f32.msk $0xffff, v1  }
0x1b6: {  	_ =	swait.ge [sflag:s19], $0x4000  }
0x1b7: {  	[sflag:s19] =	ssyncset.done $0x0  }
0x1b8: {  	s24 =	simm.s32 @!p1 $0x0;
	s25 =	rddreg [dreg:$0x19];
	[sflag:s19] =	ssyncadd.s32 $0xFFFFC000  }
0x1b9: {  	[tilespmem:s24], [sflag:$0x9] =	stream.linear.gather @!p1 [hbm4b:s25+s24], $0x80, $0x38;
	[tilespmem:$0x1E400] =	vst v63  }
0x1ba: {  	s25 =	simm.s32 @!p1 $0x9  }
0x1bb: {  	_ =	swait.ge @!p1 [sflag:s25], $0x80  }
0x1bc: {  	[sflag:s25] =	ssyncset.done @!p1 $0x0  }
0x1bd: {  	s26 =	simm.s32 @!p1 $0x200;
	s28 =	rddreg [dreg:$0x1a];
	[sflag:s25] =	ssyncadd.s32 @!p1 $0xFFFFFF80  }
0x1be: {  	[tilespmem:s26], [sflag:$0x9] =	stream.linear.gather @!p1 [hbm4b:s28+s24], $0x80, $0x38;
	[tilespmem:$0x1E400] =	vst v63  }
0x1bf: {  	_ =	swait.ge @!p1 [sflag:s25], $0x80  }
0x1c0: {  	[sflag:s25] =	ssyncset.done @!p1 $0x0  }
0x1c1: {  	s29 =	simm.s32 @!p1 $0x400;
	s28 =	simm.s32 @!p1 $0x80;
	[sflag:s25] =	ssyncadd.s32 @!p1 $0xFFFFFF80  }
0x1c2: {  	[tilespmem:s29], [sflag:$0x5] =	stream.indirect.gather @!p1 [hbm4b:s1+s28], $0x80, s24, s28, $0xb8;
	[tilespmem:$0x1E400] =	vst v63  }
0x1c3: {  	s24 =	simm.s32 @!p1 $0x5  }
0x1c4: {  	_ =	swait.ge @!p1 [sflag:s24], $0x4000  }
0x1c5: {  	[sflag:s24] =	ssyncset.done @!p1 $0x0  }
0x1c6: {  	[sflag:s24] =	ssyncadd.s32 @!p1 $0xFFFFC000  }
0x1c7: {  	[spmem:s3] =	stream.indirect.scatter.add.f32 @!p1 [tilespmem:s29], [sflag:$0x9], $0x80, s26, s28, $0xb8;
	[tilespmem:$0x1E400] =	vst v63  }
0x1c8: {  	_ =	swait.ge @!p1 [sflag:s25], $0x4000  }
0x1c9: {  	[sflag:s25] =	ssyncset.done @!p1 $0x0  }
0x1ca: {  	[sflag:s25] =	ssyncadd.s32 @!p1 $0xFFFFC000  }
0x1cb: {  	v2 =	vld @!p1 [tilespmem:$0x200];
	_ =	sdelay $0x6  }
0x1cc: {  	v3 =	vimm.f32 @!p1 $1.000000000e+00;
	s24 =	simm.s32 @!p1 $0x1BC80  }
0x1cd: {  	[tilespmem:v2+s24+$0x0] =	vst.idx.add.f32.msk @!p1 $0xffff, v3  }
0x1ce: {  	v2 =	vld @!p1 [tilespmem:$0x210];
	_ =	sdelay $0x7  }
0x1cf: {  	[tilespmem:v2+s24+$0x0] =	vst.idx.add.f32.msk @!p1 $0xffff, v3  }
0x1d0: {  	v2 =	vld @!p1 [tilespmem:$0x220];
	_ =	sdelay $0x7  }
0x1d1: {  	[tilespmem:v2+s24+$0x0] =	vst.idx.add.f32.msk @!p1 $0xffff, v3  }
0x1d2: {  	v2 =	vld @!p1 [tilespmem:$0x230];
	_ =	sdelay $0x7  }
0x1d3: {  	[tilespmem:v2+s24+$0x0] =	vst.idx.add.f32.msk @!p1 $0xffff, v3  }
0x1d4: {  	v2 =	vld @!p1 [tilespmem:$0x240];
	_ =	sdelay $0x7  }
0x1d5: {  	[tilespmem:v2+s24+$0x0] =	vst.idx.add.f32.msk @!p1 $0xffff, v3  }
0x1d6: {  	v2 =	vld @!p1 [tilespmem:$0x250];
	_ =	sdelay $0x7  }
0x1d7: {  	[tilespmem:v2+s24+$0x0] =	vst.idx.add.f32.msk @!p1 $0xffff, v3  }
0x1d8: {  	v2 =	vld @!p1 [tilespmem:$0x260];
	_ =	sdelay $0x7  }
0x1d9: {  	[tilespmem:v2+s24+$0x0] =	vst.idx.add.f32.msk @!p1 $0xffff, v3  }
0x1da: {  	v2 =	vld @!p1 [tilespmem:$0x270];
	_ =	sdelay $0x7  }
0x1db: {  	[tilespmem:v2+s24+$0x0] =	vst.idx.add.f32.msk @!p1 $0xffff, v3  }
0x1dc: {  	s25 =	stileid.u32;
	[bflag:$0x0] =	sbarrier.arrive $0xFFFF  }
0x1dd: {  	s24 =	sshll.u32 s25, $0x6;
	s29 =	rddreg [dreg:$0x1c]  }
0x1de: {  	s26 =	sshrl.u32 s20, $0x3;
	s24 =	sor.u32 $0x1C02, s24;
	s28 =	rddreg [dreg:$0x16]  }
0x1df: {  	[hbm4b:s29+s4] =	stream.linear.scatter [tilespmem:s13], [sflag:$0x1], $0x2710, $0x38;
	[tilespmem:$0x1E400] =	vst v63  }
0x1e0: {  	[hbm:s28], [sflag:s24] =	dma.local [spmem:s26], $0x2700  }
0x1e1: {  	s25 =	simm.s32 @!p0 $0x1FC9;
	s24 =	sshrl.u32 @!p0 s30, $0x3;
	s26 =	rddreg [dreg:$0x1d]  }
0x1e2: {  	[hbm:s26], [sflag:s25] =	dma.local @!p0 [spmem:s24], $0x100  }
0x1e3: {  	s24 =	simm.s32 @!p0 $0x9  }
0x1e4: {  	_ =	swait.ge @!p0 [sflag:s24], $0x100  }
0x1e5: {  	[sflag:s24] =	ssyncset.done @!p0 $0x0  }
0x1e6: {  	[sflag:s24] =	ssyncadd.s32 @!p0 $0xFFFFFF00  }
0x1e7: {  	_ =	swait.ge [sflag:s7], $0x2710  }
0x1e8: {  	[sflag:s7] =	ssyncset.done $0x0  }
0x1e9: {  	[sflag:s7] =	ssyncadd.s32 $0xFFFFD8F0  }
0x1ea: {  	_ =	swait.ge [sflag:s8], $0x2700  }
0x1eb: {  	s23 =	sadd.s32 $0x1, s23;
	s29 =	rddreg [dreg:$0x1e]  }
0x1ec: {  	p2 =	sne.s32 s23, s29  }
.Ltmp3:
0x1ed: {  	_ = 	snop;
	(pc) =	sbr.rel @p2 .LBB2_1-.Ltmp3, $3  }
0x1ee: {  	_ =	sdelay $0x1  }
0x1ef: {  	[sflag:s8] =	ssyncset.done $0x0  }
0x1f0: {  	[sflag:s8] =	ssyncadd.s32 $0xFFFFD900  }
0x1f1: {  	_ =	sfence.sel $0x180000  }
0x1f2: {  	[bflag:$0x0] =	sbarrier.arrive $0xFFFF  }
0x1f3: {  	_ =	strace $0x90000047  }
0x1f4: {  	s0 =	stileid.u32;
	[bflag:$0x2] =	sbarrier.arrive $0xFFFF  }
0x1f5: {  	p0 =	sne.s32 s0, $0x0;
	s0 =	rddreg [dreg:$0x4]  }
0x1f6: {  	s0 =	sadd.s32 @!p0 $0x100000, s0  }
0x1f7: {  	[sflag:s0] =	ssyncadd.tile.s32 @!p0 $0x1;
	_ =	shalt  }
.Lfunc_end2:
_tile_overlayer_lowered:
.L_overlay_start_2:
0x1f8: {  	(tag) =	ssettag $0x2  }
0x1f9: {  	s0 =	rddreg [dreg:$0x0];
	s2 =	stileid.u32  }
0x1fa: {  	s1 =	rddreg [dreg:$0x1];
	p0 =	sne.s32 s2, $0x0  }
0x1fb: {  	s3 =	rddreg [dreg:$0x2];
	[bflag:$0x3] =	sbarrier.arrive $0xFFFF;
	s2 =	simm.s32 @!p0 $0x1C09  }
0x1fc: {  	[timem:s3], [sflag:s2] =	dma.local @!p0 [hbm:s0], s1  }
0x1fd: {  	s0 =	simm.s32 @!p0 $0x9  }
0x1fe: {  	_ =	swait.ge @!p0 [sflag:s0], s1  }
0x1ff: {  	s1 =	ssub.s32 @!p0 $0x0, s1;
	[sflag:s0] =	ssyncset.done @!p0 $0x0  }
0x200: {  	[sflag:s0] =	ssyncadd.s32 @!p0 s1  }
0x201: {  	[bflag:$0x3] =	sbarrier.arrive $0xFFFF  }
0x202: {  	_ =	shalt  }

</sc_bundles>
